<compile_context>
chip_gen: v7x
topology: tpu7x:2x2x1
jax: 0.10.2.dev20260603
libtpu: 0.0.44.dev20260713+nightly
codegen_flags: <defaults>
</compile_context>

<pallas_src>
import jax
import jax.numpy as jnp
from jax import lax
from jax.experimental import pallas as pl
from jax.experimental.pallas import tpu as pltpu
from jax.experimental.pallas import tpu_sc as plsc

CLS = 1000
FEAT = 128
BATCH = 16384
NC, NS, LANES = 2, 16, 16
NW = NC * NS
ROWS_W = BATCH // NW
CHUNK = 128
NCHUNK = ROWS_W // CHUNK
BINS = 1024


def _rsqrt(x):
    i = plsc.bitcast(x, jnp.int32)
    i = jnp.int32(0x5F3759DF) - (i >> 1)
    y = plsc.bitcast(i, jnp.float32)
    for _ in range(3):
        y = y * (1.5 - 0.5 * x * y * y)
    return y


def _sc_body(xs_hbm, ys_hbm, ct_hbm, sw_hbm, nw_hbm,
             idx_v, xs_v0, xs_v1, cr_v0, cr_v1, bs_v, bn_v,
             sem_x0, sem_x1, sem_g0, sem_g1):
    xs_bufs = (xs_v0, xs_v1)
    cr_bufs = (cr_v0, cr_v1)
    sems_x = (sem_x0, sem_x1)
    sems_g = (sem_g0, sem_g1)
    wid = lax.axis_index("s") * NC + lax.axis_index("c")
    base = wid * ROWS_W
    zero16 = jnp.zeros((LANES,), jnp.float32)
    ones16 = jnp.ones((LANES,), jnp.float32)
    lane = lax.iota(jnp.int32, LANES)

    pltpu.sync_copy(ys_hbm.at[pl.ds(base, ROWS_W)], idx_v)

    def start(ck):
        b = ck % 2
        return (
            pltpu.async_copy(
                xs_hbm.at[pl.ds((base + ck * CHUNK) * FEAT, CHUNK * FEAT)],
                xs_bufs[b], sems_x[b]),
            pltpu.async_copy(ct_hbm.at[idx_v.at[pl.ds(ck * CHUNK, CHUNK)]],
                             cr_bufs[b], sems_g[b]),
        )

    inflight = {0: start(0)}

    def zero_bins(i, carry):
        bs_v[pl.ds(i * LANES, LANES)] = zero16
        bn_v[pl.ds(i * LANES, LANES)] = zero16
        return carry

    lax.fori_loop(0, BINS // LANES, zero_bins, 0, unroll=8)

    for ck in range(NCHUNK):
        if ck + 1 < NCHUNK:
            inflight[ck + 1] = start(ck + 1)
        cx, cg = inflight.pop(ck)
        cx.wait()
        cg.wait()
        xs_v = xs_bufs[ck % 2]
        cr_v = cr_bufs[ck % 2]

        def group_step(g, carry):
            rows = lane + g * LANES
            y16 = idx_v[pl.ds(ck * CHUNK + g * LANES, LANES)]

            def feat_step(f, fcarry):
                s1, d, s3 = fcarry
                fv = (lane + f) & (FEAT - 1)
                x = plsc.load_gather(xs_v, [rows * FEAT + fv])
                c = plsc.load_gather(cr_v, [rows, fv])
                return (s1 + x * x, d + x * c, s3 + c * c)

            s1, d, s3 = lax.fori_loop(0, FEAT, feat_step,
                                      (zero16, zero16, zero16), unroll=32)
            inv = jnp.minimum(_rsqrt(s1), jnp.float32(1e12))
            d2 = s1 * inv * inv - 2.0 * (d * inv) + s3
            d2 = jnp.maximum(d2, 0.0)
            dist = d2 * _rsqrt(d2)
            plsc.addupdate_scatter(bs_v, [y16], dist)
            plsc.addupdate_scatter(bn_v, [y16], ones16)
            return carry

        lax.fori_loop(0, CHUNK // LANES, group_step, 0)

    pltpu.sync_copy(bs_v, sw_hbm.at[wid])
    pltpu.sync_copy(bn_v, nw_hbm.at[wid])


_sc_hist = pl.kernel(
    _sc_body,
    out_type=(jax.ShapeDtypeStruct((NW, BINS), jnp.float32),
              jax.ShapeDtypeStruct((NW, BINS), jnp.float32)),
    mesh=plsc.VectorSubcoreMesh(core_axis_name="c", subcore_axis_name="s",
                                num_cores=NC, num_subcores=NS),
    scratch_types=[
        pltpu.VMEM((ROWS_W,), jnp.int32),
        pltpu.VMEM((CHUNK * FEAT,), jnp.float32),
        pltpu.VMEM((CHUNK * FEAT,), jnp.float32),
        pltpu.VMEM((CHUNK, FEAT), jnp.float32),
        pltpu.VMEM((CHUNK, FEAT), jnp.float32),
        pltpu.VMEM((BINS,), jnp.float32),
        pltpu.VMEM((BINS,), jnp.float32),
        pltpu.SemaphoreType.DMA,
        pltpu.SemaphoreType.DMA,
        pltpu.SemaphoreType.DMA,
        pltpu.SemaphoreType.DMA,
    ],
    compiler_params=pltpu.CompilerParams(needs_layout_passes=False),
)


def _tc_body(s_ref, n_ref, o_ref):
    s = jnp.sum(s_ref[...], axis=0, keepdims=True)
    n = jnp.sum(n_ref[...], axis=0, keepdims=True)
    o_ref[...] = jnp.sum(jnp.where(n > 0.0, s / n, 0.0),
                         axis=1, keepdims=True)


def kernel(xs, ys, center):
    sw, nw = _sc_hist(xs.reshape(-1), ys.astype(jnp.int32), center)
    out = pl.pallas_call(
        _tc_body,
        out_shape=jax.ShapeDtypeStruct((1, 1), jnp.float32),
    )(sw, nw)
    return out[0, 0]

# --- scband reference (transcript-rebuilt; emitter-appended) ---
"""Pipeline reference for scband-center-loss-31885837206222 (READ-ONLY COPY).

The authoritative reference and input builder live on the scoring server;
editing this copy changes nothing except your own understanding.
"""

import jax, jax.numpy as jnp
import numpy as np

CLS_NUM = 1000
FEATURE_NUM = 128
BATCH = 16384

def setup_inputs(seed: int = 0) -> dict:
    key = jax.random.key(seed)
    k1, k2, k3 = jax.random.split(key, 3)
    xs = jax.random.normal(k1, (BATCH, FEATURE_NUM), dtype=jnp.float32)
    ys = jax.random.randint(k2, (BATCH,), 0, CLS_NUM, dtype=jnp.int64)
    center = jax.random.normal(k3, (CLS_NUM, FEATURE_NUM), dtype=jnp.float32)
    return {"xs": xs, "ys": ys, "center": center}

def reference(xs, ys, center):
    # F.normalize(xs) : L2-normalize along dim=1 with eps=1e-12
    norm = jnp.sqrt(jnp.sum(xs * xs, axis=1, keepdims=True))
    xs_n = xs / jnp.maximum(norm, 1e-12)
    ys_i = ys.astype(jnp.int32)
    # center.index_select(dim=0, index=ys) -> gather
    center_exp = jnp.take(center, ys_i, axis=0)
    # torch.histc(ys, bins=cls_num, min=0, max=cls_num-1) on integer labels == bincount
    count = jnp.bincount(ys_i, length=CLS_NUM).astype(jnp.float32)
    count_dis = jnp.take(count, ys_i, axis=0)
    dist = jnp.sqrt(jnp.sum((xs_n - center_exp) ** 2, axis=1))
    L = jnp.sum(dist / count_dis)
    return L

if __name__ == "__main__":
    import jax
    _d = setup_inputs()
    print(jax.jit(kernel)(*tuple(_d.values())))

</pallas_src>

<mosaic_0001>
#map = affine_map<(d0, d1) -> (0)>
#map1 = affine_map<(d0, d1) -> (0, 0)>
module attributes {stable_mosaic.version = 14 : i64} {
  func.func @_sc_body(%arg0: i32, %arg1: i32, %arg2: memref<2097152xf32, #tpu.memory_space<hbm>>, %arg3: memref<16384xi32, #tpu.memory_space<hbm>>, %arg4: memref<1000x128xf32, #tpu.memory_space<hbm>>, %arg5: memref<32x1024xf32, #tpu.memory_space<hbm>>, %arg6: memref<32x1024xf32, #tpu.memory_space<hbm>>, %arg7: memref<512xi32, #tpu.memory_space<vmem>>, %arg8: memref<16384xf32, #tpu.memory_space<vmem>>, %arg9: memref<16384xf32, #tpu.memory_space<vmem>>, %arg10: memref<128x128xf32, #tpu.memory_space<vmem>>, %arg11: memref<128x128xf32, #tpu.memory_space<vmem>>, %arg12: memref<1024xf32, #tpu.memory_space<vmem>>, %arg13: memref<1024xf32, #tpu.memory_space<vmem>>, %arg14: memref<!tpu.dma_semaphore, #tpu.memory_space<semaphore_mem>>, %arg15: memref<!tpu.dma_semaphore, #tpu.memory_space<semaphore_mem>>, %arg16: memref<!tpu.dma_semaphore, #tpu.memory_space<semaphore_mem>>, %arg17: memref<!tpu.dma_semaphore, #tpu.memory_space<semaphore_mem>>) attributes {dimension_semantics = [#tpu.dimension_semantics<core_parallel>, #tpu.dimension_semantics<subcore_parallel>], iteration_bounds = array<i64: 2, 16>, scalar_prefetch = 0 : i64, scratch_operands = 11 : i64, tpu.core_type = #tpu.core_type<sc_vector_subcore>, window_params = [{transform_indices = #map}, {transform_indices = #map}, {transform_indices = #map1}, {transform_indices = #map1}, {transform_indices = #map1}]} {
    %mul3A = arith.constant 2 : i32
    %mul3A_0 = arith.muli %arg1, %mul3A : i32
    %add3A = arith.addi %mul3A_0, %arg0 : i32
    %mul3A_1 = arith.constant 512 : i32
    %mul3A_2 = arith.muli %add3A, %mul3A_1 : i32
    %broadcast_in_dim3A = arith.constant 0.000000e+00 : f32
    %broadcast_in_dim3A_3 = vector.broadcast %broadcast_in_dim3A : f32 to vector<16xf32>
    %broadcast_in_dim3A_4 = arith.constant 1.000000e+00 : f32
    %broadcast_in_dim3A_5 = vector.broadcast %broadcast_in_dim3A_4 : f32 to vector<16xf32>
    %iota3A = tpu.iota {dimensions = array<i32: 0>} : vector<16xi32>
    "tpu.region"() ({
      %run_scoped3A = tpu.sem_alloc : memref<!tpu.dma_semaphore, #tpu.memory_space<semaphore_mem>>
      %dma_start3A_105 = tpu.memref_slice %arg3[%mul3A_2] : memref<16384xi32, #tpu.memory_space<hbm>> -> memref<512xi32, #tpu.memory_space<hbm>>
      %dma_start3A_106 = tpu.memref_slice %arg3[%mul3A_2] : memref<16384xi32, #tpu.memory_space<hbm>> -> memref<512xi32, #tpu.memory_space<hbm>>
      tpu.enqueue_dma source(%dma_start3A_106 : memref<512xi32, #tpu.memory_space<hbm>>) target(%arg7 : memref<512xi32, #tpu.memory_space<vmem>>) target_semaphore(%run_scoped3A : memref<!tpu.dma_semaphore, #tpu.memory_space<semaphore_mem>>)
      %dma_wait3A_107 = tpu.memref_slice %arg3[%mul3A_2] : memref<16384xi32, #tpu.memory_space<hbm>> -> memref<512xi32, #tpu.memory_space<hbm>>
      %dma_wait3A_108 = tpu.memref_slice %arg3[%mul3A_2] : memref<16384xi32, #tpu.memory_space<hbm>> -> memref<512xi32, #tpu.memory_space<hbm>>
      tpu.wait_dma2 semaphore(%run_scoped3A : memref<!tpu.dma_semaphore, #tpu.memory_space<semaphore_mem>>) src(%dma_wait3A_108 : memref<512xi32, #tpu.memory_space<hbm>>) dst(%arg7 : memref<512xi32, #tpu.memory_space<vmem>>)
      tpu.yield
    }) : () -> ()
    %add3A_6 = arith.constant 0 : i32
    %add3A_7 = arith.addi %mul3A_2, %add3A_6 : i32
    %mul3A_8 = arith.constant 128 : i32
    %mul3A_9 = arith.muli %add3A_7, %mul3A_8 : i32
    %dma_start3A = tpu.memref_slice %arg2[%mul3A_9] : memref<2097152xf32, #tpu.memory_space<hbm>> -> memref<16384xf32, #tpu.memory_space<hbm>>
    %dma_start3A_10 = tpu.memref_slice %arg2[%mul3A_9] : memref<2097152xf32, #tpu.memory_space<hbm>> -> memref<16384xf32, #tpu.memory_space<hbm>>
    tpu.enqueue_dma source(%dma_start3A_10 : memref<16384xf32, #tpu.memory_space<hbm>>) target(%arg8 : memref<16384xf32, #tpu.memory_space<vmem>>) target_semaphore(%arg14 : memref<!tpu.dma_semaphore, #tpu.memory_space<semaphore_mem>>)
    %dma_start3A_11 = arith.constant 0 : i32
    %dma_start3A_12 = tpu.memref_slice %arg7[%dma_start3A_11] : memref<512xi32, #tpu.memory_space<vmem>> -> memref<128xi32, #tpu.memory_space<vmem>>
    %dma_start3A_13 = arith.constant 0 : i32
    %dma_start3A_14 = arith.constant 0 : i32
    %dma_start3A_15 = tpu.memref_slice %arg4[%dma_start3A_13, %dma_start3A_14] : memref<1000x128xf32, #tpu.memory_space<hbm>> -> memref<1000x128xf32, #tpu.memory_space<hbm>>
    tpu.enqueue_indirect_dma source(%dma_start3A_15 : memref<1000x128xf32, #tpu.memory_space<hbm>>) target(%arg10 : memref<128x128xf32, #tpu.memory_space<vmem>>) offsets(%dma_start3A_12 : memref<128xi32, #tpu.memory_space<vmem>>) semaphore(%arg16 : memref<!tpu.dma_semaphore, #tpu.memory_space<semaphore_mem>>)
    %scan3A = arith.constant 0 : i32
    %scan3A_16 = arith.constant 0 : i32
    %scan3A_17 = arith.constant 64 : i32
    %scan3A_18 = arith.addi %scan3A_16, %scan3A_17 : i32
    %scan3A_19 = arith.constant 8 : i32
    scf.for %scan3A_105 = %scan3A_16 to %scan3A_18 step %scan3A_19  : i32 {
      %mul3A_106 = arith.constant 16 : i32
      %mul3A_107 = arith.muli %scan3A_105, %mul3A_106 : i32
      %swap3A = arith.index_cast %mul3A_107 : i32 to index
      %swap3A_108 = tpu.vector_load %arg12[%swap3A] {strides = array<i32>} : memref<1024xf32, #tpu.memory_space<vmem>>, vector<16xf32>,
      tpu.vector_store %arg12[%swap3A], %broadcast_in_dim3A_3 {strides = array<i32>} : memref<1024xf32, #tpu.memory_space<vmem>>, vector<16xf32>,
      %mul3A_109 = arith.constant 16 : i32
      %mul3A_110 = arith.muli %scan3A_105, %mul3A_109 : i32
      %swap3A_111 = arith.index_cast %mul3A_110 : i32 to index
      %swap3A_112 = tpu.vector_load %arg13[%swap3A_111] {strides = array<i32>} : memref<1024xf32, #tpu.memory_space<vmem>>, vector<16xf32>,
      tpu.vector_store %arg13[%swap3A_111], %broadcast_in_dim3A_3 {strides = array<i32>} : memref<1024xf32, #tpu.memory_space<vmem>>, vector<16xf32>,
      %scan3A_113 = arith.constant 1 : i32
      %scan3A_114 = arith.addi %scan3A_105, %scan3A_113 : i32
      %mul3A_115 = arith.constant 16 : i32
      %mul3A_116 = arith.muli %scan3A_114, %mul3A_115 : i32
      %swap3A_117 = arith.index_cast %mul3A_116 : i32 to index
      %swap3A_118 = tpu.vector_load %arg12[%swap3A_117] {strides = array<i32>} : memref<1024xf32, #tpu.memory_space<vmem>>, vector<16xf32>,
      tpu.vector_store %arg12[%swap3A_117], %broadcast_in_dim3A_3 {strides = array<i32>} : memref<1024xf32, #tpu.memory_space<vmem>>, vector<16xf32>,
      %mul3A_119 = arith.constant 16 : i32
      %mul3A_120 = arith.muli %scan3A_114, %mul3A_119 : i32
      %swap3A_121 = arith.index_cast %mul3A_120 : i32 to index
      %swap3A_122 = tpu.vector_load %arg13[%swap3A_121] {strides = array<i32>} : memref<1024xf32, #tpu.memory_space<vmem>>, vector<16xf32>,
      tpu.vector_store %arg13[%swap3A_121], %broadcast_in_dim3A_3 {strides = array<i32>} : memref<1024xf32, #tpu.memory_space<vmem>>, vector<16xf32>,
      %scan3A_123 = arith.constant 2 : i32
      %scan3A_124 = arith.addi %scan3A_105, %scan3A_123 : i32
      %mul3A_125 = arith.constant 16 : i32
      %mul3A_126 = arith.muli %scan3A_124, %mul3A_125 : i32
      %swap3A_127 = arith.index_cast %mul3A_126 : i32 to index
      %swap3A_128 = tpu.vector_load %arg12[%swap3A_127] {strides = array<i32>} : memref<1024xf32, #tpu.memory_space<vmem>>, vector<16xf32>,
      tpu.vector_store %arg12[%swap3A_127], %broadcast_in_dim3A_3 {strides = array<i32>} : memref<1024xf32, #tpu.memory_space<vmem>>, vector<16xf32>,
      %mul3A_129 = arith.constant 16 : i32
      %mul3A_130 = arith.muli %scan3A_124, %mul3A_129 : i32
      %swap3A_131 = arith.index_cast %mul3A_130 : i32 to index
      %swap3A_132 = tpu.vector_load %arg13[%swap3A_131] {strides = array<i32>} : memref<1024xf32, #tpu.memory_space<vmem>>, vector<16xf32>,
      tpu.vector_store %arg13[%swap3A_131], %broadcast_in_dim3A_3 {strides = array<i32>} : memref<1024xf32, #tpu.memory_space<vmem>>, vector<16xf32>,
      %scan3A_133 = arith.constant 3 : i32
      %scan3A_134 = arith.addi %scan3A_105, %scan3A_133 : i32
      %mul3A_135 = arith.constant 16 : i32
      %mul3A_136 = arith.muli %scan3A_134, %mul3A_135 : i32
      %swap3A_137 = arith.index_cast %mul3A_136 : i32 to index
      %swap3A_138 = tpu.vector_load %arg12[%swap3A_137] {strides = array<i32>} : memref<1024xf32, #tpu.memory_space<vmem>>, vector<16xf32>,
      tpu.vector_store %arg12[%swap3A_137], %broadcast_in_dim3A_3 {strides = array<i32>} : memref<1024xf32, #tpu.memory_space<vmem>>, vector<16xf32>,
      %mul3A_139 = arith.constant 16 : i32
      %mul3A_140 = arith.muli %scan3A_134, %mul3A_139 : i32
      %swap3A_141 = arith.index_cast %mul3A_140 : i32 to index
      %swap3A_142 = tpu.vector_load %arg13[%swap3A_141] {strides = array<i32>} : memref<1024xf32, #tpu.memory_space<vmem>>, vector<16xf32>,
      tpu.vector_store %arg13[%swap3A_141], %broadcast_in_dim3A_3 {strides = array<i32>} : memref<1024xf32, #tpu.memory_space<vmem>>, vector<16xf32>,
      %scan3A_143 = arith.constant 4 : i32
      %scan3A_144 = arith.addi %scan3A_105, %scan3A_143 : i32
      %mul3A_145 = arith.constant 16 : i32
      %mul3A_146 = arith.muli %scan3A_144, %mul3A_145 : i32
      %swap3A_147 = arith.index_cast %mul3A_146 : i32 to index
      %swap3A_148 = tpu.vector_load %arg12[%swap3A_147] {strides = array<i32>} : memref<1024xf32, #tpu.memory_space<vmem>>, vector<16xf32>,
      tpu.vector_store %arg12[%swap3A_147], %broadcast_in_dim3A_3 {strides = array<i32>} : memref<1024xf32, #tpu.memory_space<vmem>>, vector<16xf32>,
      %mul3A_149 = arith.constant 16 : i32
      %mul3A_150 = arith.muli %scan3A_144, %mul3A_149 : i32
      %swap3A_151 = arith.index_cast %mul3A_150 : i32 to index
      %swap3A_152 = tpu.vector_load %arg13[%swap3A_151] {strides = array<i32>} : memref<1024xf32, #tpu.memory_space<vmem>>, vector<16xf32>,
      tpu.vector_store %arg13[%swap3A_151], %broadcast_in_dim3A_3 {strides = array<i32>} : memref<1024xf32, #tpu.memory_space<vmem>>, vector<16xf32>,
      %scan3A_153 = arith.constant 5 : i32
      %scan3A_154 = arith.addi %scan3A_105, %scan3A_153 : i32
      %mul3A_155 = arith.constant 16 : i32
      %mul3A_156 = arith.muli %scan3A_154, %mul3A_155 : i32
      %swap3A_157 = arith.index_cast %mul3A_156 : i32 to index
      %swap3A_158 = tpu.vector_load %arg12[%swap3A_157] {strides = array<i32>} : memref<1024xf32, #tpu.memory_space<vmem>>, vector<16xf32>,
      tpu.vector_store %arg12[%swap3A_157], %broadcast_in_dim3A_3 {strides = array<i32>} : memref<1024xf32, #tpu.memory_space<vmem>>, vector<16xf32>,
      %mul3A_159 = arith.constant 16 : i32
      %mul3A_160 = arith.muli %scan3A_154, %mul3A_159 : i32
      %swap3A_161 = arith.index_cast %mul3A_160 : i32 to index
      %swap3A_162 = tpu.vector_load %arg13[%swap3A_161] {strides = array<i32>} : memref<1024xf32, #tpu.memory_space<vmem>>, vector<16xf32>,
      tpu.vector_store %arg13[%swap3A_161], %broadcast_in_dim3A_3 {strides = array<i32>} : memref<1024xf32, #tpu.memory_space<vmem>>, vector<16xf32>,
      %scan3A_163 = arith.constant 6 : i32
      %scan3A_164 = arith.addi %scan3A_105, %scan3A_163 : i32
      %mul3A_165 = arith.constant 16 : i32
      %mul3A_166 = arith.muli %scan3A_164, %mul3A_165 : i32
      %swap3A_167 = arith.index_cast %mul3A_166 : i32 to index
      %swap3A_168 = tpu.vector_load %arg12[%swap3A_167] {strides = array<i32>} : memref<1024xf32, #tpu.memory_space<vmem>>, vector<16xf32>,
      tpu.vector_store %arg12[%swap3A_167], %broadcast_in_dim3A_3 {strides = array<i32>} : memref<1024xf32, #tpu.memory_space<vmem>>, vector<16xf32>,
      %mul3A_169 = arith.constant 16 : i32
      %mul3A_170 = arith.muli %scan3A_164, %mul3A_169 : i32
      %swap3A_171 = arith.index_cast %mul3A_170 : i32 to index
      %swap3A_172 = tpu.vector_load %arg13[%swap3A_171] {strides = array<i32>} : memref<1024xf32, #tpu.memory_space<vmem>>, vector<16xf32>,
      tpu.vector_store %arg13[%swap3A_171], %broadcast_in_dim3A_3 {strides = array<i32>} : memref<1024xf32, #tpu.memory_space<vmem>>, vector<16xf32>,
      %scan3A_173 = arith.constant 7 : i32
      %scan3A_174 = arith.addi %scan3A_105, %scan3A_173 : i32
      %mul3A_175 = arith.constant 16 : i32
      %mul3A_176 = arith.muli %scan3A_174, %mul3A_175 : i32
      %swap3A_177 = arith.index_cast %mul3A_176 : i32 to index
      %swap3A_178 = tpu.vector_load %arg12[%swap3A_177] {strides = array<i32>} : memref<1024xf32, #tpu.memory_space<vmem>>, vector<16xf32>,
      tpu.vector_store %arg12[%swap3A_177], %broadcast_in_dim3A_3 {strides = array<i32>} : memref<1024xf32, #tpu.memory_space<vmem>>, vector<16xf32>,
      %mul3A_179 = arith.constant 16 : i32
      %mul3A_180 = arith.muli %scan3A_174, %mul3A_179 : i32
      %swap3A_181 = arith.index_cast %mul3A_180 : i32 to index
      %swap3A_182 = tpu.vector_load %arg13[%swap3A_181] {strides = array<i32>} : memref<1024xf32, #tpu.memory_space<vmem>>, vector<16xf32>,
      tpu.vector_store %arg13[%swap3A_181], %broadcast_in_dim3A_3 {strides = array<i32>} : memref<1024xf32, #tpu.memory_space<vmem>>, vector<16xf32>,
    }
    %scan3A_20 = arith.constant 64 : i32
    %add3A_21 = arith.constant 128 : i32
    %add3A_22 = arith.addi %mul3A_2, %add3A_21 : i32
    %mul3A_23 = arith.constant 128 : i32
    %mul3A_24 = arith.muli %add3A_22, %mul3A_23 : i32
    %dma_start3A_25 = tpu.memref_slice %arg2[%mul3A_24] : memref<2097152xf32, #tpu.memory_space<hbm>> -> memref<16384xf32, #tpu.memory_space<hbm>>
    %dma_start3A_26 = tpu.memref_slice %arg2[%mul3A_24] : memref<2097152xf32, #tpu.memory_space<hbm>> -> memref<16384xf32, #tpu.memory_space<hbm>>
    tpu.enqueue_dma source(%dma_start3A_26 : memref<16384xf32, #tpu.memory_space<hbm>>) target(%arg9 : memref<16384xf32, #tpu.memory_space<vmem>>) target_semaphore(%arg15 : memref<!tpu.dma_semaphore, #tpu.memory_space<semaphore_mem>>)
    %dma_start3A_27 = arith.constant 128 : i32
    %dma_start3A_28 = tpu.memref_slice %arg7[%dma_start3A_27] : memref<512xi32, #tpu.memory_space<vmem>> -> memref<128xi32, #tpu.memory_space<vmem>>
    %dma_start3A_29 = arith.constant 0 : i32
    %dma_start3A_30 = arith.constant 0 : i32
    %dma_start3A_31 = tpu.memref_slice %arg4[%dma_start3A_29, %dma_start3A_30] : memref<1000x128xf32, #tpu.memory_space<hbm>> -> memref<1000x128xf32, #tpu.memory_space<hbm>>
    tpu.enqueue_indirect_dma source(%dma_start3A_31 : memref<1000x128xf32, #tpu.memory_space<hbm>>) target(%arg11 : memref<128x128xf32, #tpu.memory_space<vmem>>) offsets(%dma_start3A_28 : memref<128xi32, #tpu.memory_space<vmem>>) semaphore(%arg17 : memref<!tpu.dma_semaphore, #tpu.memory_space<semaphore_mem>>)
    %dma_wait3A = tpu.memref_slice %arg2[%mul3A_9] : memref<2097152xf32, #tpu.memory_space<hbm>> -> memref<16384xf32, #tpu.memory_space<hbm>>
    %dma_wait3A_32 = tpu.memref_slice %arg2[%mul3A_9] : memref<2097152xf32, #tpu.memory_space<hbm>> -> memref<16384xf32, #tpu.memory_space<hbm>>
    tpu.wait_dma2 semaphore(%arg14 : memref<!tpu.dma_semaphore, #tpu.memory_space<semaphore_mem>>) src(%dma_wait3A_32 : memref<16384xf32, #tpu.memory_space<hbm>>) dst(%arg8 : memref<16384xf32, #tpu.memory_space<vmem>>)
    %dma_wait3A_33 = arith.constant 0 : i32
    %dma_wait3A_34 = tpu.memref_slice %arg7[%dma_wait3A_33] : memref<512xi32, #tpu.memory_space<vmem>> -> memref<128xi32, #tpu.memory_space<vmem>>
    %dma_wait3A_35 = arith.constant 0 : i32
    %dma_wait3A_36 = arith.constant 0 : i32
    %dma_wait3A_37 = tpu.memref_slice %arg4[%dma_wait3A_35, %dma_wait3A_36] : memref<1000x128xf32, #tpu.memory_space<hbm>> -> memref<1000x128xf32, #tpu.memory_space<hbm>>
    tpu.wait_indirect_dma semaphore(%arg16 : memref<!tpu.dma_semaphore, #tpu.memory_space<semaphore_mem>>) src(%dma_wait3A_37 : memref<1000x128xf32, #tpu.memory_space<hbm>>) dst(%arg10 : memref<128x128xf32, #tpu.memory_space<vmem>>)
    %scan3A_38 = arith.constant 0 : i32
    %scan3A_39 = arith.constant 0 : i32
    %scan3A_40 = arith.constant 8 : i32
    %scan3A_41 = arith.addi %scan3A_39, %scan3A_40 : i32
    %scan3A_42 = arith.constant 1 : i32
    scf.for %scan3A_105 = %scan3A_39 to %scan3A_41 step %scan3A_42  : i32 {
      %mul3A_106 = arith.constant 16 : i32
      %mul3A_107 = arith.muli %scan3A_105, %mul3A_106 : i32
      %add3A_108 = vector.broadcast %mul3A_107 : i32 to vector<16xi32>
      %add3A_109 = arith.addi %iota3A, %add3A_108 : vector<16xi32>
      %mul3A_110 = arith.constant 16 : i32
      %mul3A_111 = arith.muli %scan3A_105, %mul3A_110 : i32
      %add3A_112 = arith.constant 0 : i32
      %add3A_113 = arith.addi %add3A_112, %mul3A_111 : i32
      %get3A = arith.index_cast %add3A_113 : i32 to index
      %get3A_114 = tpu.vector_load %arg7[%get3A] {strides = array<i32>} : memref<512xi32, #tpu.memory_space<vmem>>, vector<16xi32>,
      %scan3A_115 = arith.constant 0 : i32
      %scan3A_116 = arith.constant 128 : i32
      %scan3A_117 = arith.addi %scan3A_115, %scan3A_116 : i32
      %scan3A_118 = arith.constant 32 : i32
      %scan3A_119:3 = scf.for %scan3A_201 = %scan3A_115 to %scan3A_117 step %scan3A_118 iter_args(%scan3A_202 = %broadcast_in_dim3A_3, %scan3A_203 = %broadcast_in_dim3A_3, %scan3A_204 = %broadcast_in_dim3A_3) -> (vector<16xf32>, vector<16xf32>, vector<16xf32>)  : i32 {
        %add3A_205 = vector.broadcast %scan3A_201 : i32 to vector<16xi32>
        %add3A_206 = arith.addi %iota3A, %add3A_205 : vector<16xi32>
        %and3A = arith.constant 127 : i32
        %and3A_207 = vector.broadcast %and3A : i32 to vector<16xi32>
        %and3A_208 = arith.andi %add3A_206, %and3A_207 : vector<16xi32>
        %mul3A_209 = arith.constant 128 : i32
        %mul3A_210 = vector.broadcast %mul3A_209 : i32 to vector<16xi32>
        %mul3A_211 = arith.muli %add3A_109, %mul3A_210 : vector<16xi32>
        %add3A_212 = arith.addi %mul3A_211, %and3A_208 : vector<16xi32>
        %gather3A = tpu.vector_load_idx %arg8[%add3A_212] : memref<16384xf32, #tpu.memory_space<vmem>>[vector<16xi32>], vector<16xf32>,
        %gather3A_213 = tpu.vector_load_idx %arg10[%add3A_109, %and3A_208] : memref<128x128xf32, #tpu.memory_space<vmem>>[vector<16xi32>, vector<16xi32>], vector<16xf32>,
        %mul3A_214 = arith.mulf %gather3A, %gather3A : vector<16xf32>
        %add3A_215 = arith.addf %scan3A_202, %mul3A_214 : vector<16xf32>
        %mul3A_216 = arith.mulf %gather3A, %gather3A_213 : vector<16xf32>
        %add3A_217 = arith.addf %scan3A_203, %mul3A_216 : vector<16xf32>
        %mul3A_218 = arith.mulf %gather3A_213, %gather3A_213 : vector<16xf32>
        %add3A_219 = arith.addf %scan3A_204, %mul3A_218 : vector<16xf32>
        %scan3A_220 = arith.constant 1 : i32
        %scan3A_221 = arith.addi %scan3A_201, %scan3A_220 : i32
        %add3A_222 = vector.broadcast %scan3A_221 : i32 to vector<16xi32>
        %add3A_223 = arith.addi %iota3A, %add3A_222 : vector<16xi32>
        %and3A_224 = arith.constant 127 : i32
        %and3A_225 = vector.broadcast %and3A_224 : i32 to vector<16xi32>
        %and3A_226 = arith.andi %add3A_223, %and3A_225 : vector<16xi32>
        %mul3A_227 = arith.constant 128 : i32
        %mul3A_228 = vector.broadcast %mul3A_227 : i32 to vector<16xi32>
        %mul3A_229 = arith.muli %add3A_109, %mul3A_228 : vector<16xi32>
        %add3A_230 = arith.addi %mul3A_229, %and3A_226 : vector<16xi32>
        %gather3A_231 = tpu.vector_load_idx %arg8[%add3A_230] : memref<16384xf32, #tpu.memory_space<vmem>>[vector<16xi32>], vector<16xf32>,
        %gather3A_232 = tpu.vector_load_idx %arg10[%add3A_109, %and3A_226] : memref<128x128xf32, #tpu.memory_space<vmem>>[vector<16xi32>, vector<16xi32>], vector<16xf32>,
        %mul3A_233 = arith.mulf %gather3A_231, %gather3A_231 : vector<16xf32>
        %add3A_234 = arith.addf %add3A_215, %mul3A_233 : vector<16xf32>
        %mul3A_235 = arith.mulf %gather3A_231, %gather3A_232 : vector<16xf32>
        %add3A_236 = arith.addf %add3A_217, %mul3A_235 : vector<16xf32>
        %mul3A_237 = arith.mulf %gather3A_232, %gather3A_232 : vector<16xf32>
        %add3A_238 = arith.addf %add3A_219, %mul3A_237 : vector<16xf32>
        %scan3A_239 = arith.constant 2 : i32
        %scan3A_240 = arith.addi %scan3A_201, %scan3A_239 : i32
        %add3A_241 = vector.broadcast %scan3A_240 : i32 to vector<16xi32>
        %add3A_242 = arith.addi %iota3A, %add3A_241 : vector<16xi32>
        %and3A_243 = arith.constant 127 : i32
        %and3A_244 = vector.broadcast %and3A_243 : i32 to vector<16xi32>
        %and3A_245 = arith.andi %add3A_242, %and3A_244 : vector<16xi32>
        %mul3A_246 = arith.constant 128 : i32
        %mul3A_247 = vector.broadcast %mul3A_246 : i32 to vector<16xi32>
        %mul3A_248 = arith.muli %add3A_109, %mul3A_247 : vector<16xi32>
        %add3A_249 = arith.addi %mul3A_248, %and3A_245 : vector<16xi32>
        %gather3A_250 = tpu.vector_load_idx %arg8[%add3A_249] : memref<16384xf32, #tpu.memory_space<vmem>>[vector<16xi32>], vector<16xf32>,
        %gather3A_251 = tpu.vector_load_idx %arg10[%add3A_109, %and3A_245] : memref<128x128xf32, #tpu.memory_space<vmem>>[vector<16xi32>, vector<16xi32>], vector<16xf32>,
        %mul3A_252 = arith.mulf %gather3A_250, %gather3A_250 : vector<16xf32>
        %add3A_253 = arith.addf %add3A_234, %mul3A_252 : vector<16xf32>
        %mul3A_254 = arith.mulf %gather3A_250, %gather3A_251 : vector<16xf32>
        %add3A_255 = arith.addf %add3A_236, %mul3A_254 : vector<16xf32>
        %mul3A_256 = arith.mulf %gather3A_251, %gather3A_251 : vector<16xf32>
        %add3A_257 = arith.addf %add3A_238, %mul3A_256 : vector<16xf32>
        %scan3A_258 = arith.constant 3 : i32
        %scan3A_259 = arith.addi %scan3A_201, %scan3A_258 : i32
        %add3A_260 = vector.broadcast %scan3A_259 : i32 to vector<16xi32>
        %add3A_261 = arith.addi %iota3A, %add3A_260 : vector<16xi32>
        %and3A_262 = arith.constant 127 : i32
        %and3A_263 = vector.broadcast %and3A_262 : i32 to vector<16xi32>
        %and3A_264 = arith.andi %add3A_261, %and3A_263 : vector<16xi32>
        %mul3A_265 = arith.constant 128 : i32
        %mul3A_266 = vector.broadcast %mul3A_265 : i32 to vector<16xi32>
        %mul3A_267 = arith.muli %add3A_109, %mul3A_266 : vector<16xi32>
        %add3A_268 = arith.addi %mul3A_267, %and3A_264 : vector<16xi32>
        %gather3A_269 = tpu.vector_load_idx %arg8[%add3A_268] : memref<16384xf32, #tpu.memory_space<vmem>>[vector<16xi32>], vector<16xf32>,
        %gather3A_270 = tpu.vector_load_idx %arg10[%add3A_109, %and3A_264] : memref<128x128xf32, #tpu.memory_space<vmem>>[vector<16xi32>, vector<16xi32>], vector<16xf32>,
        %mul3A_271 = arith.mulf %gather3A_269, %gather3A_269 : vector<16xf32>
        %add3A_272 = arith.addf %add3A_253, %mul3A_271 : vector<16xf32>
        %mul3A_273 = arith.mulf %gather3A_269, %gather3A_270 : vector<16xf32>
        %add3A_274 = arith.addf %add3A_255, %mul3A_273 : vector<16xf32>
        %mul3A_275 = arith.mulf %gather3A_270, %gather3A_270 : vector<16xf32>
        %add3A_276 = arith.addf %add3A_257, %mul3A_275 : vector<16xf32>
        %scan3A_277 = arith.constant 4 : i32
        %scan3A_278 = arith.addi %scan3A_201, %scan3A_277 : i32
        %add3A_279 = vector.broadcast %scan3A_278 : i32 to vector<16xi32>
        %add3A_280 = arith.addi %iota3A, %add3A_279 : vector<16xi32>
        %and3A_281 = arith.constant 127 : i32
        %and3A_282 = vector.broadcast %and3A_281 : i32 to vector<16xi32>
        %and3A_283 = arith.andi %add3A_280, %and3A_282 : vector<16xi32>
        %mul3A_284 = arith.constant 128 : i32
        %mul3A_285 = vector.broadcast %mul3A_284 : i32 to vector<16xi32>
        %mul3A_286 = arith.muli %add3A_109, %mul3A_285 : vector<16xi32>
        %add3A_287 = arith.addi %mul3A_286, %and3A_283 : vector<16xi32>
        %gather3A_288 = tpu.vector_load_idx %arg8[%add3A_287] : memref<16384xf32, #tpu.memory_space<vmem>>[vector<16xi32>], vector<16xf32>,
        %gather3A_289 = tpu.vector_load_idx %arg10[%add3A_109, %and3A_283] : memref<128x128xf32, #tpu.memory_space<vmem>>[vector<16xi32>, vector<16xi32>], vector<16xf32>,
        %mul3A_290 = arith.mulf %gather3A_288, %gather3A_288 : vector<16xf32>
        %add3A_291 = arith.addf %add3A_272, %mul3A_290 : vector<16xf32>
        %mul3A_292 = arith.mulf %gather3A_288, %gather3A_289 : vector<16xf32>
        %add3A_293 = arith.addf %add3A_274, %mul3A_292 : vector<16xf32>
        %mul3A_294 = arith.mulf %gather3A_289, %gather3A_289 : vector<16xf32>
        %add3A_295 = arith.addf %add3A_276, %mul3A_294 : vector<16xf32>
        %scan3A_296 = arith.constant 5 : i32
        %scan3A_297 = arith.addi %scan3A_201, %scan3A_296 : i32
        %add3A_298 = vector.broadcast %scan3A_297 : i32 to vector<16xi32>
        %add3A_299 = arith.addi %iota3A, %add3A_298 : vector<16xi32>
        %and3A_300 = arith.constant 127 : i32
        %and3A_301 = vector.broadcast %and3A_300 : i32 to vector<16xi32>
        %and3A_302 = arith.andi %add3A_299, %and3A_301 : vector<16xi32>
        %mul3A_303 = arith.constant 128 : i32
        %mul3A_304 = vector.broadcast %mul3A_303 : i32 to vector<16xi32>
        %mul3A_305 = arith.muli %add3A_109, %mul3A_304 : vector<16xi32>
        %add3A_306 = arith.addi %mul3A_305, %and3A_302 : vector<16xi32>
        %gather3A_307 = tpu.vector_load_idx %arg8[%add3A_306] : memref<16384xf32, #tpu.memory_space<vmem>>[vector<16xi32>], vector<16xf32>,
        %gather3A_308 = tpu.vector_load_idx %arg10[%add3A_109, %and3A_302] : memref<128x128xf32, #tpu.memory_space<vmem>>[vector<16xi32>, vector<16xi32>], vector<16xf32>,
        %mul3A_309 = arith.mulf %gather3A_307, %gather3A_307 : vector<16xf32>
        %add3A_310 = arith.addf %add3A_291, %mul3A_309 : vector<16xf32>
        %mul3A_311 = arith.mulf %gather3A_307, %gather3A_308 : vector<16xf32>
        %add3A_312 = arith.addf %add3A_293, %mul3A_311 : vector<16xf32>
        %mul3A_313 = arith.mulf %gather3A_308, %gather3A_308 : vector<16xf32>
        %add3A_314 = arith.addf %add3A_295, %mul3A_313 : vector<16xf32>
        %scan3A_315 = arith.constant 6 : i32
        %scan3A_316 = arith.addi %scan3A_201, %scan3A_315 : i32
        %add3A_317 = vector.broadcast %scan3A_316 : i32 to vector<16xi32>
        %add3A_318 = arith.addi %iota3A, %add3A_317 : vector<16xi32>
        %and3A_319 = arith.constant 127 : i32
        %and3A_320 = vector.broadcast %and3A_319 : i32 to vector<16xi32>
        %and3A_321 = arith.andi %add3A_318, %and3A_320 : vector<16xi32>
        %mul3A_322 = arith.constant 128 : i32
        %mul3A_323 = vector.broadcast %mul3A_322 : i32 to vector<16xi32>
        %mul3A_324 = arith.muli %add3A_109, %mul3A_323 : vector<16xi32>
        %add3A_325 = arith.addi %mul3A_324, %and3A_321 : vector<16xi32>
        %gather3A_326 = tpu.vector_load_idx %arg8[%add3A_325] : memref<16384xf32, #tpu.memory_space<vmem>>[vector<16xi32>], vector<16xf32>,
        %gather3A_327 = tpu.vector_load_idx %arg10[%add3A_109, %and3A_321] : memref<128x128xf32, #tpu.memory_space<vmem>>[vector<16xi32>, vector<16xi32>], vector<16xf32>,
        %mul3A_328 = arith.mulf %gather3A_326, %gather3A_326 : vector<16xf32>
        %add3A_329 = arith.addf %add3A_310, %mul3A_328 : vector<16xf32>
        %mul3A_330 = arith.mulf %gather3A_326, %gather3A_327 : vector<16xf32>
        %add3A_331 = arith.addf %add3A_312, %mul3A_330 : vector<16xf32>
        %mul3A_332 = arith.mulf %gather3A_327, %gather3A_327 : vector<16xf32>
        %add3A_333 = arith.addf %add3A_314, %mul3A_332 : vector<16xf32>
        %scan3A_334 = arith.constant 7 : i32
        %scan3A_335 = arith.addi %scan3A_201, %scan3A_334 : i32
        %add3A_336 = vector.broadcast %scan3A_335 : i32 to vector<16xi32>
        %add3A_337 = arith.addi %iota3A, %add3A_336 : vector<16xi32>
        %and3A_338 = arith.constant 127 : i32
        %and3A_339 = vector.broadcast %and3A_338 : i32 to vector<16xi32>
        %and3A_340 = arith.andi %add3A_337, %and3A_339 : vector<16xi32>
        %mul3A_341 = arith.constant 128 : i32
        %mul3A_342 = vector.broadcast %mul3A_341 : i32 to vector<16xi32>
        %mul3A_343 = arith.muli %add3A_109, %mul3A_342 : vector<16xi32>
        %add3A_344 = arith.addi %mul3A_343, %and3A_340 : vector<16xi32>
        %gather3A_345 = tpu.vector_load_idx %arg8[%add3A_344] : memref<16384xf32, #tpu.memory_space<vmem>>[vector<16xi32>], vector<16xf32>,
        %gather3A_346 = tpu.vector_load_idx %arg10[%add3A_109, %and3A_340] : memref<128x128xf32, #tpu.memory_space<vmem>>[vector<16xi32>, vector<16xi32>], vector<16xf32>,
        %mul3A_347 = arith.mulf %gather3A_345, %gather3A_345 : vector<16xf32>
        %add3A_348 = arith.addf %add3A_329, %mul3A_347 : vector<16xf32>
        %mul3A_349 = arith.mulf %gather3A_345, %gather3A_346 : vector<16xf32>
        %add3A_350 = arith.addf %add3A_331, %mul3A_349 : vector<16xf32>
        %mul3A_351 = arith.mulf %gather3A_346, %gather3A_346 : vector<16xf32>
        %add3A_352 = arith.addf %add3A_333, %mul3A_351 : vector<16xf32>
        %scan3A_353 = arith.constant 8 : i32
        %scan3A_354 = arith.addi %scan3A_201, %scan3A_353 : i32
        %add3A_355 = vector.broadcast %scan3A_354 : i32 to vector<16xi32>
        %add3A_356 = arith.addi %iota3A, %add3A_355 : vector<16xi32>
        %and3A_357 = arith.constant 127 : i32
        %and3A_358 = vector.broadcast %and3A_357 : i32 to vector<16xi32>
        %and3A_359 = arith.andi %add3A_356, %and3A_358 : vector<16xi32>
        %mul3A_360 = arith.constant 128 : i32
        %mul3A_361 = vector.broadcast %mul3A_360 : i32 to vector<16xi32>
        %mul3A_362 = arith.muli %add3A_109, %mul3A_361 : vector<16xi32>
        %add3A_363 = arith.addi %mul3A_362, %and3A_359 : vector<16xi32>
        %gather3A_364 = tpu.vector_load_idx %arg8[%add3A_363] : memref<16384xf32, #tpu.memory_space<vmem>>[vector<16xi32>], vector<16xf32>,
        %gather3A_365 = tpu.vector_load_idx %arg10[%add3A_109, %and3A_359] : memref<128x128xf32, #tpu.memory_space<vmem>>[vector<16xi32>, vector<16xi32>], vector<16xf32>,
        %mul3A_366 = arith.mulf %gather3A_364, %gather3A_364 : vector<16xf32>
        %add3A_367 = arith.addf %add3A_348, %mul3A_366 : vector<16xf32>
        %mul3A_368 = arith.mulf %gather3A_364, %gather3A_365 : vector<16xf32>
        %add3A_369 = arith.addf %add3A_350, %mul3A_368 : vector<16xf32>
        %mul3A_370 = arith.mulf %gather3A_365, %gather3A_365 : vector<16xf32>
        %add3A_371 = arith.addf %add3A_352, %mul3A_370 : vector<16xf32>
        %scan3A_372 = arith.constant 9 : i32
        %scan3A_373 = arith.addi %scan3A_201, %scan3A_372 : i32
        %add3A_374 = vector.broadcast %scan3A_373 : i32 to vector<16xi32>
        %add3A_375 = arith.addi %iota3A, %add3A_374 : vector<16xi32>
        %and3A_376 = arith.constant 127 : i32
        %and3A_377 = vector.broadcast %and3A_376 : i32 to vector<16xi32>
        %and3A_378 = arith.andi %add3A_375, %and3A_377 : vector<16xi32>
        %mul3A_379 = arith.constant 128 : i32
        %mul3A_380 = vector.broadcast %mul3A_379 : i32 to vector<16xi32>
        %mul3A_381 = arith.muli %add3A_109, %mul3A_380 : vector<16xi32>
        %add3A_382 = arith.addi %mul3A_381, %and3A_378 : vector<16xi32>
        %gather3A_383 = tpu.vector_load_idx %arg8[%add3A_382] : memref<16384xf32, #tpu.memory_space<vmem>>[vector<16xi32>], vector<16xf32>,
        %gather3A_384 = tpu.vector_load_idx %arg10[%add3A_109, %and3A_378] : memref<128x128xf32, #tpu.memory_space<vmem>>[vector<16xi32>, vector<16xi32>], vector<16xf32>,
        %mul3A_385 = arith.mulf %gather3A_383, %gather3A_383 : vector<16xf32>
        %add3A_386 = arith.addf %add3A_367, %mul3A_385 : vector<16xf32>
        %mul3A_387 = arith.mulf %gather3A_383, %gather3A_384 : vector<16xf32>
        %add3A_388 = arith.addf %add3A_369, %mul3A_387 : vector<16xf32>
        %mul3A_389 = arith.mulf %gather3A_384, %gather3A_384 : vector<16xf32>
        %add3A_390 = arith.addf %add3A_371, %mul3A_389 : vector<16xf32>
        %scan3A_391 = arith.constant 10 : i32
        %scan3A_392 = arith.addi %scan3A_201, %scan3A_391 : i32
        %add3A_393 = vector.broadcast %scan3A_392 : i32 to vector<16xi32>
        %add3A_394 = arith.addi %iota3A, %add3A_393 : vector<16xi32>
        %and3A_395 = arith.constant 127 : i32
        %and3A_396 = vector.broadcast %and3A_395 : i32 to vector<16xi32>
        %and3A_397 = arith.andi %add3A_394, %and3A_396 : vector<16xi32>
        %mul3A_398 = arith.constant 128 : i32
        %mul3A_399 = vector.broadcast %mul3A_398 : i32 to vector<16xi32>
        %mul3A_400 = arith.muli %add3A_109, %mul3A_399 : vector<16xi32>
        %add3A_401 = arith.addi %mul3A_400, %and3A_397 : vector<16xi32>
        %gather3A_402 = tpu.vector_load_idx %arg8[%add3A_401] : memref<16384xf32, #tpu.memory_space<vmem>>[vector<16xi32>], vector<16xf32>,
        %gather3A_403 = tpu.vector_load_idx %arg10[%add3A_109, %and3A_397] : memref<128x128xf32, #tpu.memory_space<vmem>>[vector<16xi32>, vector<16xi32>], vector<16xf32>,
        %mul3A_404 = arith.mulf %gather3A_402, %gather3A_402 : vector<16xf32>
        %add3A_405 = arith.addf %add3A_386, %mul3A_404 : vector<16xf32>
        %mul3A_406 = arith.mulf %gather3A_402, %gather3A_403 : vector<16xf32>
        %add3A_407 = arith.addf %add3A_388, %mul3A_406 : vector<16xf32>
        %mul3A_408 = arith.mulf %gather3A_403, %gather3A_403 : vector<16xf32>
        %add3A_409 = arith.addf %add3A_390, %mul3A_408 : vector<16xf32>
        %scan3A_410 = arith.constant 11 : i32
        %scan3A_411 = arith.addi %scan3A_201, %scan3A_410 : i32
        %add3A_412 = vector.broadcast %scan3A_411 : i32 to vector<16xi32>
        %add3A_413 = arith.addi %iota3A, %add3A_412 : vector<16xi32>
        %and3A_414 = arith.constant 127 : i32
        %and3A_415 = vector.broadcast %and3A_414 : i32 to vector<16xi32>
        %and3A_416 = arith.andi %add3A_413, %and3A_415 : vector<16xi32>
        %mul3A_417 = arith.constant 128 : i32
        %mul3A_418 = vector.broadcast %mul3A_417 : i32 to vector<16xi32>
        %mul3A_419 = arith.muli %add3A_109, %mul3A_418 : vector<16xi32>
        %add3A_420 = arith.addi %mul3A_419, %and3A_416 : vector<16xi32>
        %gather3A_421 = tpu.vector_load_idx %arg8[%add3A_420] : memref<16384xf32, #tpu.memory_space<vmem>>[vector<16xi32>], vector<16xf32>,
        %gather3A_422 = tpu.vector_load_idx %arg10[%add3A_109, %and3A_416] : memref<128x128xf32, #tpu.memory_space<vmem>>[vector<16xi32>, vector<16xi32>], vector<16xf32>,
        %mul3A_423 = arith.mulf %gather3A_421, %gather3A_421 : vector<16xf32>
        %add3A_424 = arith.addf %add3A_405, %mul3A_423 : vector<16xf32>
        %mul3A_425 = arith.mulf %gather3A_421, %gather3A_422 : vector<16xf32>
        %add3A_426 = arith.addf %add3A_407, %mul3A_425 : vector<16xf32>
        %mul3A_427 = arith.mulf %gather3A_422, %gather3A_422 : vector<16xf32>
        %add3A_428 = arith.addf %add3A_409, %mul3A_427 : vector<16xf32>
        %scan3A_429 = arith.constant 12 : i32
        %scan3A_430 = arith.addi %scan3A_201, %scan3A_429 : i32
        %add3A_431 = vector.broadcast %scan3A_430 : i32 to vector<16xi32>
        %add3A_432 = arith.addi %iota3A, %add3A_431 : vector<16xi32>
        %and3A_433 = arith.constant 127 : i32
        %and3A_434 = vector.broadcast %and3A_433 : i32 to vector<16xi32>
        %and3A_435 = arith.andi %add3A_432, %and3A_434 : vector<16xi32>
        %mul3A_436 = arith.constant 128 : i32
        %mul3A_437 = vector.broadcast %mul3A_436 : i32 to vector<16xi32>
        %mul3A_438 = arith.muli %add3A_109, %mul3A_437 : vector<16xi32>
        %add3A_439 = arith.addi %mul3A_438, %and3A_435 : vector<16xi32>
        %gather3A_440 = tpu.vector_load_idx %arg8[%add3A_439] : memref<16384xf32, #tpu.memory_space<vmem>>[vector<16xi32>], vector<16xf32>,
        %gather3A_441 = tpu.vector_load_idx %arg10[%add3A_109, %and3A_435] : memref<128x128xf32, #tpu.memory_space<vmem>>[vector<16xi32>, vector<16xi32>], vector<16xf32>,
        %mul3A_442 = arith.mulf %gather3A_440, %gather3A_440 : vector<16xf32>
        %add3A_443 = arith.addf %add3A_424, %mul3A_442 : vector<16xf32>
        %mul3A_444 = arith.mulf %gather3A_440, %gather3A_441 : vector<16xf32>
        %add3A_445 = arith.addf %add3A_426, %mul3A_444 : vector<16xf32>
        %mul3A_446 = arith.mulf %gather3A_441, %gather3A_441 : vector<16xf32>
        %add3A_447 = arith.addf %add3A_428, %mul3A_446 : vector<16xf32>
        %scan3A_448 = arith.constant 13 : i32
        %scan3A_449 = arith.addi %scan3A_201, %scan3A_448 : i32
        %add3A_450 = vector.broadcast %scan3A_449 : i32 to vector<16xi32>
        %add3A_451 = arith.addi %iota3A, %add3A_450 : vector<16xi32>
        %and3A_452 = arith.constant 127 : i32
        %and3A_453 = vector.broadcast %and3A_452 : i32 to vector<16xi32>
        %and3A_454 = arith.andi %add3A_451, %and3A_453 : vector<16xi32>
        %mul3A_455 = arith.constant 128 : i32
        %mul3A_456 = vector.broadcast %mul3A_455 : i32 to vector<16xi32>
        %mul3A_457 = arith.muli %add3A_109, %mul3A_456 : vector<16xi32>
        %add3A_458 = arith.addi %mul3A_457, %and3A_454 : vector<16xi32>
        %gather3A_459 = tpu.vector_load_idx %arg8[%add3A_458] : memref<16384xf32, #tpu.memory_space<vmem>>[vector<16xi32>], vector<16xf32>,
        %gather3A_460 = tpu.vector_load_idx %arg10[%add3A_109, %and3A_454] : memref<128x128xf32, #tpu.memory_space<vmem>>[vector<16xi32>, vector<16xi32>], vector<16xf32>,
        %mul3A_461 = arith.mulf %gather3A_459, %gather3A_459 : vector<16xf32>
        %add3A_462 = arith.addf %add3A_443, %mul3A_461 : vector<16xf32>
        %mul3A_463 = arith.mulf %gather3A_459, %gather3A_460 : vector<16xf32>
        %add3A_464 = arith.addf %add3A_445, %mul3A_463 : vector<16xf32>
        %mul3A_465 = arith.mulf %gather3A_460, %gather3A_460 : vector<16xf32>
        %add3A_466 = arith.addf %add3A_447, %mul3A_465 : vector<16xf32>
        %scan3A_467 = arith.constant 14 : i32
        %scan3A_468 = arith.addi %scan3A_201, %scan3A_467 : i32
        %add3A_469 = vector.broadcast %scan3A_468 : i32 to vector<16xi32>
        %add3A_470 = arith.addi %iota3A, %add3A_469 : vector<16xi32>
        %and3A_471 = arith.constant 127 : i32
        %and3A_472 = vector.broadcast %and3A_471 : i32 to vector<16xi32>
        %and3A_473 = arith.andi %add3A_470, %and3A_472 : vector<16xi32>
        %mul3A_474 = arith.constant 128 : i32
        %mul3A_475 = vector.broadcast %mul3A_474 : i32 to vector<16xi32>
        %mul3A_476 = arith.muli %add3A_109, %mul3A_475 : vector<16xi32>
        %add3A_477 = arith.addi %mul3A_476, %and3A_473 : vector<16xi32>
        %gather3A_478 = tpu.vector_load_idx %arg8[%add3A_477] : memref<16384xf32, #tpu.memory_space<vmem>>[vector<16xi32>], vector<16xf32>,
        %gather3A_479 = tpu.vector_load_idx %arg10[%add3A_109, %and3A_473] : memref<128x128xf32, #tpu.memory_space<vmem>>[vector<16xi32>, vector<16xi32>], vector<16xf32>,
        %mul3A_480 = arith.mulf %gather3A_478, %gather3A_478 : vector<16xf32>
        %add3A_481 = arith.addf %add3A_462, %mul3A_480 : vector<16xf32>
        %mul3A_482 = arith.mulf %gather3A_478, %gather3A_479 : vector<16xf32>
        %add3A_483 = arith.addf %add3A_464, %mul3A_482 : vector<16xf32>
        %mul3A_484 = arith.mulf %gather3A_479, %gather3A_479 : vector<16xf32>
        %add3A_485 = arith.addf %add3A_466, %mul3A_484 : vector<16xf32>
        %scan3A_486 = arith.constant 15 : i32
        %scan3A_487 = arith.addi %scan3A_201, %scan3A_486 : i32
        %add3A_488 = vector.broadcast %scan3A_487 : i32 to vector<16xi32>
        %add3A_489 = arith.addi %iota3A, %add3A_488 : vector<16xi32>
        %and3A_490 = arith.constant 127 : i32
        %and3A_491 = vector.broadcast %and3A_490 : i32 to vector<16xi32>
        %and3A_492 = arith.andi %add3A_489, %and3A_491 : vector<16xi32>
        %mul3A_493 = arith.constant 128 : i32
        %mul3A_494 = vector.broadcast %mul3A_493 : i32 to vector<16xi32>
        %mul3A_495 = arith.muli %add3A_109, %mul3A_494 : vector<16xi32>
        %add3A_496 = arith.addi %mul3A_495, %and3A_492 : vector<16xi32>
        %gather3A_497 = tpu.vector_load_idx %arg8[%add3A_496] : memref<16384xf32, #tpu.memory_space<vmem>>[vector<16xi32>], vector<16xf32>,
        %gather3A_498 = tpu.vector_load_idx %arg10[%add3A_109, %and3A_492] : memref<128x128xf32, #tpu.memory_space<vmem>>[vector<16xi32>, vector<16xi32>], vector<16xf32>,
        %mul3A_499 = arith.mulf %gather3A_497, %gather3A_497 : vector<16xf32>
        %add3A_500 = arith.addf %add3A_481, %mul3A_499 : vector<16xf32>
        %mul3A_501 = arith.mulf %gather3A_497, %gather3A_498 : vector<16xf32>
        %add3A_502 = arith.addf %add3A_483, %mul3A_501 : vector<16xf32>
        %mul3A_503 = arith.mulf %gather3A_498, %gather3A_498 : vector<16xf32>
        %add3A_504 = arith.addf %add3A_485, %mul3A_503 : vector<16xf32>
        %scan3A_505 = arith.constant 16 : i32
        %scan3A_506 = arith.addi %scan3A_201, %scan3A_505 : i32
        %add3A_507 = vector.broadcast %scan3A_506 : i32 to vector<16xi32>
        %add3A_508 = arith.addi %iota3A, %add3A_507 : vector<16xi32>
        %and3A_509 = arith.constant 127 : i32
        %and3A_510 = vector.broadcast %and3A_509 : i32 to vector<16xi32>
        %and3A_511 = arith.andi %add3A_508, %and3A_510 : vector<16xi32>
        %mul3A_512 = arith.constant 128 : i32
        %mul3A_513 = vector.broadcast %mul3A_512 : i32 to vector<16xi32>
        %mul3A_514 = arith.muli %add3A_109, %mul3A_513 : vector<16xi32>
        %add3A_515 = arith.addi %mul3A_514, %and3A_511 : vector<16xi32>
        %gather3A_516 = tpu.vector_load_idx %arg8[%add3A_515] : memref<16384xf32, #tpu.memory_space<vmem>>[vector<16xi32>], vector<16xf32>,
        %gather3A_517 = tpu.vector_load_idx %arg10[%add3A_109, %and3A_511] : memref<128x128xf32, #tpu.memory_space<vmem>>[vector<16xi32>, vector<16xi32>], vector<16xf32>,
        %mul3A_518 = arith.mulf %gather3A_516, %gather3A_516 : vector<16xf32>
        %add3A_519 = arith.addf %add3A_500, %mul3A_518 : vector<16xf32>
        %mul3A_520 = arith.mulf %gather3A_516, %gather3A_517 : vector<16xf32>
        %add3A_521 = arith.addf %add3A_502, %mul3A_520 : vector<16xf32>
        %mul3A_522 = arith.mulf %gather3A_517, %gather3A_517 : vector<16xf32>
        %add3A_523 = arith.addf %add3A_504, %mul3A_522 : vector<16xf32>
        %scan3A_524 = arith.constant 17 : i32
        %scan3A_525 = arith.addi %scan3A_201, %scan3A_524 : i32
        %add3A_526 = vector.broadcast %scan3A_525 : i32 to vector<16xi32>
        %add3A_527 = arith.addi %iota3A, %add3A_526 : vector<16xi32>
        %and3A_528 = arith.constant 127 : i32
        %and3A_529 = vector.broadcast %and3A_528 : i32 to vector<16xi32>
        %and3A_530 = arith.andi %add3A_527, %and3A_529 : vector<16xi32>
        %mul3A_531 = arith.constant 128 : i32
        %mul3A_532 = vector.broadcast %mul3A_531 : i32 to vector<16xi32>
        %mul3A_533 = arith.muli %add3A_109, %mul3A_532 : vector<16xi32>
        %add3A_534 = arith.addi %mul3A_533, %and3A_530 : vector<16xi32>
        %gather3A_535 = tpu.vector_load_idx %arg8[%add3A_534] : memref<16384xf32, #tpu.memory_space<vmem>>[vector<16xi32>], vector<16xf32>,
        %gather3A_536 = tpu.vector_load_idx %arg10[%add3A_109, %and3A_530] : memref<128x128xf32, #tpu.memory_space<vmem>>[vector<16xi32>, vector<16xi32>], vector<16xf32>,
        %mul3A_537 = arith.mulf %gather3A_535, %gather3A_535 : vector<16xf32>
        %add3A_538 = arith.addf %add3A_519, %mul3A_537 : vector<16xf32>
        %mul3A_539 = arith.mulf %gather3A_535, %gather3A_536 : vector<16xf32>
        %add3A_540 = arith.addf %add3A_521, %mul3A_539 : vector<16xf32>
        %mul3A_541 = arith.mulf %gather3A_536, %gather3A_536 : vector<16xf32>
        %add3A_542 = arith.addf %add3A_523, %mul3A_541 : vector<16xf32>
        %scan3A_543 = arith.constant 18 : i32
        %scan3A_544 = arith.addi %scan3A_201, %scan3A_543 : i32
        %add3A_545 = vector.broadcast %scan3A_544 : i32 to vector<16xi32>
        %add3A_546 = arith.addi %iota3A, %add3A_545 : vector<16xi32>
        %and3A_547 = arith.constant 127 : i32
        %and3A_548 = vector.broadcast %and3A_547 : i32 to vector<16xi32>
        %and3A_549 = arith.andi %add3A_546, %and3A_548 : vector<16xi32>
        %mul3A_550 = arith.constant 128 : i32
        %mul3A_551 = vector.broadcast %mul3A_550 : i32 to vector<16xi32>
        %mul3A_552 = arith.muli %add3A_109, %mul3A_551 : vector<16xi32>
        %add3A_553 = arith.addi %mul3A_552, %and3A_549 : vector<16xi32>
        %gather3A_554 = tpu.vector_load_idx %arg8[%add3A_553] : memref<16384xf32, #tpu.memory_space<vmem>>[vector<16xi32>], vector<16xf32>,
        %gather3A_555 = tpu.vector_load_idx %arg10[%add3A_109, %and3A_549] : memref<128x128xf32, #tpu.memory_space<vmem>>[vector<16xi32>, vector<16xi32>], vector<16xf32>,
        %mul3A_556 = arith.mulf %gather3A_554, %gather3A_554 : vector<16xf32>
        %add3A_557 = arith.addf %add3A_538, %mul3A_556 : vector<16xf32>
        %mul3A_558 = arith.mulf %gather3A_554, %gather3A_555 : vector<16xf32>
        %add3A_559 = arith.addf %add3A_540, %mul3A_558 : vector<16xf32>
        %mul3A_560 = arith.mulf %gather3A_555, %gather3A_555 : vector<16xf32>
        %add3A_561 = arith.addf %add3A_542, %mul3A_560 : vector<16xf32>
        %scan3A_562 = arith.constant 19 : i32
        %scan3A_563 = arith.addi %scan3A_201, %scan3A_562 : i32
        %add3A_564 = vector.broadcast %scan3A_563 : i32 to vector<16xi32>
        %add3A_565 = arith.addi %iota3A, %add3A_564 : vector<16xi32>
        %and3A_566 = arith.constant 127 : i32
        %and3A_567 = vector.broadcast %and3A_566 : i32 to vector<16xi32>
        %and3A_568 = arith.andi %add3A_565, %and3A_567 : vector<16xi32>
        %mul3A_569 = arith.constant 128 : i32
        %mul3A_570 = vector.broadcast %mul3A_569 : i32 to vector<16xi32>
        %mul3A_571 = arith.muli %add3A_109, %mul3A_570 : vector<16xi32>
        %add3A_572 = arith.addi %mul3A_571, %and3A_568 : vector<16xi32>
        %gather3A_573 = tpu.vector_load_idx %arg8[%add3A_572] : memref<16384xf32, #tpu.memory_space<vmem>>[vector<16xi32>], vector<16xf32>,
        %gather3A_574 = tpu.vector_load_idx %arg10[%add3A_109, %and3A_568] : memref<128x128xf32, #tpu.memory_space<vmem>>[vector<16xi32>, vector<16xi32>], vector<16xf32>,
        %mul3A_575 = arith.mulf %gather3A_573, %gather3A_573 : vector<16xf32>
        %add3A_576 = arith.addf %add3A_557, %mul3A_575 : vector<16xf32>
        %mul3A_577 = arith.mulf %gather3A_573, %gather3A_574 : vector<16xf32>
        %add3A_578 = arith.addf %add3A_559, %mul3A_577 : vector<16xf32>
        %mul3A_579 = arith.mulf %gather3A_574, %gather3A_574 : vector<16xf32>
        %add3A_580 = arith.addf %add3A_561, %mul3A_579 : vector<16xf32>
        %scan3A_581 = arith.constant 20 : i32
        %scan3A_582 = arith.addi %scan3A_201, %scan3A_581 : i32
        %add3A_583 = vector.broadcast %scan3A_582 : i32 to vector<16xi32>
        %add3A_584 = arith.addi %iota3A, %add3A_583 : vector<16xi32>
        %and3A_585 = arith.constant 127 : i32
        %and3A_586 = vector.broadcast %and3A_585 : i32 to vector<16xi32>
        %and3A_587 = arith.andi %add3A_584, %and3A_586 : vector<16xi32>
        %mul3A_588 = arith.constant 128 : i32
        %mul3A_589 = vector.broadcast %mul3A_588 : i32 to vector<16xi32>
        %mul3A_590 = arith.muli %add3A_109, %mul3A_589 : vector<16xi32>
        %add3A_591 = arith.addi %mul3A_590, %and3A_587 : vector<16xi32>
        %gather3A_592 = tpu.vector_load_idx %arg8[%add3A_591] : memref<16384xf32, #tpu.memory_space<vmem>>[vector<16xi32>], vector<16xf32>,
        %gather3A_593 = tpu.vector_load_idx %arg10[%add3A_109, %and3A_587] : memref<128x128xf32, #tpu.memory_space<vmem>>[vector<16xi32>, vector<16xi32>], vector<16xf32>,
        %mul3A_594 = arith.mulf %gather3A_592, %gather3A_592 : vector<16xf32>
        %add3A_595 = arith.addf %add3A_576, %mul3A_594 : vector<16xf32>
        %mul3A_596 = arith.mulf %gather3A_592, %gather3A_593 : vector<16xf32>
        %add3A_597 = arith.addf %add3A_578, %mul3A_596 : vector<16xf32>
        %mul3A_598 = arith.mulf %gather3A_593, %gather3A_593 : vector<16xf32>
        %add3A_599 = arith.addf %add3A_580, %mul3A_598 : vector<16xf32>
        %scan3A_600 = arith.constant 21 : i32
        %scan3A_601 = arith.addi %scan3A_201, %scan3A_600 : i32
        %add3A_602 = vector.broadcast %scan3A_601 : i32 to vector<16xi32>
        %add3A_603 = arith.addi %iota3A, %add3A_602 : vector<16xi32>
        %and3A_604 = arith.constant 127 : i32
        %and3A_605 = vector.broadcast %and3A_604 : i32 to vector<16xi32>
        %and3A_606 = arith.andi %add3A_603, %and3A_605 : vector<16xi32>
        %mul3A_607 = arith.constant 128 : i32
        %mul3A_608 = vector.broadcast %mul3A_607 : i32 to vector<16xi32>
        %mul3A_609 = arith.muli %add3A_109, %mul3A_608 : vector<16xi32>
        %add3A_610 = arith.addi %mul3A_609, %and3A_606 : vector<16xi32>
        %gather3A_611 = tpu.vector_load_idx %arg8[%add3A_610] : memref<16384xf32, #tpu.memory_space<vmem>>[vector<16xi32>], vector<16xf32>,
        %gather3A_612 = tpu.vector_load_idx %arg10[%add3A_109, %and3A_606] : memref<128x128xf32, #tpu.memory_space<vmem>>[vector<16xi32>, vector<16xi32>], vector<16xf32>,
        %mul3A_613 = arith.mulf %gather3A_611, %gather3A_611 : vector<16xf32>
        %add3A_614 = arith.addf %add3A_595, %mul3A_613 : vector<16xf32>
        %mul3A_615 = arith.mulf %gather3A_611, %gather3A_612 : vector<16xf32>
        %add3A_616 = arith.addf %add3A_597, %mul3A_615 : vector<16xf32>
        %mul3A_617 = arith.mulf %gather3A_612, %gather3A_612 : vector<16xf32>
        %add3A_618 = arith.addf %add3A_599, %mul3A_617 : vector<16xf32>
        %scan3A_619 = arith.constant 22 : i32
        %scan3A_620 = arith.addi %scan3A_201, %scan3A_619 : i32
        %add3A_621 = vector.broadcast %scan3A_620 : i32 to vector<16xi32>
        %add3A_622 = arith.addi %iota3A, %add3A_621 : vector<16xi32>
        %and3A_623 = arith.constant 127 : i32
        %and3A_624 = vector.broadcast %and3A_623 : i32 to vector<16xi32>
        %and3A_625 = arith.andi %add3A_622, %and3A_624 : vector<16xi32>
        %mul3A_626 = arith.constant 128 : i32
        %mul3A_627 = vector.broadcast %mul3A_626 : i32 to vector<16xi32>
        %mul3A_628 = arith.muli %add3A_109, %mul3A_627 : vector<16xi32>
        %add3A_629 = arith.addi %mul3A_628, %and3A_625 : vector<16xi32>
        %gather3A_630 = tpu.vector_load_idx %arg8[%add3A_629] : memref<16384xf32, #tpu.memory_space<vmem>>[vector<16xi32>], vector<16xf32>,
        %gather3A_631 = tpu.vector_load_idx %arg10[%add3A_109, %and3A_625] : memref<128x128xf32, #tpu.memory_space<vmem>>[vector<16xi32>, vector<16xi32>], vector<16xf32>,
        %mul3A_632 = arith.mulf %gather3A_630, %gather3A_630 : vector<16xf32>
        %add3A_633 = arith.addf %add3A_614, %mul3A_632 : vector<16xf32>
        %mul3A_634 = arith.mulf %gather3A_630, %gather3A_631 : vector<16xf32>
        %add3A_635 = arith.addf %add3A_616, %mul3A_634 : vector<16xf32>
        %mul3A_636 = arith.mulf %gather3A_631, %gather3A_631 : vector<16xf32>
        %add3A_637 = arith.addf %add3A_618, %mul3A_636 : vector<16xf32>
        %scan3A_638 = arith.constant 23 : i32
        %scan3A_639 = arith.addi %scan3A_201, %scan3A_638 : i32
        %add3A_640 = vector.broadcast %scan3A_639 : i32 to vector<16xi32>
        %add3A_641 = arith.addi %iota3A, %add3A_640 : vector<16xi32>
        %and3A_642 = arith.constant 127 : i32
        %and3A_643 = vector.broadcast %and3A_642 : i32 to vector<16xi32>
        %and3A_644 = arith.andi %add3A_641, %and3A_643 : vector<16xi32>
        %mul3A_645 = arith.constant 128 : i32
        %mul3A_646 = vector.broadcast %mul3A_645 : i32 to vector<16xi32>
        %mul3A_647 = arith.muli %add3A_109, %mul3A_646 : vector<16xi32>
        %add3A_648 = arith.addi %mul3A_647, %and3A_644 : vector<16xi32>
        %gather3A_649 = tpu.vector_load_idx %arg8[%add3A_648] : memref<16384xf32, #tpu.memory_space<vmem>>[vector<16xi32>], vector<16xf32>,
        %gather3A_650 = tpu.vector_load_idx %arg10[%add3A_109, %and3A_644] : memref<128x128xf32, #tpu.memory_space<vmem>>[vector<16xi32>, vector<16xi32>], vector<16xf32>,
        %mul3A_651 = arith.mulf %gather3A_649, %gather3A_649 : vector<16xf32>
        %add3A_652 = arith.addf %add3A_633, %mul3A_651 : vector<16xf32>
        %mul3A_653 = arith.mulf %gather3A_649, %gather3A_650 : vector<16xf32>
        %add3A_654 = arith.addf %add3A_635, %mul3A_653 : vector<16xf32>
        %mul3A_655 = arith.mulf %gather3A_650, %gather3A_650 : vector<16xf32>
        %add3A_656 = arith.addf %add3A_637, %mul3A_655 : vector<16xf32>
        %scan3A_657 = arith.constant 24 : i32
        %scan3A_658 = arith.addi %scan3A_201, %scan3A_657 : i32
        %add3A_659 = vector.broadcast %scan3A_658 : i32 to vector<16xi32>
        %add3A_660 = arith.addi %iota3A, %add3A_659 : vector<16xi32>
        %and3A_661 = arith.constant 127 : i32
        %and3A_662 = vector.broadcast %and3A_661 : i32 to vector<16xi32>
        %and3A_663 = arith.andi %add3A_660, %and3A_662 : vector<16xi32>
        %mul3A_664 = arith.constant 128 : i32
        %mul3A_665 = vector.broadcast %mul3A_664 : i32 to vector<16xi32>
        %mul3A_666 = arith.muli %add3A_109, %mul3A_665 : vector<16xi32>
        %add3A_667 = arith.addi %mul3A_666, %and3A_663 : vector<16xi32>
        %gather3A_668 = tpu.vector_load_idx %arg8[%add3A_667] : memref<16384xf32, #tpu.memory_space<vmem>>[vector<16xi32>], vector<16xf32>,
        %gather3A_669 = tpu.vector_load_idx %arg10[%add3A_109, %and3A_663] : memref<128x128xf32, #tpu.memory_space<vmem>>[vector<16xi32>, vector<16xi32>], vector<16xf32>,
        %mul3A_670 = arith.mulf %gather3A_668, %gather3A_668 : vector<16xf32>
        %add3A_671 = arith.addf %add3A_652, %mul3A_670 : vector<16xf32>
        %mul3A_672 = arith.mulf %gather3A_668, %gather3A_669 : vector<16xf32>
        %add3A_673 = arith.addf %add3A_654, %mul3A_672 : vector<16xf32>
        %mul3A_674 = arith.mulf %gather3A_669, %gather3A_669 : vector<16xf32>
        %add3A_675 = arith.addf %add3A_656, %mul3A_674 : vector<16xf32>
        %scan3A_676 = arith.constant 25 : i32
        %scan3A_677 = arith.addi %scan3A_201, %scan3A_676 : i32
        %add3A_678 = vector.broadcast %scan3A_677 : i32 to vector<16xi32>
        %add3A_679 = arith.addi %iota3A, %add3A_678 : vector<16xi32>
        %and3A_680 = arith.constant 127 : i32
        %and3A_681 = vector.broadcast %and3A_680 : i32 to vector<16xi32>
        %and3A_682 = arith.andi %add3A_679, %and3A_681 : vector<16xi32>
        %mul3A_683 = arith.constant 128 : i32
        %mul3A_684 = vector.broadcast %mul3A_683 : i32 to vector<16xi32>
        %mul3A_685 = arith.muli %add3A_109, %mul3A_684 : vector<16xi32>
        %add3A_686 = arith.addi %mul3A_685, %and3A_682 : vector<16xi32>
        %gather3A_687 = tpu.vector_load_idx %arg8[%add3A_686] : memref<16384xf32, #tpu.memory_space<vmem>>[vector<16xi32>], vector<16xf32>,
        %gather3A_688 = tpu.vector_load_idx %arg10[%add3A_109, %and3A_682] : memref<128x128xf32, #tpu.memory_space<vmem>>[vector<16xi32>, vector<16xi32>], vector<16xf32>,
        %mul3A_689 = arith.mulf %gather3A_687, %gather3A_687 : vector<16xf32>
        %add3A_690 = arith.addf %add3A_671, %mul3A_689 : vector<16xf32>
        %mul3A_691 = arith.mulf %gather3A_687, %gather3A_688 : vector<16xf32>
        %add3A_692 = arith.addf %add3A_673, %mul3A_691 : vector<16xf32>
        %mul3A_693 = arith.mulf %gather3A_688, %gather3A_688 : vector<16xf32>
        %add3A_694 = arith.addf %add3A_675, %mul3A_693 : vector<16xf32>
        %scan3A_695 = arith.constant 26 : i32
        %scan3A_696 = arith.addi %scan3A_201, %scan3A_695 : i32
        %add3A_697 = vector.broadcast %scan3A_696 : i32 to vector<16xi32>
        %add3A_698 = arith.addi %iota3A, %add3A_697 : vector<16xi32>
        %and3A_699 = arith.constant 127 : i32
        %and3A_700 = vector.broadcast %and3A_699 : i32 to vector<16xi32>
        %and3A_701 = arith.andi %add3A_698, %and3A_700 : vector<16xi32>
        %mul3A_702 = arith.constant 128 : i32
        %mul3A_703 = vector.broadcast %mul3A_702 : i32 to vector<16xi32>
        %mul3A_704 = arith.muli %add3A_109, %mul3A_703 : vector<16xi32>
        %add3A_705 = arith.addi %mul3A_704, %and3A_701 : vector<16xi32>
        %gather3A_706 = tpu.vector_load_idx %arg8[%add3A_705] : memref<16384xf32, #tpu.memory_space<vmem>>[vector<16xi32>], vector<16xf32>,
        %gather3A_707 = tpu.vector_load_idx %arg10[%add3A_109, %and3A_701] : memref<128x128xf32, #tpu.memory_space<vmem>>[vector<16xi32>, vector<16xi32>], vector<16xf32>,
        %mul3A_708 = arith.mulf %gather3A_706, %gather3A_706 : vector<16xf32>
        %add3A_709 = arith.addf %add3A_690, %mul3A_708 : vector<16xf32>
        %mul3A_710 = arith.mulf %gather3A_706, %gather3A_707 : vector<16xf32>
        %add3A_711 = arith.addf %add3A_692, %mul3A_710 : vector<16xf32>
        %mul3A_712 = arith.mulf %gather3A_707, %gather3A_707 : vector<16xf32>
        %add3A_713 = arith.addf %add3A_694, %mul3A_712 : vector<16xf32>
        %scan3A_714 = arith.constant 27 : i32
        %scan3A_715 = arith.addi %scan3A_201, %scan3A_714 : i32
        %add3A_716 = vector.broadcast %scan3A_715 : i32 to vector<16xi32>
        %add3A_717 = arith.addi %iota3A, %add3A_716 : vector<16xi32>
        %and3A_718 = arith.constant 127 : i32
        %and3A_719 = vector.broadcast %and3A_718 : i32 to vector<16xi32>
        %and3A_720 = arith.andi %add3A_717, %and3A_719 : vector<16xi32>
        %mul3A_721 = arith.constant 128 : i32
        %mul3A_722 = vector.broadcast %mul3A_721 : i32 to vector<16xi32>
        %mul3A_723 = arith.muli %add3A_109, %mul3A_722 : vector<16xi32>
        %add3A_724 = arith.addi %mul3A_723, %and3A_720 : vector<16xi32>
        %gather3A_725 = tpu.vector_load_idx %arg8[%add3A_724] : memref<16384xf32, #tpu.memory_space<vmem>>[vector<16xi32>], vector<16xf32>,
        %gather3A_726 = tpu.vector_load_idx %arg10[%add3A_109, %and3A_720] : memref<128x128xf32, #tpu.memory_space<vmem>>[vector<16xi32>, vector<16xi32>], vector<16xf32>,
        %mul3A_727 = arith.mulf %gather3A_725, %gather3A_725 : vector<16xf32>
        %add3A_728 = arith.addf %add3A_709, %mul3A_727 : vector<16xf32>
        %mul3A_729 = arith.mulf %gather3A_725, %gather3A_726 : vector<16xf32>
        %add3A_730 = arith.addf %add3A_711, %mul3A_729 : vector<16xf32>
        %mul3A_731 = arith.mulf %gather3A_726, %gather3A_726 : vector<16xf32>
        %add3A_732 = arith.addf %add3A_713, %mul3A_731 : vector<16xf32>
        %scan3A_733 = arith.constant 28 : i32
        %scan3A_734 = arith.addi %scan3A_201, %scan3A_733 : i32
        %add3A_735 = vector.broadcast %scan3A_734 : i32 to vector<16xi32>
        %add3A_736 = arith.addi %iota3A, %add3A_735 : vector<16xi32>
        %and3A_737 = arith.constant 127 : i32
        %and3A_738 = vector.broadcast %and3A_737 : i32 to vector<16xi32>
        %and3A_739 = arith.andi %add3A_736, %and3A_738 : vector<16xi32>
        %mul3A_740 = arith.constant 128 : i32
        %mul3A_741 = vector.broadcast %mul3A_740 : i32 to vector<16xi32>
        %mul3A_742 = arith.muli %add3A_109, %mul3A_741 : vector<16xi32>
        %add3A_743 = arith.addi %mul3A_742, %and3A_739 : vector<16xi32>
        %gather3A_744 = tpu.vector_load_idx %arg8[%add3A_743] : memref<16384xf32, #tpu.memory_space<vmem>>[vector<16xi32>], vector<16xf32>,
        %gather3A_745 = tpu.vector_load_idx %arg10[%add3A_109, %and3A_739] : memref<128x128xf32, #tpu.memory_space<vmem>>[vector<16xi32>, vector<16xi32>], vector<16xf32>,
        %mul3A_746 = arith.mulf %gather3A_744, %gather3A_744 : vector<16xf32>
        %add3A_747 = arith.addf %add3A_728, %mul3A_746 : vector<16xf32>
        %mul3A_748 = arith.mulf %gather3A_744, %gather3A_745 : vector<16xf32>
        %add3A_749 = arith.addf %add3A_730, %mul3A_748 : vector<16xf32>
        %mul3A_750 = arith.mulf %gather3A_745, %gather3A_745 : vector<16xf32>
        %add3A_751 = arith.addf %add3A_732, %mul3A_750 : vector<16xf32>
        %scan3A_752 = arith.constant 29 : i32
        %scan3A_753 = arith.addi %scan3A_201, %scan3A_752 : i32
        %add3A_754 = vector.broadcast %scan3A_753 : i32 to vector<16xi32>
        %add3A_755 = arith.addi %iota3A, %add3A_754 : vector<16xi32>
        %and3A_756 = arith.constant 127 : i32
        %and3A_757 = vector.broadcast %and3A_756 : i32 to vector<16xi32>
        %and3A_758 = arith.andi %add3A_755, %and3A_757 : vector<16xi32>
        %mul3A_759 = arith.constant 128 : i32
        %mul3A_760 = vector.broadcast %mul3A_759 : i32 to vector<16xi32>
        %mul3A_761 = arith.muli %add3A_109, %mul3A_760 : vector<16xi32>
        %add3A_762 = arith.addi %mul3A_761, %and3A_758 : vector<16xi32>
        %gather3A_763 = tpu.vector_load_idx %arg8[%add3A_762] : memref<16384xf32, #tpu.memory_space<vmem>>[vector<16xi32>], vector<16xf32>,
        %gather3A_764 = tpu.vector_load_idx %arg10[%add3A_109, %and3A_758] : memref<128x128xf32, #tpu.memory_space<vmem>>[vector<16xi32>, vector<16xi32>], vector<16xf32>,
        %mul3A_765 = arith.mulf %gather3A_763, %gather3A_763 : vector<16xf32>
        %add3A_766 = arith.addf %add3A_747, %mul3A_765 : vector<16xf32>
        %mul3A_767 = arith.mulf %gather3A_763, %gather3A_764 : vector<16xf32>
        %add3A_768 = arith.addf %add3A_749, %mul3A_767 : vector<16xf32>
        %mul3A_769 = arith.mulf %gather3A_764, %gather3A_764 : vector<16xf32>
        %add3A_770 = arith.addf %add3A_751, %mul3A_769 : vector<16xf32>
        %scan3A_771 = arith.constant 30 : i32
        %scan3A_772 = arith.addi %scan3A_201, %scan3A_771 : i32
        %add3A_773 = vector.broadcast %scan3A_772 : i32 to vector<16xi32>
        %add3A_774 = arith.addi %iota3A, %add3A_773 : vector<16xi32>
        %and3A_775 = arith.constant 127 : i32
        %and3A_776 = vector.broadcast %and3A_775 : i32 to vector<16xi32>
        %and3A_777 = arith.andi %add3A_774, %and3A_776 : vector<16xi32>
        %mul3A_778 = arith.constant 128 : i32
        %mul3A_779 = vector.broadcast %mul3A_778 : i32 to vector<16xi32>
        %mul3A_780 = arith.muli %add3A_109, %mul3A_779 : vector<16xi32>
        %add3A_781 = arith.addi %mul3A_780, %and3A_777 : vector<16xi32>
        %gather3A_782 = tpu.vector_load_idx %arg8[%add3A_781] : memref<16384xf32, #tpu.memory_space<vmem>>[vector<16xi32>], vector<16xf32>,
        %gather3A_783 = tpu.vector_load_idx %arg10[%add3A_109, %and3A_777] : memref<128x128xf32, #tpu.memory_space<vmem>>[vector<16xi32>, vector<16xi32>], vector<16xf32>,
        %mul3A_784 = arith.mulf %gather3A_782, %gather3A_782 : vector<16xf32>
        %add3A_785 = arith.addf %add3A_766, %mul3A_784 : vector<16xf32>
        %mul3A_786 = arith.mulf %gather3A_782, %gather3A_783 : vector<16xf32>
        %add3A_787 = arith.addf %add3A_768, %mul3A_786 : vector<16xf32>
        %mul3A_788 = arith.mulf %gather3A_783, %gather3A_783 : vector<16xf32>
        %add3A_789 = arith.addf %add3A_770, %mul3A_788 : vector<16xf32>
        %scan3A_790 = arith.constant 31 : i32
        %scan3A_791 = arith.addi %scan3A_201, %scan3A_790 : i32
        %add3A_792 = vector.broadcast %scan3A_791 : i32 to vector<16xi32>
        %add3A_793 = arith.addi %iota3A, %add3A_792 : vector<16xi32>
        %and3A_794 = arith.constant 127 : i32
        %and3A_795 = vector.broadcast %and3A_794 : i32 to vector<16xi32>
        %and3A_796 = arith.andi %add3A_793, %and3A_795 : vector<16xi32>
        %mul3A_797 = arith.constant 128 : i32
        %mul3A_798 = vector.broadcast %mul3A_797 : i32 to vector<16xi32>
        %mul3A_799 = arith.muli %add3A_109, %mul3A_798 : vector<16xi32>
        %add3A_800 = arith.addi %mul3A_799, %and3A_796 : vector<16xi32>
        %gather3A_801 = tpu.vector_load_idx %arg8[%add3A_800] : memref<16384xf32, #tpu.memory_space<vmem>>[vector<16xi32>], vector<16xf32>,
        %gather3A_802 = tpu.vector_load_idx %arg10[%add3A_109, %and3A_796] : memref<128x128xf32, #tpu.memory_space<vmem>>[vector<16xi32>, vector<16xi32>], vector<16xf32>,
        %mul3A_803 = arith.mulf %gather3A_801, %gather3A_801 : vector<16xf32>
        %add3A_804 = arith.addf %add3A_785, %mul3A_803 : vector<16xf32>
        %mul3A_805 = arith.mulf %gather3A_801, %gather3A_802 : vector<16xf32>
        %add3A_806 = arith.addf %add3A_787, %mul3A_805 : vector<16xf32>
        %mul3A_807 = arith.mulf %gather3A_802, %gather3A_802 : vector<16xf32>
        %add3A_808 = arith.addf %add3A_789, %mul3A_807 : vector<16xf32>
        scf.yield %add3A_804, %add3A_806, %add3A_808 : vector<16xf32>, vector<16xf32>, vector<16xf32>
      }
      %scan3A_120 = arith.constant 128 : i32
      %bitcast3A = vector.bitcast %scan3A_119#0 : vector<16xf32> to vector<16xi32>
      %shift_right_arithmetic3A = arith.constant 1 : i32
      %shift_right_arithmetic3A_121 = vector.broadcast %shift_right_arithmetic3A : i32 to vector<16xi32>
      %shift_right_arithmetic3A_122 = arith.shrsi %bitcast3A, %shift_right_arithmetic3A_121 : vector<16xi32>
      %sub3A = arith.constant 1597463007 : i32
      %sub3A_123 = vector.broadcast %sub3A : i32 to vector<16xi32>
      %sub3A_124 = arith.subi %sub3A_123, %shift_right_arithmetic3A_122 : vector<16xi32>
      %bitcast3A_125 = vector.bitcast %sub3A_124 : vector<16xi32> to vector<16xf32>
      %mul3A_126 = arith.constant 5.000000e-01 : f32
      %mul3A_127 = vector.broadcast %mul3A_126 : f32 to vector<16xf32>
      %mul3A_128 = arith.mulf %mul3A_127, %scan3A_119#0 : vector<16xf32>
      %mul3A_129 = arith.mulf %mul3A_128, %bitcast3A_125 : vector<16xf32>
      %mul3A_130 = arith.mulf %mul3A_129, %bitcast3A_125 : vector<16xf32>
      %sub3A_131 = arith.constant 1.500000e+00 : f32
      %sub3A_132 = vector.broadcast %sub3A_131 : f32 to vector<16xf32>
      %sub3A_133 = arith.subf %sub3A_132, %mul3A_130 : vector<16xf32>
      %mul3A_134 = arith.mulf %bitcast3A_125, %sub3A_133 : vector<16xf32>
      %mul3A_135 = arith.constant 5.000000e-01 : f32
      %mul3A_136 = vector.broadcast %mul3A_135 : f32 to vector<16xf32>
      %mul3A_137 = arith.mulf %mul3A_136, %scan3A_119#0 : vector<16xf32>
      %mul3A_138 = arith.mulf %mul3A_137, %mul3A_134 : vector<16xf32>
      %mul3A_139 = arith.mulf %mul3A_138, %mul3A_134 : vector<16xf32>
      %sub3A_140 = arith.constant 1.500000e+00 : f32
      %sub3A_141 = vector.broadcast %sub3A_140 : f32 to vector<16xf32>
      %sub3A_142 = arith.subf %sub3A_141, %mul3A_139 : vector<16xf32>
      %mul3A_143 = arith.mulf %mul3A_134, %sub3A_142 : vector<16xf32>
      %mul3A_144 = arith.constant 5.000000e-01 : f32
      %mul3A_145 = vector.broadcast %mul3A_144 : f32 to vector<16xf32>
      %mul3A_146 = arith.mulf %mul3A_145, %scan3A_119#0 : vector<16xf32>
      %mul3A_147 = arith.mulf %mul3A_146, %mul3A_143 : vector<16xf32>
      %mul3A_148 = arith.mulf %mul3A_147, %mul3A_143 : vector<16xf32>
      %sub3A_149 = arith.constant 1.500000e+00 : f32
      %sub3A_150 = vector.broadcast %sub3A_149 : f32 to vector<16xf32>
      %sub3A_151 = arith.subf %sub3A_150, %mul3A_148 : vector<16xf32>
      %mul3A_152 = arith.mulf %mul3A_143, %sub3A_151 : vector<16xf32>
      %min3A = arith.constant 9.99999995E+11 : f32
      %min3A_153 = vector.broadcast %min3A : f32 to vector<16xf32>
      %min3A_154 = arith.minimumf %mul3A_152, %min3A_153 : vector<16xf32>
      %mul3A_155 = arith.mulf %scan3A_119#0, %min3A_154 : vector<16xf32>
      %mul3A_156 = arith.mulf %mul3A_155, %min3A_154 : vector<16xf32>
      %mul3A_157 = arith.mulf %scan3A_119#1, %min3A_154 : vector<16xf32>
      %mul3A_158 = arith.constant 2.000000e+00 : f32
      %mul3A_159 = vector.broadcast %mul3A_158 : f32 to vector<16xf32>
      %mul3A_160 = arith.mulf %mul3A_159, %mul3A_157 : vector<16xf32>
      %sub3A_161 = arith.subf %mul3A_156, %mul3A_160 : vector<16xf32>
      %add3A_162 = arith.addf %sub3A_161, %scan3A_119#2 : vector<16xf32>
      %max3A = arith.constant 0.000000e+00 : f32
      %max3A_163 = vector.broadcast %max3A : f32 to vector<16xf32>
      %max3A_164 = arith.maximumf %add3A_162, %max3A_163 : vector<16xf32>
      %bitcast3A_165 = vector.bitcast %max3A_164 : vector<16xf32> to vector<16xi32>
      %shift_right_arithmetic3A_166 = arith.constant 1 : i32
      %shift_right_arithmetic3A_167 = vector.broadcast %shift_right_arithmetic3A_166 : i32 to vector<16xi32>
      %shift_right_arithmetic3A_168 = arith.shrsi %bitcast3A_165, %shift_right_arithmetic3A_167 : vector<16xi32>
      %sub3A_169 = arith.constant 1597463007 : i32
      %sub3A_170 = vector.broadcast %sub3A_169 : i32 to vector<16xi32>
      %sub3A_171 = arith.subi %sub3A_170, %shift_right_arithmetic3A_168 : vector<16xi32>
      %bitcast3A_172 = vector.bitcast %sub3A_171 : vector<16xi32> to vector<16xf32>
      %mul3A_173 = arith.constant 5.000000e-01 : f32
      %mul3A_174 = vector.broadcast %mul3A_173 : f32 to vector<16xf32>
      %mul3A_175 = arith.mulf %mul3A_174, %max3A_164 : vector<16xf32>
      %mul3A_176 = arith.mulf %mul3A_175, %bitcast3A_172 : vector<16xf32>
      %mul3A_177 = arith.mulf %mul3A_176, %bitcast3A_172 : vector<16xf32>
      %sub3A_178 = arith.constant 1.500000e+00 : f32
      %sub3A_179 = vector.broadcast %sub3A_178 : f32 to vector<16xf32>
      %sub3A_180 = arith.subf %sub3A_179, %mul3A_177 : vector<16xf32>
      %mul3A_181 = arith.mulf %bitcast3A_172, %sub3A_180 : vector<16xf32>
      %mul3A_182 = arith.constant 5.000000e-01 : f32
      %mul3A_183 = vector.broadcast %mul3A_182 : f32 to vector<16xf32>
      %mul3A_184 = arith.mulf %mul3A_183, %max3A_164 : vector<16xf32>
      %mul3A_185 = arith.mulf %mul3A_184, %mul3A_181 : vector<16xf32>
      %mul3A_186 = arith.mulf %mul3A_185, %mul3A_181 : vector<16xf32>
      %sub3A_187 = arith.constant 1.500000e+00 : f32
      %sub3A_188 = vector.broadcast %sub3A_187 : f32 to vector<16xf32>
      %sub3A_189 = arith.subf %sub3A_188, %mul3A_186 : vector<16xf32>
      %mul3A_190 = arith.mulf %mul3A_181, %sub3A_189 : vector<16xf32>
      %mul3A_191 = arith.constant 5.000000e-01 : f32
      %mul3A_192 = vector.broadcast %mul3A_191 : f32 to vector<16xf32>
      %mul3A_193 = arith.mulf %mul3A_192, %max3A_164 : vector<16xf32>
      %mul3A_194 = arith.mulf %mul3A_193, %mul3A_190 : vector<16xf32>
      %mul3A_195 = arith.mulf %mul3A_194, %mul3A_190 : vector<16xf32>
      %sub3A_196 = arith.constant 1.500000e+00 : f32
      %sub3A_197 = vector.broadcast %sub3A_196 : f32 to vector<16xf32>
      %sub3A_198 = arith.subf %sub3A_197, %mul3A_195 : vector<16xf32>
      %mul3A_199 = arith.mulf %mul3A_190, %sub3A_198 : vector<16xf32>
      %mul3A_200 = arith.mulf %max3A_164, %mul3A_199 : vector<16xf32>
      tpu.vector_store_idx %arg12[%get3A_114], %mul3A_200 {add = true} : memref<1024xf32, #tpu.memory_space<vmem>>[vector<16xi32>], vector<16xf32>,
      tpu.vector_store_idx %arg13[%get3A_114], %broadcast_in_dim3A_5 {add = true} : memref<1024xf32, #tpu.memory_space<vmem>>[vector<16xi32>], vector<16xf32>,
    }
    %scan3A_43 = arith.constant 8 : i32
    %add3A_44 = arith.constant 256 : i32
    %add3A_45 = arith.addi %mul3A_2, %add3A_44 : i32
    %mul3A_46 = arith.constant 128 : i32
    %mul3A_47 = arith.muli %add3A_45, %mul3A_46 : i32
    %dma_start3A_48 = tpu.memref_slice %arg2[%mul3A_47] : memref<2097152xf32, #tpu.memory_space<hbm>> -> memref<16384xf32, #tpu.memory_space<hbm>>
    %dma_start3A_49 = tpu.memref_slice %arg2[%mul3A_47] : memref<2097152xf32, #tpu.memory_space<hbm>> -> memref<16384xf32, #tpu.memory_space<hbm>>
    tpu.enqueue_dma source(%dma_start3A_49 : memref<16384xf32, #tpu.memory_space<hbm>>) target(%arg8 : memref<16384xf32, #tpu.memory_space<vmem>>) target_semaphore(%arg14 : memref<!tpu.dma_semaphore, #tpu.memory_space<semaphore_mem>>)
    %dma_start3A_50 = arith.constant 256 : i32
    %dma_start3A_51 = tpu.memref_slice %arg7[%dma_start3A_50] : memref<512xi32, #tpu.memory_space<vmem>> -> memref<128xi32, #tpu.memory_space<vmem>>
    %dma_start3A_52 = arith.constant 0 : i32
    %dma_start3A_53 = arith.constant 0 : i32
    %dma_start3A_54 = tpu.memref_slice %arg4[%dma_start3A_52, %dma_start3A_53] : memref<1000x128xf32, #tpu.memory_space<hbm>> -> memref<1000x128xf32, #tpu.memory_space<hbm>>
    tpu.enqueue_indirect_dma source(%dma_start3A_54 : memref<1000x128xf32, #tpu.memory_space<hbm>>) target(%arg10 : memref<128x128xf32, #tpu.memory_space<vmem>>) offsets(%dma_start3A_51 : memref<128xi32, #tpu.memory_space<vmem>>) semaphore(%arg16 : memref<!tpu.dma_semaphore, #tpu.memory_space<semaphore_mem>>)
    %dma_wait3A_55 = tpu.memref_slice %arg2[%mul3A_24] : memref<2097152xf32, #tpu.memory_space<hbm>> -> memref<16384xf32, #tpu.memory_space<hbm>>
    %dma_wait3A_56 = tpu.memref_slice %arg2[%mul3A_24] : memref<2097152xf32, #tpu.memory_space<hbm>> -> memref<16384xf32, #tpu.memory_space<hbm>>
    tpu.wait_dma2 semaphore(%arg15 : memref<!tpu.dma_semaphore, #tpu.memory_space<semaphore_mem>>) src(%dma_wait3A_56 : memref<16384xf32, #tpu.memory_space<hbm>>) dst(%arg9 : memref<16384xf32, #tpu.memory_space<vmem>>)
    %dma_wait3A_57 = arith.constant 128 : i32
    %dma_wait3A_58 = tpu.memref_slice %arg7[%dma_wait3A_57] : memref<512xi32, #tpu.memory_space<vmem>> -> memref<128xi32, #tpu.memory_space<vmem>>
    %dma_wait3A_59 = arith.constant 0 : i32
    %dma_wait3A_60 = arith.constant 0 : i32
    %dma_wait3A_61 = tpu.memref_slice %arg4[%dma_wait3A_59, %dma_wait3A_60] : memref<1000x128xf32, #tpu.memory_space<hbm>> -> memref<1000x128xf32, #tpu.memory_space<hbm>>
    tpu.wait_indirect_dma semaphore(%arg17 : memref<!tpu.dma_semaphore, #tpu.memory_space<semaphore_mem>>) src(%dma_wait3A_61 : memref<1000x128xf32, #tpu.memory_space<hbm>>) dst(%arg11 : memref<128x128xf32, #tpu.memory_space<vmem>>)
    %scan3A_62 = arith.constant 0 : i32
    %scan3A_63 = arith.constant 0 : i32
    %scan3A_64 = arith.constant 8 : i32
    %scan3A_65 = arith.addi %scan3A_63, %scan3A_64 : i32
    %scan3A_66 = arith.constant 1 : i32
    scf.for %scan3A_105 = %scan3A_63 to %scan3A_65 step %scan3A_66  : i32 {
      %mul3A_106 = arith.constant 16 : i32
      %mul3A_107 = arith.muli %scan3A_105, %mul3A_106 : i32
      %add3A_108 = vector.broadcast %mul3A_107 : i32 to vector<16xi32>
      %add3A_109 = arith.addi %iota3A, %add3A_108 : vector<16xi32>
      %mul3A_110 = arith.constant 16 : i32
      %mul3A_111 = arith.muli %scan3A_105, %mul3A_110 : i32
      %add3A_112 = arith.constant 128 : i32
      %add3A_113 = arith.addi %add3A_112, %mul3A_111 : i32
      %get3A = arith.index_cast %add3A_113 : i32 to index
      %get3A_114 = tpu.vector_load %arg7[%get3A] {strides = array<i32>} : memref<512xi32, #tpu.memory_space<vmem>>, vector<16xi32>,
      %scan3A_115 = arith.constant 0 : i32
      %scan3A_116 = arith.constant 128 : i32
      %scan3A_117 = arith.addi %scan3A_115, %scan3A_116 : i32
      %scan3A_118 = arith.constant 32 : i32
      %scan3A_119:3 = scf.for %scan3A_201 = %scan3A_115 to %scan3A_117 step %scan3A_118 iter_args(%scan3A_202 = %broadcast_in_dim3A_3, %scan3A_203 = %broadcast_in_dim3A_3, %scan3A_204 = %broadcast_in_dim3A_3) -> (vector<16xf32>, vector<16xf32>, vector<16xf32>)  : i32 {
        %add3A_205 = vector.broadcast %scan3A_201 : i32 to vector<16xi32>
        %add3A_206 = arith.addi %iota3A, %add3A_205 : vector<16xi32>
        %and3A = arith.constant 127 : i32
        %and3A_207 = vector.broadcast %and3A : i32 to vector<16xi32>
        %and3A_208 = arith.andi %add3A_206, %and3A_207 : vector<16xi32>
        %mul3A_209 = arith.constant 128 : i32
        %mul3A_210 = vector.broadcast %mul3A_209 : i32 to vector<16xi32>
        %mul3A_211 = arith.muli %add3A_109, %mul3A_210 : vector<16xi32>
        %add3A_212 = arith.addi %mul3A_211, %and3A_208 : vector<16xi32>
        %gather3A = tpu.vector_load_idx %arg9[%add3A_212] : memref<16384xf32, #tpu.memory_space<vmem>>[vector<16xi32>], vector<16xf32>,
        %gather3A_213 = tpu.vector_load_idx %arg11[%add3A_109, %and3A_208] : memref<128x128xf32, #tpu.memory_space<vmem>>[vector<16xi32>, vector<16xi32>], vector<16xf32>,
        %mul3A_214 = arith.mulf %gather3A, %gather3A : vector<16xf32>
        %add3A_215 = arith.addf %scan3A_202, %mul3A_214 : vector<16xf32>
        %mul3A_216 = arith.mulf %gather3A, %gather3A_213 : vector<16xf32>
        %add3A_217 = arith.addf %scan3A_203, %mul3A_216 : vector<16xf32>
        %mul3A_218 = arith.mulf %gather3A_213, %gather3A_213 : vector<16xf32>
        %add3A_219 = arith.addf %scan3A_204, %mul3A_218 : vector<16xf32>
        %scan3A_220 = arith.constant 1 : i32
        %scan3A_221 = arith.addi %scan3A_201, %scan3A_220 : i32
        %add3A_222 = vector.broadcast %scan3A_221 : i32 to vector<16xi32>
        %add3A_223 = arith.addi %iota3A, %add3A_222 : vector<16xi32>
        %and3A_224 = arith.constant 127 : i32
        %and3A_225 = vector.broadcast %and3A_224 : i32 to vector<16xi32>
        %and3A_226 = arith.andi %add3A_223, %and3A_225 : vector<16xi32>
        %mul3A_227 = arith.constant 128 : i32
        %mul3A_228 = vector.broadcast %mul3A_227 : i32 to vector<16xi32>
        %mul3A_229 = arith.muli %add3A_109, %mul3A_228 : vector<16xi32>
        %add3A_230 = arith.addi %mul3A_229, %and3A_226 : vector<16xi32>
        %gather3A_231 = tpu.vector_load_idx %arg9[%add3A_230] : memref<16384xf32, #tpu.memory_space<vmem>>[vector<16xi32>], vector<16xf32>,
        %gather3A_232 = tpu.vector_load_idx %arg11[%add3A_109, %and3A_226] : memref<128x128xf32, #tpu.memory_space<vmem>>[vector<16xi32>, vector<16xi32>], vector<16xf32>,
        %mul3A_233 = arith.mulf %gather3A_231, %gather3A_231 : vector<16xf32>
        %add3A_234 = arith.addf %add3A_215, %mul3A_233 : vector<16xf32>
        %mul3A_235 = arith.mulf %gather3A_231, %gather3A_232 : vector<16xf32>
        %add3A_236 = arith.addf %add3A_217, %mul3A_235 : vector<16xf32>
        %mul3A_237 = arith.mulf %gather3A_232, %gather3A_232 : vector<16xf32>
        %add3A_238 = arith.addf %add3A_219, %mul3A_237 : vector<16xf32>
        %scan3A_239 = arith.constant 2 : i32
        %scan3A_240 = arith.addi %scan3A_201, %scan3A_239 : i32
        %add3A_241 = vector.broadcast %scan3A_240 : i32 to vector<16xi32>
        %add3A_242 = arith.addi %iota3A, %add3A_241 : vector<16xi32>
        %and3A_243 = arith.constant 127 : i32
        %and3A_244 = vector.broadcast %and3A_243 : i32 to vector<16xi32>
        %and3A_245 = arith.andi %add3A_242, %and3A_244 : vector<16xi32>
        %mul3A_246 = arith.constant 128 : i32
        %mul3A_247 = vector.broadcast %mul3A_246 : i32 to vector<16xi32>
        %mul3A_248 = arith.muli %add3A_109, %mul3A_247 : vector<16xi32>
        %add3A_249 = arith.addi %mul3A_248, %and3A_245 : vector<16xi32>
        %gather3A_250 = tpu.vector_load_idx %arg9[%add3A_249] : memref<16384xf32, #tpu.memory_space<vmem>>[vector<16xi32>], vector<16xf32>,
        %gather3A_251 = tpu.vector_load_idx %arg11[%add3A_109, %and3A_245] : memref<128x128xf32, #tpu.memory_space<vmem>>[vector<16xi32>, vector<16xi32>], vector<16xf32>,
        %mul3A_252 = arith.mulf %gather3A_250, %gather3A_250 : vector<16xf32>
        %add3A_253 = arith.addf %add3A_234, %mul3A_252 : vector<16xf32>
        %mul3A_254 = arith.mulf %gather3A_250, %gather3A_251 : vector<16xf32>
        %add3A_255 = arith.addf %add3A_236, %mul3A_254 : vector<16xf32>
        %mul3A_256 = arith.mulf %gather3A_251, %gather3A_251 : vector<16xf32>
        %add3A_257 = arith.addf %add3A_238, %mul3A_256 : vector<16xf32>
        %scan3A_258 = arith.constant 3 : i32
        %scan3A_259 = arith.addi %scan3A_201, %scan3A_258 : i32
        %add3A_260 = vector.broadcast %scan3A_259 : i32 to vector<16xi32>
        %add3A_261 = arith.addi %iota3A, %add3A_260 : vector<16xi32>
        %and3A_262 = arith.constant 127 : i32
        %and3A_263 = vector.broadcast %and3A_262 : i32 to vector<16xi32>
        %and3A_264 = arith.andi %add3A_261, %and3A_263 : vector<16xi32>
        %mul3A_265 = arith.constant 128 : i32
        %mul3A_266 = vector.broadcast %mul3A_265 : i32 to vector<16xi32>
        %mul3A_267 = arith.muli %add3A_109, %mul3A_266 : vector<16xi32>
        %add3A_268 = arith.addi %mul3A_267, %and3A_264 : vector<16xi32>
        %gather3A_269 = tpu.vector_load_idx %arg9[%add3A_268] : memref<16384xf32, #tpu.memory_space<vmem>>[vector<16xi32>], vector<16xf32>,
        %gather3A_270 = tpu.vector_load_idx %arg11[%add3A_109, %and3A_264] : memref<128x128xf32, #tpu.memory_space<vmem>>[vector<16xi32>, vector<16xi32>], vector<16xf32>,
        %mul3A_271 = arith.mulf %gather3A_269, %gather3A_269 : vector<16xf32>
        %add3A_272 = arith.addf %add3A_253, %mul3A_271 : vector<16xf32>
        %mul3A_273 = arith.mulf %gather3A_269, %gather3A_270 : vector<16xf32>
        %add3A_274 = arith.addf %add3A_255, %mul3A_273 : vector<16xf32>
        %mul3A_275 = arith.mulf %gather3A_270, %gather3A_270 : vector<16xf32>
        %add3A_276 = arith.addf %add3A_257, %mul3A_275 : vector<16xf32>
        %scan3A_277 = arith.constant 4 : i32
        %scan3A_278 = arith.addi %scan3A_201, %scan3A_277 : i32
        %add3A_279 = vector.broadcast %scan3A_278 : i32 to vector<16xi32>
        %add3A_280 = arith.addi %iota3A, %add3A_279 : vector<16xi32>
        %and3A_281 = arith.constant 127 : i32
        %and3A_282 = vector.broadcast %and3A_281 : i32 to vector<16xi32>
        %and3A_283 = arith.andi %add3A_280, %and3A_282 : vector<16xi32>
        %mul3A_284 = arith.constant 128 : i32
        %mul3A_285 = vector.broadcast %mul3A_284 : i32 to vector<16xi32>
        %mul3A_286 = arith.muli %add3A_109, %mul3A_285 : vector<16xi32>
        %add3A_287 = arith.addi %mul3A_286, %and3A_283 : vector<16xi32>
        %gather3A_288 = tpu.vector_load_idx %arg9[%add3A_287] : memref<16384xf32, #tpu.memory_space<vmem>>[vector<16xi32>], vector<16xf32>,
        %gather3A_289 = tpu.vector_load_idx %arg11[%add3A_109, %and3A_283] : memref<128x128xf32, #tpu.memory_space<vmem>>[vector<16xi32>, vector<16xi32>], vector<16xf32>,
        %mul3A_290 = arith.mulf %gather3A_288, %gather3A_288 : vector<16xf32>
        %add3A_291 = arith.addf %add3A_272, %mul3A_290 : vector<16xf32>
        %mul3A_292 = arith.mulf %gather3A_288, %gather3A_289 : vector<16xf32>
        %add3A_293 = arith.addf %add3A_274, %mul3A_292 : vector<16xf32>
        %mul3A_294 = arith.mulf %gather3A_289, %gather3A_289 : vector<16xf32>
        %add3A_295 = arith.addf %add3A_276, %mul3A_294 : vector<16xf32>
        %scan3A_296 = arith.constant 5 : i32
        %scan3A_297 = arith.addi %scan3A_201, %scan3A_296 : i32
        %add3A_298 = vector.broadcast %scan3A_297 : i32 to vector<16xi32>
        %add3A_299 = arith.addi %iota3A, %add3A_298 : vector<16xi32>
        %and3A_300 = arith.constant 127 : i32
        %and3A_301 = vector.broadcast %and3A_300 : i32 to vector<16xi32>
        %and3A_302 = arith.andi %add3A_299, %and3A_301 : vector<16xi32>
        %mul3A_303 = arith.constant 128 : i32
        %mul3A_304 = vector.broadcast %mul3A_303 : i32 to vector<16xi32>
        %mul3A_305 = arith.muli %add3A_109, %mul3A_304 : vector<16xi32>
        %add3A_306 = arith.addi %mul3A_305, %and3A_302 : vector<16xi32>
        %gather3A_307 = tpu.vector_load_idx %arg9[%add3A_306] : memref<16384xf32, #tpu.memory_space<vmem>>[vector<16xi32>], vector<16xf32>,
        %gather3A_308 = tpu.vector_load_idx %arg11[%add3A_109, %and3A_302] : memref<128x128xf32, #tpu.memory_space<vmem>>[vector<16xi32>, vector<16xi32>], vector<16xf32>,
        %mul3A_309 = arith.mulf %gather3A_307, %gather3A_307 : vector<16xf32>
        %add3A_310 = arith.addf %add3A_291, %mul3A_309 : vector<16xf32>
        %mul3A_311 = arith.mulf %gather3A_307, %gather3A_308 : vector<16xf32>
        %add3A_312 = arith.addf %add3A_293, %mul3A_311 : vector<16xf32>
        %mul3A_313 = arith.mulf %gather3A_308, %gather3A_308 : vector<16xf32>
        %add3A_314 = arith.addf %add3A_295, %mul3A_313 : vector<16xf32>
        %scan3A_315 = arith.constant 6 : i32
        %scan3A_316 = arith.addi %scan3A_201, %scan3A_315 : i32
        %add3A_317 = vector.broadcast %scan3A_316 : i32 to vector<16xi32>
        %add3A_318 = arith.addi %iota3A, %add3A_317 : vector<16xi32>
        %and3A_319 = arith.constant 127 : i32
        %and3A_320 = vector.broadcast %and3A_319 : i32 to vector<16xi32>
        %and3A_321 = arith.andi %add3A_318, %and3A_320 : vector<16xi32>
        %mul3A_322 = arith.constant 128 : i32
        %mul3A_323 = vector.broadcast %mul3A_322 : i32 to vector<16xi32>
        %mul3A_324 = arith.muli %add3A_109, %mul3A_323 : vector<16xi32>
        %add3A_325 = arith.addi %mul3A_324, %and3A_321 : vector<16xi32>
        %gather3A_326 = tpu.vector_load_idx %arg9[%add3A_325] : memref<16384xf32, #tpu.memory_space<vmem>>[vector<16xi32>], vector<16xf32>,
        %gather3A_327 = tpu.vector_load_idx %arg11[%add3A_109, %and3A_321] : memref<128x128xf32, #tpu.memory_space<vmem>>[vector<16xi32>, vector<16xi32>], vector<16xf32>,
        %mul3A_328 = arith.mulf %gather3A_326, %gather3A_326 : vector<16xf32>
        %add3A_329 = arith.addf %add3A_310, %mul3A_328 : vector<16xf32>
        %mul3A_330 = arith.mulf %gather3A_326, %gather3A_327 : vector<16xf32>
        %add3A_331 = arith.addf %add3A_312, %mul3A_330 : vector<16xf32>
        %mul3A_332 = arith.mulf %gather3A_327, %gather3A_327 : vector<16xf32>
        %add3A_333 = arith.addf %add3A_314, %mul3A_332 : vector<16xf32>
        %scan3A_334 = arith.constant 7 : i32
        %scan3A_335 = arith.addi %scan3A_201, %scan3A_334 : i32
        %add3A_336 = vector.broadcast %scan3A_335 : i32 to vector<16xi32>
        %add3A_337 = arith.addi %iota3A, %add3A_336 : vector<16xi32>
        %and3A_338 = arith.constant 127 : i32
        %and3A_339 = vector.broadcast %and3A_338 : i32 to vector<16xi32>
        %and3A_340 = arith.andi %add3A_337, %and3A_339 : vector<16xi32>
        %mul3A_341 = arith.constant 128 : i32
        %mul3A_342 = vector.broadcast %mul3A_341 : i32 to vector<16xi32>
        %mul3A_343 = arith.muli %add3A_109, %mul3A_342 : vector<16xi32>
        %add3A_344 = arith.addi %mul3A_343, %and3A_340 : vector<16xi32>
        %gather3A_345 = tpu.vector_load_idx %arg9[%add3A_344] : memref<16384xf32, #tpu.memory_space<vmem>>[vector<16xi32>], vector<16xf32>,
        %gather3A_346 = tpu.vector_load_idx %arg11[%add3A_109, %and3A_340] : memref<128x128xf32, #tpu.memory_space<vmem>>[vector<16xi32>, vector<16xi32>], vector<16xf32>,
        %mul3A_347 = arith.mulf %gather3A_345, %gather3A_345 : vector<16xf32>
        %add3A_348 = arith.addf %add3A_329, %mul3A_347 : vector<16xf32>
        %mul3A_349 = arith.mulf %gather3A_345, %gather3A_346 : vector<16xf32>
        %add3A_350 = arith.addf %add3A_331, %mul3A_349 : vector<16xf32>
        %mul3A_351 = arith.mulf %gather3A_346, %gather3A_346 : vector<16xf32>
        %add3A_352 = arith.addf %add3A_333, %mul3A_351 : vector<16xf32>
        %scan3A_353 = arith.constant 8 : i32
        %scan3A_354 = arith.addi %scan3A_201, %scan3A_353 : i32
        %add3A_355 = vector.broadcast %scan3A_354 : i32 to vector<16xi32>
        %add3A_356 = arith.addi %iota3A, %add3A_355 : vector<16xi32>
        %and3A_357 = arith.constant 127 : i32
        %and3A_358 = vector.broadcast %and3A_357 : i32 to vector<16xi32>
        %and3A_359 = arith.andi %add3A_356, %and3A_358 : vector<16xi32>
        %mul3A_360 = arith.constant 128 : i32
        %mul3A_361 = vector.broadcast %mul3A_360 : i32 to vector<16xi32>
        %mul3A_362 = arith.muli %add3A_109, %mul3A_361 : vector<16xi32>
        %add3A_363 = arith.addi %mul3A_362, %and3A_359 : vector<16xi32>
        %gather3A_364 = tpu.vector_load_idx %arg9[%add3A_363] : memref<16384xf32, #tpu.memory_space<vmem>>[vector<16xi32>], vector<16xf32>,
        %gather3A_365 = tpu.vector_load_idx %arg11[%add3A_109, %and3A_359] : memref<128x128xf32, #tpu.memory_space<vmem>>[vector<16xi32>, vector<16xi32>], vector<16xf32>,
        %mul3A_366 = arith.mulf %gather3A_364, %gather3A_364 : vector<16xf32>
        %add3A_367 = arith.addf %add3A_348, %mul3A_366 : vector<16xf32>
        %mul3A_368 = arith.mulf %gather3A_364, %gather3A_365 : vector<16xf32>
        %add3A_369 = arith.addf %add3A_350, %mul3A_368 : vector<16xf32>
        %mul3A_370 = arith.mulf %gather3A_365, %gather3A_365 : vector<16xf32>
        %add3A_371 = arith.addf %add3A_352, %mul3A_370 : vector<16xf32>
        %scan3A_372 = arith.constant 9 : i32
        %scan3A_373 = arith.addi %scan3A_201, %scan3A_372 : i32
        %add3A_374 = vector.broadcast %scan3A_373 : i32 to vector<16xi32>
        %add3A_375 = arith.addi %iota3A, %add3A_374 : vector<16xi32>
        %and3A_376 = arith.constant 127 : i32
        %and3A_377 = vector.broadcast %and3A_376 : i32 to vector<16xi32>
        %and3A_378 = arith.andi %add3A_375, %and3A_377 : vector<16xi32>
        %mul3A_379 = arith.constant 128 : i32
        %mul3A_380 = vector.broadcast %mul3A_379 : i32 to vector<16xi32>
        %mul3A_381 = arith.muli %add3A_109, %mul3A_380 : vector<16xi32>
        %add3A_382 = arith.addi %mul3A_381, %and3A_378 : vector<16xi32>
        %gather3A_383 = tpu.vector_load_idx %arg9[%add3A_382] : memref<16384xf32, #tpu.memory_space<vmem>>[vector<16xi32>], vector<16xf32>,
        %gather3A_384 = tpu.vector_load_idx %arg11[%add3A_109, %and3A_378] : memref<128x128xf32, #tpu.memory_space<vmem>>[vector<16xi32>, vector<16xi32>], vector<16xf32>,
        %mul3A_385 = arith.mulf %gather3A_383, %gather3A_383 : vector<16xf32>
        %add3A_386 = arith.addf %add3A_367, %mul3A_385 : vector<16xf32>
        %mul3A_387 = arith.mulf %gather3A_383, %gather3A_384 : vector<16xf32>
        %add3A_388 = arith.addf %add3A_369, %mul3A_387 : vector<16xf32>
        %mul3A_389 = arith.mulf %gather3A_384, %gather3A_384 : vector<16xf32>
        %add3A_390 = arith.addf %add3A_371, %mul3A_389 : vector<16xf32>
        %scan3A_391 = arith.constant 10 : i32
        %scan3A_392 = arith.addi %scan3A_201, %scan3A_391 : i32
        %add3A_393 = vector.broadcast %scan3A_392 : i32 to vector<16xi32>
        %add3A_394 = arith.addi %iota3A, %add3A_393 : vector<16xi32>
        %and3A_395 = arith.constant 127 : i32
        %and3A_396 = vector.broadcast %and3A_395 : i32 to vector<16xi32>
        %and3A_397 = arith.andi %add3A_394, %and3A_396 : vector<16xi32>
        %mul3A_398 = arith.constant 128 : i32
        %mul3A_399 = vector.broadcast %mul3A_398 : i32 to vector<16xi32>
        %mul3A_400 = arith.muli %add3A_109, %mul3A_399 : vector<16xi32>
        %add3A_401 = arith.addi %mul3A_400, %and3A_397 : vector<16xi32>
        %gather3A_402 = tpu.vector_load_idx %arg9[%add3A_401] : memref<16384xf32, #tpu.memory_space<vmem>>[vector<16xi32>], vector<16xf32>,
        %gather3A_403 = tpu.vector_load_idx %arg11[%add3A_109, %and3A_397] : memref<128x128xf32, #tpu.memory_space<vmem>>[vector<16xi32>, vector<16xi32>], vector<16xf32>,
        %mul3A_404 = arith.mulf %gather3A_402, %gather3A_402 : vector<16xf32>
        %add3A_405 = arith.addf %add3A_386, %mul3A_404 : vector<16xf32>
        %mul3A_406 = arith.mulf %gather3A_402, %gather3A_403 : vector<16xf32>
        %add3A_407 = arith.addf %add3A_388, %mul3A_406 : vector<16xf32>
        %mul3A_408 = arith.mulf %gather3A_403, %gather3A_403 : vector<16xf32>
        %add3A_409 = arith.addf %add3A_390, %mul3A_408 : vector<16xf32>
        %scan3A_410 = arith.constant 11 : i32
        %scan3A_411 = arith.addi %scan3A_201, %scan3A_410 : i32
        %add3A_412 = vector.broadcast %scan3A_411 : i32 to vector<16xi32>
        %add3A_413 = arith.addi %iota3A, %add3A_412 : vector<16xi32>
        %and3A_414 = arith.constant 127 : i32
        %and3A_415 = vector.broadcast %and3A_414 : i32 to vector<16xi32>
        %and3A_416 = arith.andi %add3A_413, %and3A_415 : vector<16xi32>
        %mul3A_417 = arith.constant 128 : i32
        %mul3A_418 = vector.broadcast %mul3A_417 : i32 to vector<16xi32>
        %mul3A_419 = arith.muli %add3A_109, %mul3A_418 : vector<16xi32>
        %add3A_420 = arith.addi %mul3A_419, %and3A_416 : vector<16xi32>
        %gather3A_421 = tpu.vector_load_idx %arg9[%add3A_420] : memref<16384xf32, #tpu.memory_space<vmem>>[vector<16xi32>], vector<16xf32>,
        %gather3A_422 = tpu.vector_load_idx %arg11[%add3A_109, %and3A_416] : memref<128x128xf32, #tpu.memory_space<vmem>>[vector<16xi32>, vector<16xi32>], vector<16xf32>,
        %mul3A_423 = arith.mulf %gather3A_421, %gather3A_421 : vector<16xf32>
        %add3A_424 = arith.addf %add3A_405, %mul3A_423 : vector<16xf32>
        %mul3A_425 = arith.mulf %gather3A_421, %gather3A_422 : vector<16xf32>
        %add3A_426 = arith.addf %add3A_407, %mul3A_425 : vector<16xf32>
        %mul3A_427 = arith.mulf %gather3A_422, %gather3A_422 : vector<16xf32>
        %add3A_428 = arith.addf %add3A_409, %mul3A_427 : vector<16xf32>
        %scan3A_429 = arith.constant 12 : i32
        %scan3A_430 = arith.addi %scan3A_201, %scan3A_429 : i32
        %add3A_431 = vector.broadcast %scan3A_430 : i32 to vector<16xi32>
        %add3A_432 = arith.addi %iota3A, %add3A_431 : vector<16xi32>
        %and3A_433 = arith.constant 127 : i32
        %and3A_434 = vector.broadcast %and3A_433 : i32 to vector<16xi32>
        %and3A_435 = arith.andi %add3A_432, %and3A_434 : vector<16xi32>
        %mul3A_436 = arith.constant 128 : i32
        %mul3A_437 = vector.broadcast %mul3A_436 : i32 to vector<16xi32>
        %mul3A_438 = arith.muli %add3A_109, %mul3A_437 : vector<16xi32>
        %add3A_439 = arith.addi %mul3A_438, %and3A_435 : vector<16xi32>
        %gather3A_440 = tpu.vector_load_idx %arg9[%add3A_439] : memref<16384xf32, #tpu.memory_space<vmem>>[vector<16xi32>], vector<16xf32>,
        %gather3A_441 = tpu.vector_load_idx %arg11[%add3A_109, %and3A_435] : memref<128x128xf32, #tpu.memory_space<vmem>>[vector<16xi32>, vector<16xi32>], vector<16xf32>,
        %mul3A_442 = arith.mulf %gather3A_440, %gather3A_440 : vector<16xf32>
        %add3A_443 = arith.addf %add3A_424, %mul3A_442 : vector<16xf32>
        %mul3A_444 = arith.mulf %gather3A_440, %gather3A_441 : vector<16xf32>
        %add3A_445 = arith.addf %add3A_426, %mul3A_444 : vector<16xf32>
        %mul3A_446 = arith.mulf %gather3A_441, %gather3A_441 : vector<16xf32>
        %add3A_447 = arith.addf %add3A_428, %mul3A_446 : vector<16xf32>
        %scan3A_448 = arith.constant 13 : i32
        %scan3A_449 = arith.addi %scan3A_201, %scan3A_448 : i32
        %add3A_450 = vector.broadcast %scan3A_449 : i32 to vector<16xi32>
        %add3A_451 = arith.addi %iota3A, %add3A_450 : vector<16xi32>
        %and3A_452 = arith.constant 127 : i32
        %and3A_453 = vector.broadcast %and3A_452 : i32 to vector<16xi32>
        %and3A_454 = arith.andi %add3A_451, %and3A_453 : vector<16xi32>
        %mul3A_455 = arith.constant 128 : i32
        %mul3A_456 = vector.broadcast %mul3A_455 : i32 to vector<16xi32>
        %mul3A_457 = arith.muli %add3A_109, %mul3A_456 : vector<16xi32>
        %add3A_458 = arith.addi %mul3A_457, %and3A_454 : vector<16xi32>
        %gather3A_459 = tpu.vector_load_idx %arg9[%add3A_458] : memref<16384xf32, #tpu.memory_space<vmem>>[vector<16xi32>], vector<16xf32>,
        %gather3A_460 = tpu.vector_load_idx %arg11[%add3A_109, %and3A_454] : memref<128x128xf32, #tpu.memory_space<vmem>>[vector<16xi32>, vector<16xi32>], vector<16xf32>,
        %mul3A_461 = arith.mulf %gather3A_459, %gather3A_459 : vector<16xf32>
        %add3A_462 = arith.addf %add3A_443, %mul3A_461 : vector<16xf32>
        %mul3A_463 = arith.mulf %gather3A_459, %gather3A_460 : vector<16xf32>
        %add3A_464 = arith.addf %add3A_445, %mul3A_463 : vector<16xf32>
        %mul3A_465 = arith.mulf %gather3A_460, %gather3A_460 : vector<16xf32>
        %add3A_466 = arith.addf %add3A_447, %mul3A_465 : vector<16xf32>
        %scan3A_467 = arith.constant 14 : i32
        %scan3A_468 = arith.addi %scan3A_201, %scan3A_467 : i32
        %add3A_469 = vector.broadcast %scan3A_468 : i32 to vector<16xi32>
        %add3A_470 = arith.addi %iota3A, %add3A_469 : vector<16xi32>
        %and3A_471 = arith.constant 127 : i32
        %and3A_472 = vector.broadcast %and3A_471 : i32 to vector<16xi32>
        %and3A_473 = arith.andi %add3A_470, %and3A_472 : vector<16xi32>
        %mul3A_474 = arith.constant 128 : i32
        %mul3A_475 = vector.broadcast %mul3A_474 : i32 to vector<16xi32>
        %mul3A_476 = arith.muli %add3A_109, %mul3A_475 : vector<16xi32>
        %add3A_477 = arith.addi %mul3A_476, %and3A_473 : vector<16xi32>
        %gather3A_478 = tpu.vector_load_idx %arg9[%add3A_477] : memref<16384xf32, #tpu.memory_space<vmem>>[vector<16xi32>], vector<16xf32>,
        %gather3A_479 = tpu.vector_load_idx %arg11[%add3A_109, %and3A_473] : memref<128x128xf32, #tpu.memory_space<vmem>>[vector<16xi32>, vector<16xi32>], vector<16xf32>,
        %mul3A_480 = arith.mulf %gather3A_478, %gather3A_478 : vector<16xf32>
        %add3A_481 = arith.addf %add3A_462, %mul3A_480 : vector<16xf32>
        %mul3A_482 = arith.mulf %gather3A_478, %gather3A_479 : vector<16xf32>
        %add3A_483 = arith.addf %add3A_464, %mul3A_482 : vector<16xf32>
        %mul3A_484 = arith.mulf %gather3A_479, %gather3A_479 : vector<16xf32>
        %add3A_485 = arith.addf %add3A_466, %mul3A_484 : vector<16xf32>
        %scan3A_486 = arith.constant 15 : i32
        %scan3A_487 = arith.addi %scan3A_201, %scan3A_486 : i32
        %add3A_488 = vector.broadcast %scan3A_487 : i32 to vector<16xi32>
        %add3A_489 = arith.addi %iota3A, %add3A_488 : vector<16xi32>
        %and3A_490 = arith.constant 127 : i32
        %and3A_491 = vector.broadcast %and3A_490 : i32 to vector<16xi32>
        %and3A_492 = arith.andi %add3A_489, %and3A_491 : vector<16xi32>
        %mul3A_493 = arith.constant 128 : i32
        %mul3A_494 = vector.broadcast %mul3A_493 : i32 to vector<16xi32>
        %mul3A_495 = arith.muli %add3A_109, %mul3A_494 : vector<16xi32>
        %add3A_496 = arith.addi %mul3A_495, %and3A_492 : vector<16xi32>
        %gather3A_497 = tpu.vector_load_idx %arg9[%add3A_496] : memref<16384xf32, #tpu.memory_space<vmem>>[vector<16xi32>], vector<16xf32>,
        %gather3A_498 = tpu.vector_load_idx %arg11[%add3A_109, %and3A_492] : memref<128x128xf32, #tpu.memory_space<vmem>>[vector<16xi32>, vector<16xi32>], vector<16xf32>,
        %mul3A_499 = arith.mulf %gather3A_497, %gather3A_497 : vector<16xf32>
        %add3A_500 = arith.addf %add3A_481, %mul3A_499 : vector<16xf32>
        %mul3A_501 = arith.mulf %gather3A_497, %gather3A_498 : vector<16xf32>
        %add3A_502 = arith.addf %add3A_483, %mul3A_501 : vector<16xf32>
        %mul3A_503 = arith.mulf %gather3A_498, %gather3A_498 : vector<16xf32>
        %add3A_504 = arith.addf %add3A_485, %mul3A_503 : vector<16xf32>
        %scan3A_505 = arith.constant 16 : i32
        %scan3A_506 = arith.addi %scan3A_201, %scan3A_505 : i32
        %add3A_507 = vector.broadcast %scan3A_506 : i32 to vector<16xi32>
        %add3A_508 = arith.addi %iota3A, %add3A_507 : vector<16xi32>
        %and3A_509 = arith.constant 127 : i32
        %and3A_510 = vector.broadcast %and3A_509 : i32 to vector<16xi32>
        %and3A_511 = arith.andi %add3A_508, %and3A_510 : vector<16xi32>
        %mul3A_512 = arith.constant 128 : i32
        %mul3A_513 = vector.broadcast %mul3A_512 : i32 to vector<16xi32>
        %mul3A_514 = arith.muli %add3A_109, %mul3A_513 : vector<16xi32>
        %add3A_515 = arith.addi %mul3A_514, %and3A_511 : vector<16xi32>
        %gather3A_516 = tpu.vector_load_idx %arg9[%add3A_515] : memref<16384xf32, #tpu.memory_space<vmem>>[vector<16xi32>], vector<16xf32>,
        %gather3A_517 = tpu.vector_load_idx %arg11[%add3A_109, %and3A_511] : memref<128x128xf32, #tpu.memory_space<vmem>>[vector<16xi32>, vector<16xi32>], vector<16xf32>,
        %mul3A_518 = arith.mulf %gather3A_516, %gather3A_516 : vector<16xf32>
        %add3A_519 = arith.addf %add3A_500, %mul3A_518 : vector<16xf32>
        %mul3A_520 = arith.mulf %gather3A_516, %gather3A_517 : vector<16xf32>
        %add3A_521 = arith.addf %add3A_502, %mul3A_520 : vector<16xf32>
        %mul3A_522 = arith.mulf %gather3A_517, %gather3A_517 : vector<16xf32>
        %add3A_523 = arith.addf %add3A_504, %mul3A_522 : vector<16xf32>
        %scan3A_524 = arith.constant 17 : i32
        %scan3A_525 = arith.addi %scan3A_201, %scan3A_524 : i32
        %add3A_526 = vector.broadcast %scan3A_525 : i32 to vector<16xi32>
        %add3A_527 = arith.addi %iota3A, %add3A_526 : vector<16xi32>
        %and3A_528 = arith.constant 127 : i32
        %and3A_529 = vector.broadcast %and3A_528 : i32 to vector<16xi32>
        %and3A_530 = arith.andi %add3A_527, %and3A_529 : vector<16xi32>
        %mul3A_531 = arith.constant 128 : i32
        %mul3A_532 = vector.broadcast %mul3A_531 : i32 to vector<16xi32>
        %mul3A_533 = arith.muli %add3A_109, %mul3A_532 : vector<16xi32>
        %add3A_534 = arith.addi %mul3A_533, %and3A_530 : vector<16xi32>
        %gather3A_535 = tpu.vector_load_idx %arg9[%add3A_534] : memref<16384xf32, #tpu.memory_space<vmem>>[vector<16xi32>], vector<16xf32>,
        %gather3A_536 = tpu.vector_load_idx %arg11[%add3A_109, %and3A_530] : memref<128x128xf32, #tpu.memory_space<vmem>>[vector<16xi32>, vector<16xi32>], vector<16xf32>,
        %mul3A_537 = arith.mulf %gather3A_535, %gather3A_535 : vector<16xf32>
        %add3A_538 = arith.addf %add3A_519, %mul3A_537 : vector<16xf32>
        %mul3A_539 = arith.mulf %gather3A_535, %gather3A_536 : vector<16xf32>
        %add3A_540 = arith.addf %add3A_521, %mul3A_539 : vector<16xf32>
        %mul3A_541 = arith.mulf %gather3A_536, %gather3A_536 : vector<16xf32>
        %add3A_542 = arith.addf %add3A_523, %mul3A_541 : vector<16xf32>
        %scan3A_543 = arith.constant 18 : i32
        %scan3A_544 = arith.addi %scan3A_201, %scan3A_543 : i32
        %add3A_545 = vector.broadcast %scan3A_544 : i32 to vector<16xi32>
        %add3A_546 = arith.addi %iota3A, %add3A_545 : vector<16xi32>
        %and3A_547 = arith.constant 127 : i32
        %and3A_548 = vector.broadcast %and3A_547 : i32 to vector<16xi32>
        %and3A_549 = arith.andi %add3A_546, %and3A_548 : vector<16xi32>
        %mul3A_550 = arith.constant 128 : i32
        %mul3A_551 = vector.broadcast %mul3A_550 : i32 to vector<16xi32>
        %mul3A_552 = arith.muli %add3A_109, %mul3A_551 : vector<16xi32>
        %add3A_553 = arith.addi %mul3A_552, %and3A_549 : vector<16xi32>
        %gather3A_554 = tpu.vector_load_idx %arg9[%add3A_553] : memref<16384xf32, #tpu.memory_space<vmem>>[vector<16xi32>], vector<16xf32>,
        %gather3A_555 = tpu.vector_load_idx %arg11[%add3A_109, %and3A_549] : memref<128x128xf32, #tpu.memory_space<vmem>>[vector<16xi32>, vector<16xi32>], vector<16xf32>,
        %mul3A_556 = arith.mulf %gather3A_554, %gather3A_554 : vector<16xf32>
        %add3A_557 = arith.addf %add3A_538, %mul3A_556 : vector<16xf32>
        %mul3A_558 = arith.mulf %gather3A_554, %gather3A_555 : vector<16xf32>
        %add3A_559 = arith.addf %add3A_540, %mul3A_558 : vector<16xf32>
        %mul3A_560 = arith.mulf %gather3A_555, %gather3A_555 : vector<16xf32>
        %add3A_561 = arith.addf %add3A_542, %mul3A_560 : vector<16xf32>
        %scan3A_562 = arith.constant 19 : i32
        %scan3A_563 = arith.addi %scan3A_201, %scan3A_562 : i32
        %add3A_564 = vector.broadcast %scan3A_563 : i32 to vector<16xi32>
        %add3A_565 = arith.addi %iota3A, %add3A_564 : vector<16xi32>
        %and3A_566 = arith.constant 127 : i32
        %and3A_567 = vector.broadcast %and3A_566 : i32 to vector<16xi32>
        %and3A_568 = arith.andi %add3A_565, %and3A_567 : vector<16xi32>
        %mul3A_569 = arith.constant 128 : i32
        %mul3A_570 = vector.broadcast %mul3A_569 : i32 to vector<16xi32>
        %mul3A_571 = arith.muli %add3A_109, %mul3A_570 : vector<16xi32>
        %add3A_572 = arith.addi %mul3A_571, %and3A_568 : vector<16xi32>
        %gather3A_573 = tpu.vector_load_idx %arg9[%add3A_572] : memref<16384xf32, #tpu.memory_space<vmem>>[vector<16xi32>], vector<16xf32>,
        %gather3A_574 = tpu.vector_load_idx %arg11[%add3A_109, %and3A_568] : memref<128x128xf32, #tpu.memory_space<vmem>>[vector<16xi32>, vector<16xi32>], vector<16xf32>,
        %mul3A_575 = arith.mulf %gather3A_573, %gather3A_573 : vector<16xf32>
        %add3A_576 = arith.addf %add3A_557, %mul3A_575 : vector<16xf32>
        %mul3A_577 = arith.mulf %gather3A_573, %gather3A_574 : vector<16xf32>
        %add3A_578 = arith.addf %add3A_559, %mul3A_577 : vector<16xf32>
        %mul3A_579 = arith.mulf %gather3A_574, %gather3A_574 : vector<16xf32>
        %add3A_580 = arith.addf %add3A_561, %mul3A_579 : vector<16xf32>
        %scan3A_581 = arith.constant 20 : i32
        %scan3A_582 = arith.addi %scan3A_201, %scan3A_581 : i32
        %add3A_583 = vector.broadcast %scan3A_582 : i32 to vector<16xi32>
        %add3A_584 = arith.addi %iota3A, %add3A_583 : vector<16xi32>
        %and3A_585 = arith.constant 127 : i32
        %and3A_586 = vector.broadcast %and3A_585 : i32 to vector<16xi32>
        %and3A_587 = arith.andi %add3A_584, %and3A_586 : vector<16xi32>
        %mul3A_588 = arith.constant 128 : i32
        %mul3A_589 = vector.broadcast %mul3A_588 : i32 to vector<16xi32>
        %mul3A_590 = arith.muli %add3A_109, %mul3A_589 : vector<16xi32>
        %add3A_591 = arith.addi %mul3A_590, %and3A_587 : vector<16xi32>
        %gather3A_592 = tpu.vector_load_idx %arg9[%add3A_591] : memref<16384xf32, #tpu.memory_space<vmem>>[vector<16xi32>], vector<16xf32>,
        %gather3A_593 = tpu.vector_load_idx %arg11[%add3A_109, %and3A_587] : memref<128x128xf32, #tpu.memory_space<vmem>>[vector<16xi32>, vector<16xi32>], vector<16xf32>,
        %mul3A_594 = arith.mulf %gather3A_592, %gather3A_592 : vector<16xf32>
        %add3A_595 = arith.addf %add3A_576, %mul3A_594 : vector<16xf32>
        %mul3A_596 = arith.mulf %gather3A_592, %gather3A_593 : vector<16xf32>
        %add3A_597 = arith.addf %add3A_578, %mul3A_596 : vector<16xf32>
        %mul3A_598 = arith.mulf %gather3A_593, %gather3A_593 : vector<16xf32>
        %add3A_599 = arith.addf %add3A_580, %mul3A_598 : vector<16xf32>
        %scan3A_600 = arith.constant 21 : i32
        %scan3A_601 = arith.addi %scan3A_201, %scan3A_600 : i32
        %add3A_602 = vector.broadcast %scan3A_601 : i32 to vector<16xi32>
        %add3A_603 = arith.addi %iota3A, %add3A_602 : vector<16xi32>
        %and3A_604 = arith.constant 127 : i32
        %and3A_605 = vector.broadcast %and3A_604 : i32 to vector<16xi32>
        %and3A_606 = arith.andi %add3A_603, %and3A_605 : vector<16xi32>
        %mul3A_607 = arith.constant 128 : i32
        %mul3A_608 = vector.broadcast %mul3A_607 : i32 to vector<16xi32>
        %mul3A_609 = arith.muli %add3A_109, %mul3A_608 : vector<16xi32>
        %add3A_610 = arith.addi %mul3A_609, %and3A_606 : vector<16xi32>
        %gather3A_611 = tpu.vector_load_idx %arg9[%add3A_610] : memref<16384xf32, #tpu.memory_space<vmem>>[vector<16xi32>], vector<16xf32>,
        %gather3A_612 = tpu.vector_load_idx %arg11[%add3A_109, %and3A_606] : memref<128x128xf32, #tpu.memory_space<vmem>>[vector<16xi32>, vector<16xi32>], vector<16xf32>,
        %mul3A_613 = arith.mulf %gather3A_611, %gather3A_611 : vector<16xf32>
        %add3A_614 = arith.addf %add3A_595, %mul3A_613 : vector<16xf32>
        %mul3A_615 = arith.mulf %gather3A_611, %gather3A_612 : vector<16xf32>
        %add3A_616 = arith.addf %add3A_597, %mul3A_615 : vector<16xf32>
        %mul3A_617 = arith.mulf %gather3A_612, %gather3A_612 : vector<16xf32>
        %add3A_618 = arith.addf %add3A_599, %mul3A_617 : vector<16xf32>
        %scan3A_619 = arith.constant 22 : i32
        %scan3A_620 = arith.addi %scan3A_201, %scan3A_619 : i32
        %add3A_621 = vector.broadcast %scan3A_620 : i32 to vector<16xi32>
        %add3A_622 = arith.addi %iota3A, %add3A_621 : vector<16xi32>
        %and3A_623 = arith.constant 127 : i32
        %and3A_624 = vector.broadcast %and3A_623 : i32 to vector<16xi32>
        %and3A_625 = arith.andi %add3A_622, %and3A_624 : vector<16xi32>
        %mul3A_626 = arith.constant 128 : i32
        %mul3A_627 = vector.broadcast %mul3A_626 : i32 to vector<16xi32>
        %mul3A_628 = arith.muli %add3A_109, %mul3A_627 : vector<16xi32>
        %add3A_629 = arith.addi %mul3A_628, %and3A_625 : vector<16xi32>
        %gather3A_630 = tpu.vector_load_idx %arg9[%add3A_629] : memref<16384xf32, #tpu.memory_space<vmem>>[vector<16xi32>], vector<16xf32>,
        %gather3A_631 = tpu.vector_load_idx %arg11[%add3A_109, %and3A_625] : memref<128x128xf32, #tpu.memory_space<vmem>>[vector<16xi32>, vector<16xi32>], vector<16xf32>,
        %mul3A_632 = arith.mulf %gather3A_630, %gather3A_630 : vector<16xf32>
        %add3A_633 = arith.addf %add3A_614, %mul3A_632 : vector<16xf32>
        %mul3A_634 = arith.mulf %gather3A_630, %gather3A_631 : vector<16xf32>
        %add3A_635 = arith.addf %add3A_616, %mul3A_634 : vector<16xf32>
        %mul3A_636 = arith.mulf %gather3A_631, %gather3A_631 : vector<16xf32>
        %add3A_637 = arith.addf %add3A_618, %mul3A_636 : vector<16xf32>
        %scan3A_638 = arith.constant 23 : i32
        %scan3A_639 = arith.addi %scan3A_201, %scan3A_638 : i32
        %add3A_640 = vector.broadcast %scan3A_639 : i32 to vector<16xi32>
        %add3A_641 = arith.addi %iota3A, %add3A_640 : vector<16xi32>
        %and3A_642 = arith.constant 127 : i32
        %and3A_643 = vector.broadcast %and3A_642 : i32 to vector<16xi32>
        %and3A_644 = arith.andi %add3A_641, %and3A_643 : vector<16xi32>
        %mul3A_645 = arith.constant 128 : i32
        %mul3A_646 = vector.broadcast %mul3A_645 : i32 to vector<16xi32>
        %mul3A_647 = arith.muli %add3A_109, %mul3A_646 : vector<16xi32>
        %add3A_648 = arith.addi %mul3A_647, %and3A_644 : vector<16xi32>
        %gather3A_649 = tpu.vector_load_idx %arg9[%add3A_648] : memref<16384xf32, #tpu.memory_space<vmem>>[vector<16xi32>], vector<16xf32>,
        %gather3A_650 = tpu.vector_load_idx %arg11[%add3A_109, %and3A_644] : memref<128x128xf32, #tpu.memory_space<vmem>>[vector<16xi32>, vector<16xi32>], vector<16xf32>,
        %mul3A_651 = arith.mulf %gather3A_649, %gather3A_649 : vector<16xf32>
        %add3A_652 = arith.addf %add3A_633, %mul3A_651 : vector<16xf32>
        %mul3A_653 = arith.mulf %gather3A_649, %gather3A_650 : vector<16xf32>
        %add3A_654 = arith.addf %add3A_635, %mul3A_653 : vector<16xf32>
        %mul3A_655 = arith.mulf %gather3A_650, %gather3A_650 : vector<16xf32>
        %add3A_656 = arith.addf %add3A_637, %mul3A_655 : vector<16xf32>
        %scan3A_657 = arith.constant 24 : i32
        %scan3A_658 = arith.addi %scan3A_201, %scan3A_657 : i32
        %add3A_659 = vector.broadcast %scan3A_658 : i32 to vector<16xi32>
        %add3A_660 = arith.addi %iota3A, %add3A_659 : vector<16xi32>
        %and3A_661 = arith.constant 127 : i32
        %and3A_662 = vector.broadcast %and3A_661 : i32 to vector<16xi32>
        %and3A_663 = arith.andi %add3A_660, %and3A_662 : vector<16xi32>
        %mul3A_664 = arith.constant 128 : i32
        %mul3A_665 = vector.broadcast %mul3A_664 : i32 to vector<16xi32>
        %mul3A_666 = arith.muli %add3A_109, %mul3A_665 : vector<16xi32>
        %add3A_667 = arith.addi %mul3A_666, %and3A_663 : vector<16xi32>
        %gather3A_668 = tpu.vector_load_idx %arg9[%add3A_667] : memref<16384xf32, #tpu.memory_space<vmem>>[vector<16xi32>], vector<16xf32>,
        %gather3A_669 = tpu.vector_load_idx %arg11[%add3A_109, %and3A_663] : memref<128x128xf32, #tpu.memory_space<vmem>>[vector<16xi32>, vector<16xi32>], vector<16xf32>,
        %mul3A_670 = arith.mulf %gather3A_668, %gather3A_668 : vector<16xf32>
        %add3A_671 = arith.addf %add3A_652, %mul3A_670 : vector<16xf32>
        %mul3A_672 = arith.mulf %gather3A_668, %gather3A_669 : vector<16xf32>
        %add3A_673 = arith.addf %add3A_654, %mul3A_672 : vector<16xf32>
        %mul3A_674 = arith.mulf %gather3A_669, %gather3A_669 : vector<16xf32>
        %add3A_675 = arith.addf %add3A_656, %mul3A_674 : vector<16xf32>
        %scan3A_676 = arith.constant 25 : i32
        %scan3A_677 = arith.addi %scan3A_201, %scan3A_676 : i32
        %add3A_678 = vector.broadcast %scan3A_677 : i32 to vector<16xi32>
        %add3A_679 = arith.addi %iota3A, %add3A_678 : vector<16xi32>
        %and3A_680 = arith.constant 127 : i32
        %and3A_681 = vector.broadcast %and3A_680 : i32 to vector<16xi32>
        %and3A_682 = arith.andi %add3A_679, %and3A_681 : vector<16xi32>
        %mul3A_683 = arith.constant 128 : i32
        %mul3A_684 = vector.broadcast %mul3A_683 : i32 to vector<16xi32>
        %mul3A_685 = arith.muli %add3A_109, %mul3A_684 : vector<16xi32>
        %add3A_686 = arith.addi %mul3A_685, %and3A_682 : vector<16xi32>
        %gather3A_687 = tpu.vector_load_idx %arg9[%add3A_686] : memref<16384xf32, #tpu.memory_space<vmem>>[vector<16xi32>], vector<16xf32>,
        %gather3A_688 = tpu.vector_load_idx %arg11[%add3A_109, %and3A_682] : memref<128x128xf32, #tpu.memory_space<vmem>>[vector<16xi32>, vector<16xi32>], vector<16xf32>,
        %mul3A_689 = arith.mulf %gather3A_687, %gather3A_687 : vector<16xf32>
        %add3A_690 = arith.addf %add3A_671, %mul3A_689 : vector<16xf32>
        %mul3A_691 = arith.mulf %gather3A_687, %gather3A_688 : vector<16xf32>
        %add3A_692 = arith.addf %add3A_673, %mul3A_691 : vector<16xf32>
        %mul3A_693 = arith.mulf %gather3A_688, %gather3A_688 : vector<16xf32>
        %add3A_694 = arith.addf %add3A_675, %mul3A_693 : vector<16xf32>
        %scan3A_695 = arith.constant 26 : i32
        %scan3A_696 = arith.addi %scan3A_201, %scan3A_695 : i32
        %add3A_697 = vector.broadcast %scan3A_696 : i32 to vector<16xi32>
        %add3A_698 = arith.addi %iota3A, %add3A_697 : vector<16xi32>
        %and3A_699 = arith.constant 127 : i32
        %and3A_700 = vector.broadcast %and3A_699 : i32 to vector<16xi32>
        %and3A_701 = arith.andi %add3A_698, %and3A_700 : vector<16xi32>
        %mul3A_702 = arith.constant 128 : i32
        %mul3A_703 = vector.broadcast %mul3A_702 : i32 to vector<16xi32>
        %mul3A_704 = arith.muli %add3A_109, %mul3A_703 : vector<16xi32>
        %add3A_705 = arith.addi %mul3A_704, %and3A_701 : vector<16xi32>
        %gather3A_706 = tpu.vector_load_idx %arg9[%add3A_705] : memref<16384xf32, #tpu.memory_space<vmem>>[vector<16xi32>], vector<16xf32>,
        %gather3A_707 = tpu.vector_load_idx %arg11[%add3A_109, %and3A_701] : memref<128x128xf32, #tpu.memory_space<vmem>>[vector<16xi32>, vector<16xi32>], vector<16xf32>,
        %mul3A_708 = arith.mulf %gather3A_706, %gather3A_706 : vector<16xf32>
        %add3A_709 = arith.addf %add3A_690, %mul3A_708 : vector<16xf32>
        %mul3A_710 = arith.mulf %gather3A_706, %gather3A_707 : vector<16xf32>
        %add3A_711 = arith.addf %add3A_692, %mul3A_710 : vector<16xf32>
        %mul3A_712 = arith.mulf %gather3A_707, %gather3A_707 : vector<16xf32>
        %add3A_713 = arith.addf %add3A_694, %mul3A_712 : vector<16xf32>
        %scan3A_714 = arith.constant 27 : i32
        %scan3A_715 = arith.addi %scan3A_201, %scan3A_714 : i32
        %add3A_716 = vector.broadcast %scan3A_715 : i32 to vector<16xi32>
        %add3A_717 = arith.addi %iota3A, %add3A_716 : vector<16xi32>
        %and3A_718 = arith.constant 127 : i32
        %and3A_719 = vector.broadcast %and3A_718 : i32 to vector<16xi32>
        %and3A_720 = arith.andi %add3A_717, %and3A_719 : vector<16xi32>
        %mul3A_721 = arith.constant 128 : i32
        %mul3A_722 = vector.broadcast %mul3A_721 : i32 to vector<16xi32>
        %mul3A_723 = arith.muli %add3A_109, %mul3A_722 : vector<16xi32>
        %add3A_724 = arith.addi %mul3A_723, %and3A_720 : vector<16xi32>
        %gather3A_725 = tpu.vector_load_idx %arg9[%add3A_724] : memref<16384xf32, #tpu.memory_space<vmem>>[vector<16xi32>], vector<16xf32>,
        %gather3A_726 = tpu.vector_load_idx %arg11[%add3A_109, %and3A_720] : memref<128x128xf32, #tpu.memory_space<vmem>>[vector<16xi32>, vector<16xi32>], vector<16xf32>,
        %mul3A_727 = arith.mulf %gather3A_725, %gather3A_725 : vector<16xf32>
        %add3A_728 = arith.addf %add3A_709, %mul3A_727 : vector<16xf32>
        %mul3A_729 = arith.mulf %gather3A_725, %gather3A_726 : vector<16xf32>
        %add3A_730 = arith.addf %add3A_711, %mul3A_729 : vector<16xf32>
        %mul3A_731 = arith.mulf %gather3A_726, %gather3A_726 : vector<16xf32>
        %add3A_732 = arith.addf %add3A_713, %mul3A_731 : vector<16xf32>
        %scan3A_733 = arith.constant 28 : i32
        %scan3A_734 = arith.addi %scan3A_201, %scan3A_733 : i32
        %add3A_735 = vector.broadcast %scan3A_734 : i32 to vector<16xi32>
        %add3A_736 = arith.addi %iota3A, %add3A_735 : vector<16xi32>
        %and3A_737 = arith.constant 127 : i32
        %and3A_738 = vector.broadcast %and3A_737 : i32 to vector<16xi32>
        %and3A_739 = arith.andi %add3A_736, %and3A_738 : vector<16xi32>
        %mul3A_740 = arith.constant 128 : i32
        %mul3A_741 = vector.broadcast %mul3A_740 : i32 to vector<16xi32>
        %mul3A_742 = arith.muli %add3A_109, %mul3A_741 : vector<16xi32>
        %add3A_743 = arith.addi %mul3A_742, %and3A_739 : vector<16xi32>
        %gather3A_744 = tpu.vector_load_idx %arg9[%add3A_743] : memref<16384xf32, #tpu.memory_space<vmem>>[vector<16xi32>], vector<16xf32>,
        %gather3A_745 = tpu.vector_load_idx %arg11[%add3A_109, %and3A_739] : memref<128x128xf32, #tpu.memory_space<vmem>>[vector<16xi32>, vector<16xi32>], vector<16xf32>,
        %mul3A_746 = arith.mulf %gather3A_744, %gather3A_744 : vector<16xf32>
        %add3A_747 = arith.addf %add3A_728, %mul3A_746 : vector<16xf32>
        %mul3A_748 = arith.mulf %gather3A_744, %gather3A_745 : vector<16xf32>
        %add3A_749 = arith.addf %add3A_730, %mul3A_748 : vector<16xf32>
        %mul3A_750 = arith.mulf %gather3A_745, %gather3A_745 : vector<16xf32>
        %add3A_751 = arith.addf %add3A_732, %mul3A_750 : vector<16xf32>
        %scan3A_752 = arith.constant 29 : i32
        %scan3A_753 = arith.addi %scan3A_201, %scan3A_752 : i32
        %add3A_754 = vector.broadcast %scan3A_753 : i32 to vector<16xi32>
        %add3A_755 = arith.addi %iota3A, %add3A_754 : vector<16xi32>
        %and3A_756 = arith.constant 127 : i32
        %and3A_757 = vector.broadcast %and3A_756 : i32 to vector<16xi32>
        %and3A_758 = arith.andi %add3A_755, %and3A_757 : vector<16xi32>
        %mul3A_759 = arith.constant 128 : i32
        %mul3A_760 = vector.broadcast %mul3A_759 : i32 to vector<16xi32>
        %mul3A_761 = arith.muli %add3A_109, %mul3A_760 : vector<16xi32>
        %add3A_762 = arith.addi %mul3A_761, %and3A_758 : vector<16xi32>
        %gather3A_763 = tpu.vector_load_idx %arg9[%add3A_762] : memref<16384xf32, #tpu.memory_space<vmem>>[vector<16xi32>], vector<16xf32>,
        %gather3A_764 = tpu.vector_load_idx %arg11[%add3A_109, %and3A_758] : memref<128x128xf32, #tpu.memory_space<vmem>>[vector<16xi32>, vector<16xi32>], vector<16xf32>,
        %mul3A_765 = arith.mulf %gather3A_763, %gather3A_763 : vector<16xf32>
        %add3A_766 = arith.addf %add3A_747, %mul3A_765 : vector<16xf32>
        %mul3A_767 = arith.mulf %gather3A_763, %gather3A_764 : vector<16xf32>
        %add3A_768 = arith.addf %add3A_749, %mul3A_767 : vector<16xf32>
        %mul3A_769 = arith.mulf %gather3A_764, %gather3A_764 : vector<16xf32>
        %add3A_770 = arith.addf %add3A_751, %mul3A_769 : vector<16xf32>
        %scan3A_771 = arith.constant 30 : i32
        %scan3A_772 = arith.addi %scan3A_201, %scan3A_771 : i32
        %add3A_773 = vector.broadcast %scan3A_772 : i32 to vector<16xi32>
        %add3A_774 = arith.addi %iota3A, %add3A_773 : vector<16xi32>
        %and3A_775 = arith.constant 127 : i32
        %and3A_776 = vector.broadcast %and3A_775 : i32 to vector<16xi32>
        %and3A_777 = arith.andi %add3A_774, %and3A_776 : vector<16xi32>
        %mul3A_778 = arith.constant 128 : i32
        %mul3A_779 = vector.broadcast %mul3A_778 : i32 to vector<16xi32>
        %mul3A_780 = arith.muli %add3A_109, %mul3A_779 : vector<16xi32>
        %add3A_781 = arith.addi %mul3A_780, %and3A_777 : vector<16xi32>
        %gather3A_782 = tpu.vector_load_idx %arg9[%add3A_781] : memref<16384xf32, #tpu.memory_space<vmem>>[vector<16xi32>], vector<16xf32>,
        %gather3A_783 = tpu.vector_load_idx %arg11[%add3A_109, %and3A_777] : memref<128x128xf32, #tpu.memory_space<vmem>>[vector<16xi32>, vector<16xi32>], vector<16xf32>,
        %mul3A_784 = arith.mulf %gather3A_782, %gather3A_782 : vector<16xf32>
        %add3A_785 = arith.addf %add3A_766, %mul3A_784 : vector<16xf32>
        %mul3A_786 = arith.mulf %gather3A_782, %gather3A_783 : vector<16xf32>
        %add3A_787 = arith.addf %add3A_768, %mul3A_786 : vector<16xf32>
        %mul3A_788 = arith.mulf %gather3A_783, %gather3A_783 : vector<16xf32>
        %add3A_789 = arith.addf %add3A_770, %mul3A_788 : vector<16xf32>
        %scan3A_790 = arith.constant 31 : i32
        %scan3A_791 = arith.addi %scan3A_201, %scan3A_790 : i32
        %add3A_792 = vector.broadcast %scan3A_791 : i32 to vector<16xi32>
        %add3A_793 = arith.addi %iota3A, %add3A_792 : vector<16xi32>
        %and3A_794 = arith.constant 127 : i32
        %and3A_795 = vector.broadcast %and3A_794 : i32 to vector<16xi32>
        %and3A_796 = arith.andi %add3A_793, %and3A_795 : vector<16xi32>
        %mul3A_797 = arith.constant 128 : i32
        %mul3A_798 = vector.broadcast %mul3A_797 : i32 to vector<16xi32>
        %mul3A_799 = arith.muli %add3A_109, %mul3A_798 : vector<16xi32>
        %add3A_800 = arith.addi %mul3A_799, %and3A_796 : vector<16xi32>
        %gather3A_801 = tpu.vector_load_idx %arg9[%add3A_800] : memref<16384xf32, #tpu.memory_space<vmem>>[vector<16xi32>], vector<16xf32>,
        %gather3A_802 = tpu.vector_load_idx %arg11[%add3A_109, %and3A_796] : memref<128x128xf32, #tpu.memory_space<vmem>>[vector<16xi32>, vector<16xi32>], vector<16xf32>,
        %mul3A_803 = arith.mulf %gather3A_801, %gather3A_801 : vector<16xf32>
        %add3A_804 = arith.addf %add3A_785, %mul3A_803 : vector<16xf32>
        %mul3A_805 = arith.mulf %gather3A_801, %gather3A_802 : vector<16xf32>
        %add3A_806 = arith.addf %add3A_787, %mul3A_805 : vector<16xf32>
        %mul3A_807 = arith.mulf %gather3A_802, %gather3A_802 : vector<16xf32>
        %add3A_808 = arith.addf %add3A_789, %mul3A_807 : vector<16xf32>
        scf.yield %add3A_804, %add3A_806, %add3A_808 : vector<16xf32>, vector<16xf32>, vector<16xf32>
      }
      %scan3A_120 = arith.constant 128 : i32
      %bitcast3A = vector.bitcast %scan3A_119#0 : vector<16xf32> to vector<16xi32>
      %shift_right_arithmetic3A = arith.constant 1 : i32
      %shift_right_arithmetic3A_121 = vector.broadcast %shift_right_arithmetic3A : i32 to vector<16xi32>
      %shift_right_arithmetic3A_122 = arith.shrsi %bitcast3A, %shift_right_arithmetic3A_121 : vector<16xi32>
      %sub3A = arith.constant 1597463007 : i32
      %sub3A_123 = vector.broadcast %sub3A : i32 to vector<16xi32>
      %sub3A_124 = arith.subi %sub3A_123, %shift_right_arithmetic3A_122 : vector<16xi32>
      %bitcast3A_125 = vector.bitcast %sub3A_124 : vector<16xi32> to vector<16xf32>
      %mul3A_126 = arith.constant 5.000000e-01 : f32
      %mul3A_127 = vector.broadcast %mul3A_126 : f32 to vector<16xf32>
      %mul3A_128 = arith.mulf %mul3A_127, %scan3A_119#0 : vector<16xf32>
      %mul3A_129 = arith.mulf %mul3A_128, %bitcast3A_125 : vector<16xf32>
      %mul3A_130 = arith.mulf %mul3A_129, %bitcast3A_125 : vector<16xf32>
      %sub3A_131 = arith.constant 1.500000e+00 : f32
      %sub3A_132 = vector.broadcast %sub3A_131 : f32 to vector<16xf32>
      %sub3A_133 = arith.subf %sub3A_132, %mul3A_130 : vector<16xf32>
      %mul3A_134 = arith.mulf %bitcast3A_125, %sub3A_133 : vector<16xf32>
      %mul3A_135 = arith.constant 5.000000e-01 : f32
      %mul3A_136 = vector.broadcast %mul3A_135 : f32 to vector<16xf32>
      %mul3A_137 = arith.mulf %mul3A_136, %scan3A_119#0 : vector<16xf32>
      %mul3A_138 = arith.mulf %mul3A_137, %mul3A_134 : vector<16xf32>
      %mul3A_139 = arith.mulf %mul3A_138, %mul3A_134 : vector<16xf32>
      %sub3A_140 = arith.constant 1.500000e+00 : f32
      %sub3A_141 = vector.broadcast %sub3A_140 : f32 to vector<16xf32>
      %sub3A_142 = arith.subf %sub3A_141, %mul3A_139 : vector<16xf32>
      %mul3A_143 = arith.mulf %mul3A_134, %sub3A_142 : vector<16xf32>
      %mul3A_144 = arith.constant 5.000000e-01 : f32
      %mul3A_145 = vector.broadcast %mul3A_144 : f32 to vector<16xf32>
      %mul3A_146 = arith.mulf %mul3A_145, %scan3A_119#0 : vector<16xf32>
      %mul3A_147 = arith.mulf %mul3A_146, %mul3A_143 : vector<16xf32>
      %mul3A_148 = arith.mulf %mul3A_147, %mul3A_143 : vector<16xf32>
      %sub3A_149 = arith.constant 1.500000e+00 : f32
      %sub3A_150 = vector.broadcast %sub3A_149 : f32 to vector<16xf32>
      %sub3A_151 = arith.subf %sub3A_150, %mul3A_148 : vector<16xf32>
      %mul3A_152 = arith.mulf %mul3A_143, %sub3A_151 : vector<16xf32>
      %min3A = arith.constant 9.99999995E+11 : f32
      %min3A_153 = vector.broadcast %min3A : f32 to vector<16xf32>
      %min3A_154 = arith.minimumf %mul3A_152, %min3A_153 : vector<16xf32>
      %mul3A_155 = arith.mulf %scan3A_119#0, %min3A_154 : vector<16xf32>
      %mul3A_156 = arith.mulf %mul3A_155, %min3A_154 : vector<16xf32>
      %mul3A_157 = arith.mulf %scan3A_119#1, %min3A_154 : vector<16xf32>
      %mul3A_158 = arith.constant 2.000000e+00 : f32
      %mul3A_159 = vector.broadcast %mul3A_158 : f32 to vector<16xf32>
      %mul3A_160 = arith.mulf %mul3A_159, %mul3A_157 : vector<16xf32>
      %sub3A_161 = arith.subf %mul3A_156, %mul3A_160 : vector<16xf32>
      %add3A_162 = arith.addf %sub3A_161, %scan3A_119#2 : vector<16xf32>
      %max3A = arith.constant 0.000000e+00 : f32
      %max3A_163 = vector.broadcast %max3A : f32 to vector<16xf32>
      %max3A_164 = arith.maximumf %add3A_162, %max3A_163 : vector<16xf32>
      %bitcast3A_165 = vector.bitcast %max3A_164 : vector<16xf32> to vector<16xi32>
      %shift_right_arithmetic3A_166 = arith.constant 1 : i32
      %shift_right_arithmetic3A_167 = vector.broadcast %shift_right_arithmetic3A_166 : i32 to vector<16xi32>
      %shift_right_arithmetic3A_168 = arith.shrsi %bitcast3A_165, %shift_right_arithmetic3A_167 : vector<16xi32>
      %sub3A_169 = arith.constant 1597463007 : i32
      %sub3A_170 = vector.broadcast %sub3A_169 : i32 to vector<16xi32>
      %sub3A_171 = arith.subi %sub3A_170, %shift_right_arithmetic3A_168 : vector<16xi32>
      %bitcast3A_172 = vector.bitcast %sub3A_171 : vector<16xi32> to vector<16xf32>
      %mul3A_173 = arith.constant 5.000000e-01 : f32
      %mul3A_174 = vector.broadcast %mul3A_173 : f32 to vector<16xf32>
      %mul3A_175 = arith.mulf %mul3A_174, %max3A_164 : vector<16xf32>
      %mul3A_176 = arith.mulf %mul3A_175, %bitcast3A_172 : vector<16xf32>
      %mul3A_177 = arith.mulf %mul3A_176, %bitcast3A_172 : vector<16xf32>
      %sub3A_178 = arith.constant 1.500000e+00 : f32
      %sub3A_179 = vector.broadcast %sub3A_178 : f32 to vector<16xf32>
      %sub3A_180 = arith.subf %sub3A_179, %mul3A_177 : vector<16xf32>
      %mul3A_181 = arith.mulf %bitcast3A_172, %sub3A_180 : vector<16xf32>
      %mul3A_182 = arith.constant 5.000000e-01 : f32
      %mul3A_183 = vector.broadcast %mul3A_182 : f32 to vector<16xf32>
      %mul3A_184 = arith.mulf %mul3A_183, %max3A_164 : vector<16xf32>
      %mul3A_185 = arith.mulf %mul3A_184, %mul3A_181 : vector<16xf32>
      %mul3A_186 = arith.mulf %mul3A_185, %mul3A_181 : vector<16xf32>
      %sub3A_187 = arith.constant 1.500000e+00 : f32
      %sub3A_188 = vector.broadcast %sub3A_187 : f32 to vector<16xf32>
      %sub3A_189 = arith.subf %sub3A_188, %mul3A_186 : vector<16xf32>
      %mul3A_190 = arith.mulf %mul3A_181, %sub3A_189 : vector<16xf32>
      %mul3A_191 = arith.constant 5.000000e-01 : f32
      %mul3A_192 = vector.broadcast %mul3A_191 : f32 to vector<16xf32>
      %mul3A_193 = arith.mulf %mul3A_192, %max3A_164 : vector<16xf32>
      %mul3A_194 = arith.mulf %mul3A_193, %mul3A_190 : vector<16xf32>
      %mul3A_195 = arith.mulf %mul3A_194, %mul3A_190 : vector<16xf32>
      %sub3A_196 = arith.constant 1.500000e+00 : f32
      %sub3A_197 = vector.broadcast %sub3A_196 : f32 to vector<16xf32>
      %sub3A_198 = arith.subf %sub3A_197, %mul3A_195 : vector<16xf32>
      %mul3A_199 = arith.mulf %mul3A_190, %sub3A_198 : vector<16xf32>
      %mul3A_200 = arith.mulf %max3A_164, %mul3A_199 : vector<16xf32>
      tpu.vector_store_idx %arg12[%get3A_114], %mul3A_200 {add = true} : memref<1024xf32, #tpu.memory_space<vmem>>[vector<16xi32>], vector<16xf32>,
      tpu.vector_store_idx %arg13[%get3A_114], %broadcast_in_dim3A_5 {add = true} : memref<1024xf32, #tpu.memory_space<vmem>>[vector<16xi32>], vector<16xf32>,
    }
    %scan3A_67 = arith.constant 8 : i32
    %add3A_68 = arith.constant 384 : i32
    %add3A_69 = arith.addi %mul3A_2, %add3A_68 : i32
    %mul3A_70 = arith.constant 128 : i32
    %mul3A_71 = arith.muli %add3A_69, %mul3A_70 : i32
    %dma_start3A_72 = tpu.memref_slice %arg2[%mul3A_71] : memref<2097152xf32, #tpu.memory_space<hbm>> -> memref<16384xf32, #tpu.memory_space<hbm>>
    %dma_start3A_73 = tpu.memref_slice %arg2[%mul3A_71] : memref<2097152xf32, #tpu.memory_space<hbm>> -> memref<16384xf32, #tpu.memory_space<hbm>>
    tpu.enqueue_dma source(%dma_start3A_73 : memref<16384xf32, #tpu.memory_space<hbm>>) target(%arg9 : memref<16384xf32, #tpu.memory_space<vmem>>) target_semaphore(%arg15 : memref<!tpu.dma_semaphore, #tpu.memory_space<semaphore_mem>>)
    %dma_start3A_74 = arith.constant 384 : i32
    %dma_start3A_75 = tpu.memref_slice %arg7[%dma_start3A_74] : memref<512xi32, #tpu.memory_space<vmem>> -> memref<128xi32, #tpu.memory_space<vmem>>
    %dma_start3A_76 = arith.constant 0 : i32
    %dma_start3A_77 = arith.constant 0 : i32
    %dma_start3A_78 = tpu.memref_slice %arg4[%dma_start3A_76, %dma_start3A_77] : memref<1000x128xf32, #tpu.memory_space<hbm>> -> memref<1000x128xf32, #tpu.memory_space<hbm>>
    tpu.enqueue_indirect_dma source(%dma_start3A_78 : memref<1000x128xf32, #tpu.memory_space<hbm>>) target(%arg11 : memref<128x128xf32, #tpu.memory_space<vmem>>) offsets(%dma_start3A_75 : memref<128xi32, #tpu.memory_space<vmem>>) semaphore(%arg17 : memref<!tpu.dma_semaphore, #tpu.memory_space<semaphore_mem>>)
    %dma_wait3A_79 = tpu.memref_slice %arg2[%mul3A_47] : memref<2097152xf32, #tpu.memory_space<hbm>> -> memref<16384xf32, #tpu.memory_space<hbm>>
    %dma_wait3A_80 = tpu.memref_slice %arg2[%mul3A_47] : memref<2097152xf32, #tpu.memory_space<hbm>> -> memref<16384xf32, #tpu.memory_space<hbm>>
    tpu.wait_dma2 semaphore(%arg14 : memref<!tpu.dma_semaphore, #tpu.memory_space<semaphore_mem>>) src(%dma_wait3A_80 : memref<16384xf32, #tpu.memory_space<hbm>>) dst(%arg8 : memref<16384xf32, #tpu.memory_space<vmem>>)
    %dma_wait3A_81 = arith.constant 256 : i32
    %dma_wait3A_82 = tpu.memref_slice %arg7[%dma_wait3A_81] : memref<512xi32, #tpu.memory_space<vmem>> -> memref<128xi32, #tpu.memory_space<vmem>>
    %dma_wait3A_83 = arith.constant 0 : i32
    %dma_wait3A_84 = arith.constant 0 : i32
    %dma_wait3A_85 = tpu.memref_slice %arg4[%dma_wait3A_83, %dma_wait3A_84] : memref<1000x128xf32, #tpu.memory_space<hbm>> -> memref<1000x128xf32, #tpu.memory_space<hbm>>
    tpu.wait_indirect_dma semaphore(%arg16 : memref<!tpu.dma_semaphore, #tpu.memory_space<semaphore_mem>>) src(%dma_wait3A_85 : memref<1000x128xf32, #tpu.memory_space<hbm>>) dst(%arg10 : memref<128x128xf32, #tpu.memory_space<vmem>>)
    %scan3A_86 = arith.constant 0 : i32
    %scan3A_87 = arith.constant 0 : i32
    %scan3A_88 = arith.constant 8 : i32
    %scan3A_89 = arith.addi %scan3A_87, %scan3A_88 : i32
    %scan3A_90 = arith.constant 1 : i32
    scf.for %scan3A_105 = %scan3A_87 to %scan3A_89 step %scan3A_90  : i32 {
      %mul3A_106 = arith.constant 16 : i32
      %mul3A_107 = arith.muli %scan3A_105, %mul3A_106 : i32
      %add3A_108 = vector.broadcast %mul3A_107 : i32 to vector<16xi32>
      %add3A_109 = arith.addi %iota3A, %add3A_108 : vector<16xi32>
      %mul3A_110 = arith.constant 16 : i32
      %mul3A_111 = arith.muli %scan3A_105, %mul3A_110 : i32
      %add3A_112 = arith.constant 256 : i32
      %add3A_113 = arith.addi %add3A_112, %mul3A_111 : i32
      %get3A = arith.index_cast %add3A_113 : i32 to index
      %get3A_114 = tpu.vector_load %arg7[%get3A] {strides = array<i32>} : memref<512xi32, #tpu.memory_space<vmem>>, vector<16xi32>,
      %scan3A_115 = arith.constant 0 : i32
      %scan3A_116 = arith.constant 128 : i32
      %scan3A_117 = arith.addi %scan3A_115, %scan3A_116 : i32
      %scan3A_118 = arith.constant 32 : i32
      %scan3A_119:3 = scf.for %scan3A_201 = %scan3A_115 to %scan3A_117 step %scan3A_118 iter_args(%scan3A_202 = %broadcast_in_dim3A_3, %scan3A_203 = %broadcast_in_dim3A_3, %scan3A_204 = %broadcast_in_dim3A_3) -> (vector<16xf32>, vector<16xf32>, vector<16xf32>)  : i32 {
        %add3A_205 = vector.broadcast %scan3A_201 : i32 to vector<16xi32>
        %add3A_206 = arith.addi %iota3A, %add3A_205 : vector<16xi32>
        %and3A = arith.constant 127 : i32
        %and3A_207 = vector.broadcast %and3A : i32 to vector<16xi32>
        %and3A_208 = arith.andi %add3A_206, %and3A_207 : vector<16xi32>
        %mul3A_209 = arith.constant 128 : i32
        %mul3A_210 = vector.broadcast %mul3A_209 : i32 to vector<16xi32>
        %mul3A_211 = arith.muli %add3A_109, %mul3A_210 : vector<16xi32>
        %add3A_212 = arith.addi %mul3A_211, %and3A_208 : vector<16xi32>
        %gather3A = tpu.vector_load_idx %arg8[%add3A_212] : memref<16384xf32, #tpu.memory_space<vmem>>[vector<16xi32>], vector<16xf32>,
        %gather3A_213 = tpu.vector_load_idx %arg10[%add3A_109, %and3A_208] : memref<128x128xf32, #tpu.memory_space<vmem>>[vector<16xi32>, vector<16xi32>], vector<16xf32>,
        %mul3A_214 = arith.mulf %gather3A, %gather3A : vector<16xf32>
        %add3A_215 = arith.addf %scan3A_202, %mul3A_214 : vector<16xf32>
        %mul3A_216 = arith.mulf %gather3A, %gather3A_213 : vector<16xf32>
        %add3A_217 = arith.addf %scan3A_203, %mul3A_216 : vector<16xf32>
        %mul3A_218 = arith.mulf %gather3A_213, %gather3A_213 : vector<16xf32>
        %add3A_219 = arith.addf %scan3A_204, %mul3A_218 : vector<16xf32>
        %scan3A_220 = arith.constant 1 : i32
        %scan3A_221 = arith.addi %scan3A_201, %scan3A_220 : i32
        %add3A_222 = vector.broadcast %scan3A_221 : i32 to vector<16xi32>
        %add3A_223 = arith.addi %iota3A, %add3A_222 : vector<16xi32>
        %and3A_224 = arith.constant 127 : i32
        %and3A_225 = vector.broadcast %and3A_224 : i32 to vector<16xi32>
        %and3A_226 = arith.andi %add3A_223, %and3A_225 : vector<16xi32>
        %mul3A_227 = arith.constant 128 : i32
        %mul3A_228 = vector.broadcast %mul3A_227 : i32 to vector<16xi32>
        %mul3A_229 = arith.muli %add3A_109, %mul3A_228 : vector<16xi32>
        %add3A_230 = arith.addi %mul3A_229, %and3A_226 : vector<16xi32>
        %gather3A_231 = tpu.vector_load_idx %arg8[%add3A_230] : memref<16384xf32, #tpu.memory_space<vmem>>[vector<16xi32>], vector<16xf32>,
        %gather3A_232 = tpu.vector_load_idx %arg10[%add3A_109, %and3A_226] : memref<128x128xf32, #tpu.memory_space<vmem>>[vector<16xi32>, vector<16xi32>], vector<16xf32>,
        %mul3A_233 = arith.mulf %gather3A_231, %gather3A_231 : vector<16xf32>
        %add3A_234 = arith.addf %add3A_215, %mul3A_233 : vector<16xf32>
        %mul3A_235 = arith.mulf %gather3A_231, %gather3A_232 : vector<16xf32>
        %add3A_236 = arith.addf %add3A_217, %mul3A_235 : vector<16xf32>
        %mul3A_237 = arith.mulf %gather3A_232, %gather3A_232 : vector<16xf32>
        %add3A_238 = arith.addf %add3A_219, %mul3A_237 : vector<16xf32>
        %scan3A_239 = arith.constant 2 : i32
        %scan3A_240 = arith.addi %scan3A_201, %scan3A_239 : i32
        %add3A_241 = vector.broadcast %scan3A_240 : i32 to vector<16xi32>
        %add3A_242 = arith.addi %iota3A, %add3A_241 : vector<16xi32>
        %and3A_243 = arith.constant 127 : i32
        %and3A_244 = vector.broadcast %and3A_243 : i32 to vector<16xi32>
        %and3A_245 = arith.andi %add3A_242, %and3A_244 : vector<16xi32>
        %mul3A_246 = arith.constant 128 : i32
        %mul3A_247 = vector.broadcast %mul3A_246 : i32 to vector<16xi32>
        %mul3A_248 = arith.muli %add3A_109, %mul3A_247 : vector<16xi32>
        %add3A_249 = arith.addi %mul3A_248, %and3A_245 : vector<16xi32>
        %gather3A_250 = tpu.vector_load_idx %arg8[%add3A_249] : memref<16384xf32, #tpu.memory_space<vmem>>[vector<16xi32>], vector<16xf32>,
        %gather3A_251 = tpu.vector_load_idx %arg10[%add3A_109, %and3A_245] : memref<128x128xf32, #tpu.memory_space<vmem>>[vector<16xi32>, vector<16xi32>], vector<16xf32>,
        %mul3A_252 = arith.mulf %gather3A_250, %gather3A_250 : vector<16xf32>
        %add3A_253 = arith.addf %add3A_234, %mul3A_252 : vector<16xf32>
        %mul3A_254 = arith.mulf %gather3A_250, %gather3A_251 : vector<16xf32>
        %add3A_255 = arith.addf %add3A_236, %mul3A_254 : vector<16xf32>
        %mul3A_256 = arith.mulf %gather3A_251, %gather3A_251 : vector<16xf32>
        %add3A_257 = arith.addf %add3A_238, %mul3A_256 : vector<16xf32>
        %scan3A_258 = arith.constant 3 : i32
        %scan3A_259 = arith.addi %scan3A_201, %scan3A_258 : i32
        %add3A_260 = vector.broadcast %scan3A_259 : i32 to vector<16xi32>
        %add3A_261 = arith.addi %iota3A, %add3A_260 : vector<16xi32>
        %and3A_262 = arith.constant 127 : i32
        %and3A_263 = vector.broadcast %and3A_262 : i32 to vector<16xi32>
        %and3A_264 = arith.andi %add3A_261, %and3A_263 : vector<16xi32>
        %mul3A_265 = arith.constant 128 : i32
        %mul3A_266 = vector.broadcast %mul3A_265 : i32 to vector<16xi32>
        %mul3A_267 = arith.muli %add3A_109, %mul3A_266 : vector<16xi32>
        %add3A_268 = arith.addi %mul3A_267, %and3A_264 : vector<16xi32>
        %gather3A_269 = tpu.vector_load_idx %arg8[%add3A_268] : memref<16384xf32, #tpu.memory_space<vmem>>[vector<16xi32>], vector<16xf32>,
        %gather3A_270 = tpu.vector_load_idx %arg10[%add3A_109, %and3A_264] : memref<128x128xf32, #tpu.memory_space<vmem>>[vector<16xi32>, vector<16xi32>], vector<16xf32>,
        %mul3A_271 = arith.mulf %gather3A_269, %gather3A_269 : vector<16xf32>
        %add3A_272 = arith.addf %add3A_253, %mul3A_271 : vector<16xf32>
        %mul3A_273 = arith.mulf %gather3A_269, %gather3A_270 : vector<16xf32>
        %add3A_274 = arith.addf %add3A_255, %mul3A_273 : vector<16xf32>
        %mul3A_275 = arith.mulf %gather3A_270, %gather3A_270 : vector<16xf32>
        %add3A_276 = arith.addf %add3A_257, %mul3A_275 : vector<16xf32>
        %scan3A_277 = arith.constant 4 : i32
        %scan3A_278 = arith.addi %scan3A_201, %scan3A_277 : i32
        %add3A_279 = vector.broadcast %scan3A_278 : i32 to vector<16xi32>
        %add3A_280 = arith.addi %iota3A, %add3A_279 : vector<16xi32>
        %and3A_281 = arith.constant 127 : i32
        %and3A_282 = vector.broadcast %and3A_281 : i32 to vector<16xi32>
        %and3A_283 = arith.andi %add3A_280, %and3A_282 : vector<16xi32>
        %mul3A_284 = arith.constant 128 : i32
        %mul3A_285 = vector.broadcast %mul3A_284 : i32 to vector<16xi32>
        %mul3A_286 = arith.muli %add3A_109, %mul3A_285 : vector<16xi32>
        %add3A_287 = arith.addi %mul3A_286, %and3A_283 : vector<16xi32>
        %gather3A_288 = tpu.vector_load_idx %arg8[%add3A_287] : memref<16384xf32, #tpu.memory_space<vmem>>[vector<16xi32>], vector<16xf32>,
        %gather3A_289 = tpu.vector_load_idx %arg10[%add3A_109, %and3A_283] : memref<128x128xf32, #tpu.memory_space<vmem>>[vector<16xi32>, vector<16xi32>], vector<16xf32>,
        %mul3A_290 = arith.mulf %gather3A_288, %gather3A_288 : vector<16xf32>
        %add3A_291 = arith.addf %add3A_272, %mul3A_290 : vector<16xf32>
        %mul3A_292 = arith.mulf %gather3A_288, %gather3A_289 : vector<16xf32>
        %add3A_293 = arith.addf %add3A_274, %mul3A_292 : vector<16xf32>
        %mul3A_294 = arith.mulf %gather3A_289, %gather3A_289 : vector<16xf32>
        %add3A_295 = arith.addf %add3A_276, %mul3A_294 : vector<16xf32>
        %scan3A_296 = arith.constant 5 : i32
        %scan3A_297 = arith.addi %scan3A_201, %scan3A_296 : i32
        %add3A_298 = vector.broadcast %scan3A_297 : i32 to vector<16xi32>
        %add3A_299 = arith.addi %iota3A, %add3A_298 : vector<16xi32>
        %and3A_300 = arith.constant 127 : i32
        %and3A_301 = vector.broadcast %and3A_300 : i32 to vector<16xi32>
        %and3A_302 = arith.andi %add3A_299, %and3A_301 : vector<16xi32>
        %mul3A_303 = arith.constant 128 : i32
        %mul3A_304 = vector.broadcast %mul3A_303 : i32 to vector<16xi32>
        %mul3A_305 = arith.muli %add3A_109, %mul3A_304 : vector<16xi32>
        %add3A_306 = arith.addi %mul3A_305, %and3A_302 : vector<16xi32>
        %gather3A_307 = tpu.vector_load_idx %arg8[%add3A_306] : memref<16384xf32, #tpu.memory_space<vmem>>[vector<16xi32>], vector<16xf32>,
        %gather3A_308 = tpu.vector_load_idx %arg10[%add3A_109, %and3A_302] : memref<128x128xf32, #tpu.memory_space<vmem>>[vector<16xi32>, vector<16xi32>], vector<16xf32>,
        %mul3A_309 = arith.mulf %gather3A_307, %gather3A_307 : vector<16xf32>
        %add3A_310 = arith.addf %add3A_291, %mul3A_309 : vector<16xf32>
        %mul3A_311 = arith.mulf %gather3A_307, %gather3A_308 : vector<16xf32>
        %add3A_312 = arith.addf %add3A_293, %mul3A_311 : vector<16xf32>
        %mul3A_313 = arith.mulf %gather3A_308, %gather3A_308 : vector<16xf32>
        %add3A_314 = arith.addf %add3A_295, %mul3A_313 : vector<16xf32>
        %scan3A_315 = arith.constant 6 : i32
        %scan3A_316 = arith.addi %scan3A_201, %scan3A_315 : i32
        %add3A_317 = vector.broadcast %scan3A_316 : i32 to vector<16xi32>
        %add3A_318 = arith.addi %iota3A, %add3A_317 : vector<16xi32>
        %and3A_319 = arith.constant 127 : i32
        %and3A_320 = vector.broadcast %and3A_319 : i32 to vector<16xi32>
        %and3A_321 = arith.andi %add3A_318, %and3A_320 : vector<16xi32>
        %mul3A_322 = arith.constant 128 : i32
        %mul3A_323 = vector.broadcast %mul3A_322 : i32 to vector<16xi32>
        %mul3A_324 = arith.muli %add3A_109, %mul3A_323 : vector<16xi32>
        %add3A_325 = arith.addi %mul3A_324, %and3A_321 : vector<16xi32>
        %gather3A_326 = tpu.vector_load_idx %arg8[%add3A_325] : memref<16384xf32, #tpu.memory_space<vmem>>[vector<16xi32>], vector<16xf32>,
        %gather3A_327 = tpu.vector_load_idx %arg10[%add3A_109, %and3A_321] : memref<128x128xf32, #tpu.memory_space<vmem>>[vector<16xi32>, vector<16xi32>], vector<16xf32>,
        %mul3A_328 = arith.mulf %gather3A_326, %gather3A_326 : vector<16xf32>
        %add3A_329 = arith.addf %add3A_310, %mul3A_328 : vector<16xf32>
        %mul3A_330 = arith.mulf %gather3A_326, %gather3A_327 : vector<16xf32>
        %add3A_331 = arith.addf %add3A_312, %mul3A_330 : vector<16xf32>
        %mul3A_332 = arith.mulf %gather3A_327, %gather3A_327 : vector<16xf32>
        %add3A_333 = arith.addf %add3A_314, %mul3A_332 : vector<16xf32>
        %scan3A_334 = arith.constant 7 : i32
        %scan3A_335 = arith.addi %scan3A_201, %scan3A_334 : i32
        %add3A_336 = vector.broadcast %scan3A_335 : i32 to vector<16xi32>
        %add3A_337 = arith.addi %iota3A, %add3A_336 : vector<16xi32>
        %and3A_338 = arith.constant 127 : i32
        %and3A_339 = vector.broadcast %and3A_338 : i32 to vector<16xi32>
        %and3A_340 = arith.andi %add3A_337, %and3A_339 : vector<16xi32>
        %mul3A_341 = arith.constant 128 : i32
        %mul3A_342 = vector.broadcast %mul3A_341 : i32 to vector<16xi32>
        %mul3A_343 = arith.muli %add3A_109, %mul3A_342 : vector<16xi32>
        %add3A_344 = arith.addi %mul3A_343, %and3A_340 : vector<16xi32>
        %gather3A_345 = tpu.vector_load_idx %arg8[%add3A_344] : memref<16384xf32, #tpu.memory_space<vmem>>[vector<16xi32>], vector<16xf32>,
        %gather3A_346 = tpu.vector_load_idx %arg10[%add3A_109, %and3A_340] : memref<128x128xf32, #tpu.memory_space<vmem>>[vector<16xi32>, vector<16xi32>], vector<16xf32>,
        %mul3A_347 = arith.mulf %gather3A_345, %gather3A_345 : vector<16xf32>
        %add3A_348 = arith.addf %add3A_329, %mul3A_347 : vector<16xf32>
        %mul3A_349 = arith.mulf %gather3A_345, %gather3A_346 : vector<16xf32>
        %add3A_350 = arith.addf %add3A_331, %mul3A_349 : vector<16xf32>
        %mul3A_351 = arith.mulf %gather3A_346, %gather3A_346 : vector<16xf32>
        %add3A_352 = arith.addf %add3A_333, %mul3A_351 : vector<16xf32>
        %scan3A_353 = arith.constant 8 : i32
        %scan3A_354 = arith.addi %scan3A_201, %scan3A_353 : i32
        %add3A_355 = vector.broadcast %scan3A_354 : i32 to vector<16xi32>
        %add3A_356 = arith.addi %iota3A, %add3A_355 : vector<16xi32>
        %and3A_357 = arith.constant 127 : i32
        %and3A_358 = vector.broadcast %and3A_357 : i32 to vector<16xi32>
        %and3A_359 = arith.andi %add3A_356, %and3A_358 : vector<16xi32>
        %mul3A_360 = arith.constant 128 : i32
        %mul3A_361 = vector.broadcast %mul3A_360 : i32 to vector<16xi32>
        %mul3A_362 = arith.muli %add3A_109, %mul3A_361 : vector<16xi32>
        %add3A_363 = arith.addi %mul3A_362, %and3A_359 : vector<16xi32>
        %gather3A_364 = tpu.vector_load_idx %arg8[%add3A_363] : memref<16384xf32, #tpu.memory_space<vmem>>[vector<16xi32>], vector<16xf32>,
        %gather3A_365 = tpu.vector_load_idx %arg10[%add3A_109, %and3A_359] : memref<128x128xf32, #tpu.memory_space<vmem>>[vector<16xi32>, vector<16xi32>], vector<16xf32>,
        %mul3A_366 = arith.mulf %gather3A_364, %gather3A_364 : vector<16xf32>
        %add3A_367 = arith.addf %add3A_348, %mul3A_366 : vector<16xf32>
        %mul3A_368 = arith.mulf %gather3A_364, %gather3A_365 : vector<16xf32>
        %add3A_369 = arith.addf %add3A_350, %mul3A_368 : vector<16xf32>
        %mul3A_370 = arith.mulf %gather3A_365, %gather3A_365 : vector<16xf32>
        %add3A_371 = arith.addf %add3A_352, %mul3A_370 : vector<16xf32>
        %scan3A_372 = arith.constant 9 : i32
        %scan3A_373 = arith.addi %scan3A_201, %scan3A_372 : i32
        %add3A_374 = vector.broadcast %scan3A_373 : i32 to vector<16xi32>
        %add3A_375 = arith.addi %iota3A, %add3A_374 : vector<16xi32>
        %and3A_376 = arith.constant 127 : i32
        %and3A_377 = vector.broadcast %and3A_376 : i32 to vector<16xi32>
        %and3A_378 = arith.andi %add3A_375, %and3A_377 : vector<16xi32>
        %mul3A_379 = arith.constant 128 : i32
        %mul3A_380 = vector.broadcast %mul3A_379 : i32 to vector<16xi32>
        %mul3A_381 = arith.muli %add3A_109, %mul3A_380 : vector<16xi32>
        %add3A_382 = arith.addi %mul3A_381, %and3A_378 : vector<16xi32>
        %gather3A_383 = tpu.vector_load_idx %arg8[%add3A_382] : memref<16384xf32, #tpu.memory_space<vmem>>[vector<16xi32>], vector<16xf32>,
        %gather3A_384 = tpu.vector_load_idx %arg10[%add3A_109, %and3A_378] : memref<128x128xf32, #tpu.memory_space<vmem>>[vector<16xi32>, vector<16xi32>], vector<16xf32>,
        %mul3A_385 = arith.mulf %gather3A_383, %gather3A_383 : vector<16xf32>
        %add3A_386 = arith.addf %add3A_367, %mul3A_385 : vector<16xf32>
        %mul3A_387 = arith.mulf %gather3A_383, %gather3A_384 : vector<16xf32>
        %add3A_388 = arith.addf %add3A_369, %mul3A_387 : vector<16xf32>
        %mul3A_389 = arith.mulf %gather3A_384, %gather3A_384 : vector<16xf32>
        %add3A_390 = arith.addf %add3A_371, %mul3A_389 : vector<16xf32>
        %scan3A_391 = arith.constant 10 : i32
        %scan3A_392 = arith.addi %scan3A_201, %scan3A_391 : i32
        %add3A_393 = vector.broadcast %scan3A_392 : i32 to vector<16xi32>
        %add3A_394 = arith.addi %iota3A, %add3A_393 : vector<16xi32>
        %and3A_395 = arith.constant 127 : i32
        %and3A_396 = vector.broadcast %and3A_395 : i32 to vector<16xi32>
        %and3A_397 = arith.andi %add3A_394, %and3A_396 : vector<16xi32>
        %mul3A_398 = arith.constant 128 : i32
        %mul3A_399 = vector.broadcast %mul3A_398 : i32 to vector<16xi32>
        %mul3A_400 = arith.muli %add3A_109, %mul3A_399 : vector<16xi32>
        %add3A_401 = arith.addi %mul3A_400, %and3A_397 : vector<16xi32>
        %gather3A_402 = tpu.vector_load_idx %arg8[%add3A_401] : memref<16384xf32, #tpu.memory_space<vmem>>[vector<16xi32>], vector<16xf32>,
        %gather3A_403 = tpu.vector_load_idx %arg10[%add3A_109, %and3A_397] : memref<128x128xf32, #tpu.memory_space<vmem>>[vector<16xi32>, vector<16xi32>], vector<16xf32>,
        %mul3A_404 = arith.mulf %gather3A_402, %gather3A_402 : vector<16xf32>
        %add3A_405 = arith.addf %add3A_386, %mul3A_404 : vector<16xf32>
        %mul3A_406 = arith.mulf %gather3A_402, %gather3A_403 : vector<16xf32>
        %add3A_407 = arith.addf %add3A_388, %mul3A_406 : vector<16xf32>
        %mul3A_408 = arith.mulf %gather3A_403, %gather3A_403 : vector<16xf32>
        %add3A_409 = arith.addf %add3A_390, %mul3A_408 : vector<16xf32>
        %scan3A_410 = arith.constant 11 : i32
        %scan3A_411 = arith.addi %scan3A_201, %scan3A_410 : i32
        %add3A_412 = vector.broadcast %scan3A_411 : i32 to vector<16xi32>
        %add3A_413 = arith.addi %iota3A, %add3A_412 : vector<16xi32>
        %and3A_414 = arith.constant 127 : i32
        %and3A_415 = vector.broadcast %and3A_414 : i32 to vector<16xi32>
        %and3A_416 = arith.andi %add3A_413, %and3A_415 : vector<16xi32>
        %mul3A_417 = arith.constant 128 : i32
        %mul3A_418 = vector.broadcast %mul3A_417 : i32 to vector<16xi32>
        %mul3A_419 = arith.muli %add3A_109, %mul3A_418 : vector<16xi32>
        %add3A_420 = arith.addi %mul3A_419, %and3A_416 : vector<16xi32>
        %gather3A_421 = tpu.vector_load_idx %arg8[%add3A_420] : memref<16384xf32, #tpu.memory_space<vmem>>[vector<16xi32>], vector<16xf32>,
        %gather3A_422 = tpu.vector_load_idx %arg10[%add3A_109, %and3A_416] : memref<128x128xf32, #tpu.memory_space<vmem>>[vector<16xi32>, vector<16xi32>], vector<16xf32>,
        %mul3A_423 = arith.mulf %gather3A_421, %gather3A_421 : vector<16xf32>
        %add3A_424 = arith.addf %add3A_405, %mul3A_423 : vector<16xf32>
        %mul3A_425 = arith.mulf %gather3A_421, %gather3A_422 : vector<16xf32>
        %add3A_426 = arith.addf %add3A_407, %mul3A_425 : vector<16xf32>
        %mul3A_427 = arith.mulf %gather3A_422, %gather3A_422 : vector<16xf32>
        %add3A_428 = arith.addf %add3A_409, %mul3A_427 : vector<16xf32>
        %scan3A_429 = arith.constant 12 : i32
        %scan3A_430 = arith.addi %scan3A_201, %scan3A_429 : i32
        %add3A_431 = vector.broadcast %scan3A_430 : i32 to vector<16xi32>
        %add3A_432 = arith.addi %iota3A, %add3A_431 : vector<16xi32>
        %and3A_433 = arith.constant 127 : i32
        %and3A_434 = vector.broadcast %and3A_433 : i32 to vector<16xi32>
        %and3A_435 = arith.andi %add3A_432, %and3A_434 : vector<16xi32>
        %mul3A_436 = arith.constant 128 : i32
        %mul3A_437 = vector.broadcast %mul3A_436 : i32 to vector<16xi32>
        %mul3A_438 = arith.muli %add3A_109, %mul3A_437 : vector<16xi32>
        %add3A_439 = arith.addi %mul3A_438, %and3A_435 : vector<16xi32>
        %gather3A_440 = tpu.vector_load_idx %arg8[%add3A_439] : memref<16384xf32, #tpu.memory_space<vmem>>[vector<16xi32>], vector<16xf32>,
        %gather3A_441 = tpu.vector_load_idx %arg10[%add3A_109, %and3A_435] : memref<128x128xf32, #tpu.memory_space<vmem>>[vector<16xi32>, vector<16xi32>], vector<16xf32>,
        %mul3A_442 = arith.mulf %gather3A_440, %gather3A_440 : vector<16xf32>
        %add3A_443 = arith.addf %add3A_424, %mul3A_442 : vector<16xf32>
        %mul3A_444 = arith.mulf %gather3A_440, %gather3A_441 : vector<16xf32>
        %add3A_445 = arith.addf %add3A_426, %mul3A_444 : vector<16xf32>
        %mul3A_446 = arith.mulf %gather3A_441, %gather3A_441 : vector<16xf32>
        %add3A_447 = arith.addf %add3A_428, %mul3A_446 : vector<16xf32>
        %scan3A_448 = arith.constant 13 : i32
        %scan3A_449 = arith.addi %scan3A_201, %scan3A_448 : i32
        %add3A_450 = vector.broadcast %scan3A_449 : i32 to vector<16xi32>
        %add3A_451 = arith.addi %iota3A, %add3A_450 : vector<16xi32>
        %and3A_452 = arith.constant 127 : i32
        %and3A_453 = vector.broadcast %and3A_452 : i32 to vector<16xi32>
        %and3A_454 = arith.andi %add3A_451, %and3A_453 : vector<16xi32>
        %mul3A_455 = arith.constant 128 : i32
        %mul3A_456 = vector.broadcast %mul3A_455 : i32 to vector<16xi32>
        %mul3A_457 = arith.muli %add3A_109, %mul3A_456 : vector<16xi32>
        %add3A_458 = arith.addi %mul3A_457, %and3A_454 : vector<16xi32>
        %gather3A_459 = tpu.vector_load_idx %arg8[%add3A_458] : memref<16384xf32, #tpu.memory_space<vmem>>[vector<16xi32>], vector<16xf32>,
        %gather3A_460 = tpu.vector_load_idx %arg10[%add3A_109, %and3A_454] : memref<128x128xf32, #tpu.memory_space<vmem>>[vector<16xi32>, vector<16xi32>], vector<16xf32>,
        %mul3A_461 = arith.mulf %gather3A_459, %gather3A_459 : vector<16xf32>
        %add3A_462 = arith.addf %add3A_443, %mul3A_461 : vector<16xf32>
        %mul3A_463 = arith.mulf %gather3A_459, %gather3A_460 : vector<16xf32>
        %add3A_464 = arith.addf %add3A_445, %mul3A_463 : vector<16xf32>
        %mul3A_465 = arith.mulf %gather3A_460, %gather3A_460 : vector<16xf32>
        %add3A_466 = arith.addf %add3A_447, %mul3A_465 : vector<16xf32>
        %scan3A_467 = arith.constant 14 : i32
        %scan3A_468 = arith.addi %scan3A_201, %scan3A_467 : i32
        %add3A_469 = vector.broadcast %scan3A_468 : i32 to vector<16xi32>
        %add3A_470 = arith.addi %iota3A, %add3A_469 : vector<16xi32>
        %and3A_471 = arith.constant 127 : i32
        %and3A_472 = vector.broadcast %and3A_471 : i32 to vector<16xi32>
        %and3A_473 = arith.andi %add3A_470, %and3A_472 : vector<16xi32>
        %mul3A_474 = arith.constant 128 : i32
        %mul3A_475 = vector.broadcast %mul3A_474 : i32 to vector<16xi32>
        %mul3A_476 = arith.muli %add3A_109, %mul3A_475 : vector<16xi32>
        %add3A_477 = arith.addi %mul3A_476, %and3A_473 : vector<16xi32>
        %gather3A_478 = tpu.vector_load_idx %arg8[%add3A_477] : memref<16384xf32, #tpu.memory_space<vmem>>[vector<16xi32>], vector<16xf32>,
        %gather3A_479 = tpu.vector_load_idx %arg10[%add3A_109, %and3A_473] : memref<128x128xf32, #tpu.memory_space<vmem>>[vector<16xi32>, vector<16xi32>], vector<16xf32>,
        %mul3A_480 = arith.mulf %gather3A_478, %gather3A_478 : vector<16xf32>
        %add3A_481 = arith.addf %add3A_462, %mul3A_480 : vector<16xf32>
        %mul3A_482 = arith.mulf %gather3A_478, %gather3A_479 : vector<16xf32>
        %add3A_483 = arith.addf %add3A_464, %mul3A_482 : vector<16xf32>
        %mul3A_484 = arith.mulf %gather3A_479, %gather3A_479 : vector<16xf32>
        %add3A_485 = arith.addf %add3A_466, %mul3A_484 : vector<16xf32>
        %scan3A_486 = arith.constant 15 : i32
        %scan3A_487 = arith.addi %scan3A_201, %scan3A_486 : i32
        %add3A_488 = vector.broadcast %scan3A_487 : i32 to vector<16xi32>
        %add3A_489 = arith.addi %iota3A, %add3A_488 : vector<16xi32>
        %and3A_490 = arith.constant 127 : i32
        %and3A_491 = vector.broadcast %and3A_490 : i32 to vector<16xi32>
        %and3A_492 = arith.andi %add3A_489, %and3A_491 : vector<16xi32>
        %mul3A_493 = arith.constant 128 : i32
        %mul3A_494 = vector.broadcast %mul3A_493 : i32 to vector<16xi32>
        %mul3A_495 = arith.muli %add3A_109, %mul3A_494 : vector<16xi32>
        %add3A_496 = arith.addi %mul3A_495, %and3A_492 : vector<16xi32>
        %gather3A_497 = tpu.vector_load_idx %arg8[%add3A_496] : memref<16384xf32, #tpu.memory_space<vmem>>[vector<16xi32>], vector<16xf32>,
        %gather3A_498 = tpu.vector_load_idx %arg10[%add3A_109, %and3A_492] : memref<128x128xf32, #tpu.memory_space<vmem>>[vector<16xi32>, vector<16xi32>], vector<16xf32>,
        %mul3A_499 = arith.mulf %gather3A_497, %gather3A_497 : vector<16xf32>
        %add3A_500 = arith.addf %add3A_481, %mul3A_499 : vector<16xf32>
        %mul3A_501 = arith.mulf %gather3A_497, %gather3A_498 : vector<16xf32>
        %add3A_502 = arith.addf %add3A_483, %mul3A_501 : vector<16xf32>
        %mul3A_503 = arith.mulf %gather3A_498, %gather3A_498 : vector<16xf32>
        %add3A_504 = arith.addf %add3A_485, %mul3A_503 : vector<16xf32>
        %scan3A_505 = arith.constant 16 : i32
        %scan3A_506 = arith.addi %scan3A_201, %scan3A_505 : i32
        %add3A_507 = vector.broadcast %scan3A_506 : i32 to vector<16xi32>
        %add3A_508 = arith.addi %iota3A, %add3A_507 : vector<16xi32>
        %and3A_509 = arith.constant 127 : i32
        %and3A_510 = vector.broadcast %and3A_509 : i32 to vector<16xi32>
        %and3A_511 = arith.andi %add3A_508, %and3A_510 : vector<16xi32>
        %mul3A_512 = arith.constant 128 : i32
        %mul3A_513 = vector.broadcast %mul3A_512 : i32 to vector<16xi32>
        %mul3A_514 = arith.muli %add3A_109, %mul3A_513 : vector<16xi32>
        %add3A_515 = arith.addi %mul3A_514, %and3A_511 : vector<16xi32>
        %gather3A_516 = tpu.vector_load_idx %arg8[%add3A_515] : memref<16384xf32, #tpu.memory_space<vmem>>[vector<16xi32>], vector<16xf32>,
        %gather3A_517 = tpu.vector_load_idx %arg10[%add3A_109, %and3A_511] : memref<128x128xf32, #tpu.memory_space<vmem>>[vector<16xi32>, vector<16xi32>], vector<16xf32>,
        %mul3A_518 = arith.mulf %gather3A_516, %gather3A_516 : vector<16xf32>
        %add3A_519 = arith.addf %add3A_500, %mul3A_518 : vector<16xf32>
        %mul3A_520 = arith.mulf %gather3A_516, %gather3A_517 : vector<16xf32>
        %add3A_521 = arith.addf %add3A_502, %mul3A_520 : vector<16xf32>
        %mul3A_522 = arith.mulf %gather3A_517, %gather3A_517 : vector<16xf32>
        %add3A_523 = arith.addf %add3A_504, %mul3A_522 : vector<16xf32>
        %scan3A_524 = arith.constant 17 : i32
        %scan3A_525 = arith.addi %scan3A_201, %scan3A_524 : i32
        %add3A_526 = vector.broadcast %scan3A_525 : i32 to vector<16xi32>
        %add3A_527 = arith.addi %iota3A, %add3A_526 : vector<16xi32>
        %and3A_528 = arith.constant 127 : i32
        %and3A_529 = vector.broadcast %and3A_528 : i32 to vector<16xi32>
        %and3A_530 = arith.andi %add3A_527, %and3A_529 : vector<16xi32>
        %mul3A_531 = arith.constant 128 : i32
        %mul3A_532 = vector.broadcast %mul3A_531 : i32 to vector<16xi32>
        %mul3A_533 = arith.muli %add3A_109, %mul3A_532 : vector<16xi32>
        %add3A_534 = arith.addi %mul3A_533, %and3A_530 : vector<16xi32>
        %gather3A_535 = tpu.vector_load_idx %arg8[%add3A_534] : memref<16384xf32, #tpu.memory_space<vmem>>[vector<16xi32>], vector<16xf32>,
        %gather3A_536 = tpu.vector_load_idx %arg10[%add3A_109, %and3A_530] : memref<128x128xf32, #tpu.memory_space<vmem>>[vector<16xi32>, vector<16xi32>], vector<16xf32>,
        %mul3A_537 = arith.mulf %gather3A_535, %gather3A_535 : vector<16xf32>
        %add3A_538 = arith.addf %add3A_519, %mul3A_537 : vector<16xf32>
        %mul3A_539 = arith.mulf %gather3A_535, %gather3A_536 : vector<16xf32>
        %add3A_540 = arith.addf %add3A_521, %mul3A_539 : vector<16xf32>
        %mul3A_541 = arith.mulf %gather3A_536, %gather3A_536 : vector<16xf32>
        %add3A_542 = arith.addf %add3A_523, %mul3A_541 : vector<16xf32>
        %scan3A_543 = arith.constant 18 : i32
        %scan3A_544 = arith.addi %scan3A_201, %scan3A_543 : i32
        %add3A_545 = vector.broadcast %scan3A_544 : i32 to vector<16xi32>
        %add3A_546 = arith.addi %iota3A, %add3A_545 : vector<16xi32>
        %and3A_547 = arith.constant 127 : i32
        %and3A_548 = vector.broadcast %and3A_547 : i32 to vector<16xi32>
        %and3A_549 = arith.andi %add3A_546, %and3A_548 : vector<16xi32>
        %mul3A_550 = arith.constant 128 : i32
        %mul3A_551 = vector.broadcast %mul3A_550 : i32 to vector<16xi32>
        %mul3A_552 = arith.muli %add3A_109, %mul3A_551 : vector<16xi32>
        %add3A_553 = arith.addi %mul3A_552, %and3A_549 : vector<16xi32>
        %gather3A_554 = tpu.vector_load_idx %arg8[%add3A_553] : memref<16384xf32, #tpu.memory_space<vmem>>[vector<16xi32>], vector<16xf32>,
        %gather3A_555 = tpu.vector_load_idx %arg10[%add3A_109, %and3A_549] : memref<128x128xf32, #tpu.memory_space<vmem>>[vector<16xi32>, vector<16xi32>], vector<16xf32>,
        %mul3A_556 = arith.mulf %gather3A_554, %gather3A_554 : vector<16xf32>
        %add3A_557 = arith.addf %add3A_538, %mul3A_556 : vector<16xf32>
        %mul3A_558 = arith.mulf %gather3A_554, %gather3A_555 : vector<16xf32>
        %add3A_559 = arith.addf %add3A_540, %mul3A_558 : vector<16xf32>
        %mul3A_560 = arith.mulf %gather3A_555, %gather3A_555 : vector<16xf32>
        %add3A_561 = arith.addf %add3A_542, %mul3A_560 : vector<16xf32>
        %scan3A_562 = arith.constant 19 : i32
        %scan3A_563 = arith.addi %scan3A_201, %scan3A_562 : i32
        %add3A_564 = vector.broadcast %scan3A_563 : i32 to vector<16xi32>
        %add3A_565 = arith.addi %iota3A, %add3A_564 : vector<16xi32>
        %and3A_566 = arith.constant 127 : i32
        %and3A_567 = vector.broadcast %and3A_566 : i32 to vector<16xi32>
        %and3A_568 = arith.andi %add3A_565, %and3A_567 : vector<16xi32>
        %mul3A_569 = arith.constant 128 : i32
        %mul3A_570 = vector.broadcast %mul3A_569 : i32 to vector<16xi32>
        %mul3A_571 = arith.muli %add3A_109, %mul3A_570 : vector<16xi32>
        %add3A_572 = arith.addi %mul3A_571, %and3A_568 : vector<16xi32>
        %gather3A_573 = tpu.vector_load_idx %arg8[%add3A_572] : memref<16384xf32, #tpu.memory_space<vmem>>[vector<16xi32>], vector<16xf32>,
        %gather3A_574 = tpu.vector_load_idx %arg10[%add3A_109, %and3A_568] : memref<128x128xf32, #tpu.memory_space<vmem>>[vector<16xi32>, vector<16xi32>], vector<16xf32>,
        %mul3A_575 = arith.mulf %gather3A_573, %gather3A_573 : vector<16xf32>
        %add3A_576 = arith.addf %add3A_557, %mul3A_575 : vector<16xf32>
        %mul3A_577 = arith.mulf %gather3A_573, %gather3A_574 : vector<16xf32>
        %add3A_578 = arith.addf %add3A_559, %mul3A_577 : vector<16xf32>
        %mul3A_579 = arith.mulf %gather3A_574, %gather3A_574 : vector<16xf32>
        %add3A_580 = arith.addf %add3A_561, %mul3A_579 : vector<16xf32>
        %scan3A_581 = arith.constant 20 : i32
        %scan3A_582 = arith.addi %scan3A_201, %scan3A_581 : i32
        %add3A_583 = vector.broadcast %scan3A_582 : i32 to vector<16xi32>
        %add3A_584 = arith.addi %iota3A, %add3A_583 : vector<16xi32>
        %and3A_585 = arith.constant 127 : i32
        %and3A_586 = vector.broadcast %and3A_585 : i32 to vector<16xi32>
        %and3A_587 = arith.andi %add3A_584, %and3A_586 : vector<16xi32>
        %mul3A_588 = arith.constant 128 : i32
        %mul3A_589 = vector.broadcast %mul3A_588 : i32 to vector<16xi32>
        %mul3A_590 = arith.muli %add3A_109, %mul3A_589 : vector<16xi32>
        %add3A_591 = arith.addi %mul3A_590, %and3A_587 : vector<16xi32>
        %gather3A_592 = tpu.vector_load_idx %arg8[%add3A_591] : memref<16384xf32, #tpu.memory_space<vmem>>[vector<16xi32>], vector<16xf32>,
        %gather3A_593 = tpu.vector_load_idx %arg10[%add3A_109, %and3A_587] : memref<128x128xf32, #tpu.memory_space<vmem>>[vector<16xi32>, vector<16xi32>], vector<16xf32>,
        %mul3A_594 = arith.mulf %gather3A_592, %gather3A_592 : vector<16xf32>
        %add3A_595 = arith.addf %add3A_576, %mul3A_594 : vector<16xf32>
        %mul3A_596 = arith.mulf %gather3A_592, %gather3A_593 : vector<16xf32>
        %add3A_597 = arith.addf %add3A_578, %mul3A_596 : vector<16xf32>
        %mul3A_598 = arith.mulf %gather3A_593, %gather3A_593 : vector<16xf32>
        %add3A_599 = arith.addf %add3A_580, %mul3A_598 : vector<16xf32>
        %scan3A_600 = arith.constant 21 : i32
        %scan3A_601 = arith.addi %scan3A_201, %scan3A_600 : i32
        %add3A_602 = vector.broadcast %scan3A_601 : i32 to vector<16xi32>
        %add3A_603 = arith.addi %iota3A, %add3A_602 : vector<16xi32>
        %and3A_604 = arith.constant 127 : i32
        %and3A_605 = vector.broadcast %and3A_604 : i32 to vector<16xi32>
        %and3A_606 = arith.andi %add3A_603, %and3A_605 : vector<16xi32>
        %mul3A_607 = arith.constant 128 : i32
        %mul3A_608 = vector.broadcast %mul3A_607 : i32 to vector<16xi32>
        %mul3A_609 = arith.muli %add3A_109, %mul3A_608 : vector<16xi32>
        %add3A_610 = arith.addi %mul3A_609, %and3A_606 : vector<16xi32>
        %gather3A_611 = tpu.vector_load_idx %arg8[%add3A_610] : memref<16384xf32, #tpu.memory_space<vmem>>[vector<16xi32>], vector<16xf32>,
        %gather3A_612 = tpu.vector_load_idx %arg10[%add3A_109, %and3A_606] : memref<128x128xf32, #tpu.memory_space<vmem>>[vector<16xi32>, vector<16xi32>], vector<16xf32>,
        %mul3A_613 = arith.mulf %gather3A_611, %gather3A_611 : vector<16xf32>
        %add3A_614 = arith.addf %add3A_595, %mul3A_613 : vector<16xf32>
        %mul3A_615 = arith.mulf %gather3A_611, %gather3A_612 : vector<16xf32>
        %add3A_616 = arith.addf %add3A_597, %mul3A_615 : vector<16xf32>
        %mul3A_617 = arith.mulf %gather3A_612, %gather3A_612 : vector<16xf32>
        %add3A_618 = arith.addf %add3A_599, %mul3A_617 : vector<16xf32>
        %scan3A_619 = arith.constant 22 : i32
        %scan3A_620 = arith.addi %scan3A_201, %scan3A_619 : i32
        %add3A_621 = vector.broadcast %scan3A_620 : i32 to vector<16xi32>
        %add3A_622 = arith.addi %iota3A, %add3A_621 : vector<16xi32>
        %and3A_623 = arith.constant 127 : i32
        %and3A_624 = vector.broadcast %and3A_623 : i32 to vector<16xi32>
        %and3A_625 = arith.andi %add3A_622, %and3A_624 : vector<16xi32>
        %mul3A_626 = arith.constant 128 : i32
        %mul3A_627 = vector.broadcast %mul3A_626 : i32 to vector<16xi32>
        %mul3A_628 = arith.muli %add3A_109, %mul3A_627 : vector<16xi32>
        %add3A_629 = arith.addi %mul3A_628, %and3A_625 : vector<16xi32>
        %gather3A_630 = tpu.vector_load_idx %arg8[%add3A_629] : memref<16384xf32, #tpu.memory_space<vmem>>[vector<16xi32>], vector<16xf32>,
        %gather3A_631 = tpu.vector_load_idx %arg10[%add3A_109, %and3A_625] : memref<128x128xf32, #tpu.memory_space<vmem>>[vector<16xi32>, vector<16xi32>], vector<16xf32>,
        %mul3A_632 = arith.mulf %gather3A_630, %gather3A_630 : vector<16xf32>
        %add3A_633 = arith.addf %add3A_614, %mul3A_632 : vector<16xf32>
        %mul3A_634 = arith.mulf %gather3A_630, %gather3A_631 : vector<16xf32>
        %add3A_635 = arith.addf %add3A_616, %mul3A_634 : vector<16xf32>
        %mul3A_636 = arith.mulf %gather3A_631, %gather3A_631 : vector<16xf32>
        %add3A_637 = arith.addf %add3A_618, %mul3A_636 : vector<16xf32>
        %scan3A_638 = arith.constant 23 : i32
        %scan3A_639 = arith.addi %scan3A_201, %scan3A_638 : i32
        %add3A_640 = vector.broadcast %scan3A_639 : i32 to vector<16xi32>
        %add3A_641 = arith.addi %iota3A, %add3A_640 : vector<16xi32>
        %and3A_642 = arith.constant 127 : i32
        %and3A_643 = vector.broadcast %and3A_642 : i32 to vector<16xi32>
        %and3A_644 = arith.andi %add3A_641, %and3A_643 : vector<16xi32>
        %mul3A_645 = arith.constant 128 : i32
        %mul3A_646 = vector.broadcast %mul3A_645 : i32 to vector<16xi32>
        %mul3A_647 = arith.muli %add3A_109, %mul3A_646 : vector<16xi32>
        %add3A_648 = arith.addi %mul3A_647, %and3A_644 : vector<16xi32>
        %gather3A_649 = tpu.vector_load_idx %arg8[%add3A_648] : memref<16384xf32, #tpu.memory_space<vmem>>[vector<16xi32>], vector<16xf32>,
        %gather3A_650 = tpu.vector_load_idx %arg10[%add3A_109, %and3A_644] : memref<128x128xf32, #tpu.memory_space<vmem>>[vector<16xi32>, vector<16xi32>], vector<16xf32>,
        %mul3A_651 = arith.mulf %gather3A_649, %gather3A_649 : vector<16xf32>
        %add3A_652 = arith.addf %add3A_633, %mul3A_651 : vector<16xf32>
        %mul3A_653 = arith.mulf %gather3A_649, %gather3A_650 : vector<16xf32>
        %add3A_654 = arith.addf %add3A_635, %mul3A_653 : vector<16xf32>
        %mul3A_655 = arith.mulf %gather3A_650, %gather3A_650 : vector<16xf32>
        %add3A_656 = arith.addf %add3A_637, %mul3A_655 : vector<16xf32>
        %scan3A_657 = arith.constant 24 : i32
        %scan3A_658 = arith.addi %scan3A_201, %scan3A_657 : i32
        %add3A_659 = vector.broadcast %scan3A_658 : i32 to vector<16xi32>
        %add3A_660 = arith.addi %iota3A, %add3A_659 : vector<16xi32>
        %and3A_661 = arith.constant 127 : i32
        %and3A_662 = vector.broadcast %and3A_661 : i32 to vector<16xi32>
        %and3A_663 = arith.andi %add3A_660, %and3A_662 : vector<16xi32>
        %mul3A_664 = arith.constant 128 : i32
        %mul3A_665 = vector.broadcast %mul3A_664 : i32 to vector<16xi32>
        %mul3A_666 = arith.muli %add3A_109, %mul3A_665 : vector<16xi32>
        %add3A_667 = arith.addi %mul3A_666, %and3A_663 : vector<16xi32>
        %gather3A_668 = tpu.vector_load_idx %arg8[%add3A_667] : memref<16384xf32, #tpu.memory_space<vmem>>[vector<16xi32>], vector<16xf32>,
        %gather3A_669 = tpu.vector_load_idx %arg10[%add3A_109, %and3A_663] : memref<128x128xf32, #tpu.memory_space<vmem>>[vector<16xi32>, vector<16xi32>], vector<16xf32>,
        %mul3A_670 = arith.mulf %gather3A_668, %gather3A_668 : vector<16xf32>
        %add3A_671 = arith.addf %add3A_652, %mul3A_670 : vector<16xf32>
        %mul3A_672 = arith.mulf %gather3A_668, %gather3A_669 : vector<16xf32>
        %add3A_673 = arith.addf %add3A_654, %mul3A_672 : vector<16xf32>
        %mul3A_674 = arith.mulf %gather3A_669, %gather3A_669 : vector<16xf32>
        %add3A_675 = arith.addf %add3A_656, %mul3A_674 : vector<16xf32>
        %scan3A_676 = arith.constant 25 : i32
        %scan3A_677 = arith.addi %scan3A_201, %scan3A_676 : i32
        %add3A_678 = vector.broadcast %scan3A_677 : i32 to vector<16xi32>
        %add3A_679 = arith.addi %iota3A, %add3A_678 : vector<16xi32>
        %and3A_680 = arith.constant 127 : i32
        %and3A_681 = vector.broadcast %and3A_680 : i32 to vector<16xi32>
        %and3A_682 = arith.andi %add3A_679, %and3A_681 : vector<16xi32>
        %mul3A_683 = arith.constant 128 : i32
        %mul3A_684 = vector.broadcast %mul3A_683 : i32 to vector<16xi32>
        %mul3A_685 = arith.muli %add3A_109, %mul3A_684 : vector<16xi32>
        %add3A_686 = arith.addi %mul3A_685, %and3A_682 : vector<16xi32>
        %gather3A_687 = tpu.vector_load_idx %arg8[%add3A_686] : memref<16384xf32, #tpu.memory_space<vmem>>[vector<16xi32>], vector<16xf32>,
        %gather3A_688 = tpu.vector_load_idx %arg10[%add3A_109, %and3A_682] : memref<128x128xf32, #tpu.memory_space<vmem>>[vector<16xi32>, vector<16xi32>], vector<16xf32>,
        %mul3A_689 = arith.mulf %gather3A_687, %gather3A_687 : vector<16xf32>
        %add3A_690 = arith.addf %add3A_671, %mul3A_689 : vector<16xf32>
        %mul3A_691 = arith.mulf %gather3A_687, %gather3A_688 : vector<16xf32>
        %add3A_692 = arith.addf %add3A_673, %mul3A_691 : vector<16xf32>
        %mul3A_693 = arith.mulf %gather3A_688, %gather3A_688 : vector<16xf32>
        %add3A_694 = arith.addf %add3A_675, %mul3A_693 : vector<16xf32>
        %scan3A_695 = arith.constant 26 : i32
        %scan3A_696 = arith.addi %scan3A_201, %scan3A_695 : i32
        %add3A_697 = vector.broadcast %scan3A_696 : i32 to vector<16xi32>
        %add3A_698 = arith.addi %iota3A, %add3A_697 : vector<16xi32>
        %and3A_699 = arith.constant 127 : i32
        %and3A_700 = vector.broadcast %and3A_699 : i32 to vector<16xi32>
        %and3A_701 = arith.andi %add3A_698, %and3A_700 : vector<16xi32>
        %mul3A_702 = arith.constant 128 : i32
        %mul3A_703 = vector.broadcast %mul3A_702 : i32 to vector<16xi32>
        %mul3A_704 = arith.muli %add3A_109, %mul3A_703 : vector<16xi32>
        %add3A_705 = arith.addi %mul3A_704, %and3A_701 : vector<16xi32>
        %gather3A_706 = tpu.vector_load_idx %arg8[%add3A_705] : memref<16384xf32, #tpu.memory_space<vmem>>[vector<16xi32>], vector<16xf32>,
        %gather3A_707 = tpu.vector_load_idx %arg10[%add3A_109, %and3A_701] : memref<128x128xf32, #tpu.memory_space<vmem>>[vector<16xi32>, vector<16xi32>], vector<16xf32>,
        %mul3A_708 = arith.mulf %gather3A_706, %gather3A_706 : vector<16xf32>
        %add3A_709 = arith.addf %add3A_690, %mul3A_708 : vector<16xf32>
        %mul3A_710 = arith.mulf %gather3A_706, %gather3A_707 : vector<16xf32>
        %add3A_711 = arith.addf %add3A_692, %mul3A_710 : vector<16xf32>
        %mul3A_712 = arith.mulf %gather3A_707, %gather3A_707 : vector<16xf32>
        %add3A_713 = arith.addf %add3A_694, %mul3A_712 : vector<16xf32>
        %scan3A_714 = arith.constant 27 : i32
        %scan3A_715 = arith.addi %scan3A_201, %scan3A_714 : i32
        %add3A_716 = vector.broadcast %scan3A_715 : i32 to vector<16xi32>
        %add3A_717 = arith.addi %iota3A, %add3A_716 : vector<16xi32>
        %and3A_718 = arith.constant 127 : i32
        %and3A_719 = vector.broadcast %and3A_718 : i32 to vector<16xi32>
        %and3A_720 = arith.andi %add3A_717, %and3A_719 : vector<16xi32>
        %mul3A_721 = arith.constant 128 : i32
        %mul3A_722 = vector.broadcast %mul3A_721 : i32 to vector<16xi32>
        %mul3A_723 = arith.muli %add3A_109, %mul3A_722 : vector<16xi32>
        %add3A_724 = arith.addi %mul3A_723, %and3A_720 : vector<16xi32>
        %gather3A_725 = tpu.vector_load_idx %arg8[%add3A_724] : memref<16384xf32, #tpu.memory_space<vmem>>[vector<16xi32>], vector<16xf32>,
        %gather3A_726 = tpu.vector_load_idx %arg10[%add3A_109, %and3A_720] : memref<128x128xf32, #tpu.memory_space<vmem>>[vector<16xi32>, vector<16xi32>], vector<16xf32>,
        %mul3A_727 = arith.mulf %gather3A_725, %gather3A_725 : vector<16xf32>
        %add3A_728 = arith.addf %add3A_709, %mul3A_727 : vector<16xf32>
        %mul3A_729 = arith.mulf %gather3A_725, %gather3A_726 : vector<16xf32>
        %add3A_730 = arith.addf %add3A_711, %mul3A_729 : vector<16xf32>
        %mul3A_731 = arith.mulf %gather3A_726, %gather3A_726 : vector<16xf32>
        %add3A_732 = arith.addf %add3A_713, %mul3A_731 : vector<16xf32>
        %scan3A_733 = arith.constant 28 : i32
        %scan3A_734 = arith.addi %scan3A_201, %scan3A_733 : i32
        %add3A_735 = vector.broadcast %scan3A_734 : i32 to vector<16xi32>
        %add3A_736 = arith.addi %iota3A, %add3A_735 : vector<16xi32>
        %and3A_737 = arith.constant 127 : i32
        %and3A_738 = vector.broadcast %and3A_737 : i32 to vector<16xi32>
        %and3A_739 = arith.andi %add3A_736, %and3A_738 : vector<16xi32>
        %mul3A_740 = arith.constant 128 : i32
        %mul3A_741 = vector.broadcast %mul3A_740 : i32 to vector<16xi32>
        %mul3A_742 = arith.muli %add3A_109, %mul3A_741 : vector<16xi32>
        %add3A_743 = arith.addi %mul3A_742, %and3A_739 : vector<16xi32>
        %gather3A_744 = tpu.vector_load_idx %arg8[%add3A_743] : memref<16384xf32, #tpu.memory_space<vmem>>[vector<16xi32>], vector<16xf32>,
        %gather3A_745 = tpu.vector_load_idx %arg10[%add3A_109, %and3A_739] : memref<128x128xf32, #tpu.memory_space<vmem>>[vector<16xi32>, vector<16xi32>], vector<16xf32>,
        %mul3A_746 = arith.mulf %gather3A_744, %gather3A_744 : vector<16xf32>
        %add3A_747 = arith.addf %add3A_728, %mul3A_746 : vector<16xf32>
        %mul3A_748 = arith.mulf %gather3A_744, %gather3A_745 : vector<16xf32>
        %add3A_749 = arith.addf %add3A_730, %mul3A_748 : vector<16xf32>
        %mul3A_750 = arith.mulf %gather3A_745, %gather3A_745 : vector<16xf32>
        %add3A_751 = arith.addf %add3A_732, %mul3A_750 : vector<16xf32>
        %scan3A_752 = arith.constant 29 : i32
        %scan3A_753 = arith.addi %scan3A_201, %scan3A_752 : i32
        %add3A_754 = vector.broadcast %scan3A_753 : i32 to vector<16xi32>
        %add3A_755 = arith.addi %iota3A, %add3A_754 : vector<16xi32>
        %and3A_756 = arith.constant 127 : i32
        %and3A_757 = vector.broadcast %and3A_756 : i32 to vector<16xi32>
        %and3A_758 = arith.andi %add3A_755, %and3A_757 : vector<16xi32>
        %mul3A_759 = arith.constant 128 : i32
        %mul3A_760 = vector.broadcast %mul3A_759 : i32 to vector<16xi32>
        %mul3A_761 = arith.muli %add3A_109, %mul3A_760 : vector<16xi32>
        %add3A_762 = arith.addi %mul3A_761, %and3A_758 : vector<16xi32>
        %gather3A_763 = tpu.vector_load_idx %arg8[%add3A_762] : memref<16384xf32, #tpu.memory_space<vmem>>[vector<16xi32>], vector<16xf32>,
        %gather3A_764 = tpu.vector_load_idx %arg10[%add3A_109, %and3A_758] : memref<128x128xf32, #tpu.memory_space<vmem>>[vector<16xi32>, vector<16xi32>], vector<16xf32>,
        %mul3A_765 = arith.mulf %gather3A_763, %gather3A_763 : vector<16xf32>
        %add3A_766 = arith.addf %add3A_747, %mul3A_765 : vector<16xf32>
        %mul3A_767 = arith.mulf %gather3A_763, %gather3A_764 : vector<16xf32>
        %add3A_768 = arith.addf %add3A_749, %mul3A_767 : vector<16xf32>
        %mul3A_769 = arith.mulf %gather3A_764, %gather3A_764 : vector<16xf32>
        %add3A_770 = arith.addf %add3A_751, %mul3A_769 : vector<16xf32>
        %scan3A_771 = arith.constant 30 : i32
        %scan3A_772 = arith.addi %scan3A_201, %scan3A_771 : i32
        %add3A_773 = vector.broadcast %scan3A_772 : i32 to vector<16xi32>
        %add3A_774 = arith.addi %iota3A, %add3A_773 : vector<16xi32>
        %and3A_775 = arith.constant 127 : i32
        %and3A_776 = vector.broadcast %and3A_775 : i32 to vector<16xi32>
        %and3A_777 = arith.andi %add3A_774, %and3A_776 : vector<16xi32>
        %mul3A_778 = arith.constant 128 : i32
        %mul3A_779 = vector.broadcast %mul3A_778 : i32 to vector<16xi32>
        %mul3A_780 = arith.muli %add3A_109, %mul3A_779 : vector<16xi32>
        %add3A_781 = arith.addi %mul3A_780, %and3A_777 : vector<16xi32>
        %gather3A_782 = tpu.vector_load_idx %arg8[%add3A_781] : memref<16384xf32, #tpu.memory_space<vmem>>[vector<16xi32>], vector<16xf32>,
        %gather3A_783 = tpu.vector_load_idx %arg10[%add3A_109, %and3A_777] : memref<128x128xf32, #tpu.memory_space<vmem>>[vector<16xi32>, vector<16xi32>], vector<16xf32>,
        %mul3A_784 = arith.mulf %gather3A_782, %gather3A_782 : vector<16xf32>
        %add3A_785 = arith.addf %add3A_766, %mul3A_784 : vector<16xf32>
        %mul3A_786 = arith.mulf %gather3A_782, %gather3A_783 : vector<16xf32>
        %add3A_787 = arith.addf %add3A_768, %mul3A_786 : vector<16xf32>
        %mul3A_788 = arith.mulf %gather3A_783, %gather3A_783 : vector<16xf32>
        %add3A_789 = arith.addf %add3A_770, %mul3A_788 : vector<16xf32>
        %scan3A_790 = arith.constant 31 : i32
        %scan3A_791 = arith.addi %scan3A_201, %scan3A_790 : i32
        %add3A_792 = vector.broadcast %scan3A_791 : i32 to vector<16xi32>
        %add3A_793 = arith.addi %iota3A, %add3A_792 : vector<16xi32>
        %and3A_794 = arith.constant 127 : i32
        %and3A_795 = vector.broadcast %and3A_794 : i32 to vector<16xi32>
        %and3A_796 = arith.andi %add3A_793, %and3A_795 : vector<16xi32>
        %mul3A_797 = arith.constant 128 : i32
        %mul3A_798 = vector.broadcast %mul3A_797 : i32 to vector<16xi32>
        %mul3A_799 = arith.muli %add3A_109, %mul3A_798 : vector<16xi32>
        %add3A_800 = arith.addi %mul3A_799, %and3A_796 : vector<16xi32>
        %gather3A_801 = tpu.vector_load_idx %arg8[%add3A_800] : memref<16384xf32, #tpu.memory_space<vmem>>[vector<16xi32>], vector<16xf32>,
        %gather3A_802 = tpu.vector_load_idx %arg10[%add3A_109, %and3A_796] : memref<128x128xf32, #tpu.memory_space<vmem>>[vector<16xi32>, vector<16xi32>], vector<16xf32>,
        %mul3A_803 = arith.mulf %gather3A_801, %gather3A_801 : vector<16xf32>
        %add3A_804 = arith.addf %add3A_785, %mul3A_803 : vector<16xf32>
        %mul3A_805 = arith.mulf %gather3A_801, %gather3A_802 : vector<16xf32>
        %add3A_806 = arith.addf %add3A_787, %mul3A_805 : vector<16xf32>
        %mul3A_807 = arith.mulf %gather3A_802, %gather3A_802 : vector<16xf32>
        %add3A_808 = arith.addf %add3A_789, %mul3A_807 : vector<16xf32>
        scf.yield %add3A_804, %add3A_806, %add3A_808 : vector<16xf32>, vector<16xf32>, vector<16xf32>
      }
      %scan3A_120 = arith.constant 128 : i32
      %bitcast3A = vector.bitcast %scan3A_119#0 : vector<16xf32> to vector<16xi32>
      %shift_right_arithmetic3A = arith.constant 1 : i32
      %shift_right_arithmetic3A_121 = vector.broadcast %shift_right_arithmetic3A : i32 to vector<16xi32>
      %shift_right_arithmetic3A_122 = arith.shrsi %bitcast3A, %shift_right_arithmetic3A_121 : vector<16xi32>
      %sub3A = arith.constant 1597463007 : i32
      %sub3A_123 = vector.broadcast %sub3A : i32 to vector<16xi32>
      %sub3A_124 = arith.subi %sub3A_123, %shift_right_arithmetic3A_122 : vector<16xi32>
      %bitcast3A_125 = vector.bitcast %sub3A_124 : vector<16xi32> to vector<16xf32>
      %mul3A_126 = arith.constant 5.000000e-01 : f32
      %mul3A_127 = vector.broadcast %mul3A_126 : f32 to vector<16xf32>
      %mul3A_128 = arith.mulf %mul3A_127, %scan3A_119#0 : vector<16xf32>
      %mul3A_129 = arith.mulf %mul3A_128, %bitcast3A_125 : vector<16xf32>
      %mul3A_130 = arith.mulf %mul3A_129, %bitcast3A_125 : vector<16xf32>
      %sub3A_131 = arith.constant 1.500000e+00 : f32
      %sub3A_132 = vector.broadcast %sub3A_131 : f32 to vector<16xf32>
      %sub3A_133 = arith.subf %sub3A_132, %mul3A_130 : vector<16xf32>
      %mul3A_134 = arith.mulf %bitcast3A_125, %sub3A_133 : vector<16xf32>
      %mul3A_135 = arith.constant 5.000000e-01 : f32
      %mul3A_136 = vector.broadcast %mul3A_135 : f32 to vector<16xf32>
      %mul3A_137 = arith.mulf %mul3A_136, %scan3A_119#0 : vector<16xf32>
      %mul3A_138 = arith.mulf %mul3A_137, %mul3A_134 : vector<16xf32>
      %mul3A_139 = arith.mulf %mul3A_138, %mul3A_134 : vector<16xf32>
      %sub3A_140 = arith.constant 1.500000e+00 : f32
      %sub3A_141 = vector.broadcast %sub3A_140 : f32 to vector<16xf32>
      %sub3A_142 = arith.subf %sub3A_141, %mul3A_139 : vector<16xf32>
      %mul3A_143 = arith.mulf %mul3A_134, %sub3A_142 : vector<16xf32>
      %mul3A_144 = arith.constant 5.000000e-01 : f32
      %mul3A_145 = vector.broadcast %mul3A_144 : f32 to vector<16xf32>
      %mul3A_146 = arith.mulf %mul3A_145, %scan3A_119#0 : vector<16xf32>
      %mul3A_147 = arith.mulf %mul3A_146, %mul3A_143 : vector<16xf32>
      %mul3A_148 = arith.mulf %mul3A_147, %mul3A_143 : vector<16xf32>
      %sub3A_149 = arith.constant 1.500000e+00 : f32
      %sub3A_150 = vector.broadcast %sub3A_149 : f32 to vector<16xf32>
      %sub3A_151 = arith.subf %sub3A_150, %mul3A_148 : vector<16xf32>
      %mul3A_152 = arith.mulf %mul3A_143, %sub3A_151 : vector<16xf32>
      %min3A = arith.constant 9.99999995E+11 : f32
      %min3A_153 = vector.broadcast %min3A : f32 to vector<16xf32>
      %min3A_154 = arith.minimumf %mul3A_152, %min3A_153 : vector<16xf32>
      %mul3A_155 = arith.mulf %scan3A_119#0, %min3A_154 : vector<16xf32>
      %mul3A_156 = arith.mulf %mul3A_155, %min3A_154 : vector<16xf32>
      %mul3A_157 = arith.mulf %scan3A_119#1, %min3A_154 : vector<16xf32>
      %mul3A_158 = arith.constant 2.000000e+00 : f32
      %mul3A_159 = vector.broadcast %mul3A_158 : f32 to vector<16xf32>
      %mul3A_160 = arith.mulf %mul3A_159, %mul3A_157 : vector<16xf32>
      %sub3A_161 = arith.subf %mul3A_156, %mul3A_160 : vector<16xf32>
      %add3A_162 = arith.addf %sub3A_161, %scan3A_119#2 : vector<16xf32>
      %max3A = arith.constant 0.000000e+00 : f32
      %max3A_163 = vector.broadcast %max3A : f32 to vector<16xf32>
      %max3A_164 = arith.maximumf %add3A_162, %max3A_163 : vector<16xf32>
      %bitcast3A_165 = vector.bitcast %max3A_164 : vector<16xf32> to vector<16xi32>
      %shift_right_arithmetic3A_166 = arith.constant 1 : i32
      %shift_right_arithmetic3A_167 = vector.broadcast %shift_right_arithmetic3A_166 : i32 to vector<16xi32>
      %shift_right_arithmetic3A_168 = arith.shrsi %bitcast3A_165, %shift_right_arithmetic3A_167 : vector<16xi32>
      %sub3A_169 = arith.constant 1597463007 : i32
      %sub3A_170 = vector.broadcast %sub3A_169 : i32 to vector<16xi32>
      %sub3A_171 = arith.subi %sub3A_170, %shift_right_arithmetic3A_168 : vector<16xi32>
      %bitcast3A_172 = vector.bitcast %sub3A_171 : vector<16xi32> to vector<16xf32>
      %mul3A_173 = arith.constant 5.000000e-01 : f32
      %mul3A_174 = vector.broadcast %mul3A_173 : f32 to vector<16xf32>
      %mul3A_175 = arith.mulf %mul3A_174, %max3A_164 : vector<16xf32>
      %mul3A_176 = arith.mulf %mul3A_175, %bitcast3A_172 : vector<16xf32>
      %mul3A_177 = arith.mulf %mul3A_176, %bitcast3A_172 : vector<16xf32>
      %sub3A_178 = arith.constant 1.500000e+00 : f32
      %sub3A_179 = vector.broadcast %sub3A_178 : f32 to vector<16xf32>
      %sub3A_180 = arith.subf %sub3A_179, %mul3A_177 : vector<16xf32>
      %mul3A_181 = arith.mulf %bitcast3A_172, %sub3A_180 : vector<16xf32>
      %mul3A_182 = arith.constant 5.000000e-01 : f32
      %mul3A_183 = vector.broadcast %mul3A_182 : f32 to vector<16xf32>
      %mul3A_184 = arith.mulf %mul3A_183, %max3A_164 : vector<16xf32>
      %mul3A_185 = arith.mulf %mul3A_184, %mul3A_181 : vector<16xf32>
      %mul3A_186 = arith.mulf %mul3A_185, %mul3A_181 : vector<16xf32>
      %sub3A_187 = arith.constant 1.500000e+00 : f32
      %sub3A_188 = vector.broadcast %sub3A_187 : f32 to vector<16xf32>
      %sub3A_189 = arith.subf %sub3A_188, %mul3A_186 : vector<16xf32>
      %mul3A_190 = arith.mulf %mul3A_181, %sub3A_189 : vector<16xf32>
      %mul3A_191 = arith.constant 5.000000e-01 : f32
      %mul3A_192 = vector.broadcast %mul3A_191 : f32 to vector<16xf32>
      %mul3A_193 = arith.mulf %mul3A_192, %max3A_164 : vector<16xf32>
      %mul3A_194 = arith.mulf %mul3A_193, %mul3A_190 : vector<16xf32>
      %mul3A_195 = arith.mulf %mul3A_194, %mul3A_190 : vector<16xf32>
      %sub3A_196 = arith.constant 1.500000e+00 : f32
      %sub3A_197 = vector.broadcast %sub3A_196 : f32 to vector<16xf32>
      %sub3A_198 = arith.subf %sub3A_197, %mul3A_195 : vector<16xf32>
      %mul3A_199 = arith.mulf %mul3A_190, %sub3A_198 : vector<16xf32>
      %mul3A_200 = arith.mulf %max3A_164, %mul3A_199 : vector<16xf32>
      tpu.vector_store_idx %arg12[%get3A_114], %mul3A_200 {add = true} : memref<1024xf32, #tpu.memory_space<vmem>>[vector<16xi32>], vector<16xf32>,
      tpu.vector_store_idx %arg13[%get3A_114], %broadcast_in_dim3A_5 {add = true} : memref<1024xf32, #tpu.memory_space<vmem>>[vector<16xi32>], vector<16xf32>,
    }
    %scan3A_91 = arith.constant 8 : i32
    %dma_wait3A_92 = tpu.memref_slice %arg2[%mul3A_71] : memref<2097152xf32, #tpu.memory_space<hbm>> -> memref<16384xf32, #tpu.memory_space<hbm>>
    %dma_wait3A_93 = tpu.memref_slice %arg2[%mul3A_71] : memref<2097152xf32, #tpu.memory_space<hbm>> -> memref<16384xf32, #tpu.memory_space<hbm>>
    tpu.wait_dma2 semaphore(%arg15 : memref<!tpu.dma_semaphore, #tpu.memory_space<semaphore_mem>>) src(%dma_wait3A_93 : memref<16384xf32, #tpu.memory_space<hbm>>) dst(%arg9 : memref<16384xf32, #tpu.memory_space<vmem>>)
    %dma_wait3A_94 = arith.constant 384 : i32
    %dma_wait3A_95 = tpu.memref_slice %arg7[%dma_wait3A_94] : memref<512xi32, #tpu.memory_space<vmem>> -> memref<128xi32, #tpu.memory_space<vmem>>
    %dma_wait3A_96 = arith.constant 0 : i32
    %dma_wait3A_97 = arith.constant 0 : i32
    %dma_wait3A_98 = tpu.memref_slice %arg4[%dma_wait3A_96, %dma_wait3A_97] : memref<1000x128xf32, #tpu.memory_space<hbm>> -> memref<1000x128xf32, #tpu.memory_space<hbm>>
    tpu.wait_indirect_dma semaphore(%arg17 : memref<!tpu.dma_semaphore, #tpu.memory_space<semaphore_mem>>) src(%dma_wait3A_98 : memref<1000x128xf32, #tpu.memory_space<hbm>>) dst(%arg11 : memref<128x128xf32, #tpu.memory_space<vmem>>)
    %scan3A_99 = arith.constant 0 : i32
    %scan3A_100 = arith.constant 0 : i32
    %scan3A_101 = arith.constant 8 : i32
    %scan3A_102 = arith.addi %scan3A_100, %scan3A_101 : i32
    %scan3A_103 = arith.constant 1 : i32
    scf.for %scan3A_105 = %scan3A_100 to %scan3A_102 step %scan3A_103  : i32 {
      %mul3A_106 = arith.constant 16 : i32
      %mul3A_107 = arith.muli %scan3A_105, %mul3A_106 : i32
      %add3A_108 = vector.broadcast %mul3A_107 : i32 to vector<16xi32>
      %add3A_109 = arith.addi %iota3A, %add3A_108 : vector<16xi32>
      %mul3A_110 = arith.constant 16 : i32
      %mul3A_111 = arith.muli %scan3A_105, %mul3A_110 : i32
      %add3A_112 = arith.constant 384 : i32
      %add3A_113 = arith.addi %add3A_112, %mul3A_111 : i32
      %get3A = arith.index_cast %add3A_113 : i32 to index
      %get3A_114 = tpu.vector_load %arg7[%get3A] {strides = array<i32>} : memref<512xi32, #tpu.memory_space<vmem>>, vector<16xi32>,
      %scan3A_115 = arith.constant 0 : i32
      %scan3A_116 = arith.constant 128 : i32
      %scan3A_117 = arith.addi %scan3A_115, %scan3A_116 : i32
      %scan3A_118 = arith.constant 32 : i32
      %scan3A_119:3 = scf.for %scan3A_201 = %scan3A_115 to %scan3A_117 step %scan3A_118 iter_args(%scan3A_202 = %broadcast_in_dim3A_3, %scan3A_203 = %broadcast_in_dim3A_3, %scan3A_204 = %broadcast_in_dim3A_3) -> (vector<16xf32>, vector<16xf32>, vector<16xf32>)  : i32 {
        %add3A_205 = vector.broadcast %scan3A_201 : i32 to vector<16xi32>
        %add3A_206 = arith.addi %iota3A, %add3A_205 : vector<16xi32>
        %and3A = arith.constant 127 : i32
        %and3A_207 = vector.broadcast %and3A : i32 to vector<16xi32>
        %and3A_208 = arith.andi %add3A_206, %and3A_207 : vector<16xi32>
        %mul3A_209 = arith.constant 128 : i32
        %mul3A_210 = vector.broadcast %mul3A_209 : i32 to vector<16xi32>
        %mul3A_211 = arith.muli %add3A_109, %mul3A_210 : vector<16xi32>
        %add3A_212 = arith.addi %mul3A_211, %and3A_208 : vector<16xi32>
        %gather3A = tpu.vector_load_idx %arg9[%add3A_212] : memref<16384xf32, #tpu.memory_space<vmem>>[vector<16xi32>], vector<16xf32>,
        %gather3A_213 = tpu.vector_load_idx %arg11[%add3A_109, %and3A_208] : memref<128x128xf32, #tpu.memory_space<vmem>>[vector<16xi32>, vector<16xi32>], vector<16xf32>,
        %mul3A_214 = arith.mulf %gather3A, %gather3A : vector<16xf32>
        %add3A_215 = arith.addf %scan3A_202, %mul3A_214 : vector<16xf32>
        %mul3A_216 = arith.mulf %gather3A, %gather3A_213 : vector<16xf32>
        %add3A_217 = arith.addf %scan3A_203, %mul3A_216 : vector<16xf32>
        %mul3A_218 = arith.mulf %gather3A_213, %gather3A_213 : vector<16xf32>
        %add3A_219 = arith.addf %scan3A_204, %mul3A_218 : vector<16xf32>
        %scan3A_220 = arith.constant 1 : i32
        %scan3A_221 = arith.addi %scan3A_201, %scan3A_220 : i32
        %add3A_222 = vector.broadcast %scan3A_221 : i32 to vector<16xi32>
        %add3A_223 = arith.addi %iota3A, %add3A_222 : vector<16xi32>
        %and3A_224 = arith.constant 127 : i32
        %and3A_225 = vector.broadcast %and3A_224 : i32 to vector<16xi32>
        %and3A_226 = arith.andi %add3A_223, %and3A_225 : vector<16xi32>
        %mul3A_227 = arith.constant 128 : i32
        %mul3A_228 = vector.broadcast %mul3A_227 : i32 to vector<16xi32>
        %mul3A_229 = arith.muli %add3A_109, %mul3A_228 : vector<16xi32>
        %add3A_230 = arith.addi %mul3A_229, %and3A_226 : vector<16xi32>
        %gather3A_231 = tpu.vector_load_idx %arg9[%add3A_230] : memref<16384xf32, #tpu.memory_space<vmem>>[vector<16xi32>], vector<16xf32>,
        %gather3A_232 = tpu.vector_load_idx %arg11[%add3A_109, %and3A_226] : memref<128x128xf32, #tpu.memory_space<vmem>>[vector<16xi32>, vector<16xi32>], vector<16xf32>,
        %mul3A_233 = arith.mulf %gather3A_231, %gather3A_231 : vector<16xf32>
        %add3A_234 = arith.addf %add3A_215, %mul3A_233 : vector<16xf32>
        %mul3A_235 = arith.mulf %gather3A_231, %gather3A_232 : vector<16xf32>
        %add3A_236 = arith.addf %add3A_217, %mul3A_235 : vector<16xf32>
        %mul3A_237 = arith.mulf %gather3A_232, %gather3A_232 : vector<16xf32>
        %add3A_238 = arith.addf %add3A_219, %mul3A_237 : vector<16xf32>
        %scan3A_239 = arith.constant 2 : i32
        %scan3A_240 = arith.addi %scan3A_201, %scan3A_239 : i32
        %add3A_241 = vector.broadcast %scan3A_240 : i32 to vector<16xi32>
        %add3A_242 = arith.addi %iota3A, %add3A_241 : vector<16xi32>
        %and3A_243 = arith.constant 127 : i32
        %and3A_244 = vector.broadcast %and3A_243 : i32 to vector<16xi32>
        %and3A_245 = arith.andi %add3A_242, %and3A_244 : vector<16xi32>
        %mul3A_246 = arith.constant 128 : i32
        %mul3A_247 = vector.broadcast %mul3A_246 : i32 to vector<16xi32>
        %mul3A_248 = arith.muli %add3A_109, %mul3A_247 : vector<16xi32>
        %add3A_249 = arith.addi %mul3A_248, %and3A_245 : vector<16xi32>
        %gather3A_250 = tpu.vector_load_idx %arg9[%add3A_249] : memref<16384xf32, #tpu.memory_space<vmem>>[vector<16xi32>], vector<16xf32>,
        %gather3A_251 = tpu.vector_load_idx %arg11[%add3A_109, %and3A_245] : memref<128x128xf32, #tpu.memory_space<vmem>>[vector<16xi32>, vector<16xi32>], vector<16xf32>,
        %mul3A_252 = arith.mulf %gather3A_250, %gather3A_250 : vector<16xf32>
        %add3A_253 = arith.addf %add3A_234, %mul3A_252 : vector<16xf32>
        %mul3A_254 = arith.mulf %gather3A_250, %gather3A_251 : vector<16xf32>
        %add3A_255 = arith.addf %add3A_236, %mul3A_254 : vector<16xf32>
        %mul3A_256 = arith.mulf %gather3A_251, %gather3A_251 : vector<16xf32>
        %add3A_257 = arith.addf %add3A_238, %mul3A_256 : vector<16xf32>
        %scan3A_258 = arith.constant 3 : i32
        %scan3A_259 = arith.addi %scan3A_201, %scan3A_258 : i32
        %add3A_260 = vector.broadcast %scan3A_259 : i32 to vector<16xi32>
        %add3A_261 = arith.addi %iota3A, %add3A_260 : vector<16xi32>
        %and3A_262 = arith.constant 127 : i32
        %and3A_263 = vector.broadcast %and3A_262 : i32 to vector<16xi32>
        %and3A_264 = arith.andi %add3A_261, %and3A_263 : vector<16xi32>
        %mul3A_265 = arith.constant 128 : i32
        %mul3A_266 = vector.broadcast %mul3A_265 : i32 to vector<16xi32>
        %mul3A_267 = arith.muli %add3A_109, %mul3A_266 : vector<16xi32>
        %add3A_268 = arith.addi %mul3A_267, %and3A_264 : vector<16xi32>
        %gather3A_269 = tpu.vector_load_idx %arg9[%add3A_268] : memref<16384xf32, #tpu.memory_space<vmem>>[vector<16xi32>], vector<16xf32>,
        %gather3A_270 = tpu.vector_load_idx %arg11[%add3A_109, %and3A_264] : memref<128x128xf32, #tpu.memory_space<vmem>>[vector<16xi32>, vector<16xi32>], vector<16xf32>,
        %mul3A_271 = arith.mulf %gather3A_269, %gather3A_269 : vector<16xf32>
        %add3A_272 = arith.addf %add3A_253, %mul3A_271 : vector<16xf32>
        %mul3A_273 = arith.mulf %gather3A_269, %gather3A_270 : vector<16xf32>
        %add3A_274 = arith.addf %add3A_255, %mul3A_273 : vector<16xf32>
        %mul3A_275 = arith.mulf %gather3A_270, %gather3A_270 : vector<16xf32>
        %add3A_276 = arith.addf %add3A_257, %mul3A_275 : vector<16xf32>
        %scan3A_277 = arith.constant 4 : i32
        %scan3A_278 = arith.addi %scan3A_201, %scan3A_277 : i32
        %add3A_279 = vector.broadcast %scan3A_278 : i32 to vector<16xi32>
        %add3A_280 = arith.addi %iota3A, %add3A_279 : vector<16xi32>
        %and3A_281 = arith.constant 127 : i32
        %and3A_282 = vector.broadcast %and3A_281 : i32 to vector<16xi32>
        %and3A_283 = arith.andi %add3A_280, %and3A_282 : vector<16xi32>
        %mul3A_284 = arith.constant 128 : i32
        %mul3A_285 = vector.broadcast %mul3A_284 : i32 to vector<16xi32>
        %mul3A_286 = arith.muli %add3A_109, %mul3A_285 : vector<16xi32>
        %add3A_287 = arith.addi %mul3A_286, %and3A_283 : vector<16xi32>
        %gather3A_288 = tpu.vector_load_idx %arg9[%add3A_287] : memref<16384xf32, #tpu.memory_space<vmem>>[vector<16xi32>], vector<16xf32>,
        %gather3A_289 = tpu.vector_load_idx %arg11[%add3A_109, %and3A_283] : memref<128x128xf32, #tpu.memory_space<vmem>>[vector<16xi32>, vector<16xi32>], vector<16xf32>,
        %mul3A_290 = arith.mulf %gather3A_288, %gather3A_288 : vector<16xf32>
        %add3A_291 = arith.addf %add3A_272, %mul3A_290 : vector<16xf32>
        %mul3A_292 = arith.mulf %gather3A_288, %gather3A_289 : vector<16xf32>
        %add3A_293 = arith.addf %add3A_274, %mul3A_292 : vector<16xf32>
        %mul3A_294 = arith.mulf %gather3A_289, %gather3A_289 : vector<16xf32>
        %add3A_295 = arith.addf %add3A_276, %mul3A_294 : vector<16xf32>
        %scan3A_296 = arith.constant 5 : i32
        %scan3A_297 = arith.addi %scan3A_201, %scan3A_296 : i32
        %add3A_298 = vector.broadcast %scan3A_297 : i32 to vector<16xi32>
        %add3A_299 = arith.addi %iota3A, %add3A_298 : vector<16xi32>
        %and3A_300 = arith.constant 127 : i32
        %and3A_301 = vector.broadcast %and3A_300 : i32 to vector<16xi32>
        %and3A_302 = arith.andi %add3A_299, %and3A_301 : vector<16xi32>
        %mul3A_303 = arith.constant 128 : i32
        %mul3A_304 = vector.broadcast %mul3A_303 : i32 to vector<16xi32>
        %mul3A_305 = arith.muli %add3A_109, %mul3A_304 : vector<16xi32>
        %add3A_306 = arith.addi %mul3A_305, %and3A_302 : vector<16xi32>
        %gather3A_307 = tpu.vector_load_idx %arg9[%add3A_306] : memref<16384xf32, #tpu.memory_space<vmem>>[vector<16xi32>], vector<16xf32>,
        %gather3A_308 = tpu.vector_load_idx %arg11[%add3A_109, %and3A_302] : memref<128x128xf32, #tpu.memory_space<vmem>>[vector<16xi32>, vector<16xi32>], vector<16xf32>,
        %mul3A_309 = arith.mulf %gather3A_307, %gather3A_307 : vector<16xf32>
        %add3A_310 = arith.addf %add3A_291, %mul3A_309 : vector<16xf32>
        %mul3A_311 = arith.mulf %gather3A_307, %gather3A_308 : vector<16xf32>
        %add3A_312 = arith.addf %add3A_293, %mul3A_311 : vector<16xf32>
        %mul3A_313 = arith.mulf %gather3A_308, %gather3A_308 : vector<16xf32>
        %add3A_314 = arith.addf %add3A_295, %mul3A_313 : vector<16xf32>
        %scan3A_315 = arith.constant 6 : i32
        %scan3A_316 = arith.addi %scan3A_201, %scan3A_315 : i32
        %add3A_317 = vector.broadcast %scan3A_316 : i32 to vector<16xi32>
        %add3A_318 = arith.addi %iota3A, %add3A_317 : vector<16xi32>
        %and3A_319 = arith.constant 127 : i32
        %and3A_320 = vector.broadcast %and3A_319 : i32 to vector<16xi32>
        %and3A_321 = arith.andi %add3A_318, %and3A_320 : vector<16xi32>
        %mul3A_322 = arith.constant 128 : i32
        %mul3A_323 = vector.broadcast %mul3A_322 : i32 to vector<16xi32>
        %mul3A_324 = arith.muli %add3A_109, %mul3A_323 : vector<16xi32>
        %add3A_325 = arith.addi %mul3A_324, %and3A_321 : vector<16xi32>
        %gather3A_326 = tpu.vector_load_idx %arg9[%add3A_325] : memref<16384xf32, #tpu.memory_space<vmem>>[vector<16xi32>], vector<16xf32>,
        %gather3A_327 = tpu.vector_load_idx %arg11[%add3A_109, %and3A_321] : memref<128x128xf32, #tpu.memory_space<vmem>>[vector<16xi32>, vector<16xi32>], vector<16xf32>,
        %mul3A_328 = arith.mulf %gather3A_326, %gather3A_326 : vector<16xf32>
        %add3A_329 = arith.addf %add3A_310, %mul3A_328 : vector<16xf32>
        %mul3A_330 = arith.mulf %gather3A_326, %gather3A_327 : vector<16xf32>
        %add3A_331 = arith.addf %add3A_312, %mul3A_330 : vector<16xf32>
        %mul3A_332 = arith.mulf %gather3A_327, %gather3A_327 : vector<16xf32>
        %add3A_333 = arith.addf %add3A_314, %mul3A_332 : vector<16xf32>
        %scan3A_334 = arith.constant 7 : i32
        %scan3A_335 = arith.addi %scan3A_201, %scan3A_334 : i32
        %add3A_336 = vector.broadcast %scan3A_335 : i32 to vector<16xi32>
        %add3A_337 = arith.addi %iota3A, %add3A_336 : vector<16xi32>
        %and3A_338 = arith.constant 127 : i32
        %and3A_339 = vector.broadcast %and3A_338 : i32 to vector<16xi32>
        %and3A_340 = arith.andi %add3A_337, %and3A_339 : vector<16xi32>
        %mul3A_341 = arith.constant 128 : i32
        %mul3A_342 = vector.broadcast %mul3A_341 : i32 to vector<16xi32>
        %mul3A_343 = arith.muli %add3A_109, %mul3A_342 : vector<16xi32>
        %add3A_344 = arith.addi %mul3A_343, %and3A_340 : vector<16xi32>
        %gather3A_345 = tpu.vector_load_idx %arg9[%add3A_344] : memref<16384xf32, #tpu.memory_space<vmem>>[vector<16xi32>], vector<16xf32>,
        %gather3A_346 = tpu.vector_load_idx %arg11[%add3A_109, %and3A_340] : memref<128x128xf32, #tpu.memory_space<vmem>>[vector<16xi32>, vector<16xi32>], vector<16xf32>,
        %mul3A_347 = arith.mulf %gather3A_345, %gather3A_345 : vector<16xf32>
        %add3A_348 = arith.addf %add3A_329, %mul3A_347 : vector<16xf32>
        %mul3A_349 = arith.mulf %gather3A_345, %gather3A_346 : vector<16xf32>
        %add3A_350 = arith.addf %add3A_331, %mul3A_349 : vector<16xf32>
        %mul3A_351 = arith.mulf %gather3A_346, %gather3A_346 : vector<16xf32>
        %add3A_352 = arith.addf %add3A_333, %mul3A_351 : vector<16xf32>
        %scan3A_353 = arith.constant 8 : i32
        %scan3A_354 = arith.addi %scan3A_201, %scan3A_353 : i32
        %add3A_355 = vector.broadcast %scan3A_354 : i32 to vector<16xi32>
        %add3A_356 = arith.addi %iota3A, %add3A_355 : vector<16xi32>
        %and3A_357 = arith.constant 127 : i32
        %and3A_358 = vector.broadcast %and3A_357 : i32 to vector<16xi32>
        %and3A_359 = arith.andi %add3A_356, %and3A_358 : vector<16xi32>
        %mul3A_360 = arith.constant 128 : i32
        %mul3A_361 = vector.broadcast %mul3A_360 : i32 to vector<16xi32>
        %mul3A_362 = arith.muli %add3A_109, %mul3A_361 : vector<16xi32>
        %add3A_363 = arith.addi %mul3A_362, %and3A_359 : vector<16xi32>
        %gather3A_364 = tpu.vector_load_idx %arg9[%add3A_363] : memref<16384xf32, #tpu.memory_space<vmem>>[vector<16xi32>], vector<16xf32>,
        %gather3A_365 = tpu.vector_load_idx %arg11[%add3A_109, %and3A_359] : memref<128x128xf32, #tpu.memory_space<vmem>>[vector<16xi32>, vector<16xi32>], vector<16xf32>,
        %mul3A_366 = arith.mulf %gather3A_364, %gather3A_364 : vector<16xf32>
        %add3A_367 = arith.addf %add3A_348, %mul3A_366 : vector<16xf32>
        %mul3A_368 = arith.mulf %gather3A_364, %gather3A_365 : vector<16xf32>
        %add3A_369 = arith.addf %add3A_350, %mul3A_368 : vector<16xf32>
        %mul3A_370 = arith.mulf %gather3A_365, %gather3A_365 : vector<16xf32>
        %add3A_371 = arith.addf %add3A_352, %mul3A_370 : vector<16xf32>
        %scan3A_372 = arith.constant 9 : i32
        %scan3A_373 = arith.addi %scan3A_201, %scan3A_372 : i32
        %add3A_374 = vector.broadcast %scan3A_373 : i32 to vector<16xi32>
        %add3A_375 = arith.addi %iota3A, %add3A_374 : vector<16xi32>
        %and3A_376 = arith.constant 127 : i32
        %and3A_377 = vector.broadcast %and3A_376 : i32 to vector<16xi32>
        %and3A_378 = arith.andi %add3A_375, %and3A_377 : vector<16xi32>
        %mul3A_379 = arith.constant 128 : i32
        %mul3A_380 = vector.broadcast %mul3A_379 : i32 to vector<16xi32>
        %mul3A_381 = arith.muli %add3A_109, %mul3A_380 : vector<16xi32>
        %add3A_382 = arith.addi %mul3A_381, %and3A_378 : vector<16xi32>
        %gather3A_383 = tpu.vector_load_idx %arg9[%add3A_382] : memref<16384xf32, #tpu.memory_space<vmem>>[vector<16xi32>], vector<16xf32>,
        %gather3A_384 = tpu.vector_load_idx %arg11[%add3A_109, %and3A_378] : memref<128x128xf32, #tpu.memory_space<vmem>>[vector<16xi32>, vector<16xi32>], vector<16xf32>,
        %mul3A_385 = arith.mulf %gather3A_383, %gather3A_383 : vector<16xf32>
        %add3A_386 = arith.addf %add3A_367, %mul3A_385 : vector<16xf32>
        %mul3A_387 = arith.mulf %gather3A_383, %gather3A_384 : vector<16xf32>
        %add3A_388 = arith.addf %add3A_369, %mul3A_387 : vector<16xf32>
        %mul3A_389 = arith.mulf %gather3A_384, %gather3A_384 : vector<16xf32>
        %add3A_390 = arith.addf %add3A_371, %mul3A_389 : vector<16xf32>
        %scan3A_391 = arith.constant 10 : i32
        %scan3A_392 = arith.addi %scan3A_201, %scan3A_391 : i32
        %add3A_393 = vector.broadcast %scan3A_392 : i32 to vector<16xi32>
        %add3A_394 = arith.addi %iota3A, %add3A_393 : vector<16xi32>
        %and3A_395 = arith.constant 127 : i32
        %and3A_396 = vector.broadcast %and3A_395 : i32 to vector<16xi32>
        %and3A_397 = arith.andi %add3A_394, %and3A_396 : vector<16xi32>
        %mul3A_398 = arith.constant 128 : i32
        %mul3A_399 = vector.broadcast %mul3A_398 : i32 to vector<16xi32>
        %mul3A_400 = arith.muli %add3A_109, %mul3A_399 : vector<16xi32>
        %add3A_401 = arith.addi %mul3A_400, %and3A_397 : vector<16xi32>
        %gather3A_402 = tpu.vector_load_idx %arg9[%add3A_401] : memref<16384xf32, #tpu.memory_space<vmem>>[vector<16xi32>], vector<16xf32>,
        %gather3A_403 = tpu.vector_load_idx %arg11[%add3A_109, %and3A_397] : memref<128x128xf32, #tpu.memory_space<vmem>>[vector<16xi32>, vector<16xi32>], vector<16xf32>,
        %mul3A_404 = arith.mulf %gather3A_402, %gather3A_402 : vector<16xf32>
        %add3A_405 = arith.addf %add3A_386, %mul3A_404 : vector<16xf32>
        %mul3A_406 = arith.mulf %gather3A_402, %gather3A_403 : vector<16xf32>
        %add3A_407 = arith.addf %add3A_388, %mul3A_406 : vector<16xf32>
        %mul3A_408 = arith.mulf %gather3A_403, %gather3A_403 : vector<16xf32>
        %add3A_409 = arith.addf %add3A_390, %mul3A_408 : vector<16xf32>
        %scan3A_410 = arith.constant 11 : i32
        %scan3A_411 = arith.addi %scan3A_201, %scan3A_410 : i32
        %add3A_412 = vector.broadcast %scan3A_411 : i32 to vector<16xi32>
        %add3A_413 = arith.addi %iota3A, %add3A_412 : vector<16xi32>
        %and3A_414 = arith.constant 127 : i32
        %and3A_415 = vector.broadcast %and3A_414 : i32 to vector<16xi32>
        %and3A_416 = arith.andi %add3A_413, %and3A_415 : vector<16xi32>
        %mul3A_417 = arith.constant 128 : i32
        %mul3A_418 = vector.broadcast %mul3A_417 : i32 to vector<16xi32>
        %mul3A_419 = arith.muli %add3A_109, %mul3A_418 : vector<16xi32>
        %add3A_420 = arith.addi %mul3A_419, %and3A_416 : vector<16xi32>
        %gather3A_421 = tpu.vector_load_idx %arg9[%add3A_420] : memref<16384xf32, #tpu.memory_space<vmem>>[vector<16xi32>], vector<16xf32>,
        %gather3A_422 = tpu.vector_load_idx %arg11[%add3A_109, %and3A_416] : memref<128x128xf32, #tpu.memory_space<vmem>>[vector<16xi32>, vector<16xi32>], vector<16xf32>,
        %mul3A_423 = arith.mulf %gather3A_421, %gather3A_421 : vector<16xf32>
        %add3A_424 = arith.addf %add3A_405, %mul3A_423 : vector<16xf32>
        %mul3A_425 = arith.mulf %gather3A_421, %gather3A_422 : vector<16xf32>
        %add3A_426 = arith.addf %add3A_407, %mul3A_425 : vector<16xf32>
        %mul3A_427 = arith.mulf %gather3A_422, %gather3A_422 : vector<16xf32>
        %add3A_428 = arith.addf %add3A_409, %mul3A_427 : vector<16xf32>
        %scan3A_429 = arith.constant 12 : i32
        %scan3A_430 = arith.addi %scan3A_201, %scan3A_429 : i32
        %add3A_431 = vector.broadcast %scan3A_430 : i32 to vector<16xi32>
        %add3A_432 = arith.addi %iota3A, %add3A_431 : vector<16xi32>
        %and3A_433 = arith.constant 127 : i32
        %and3A_434 = vector.broadcast %and3A_433 : i32 to vector<16xi32>
        %and3A_435 = arith.andi %add3A_432, %and3A_434 : vector<16xi32>
        %mul3A_436 = arith.constant 128 : i32
        %mul3A_437 = vector.broadcast %mul3A_436 : i32 to vector<16xi32>
        %mul3A_438 = arith.muli %add3A_109, %mul3A_437 : vector<16xi32>
        %add3A_439 = arith.addi %mul3A_438, %and3A_435 : vector<16xi32>
        %gather3A_440 = tpu.vector_load_idx %arg9[%add3A_439] : memref<16384xf32, #tpu.memory_space<vmem>>[vector<16xi32>], vector<16xf32>,
        %gather3A_441 = tpu.vector_load_idx %arg11[%add3A_109, %and3A_435] : memref<128x128xf32, #tpu.memory_space<vmem>>[vector<16xi32>, vector<16xi32>], vector<16xf32>,
        %mul3A_442 = arith.mulf %gather3A_440, %gather3A_440 : vector<16xf32>
        %add3A_443 = arith.addf %add3A_424, %mul3A_442 : vector<16xf32>
        %mul3A_444 = arith.mulf %gather3A_440, %gather3A_441 : vector<16xf32>
        %add3A_445 = arith.addf %add3A_426, %mul3A_444 : vector<16xf32>
        %mul3A_446 = arith.mulf %gather3A_441, %gather3A_441 : vector<16xf32>
        %add3A_447 = arith.addf %add3A_428, %mul3A_446 : vector<16xf32>
        %scan3A_448 = arith.constant 13 : i32
        %scan3A_449 = arith.addi %scan3A_201, %scan3A_448 : i32
        %add3A_450 = vector.broadcast %scan3A_449 : i32 to vector<16xi32>
        %add3A_451 = arith.addi %iota3A, %add3A_450 : vector<16xi32>
        %and3A_452 = arith.constant 127 : i32
        %and3A_453 = vector.broadcast %and3A_452 : i32 to vector<16xi32>
        %and3A_454 = arith.andi %add3A_451, %and3A_453 : vector<16xi32>
        %mul3A_455 = arith.constant 128 : i32
        %mul3A_456 = vector.broadcast %mul3A_455 : i32 to vector<16xi32>
        %mul3A_457 = arith.muli %add3A_109, %mul3A_456 : vector<16xi32>
        %add3A_458 = arith.addi %mul3A_457, %and3A_454 : vector<16xi32>
        %gather3A_459 = tpu.vector_load_idx %arg9[%add3A_458] : memref<16384xf32, #tpu.memory_space<vmem>>[vector<16xi32>], vector<16xf32>,
        %gather3A_460 = tpu.vector_load_idx %arg11[%add3A_109, %and3A_454] : memref<128x128xf32, #tpu.memory_space<vmem>>[vector<16xi32>, vector<16xi32>], vector<16xf32>,
        %mul3A_461 = arith.mulf %gather3A_459, %gather3A_459 : vector<16xf32>
        %add3A_462 = arith.addf %add3A_443, %mul3A_461 : vector<16xf32>
        %mul3A_463 = arith.mulf %gather3A_459, %gather3A_460 : vector<16xf32>
        %add3A_464 = arith.addf %add3A_445, %mul3A_463 : vector<16xf32>
        %mul3A_465 = arith.mulf %gather3A_460, %gather3A_460 : vector<16xf32>
        %add3A_466 = arith.addf %add3A_447, %mul3A_465 : vector<16xf32>
        %scan3A_467 = arith.constant 14 : i32
        %scan3A_468 = arith.addi %scan3A_201, %scan3A_467 : i32
        %add3A_469 = vector.broadcast %scan3A_468 : i32 to vector<16xi32>
        %add3A_470 = arith.addi %iota3A, %add3A_469 : vector<16xi32>
        %and3A_471 = arith.constant 127 : i32
        %and3A_472 = vector.broadcast %and3A_471 : i32 to vector<16xi32>
        %and3A_473 = arith.andi %add3A_470, %and3A_472 : vector<16xi32>
        %mul3A_474 = arith.constant 128 : i32
        %mul3A_475 = vector.broadcast %mul3A_474 : i32 to vector<16xi32>
        %mul3A_476 = arith.muli %add3A_109, %mul3A_475 : vector<16xi32>
        %add3A_477 = arith.addi %mul3A_476, %and3A_473 : vector<16xi32>
        %gather3A_478 = tpu.vector_load_idx %arg9[%add3A_477] : memref<16384xf32, #tpu.memory_space<vmem>>[vector<16xi32>], vector<16xf32>,
        %gather3A_479 = tpu.vector_load_idx %arg11[%add3A_109, %and3A_473] : memref<128x128xf32, #tpu.memory_space<vmem>>[vector<16xi32>, vector<16xi32>], vector<16xf32>,
        %mul3A_480 = arith.mulf %gather3A_478, %gather3A_478 : vector<16xf32>
        %add3A_481 = arith.addf %add3A_462, %mul3A_480 : vector<16xf32>
        %mul3A_482 = arith.mulf %gather3A_478, %gather3A_479 : vector<16xf32>
        %add3A_483 = arith.addf %add3A_464, %mul3A_482 : vector<16xf32>
        %mul3A_484 = arith.mulf %gather3A_479, %gather3A_479 : vector<16xf32>
        %add3A_485 = arith.addf %add3A_466, %mul3A_484 : vector<16xf32>
        %scan3A_486 = arith.constant 15 : i32
        %scan3A_487 = arith.addi %scan3A_201, %scan3A_486 : i32
        %add3A_488 = vector.broadcast %scan3A_487 : i32 to vector<16xi32>
        %add3A_489 = arith.addi %iota3A, %add3A_488 : vector<16xi32>
        %and3A_490 = arith.constant 127 : i32
        %and3A_491 = vector.broadcast %and3A_490 : i32 to vector<16xi32>
        %and3A_492 = arith.andi %add3A_489, %and3A_491 : vector<16xi32>
        %mul3A_493 = arith.constant 128 : i32
        %mul3A_494 = vector.broadcast %mul3A_493 : i32 to vector<16xi32>
        %mul3A_495 = arith.muli %add3A_109, %mul3A_494 : vector<16xi32>
        %add3A_496 = arith.addi %mul3A_495, %and3A_492 : vector<16xi32>
        %gather3A_497 = tpu.vector_load_idx %arg9[%add3A_496] : memref<16384xf32, #tpu.memory_space<vmem>>[vector<16xi32>], vector<16xf32>,
        %gather3A_498 = tpu.vector_load_idx %arg11[%add3A_109, %and3A_492] : memref<128x128xf32, #tpu.memory_space<vmem>>[vector<16xi32>, vector<16xi32>], vector<16xf32>,
        %mul3A_499 = arith.mulf %gather3A_497, %gather3A_497 : vector<16xf32>
        %add3A_500 = arith.addf %add3A_481, %mul3A_499 : vector<16xf32>
        %mul3A_501 = arith.mulf %gather3A_497, %gather3A_498 : vector<16xf32>
        %add3A_502 = arith.addf %add3A_483, %mul3A_501 : vector<16xf32>
        %mul3A_503 = arith.mulf %gather3A_498, %gather3A_498 : vector<16xf32>
        %add3A_504 = arith.addf %add3A_485, %mul3A_503 : vector<16xf32>
        %scan3A_505 = arith.constant 16 : i32
        %scan3A_506 = arith.addi %scan3A_201, %scan3A_505 : i32
        %add3A_507 = vector.broadcast %scan3A_506 : i32 to vector<16xi32>
        %add3A_508 = arith.addi %iota3A, %add3A_507 : vector<16xi32>
        %and3A_509 = arith.constant 127 : i32
        %and3A_510 = vector.broadcast %and3A_509 : i32 to vector<16xi32>
        %and3A_511 = arith.andi %add3A_508, %and3A_510 : vector<16xi32>
        %mul3A_512 = arith.constant 128 : i32
        %mul3A_513 = vector.broadcast %mul3A_512 : i32 to vector<16xi32>
        %mul3A_514 = arith.muli %add3A_109, %mul3A_513 : vector<16xi32>
        %add3A_515 = arith.addi %mul3A_514, %and3A_511 : vector<16xi32>
        %gather3A_516 = tpu.vector_load_idx %arg9[%add3A_515] : memref<16384xf32, #tpu.memory_space<vmem>>[vector<16xi32>], vector<16xf32>,
        %gather3A_517 = tpu.vector_load_idx %arg11[%add3A_109, %and3A_511] : memref<128x128xf32, #tpu.memory_space<vmem>>[vector<16xi32>, vector<16xi32>], vector<16xf32>,
        %mul3A_518 = arith.mulf %gather3A_516, %gather3A_516 : vector<16xf32>
        %add3A_519 = arith.addf %add3A_500, %mul3A_518 : vector<16xf32>
        %mul3A_520 = arith.mulf %gather3A_516, %gather3A_517 : vector<16xf32>
        %add3A_521 = arith.addf %add3A_502, %mul3A_520 : vector<16xf32>
        %mul3A_522 = arith.mulf %gather3A_517, %gather3A_517 : vector<16xf32>
        %add3A_523 = arith.addf %add3A_504, %mul3A_522 : vector<16xf32>
        %scan3A_524 = arith.constant 17 : i32
        %scan3A_525 = arith.addi %scan3A_201, %scan3A_524 : i32
        %add3A_526 = vector.broadcast %scan3A_525 : i32 to vector<16xi32>
        %add3A_527 = arith.addi %iota3A, %add3A_526 : vector<16xi32>
        %and3A_528 = arith.constant 127 : i32
        %and3A_529 = vector.broadcast %and3A_528 : i32 to vector<16xi32>
        %and3A_530 = arith.andi %add3A_527, %and3A_529 : vector<16xi32>
        %mul3A_531 = arith.constant 128 : i32
        %mul3A_532 = vector.broadcast %mul3A_531 : i32 to vector<16xi32>
        %mul3A_533 = arith.muli %add3A_109, %mul3A_532 : vector<16xi32>
        %add3A_534 = arith.addi %mul3A_533, %and3A_530 : vector<16xi32>
        %gather3A_535 = tpu.vector_load_idx %arg9[%add3A_534] : memref<16384xf32, #tpu.memory_space<vmem>>[vector<16xi32>], vector<16xf32>,
        %gather3A_536 = tpu.vector_load_idx %arg11[%add3A_109, %and3A_530] : memref<128x128xf32, #tpu.memory_space<vmem>>[vector<16xi32>, vector<16xi32>], vector<16xf32>,
        %mul3A_537 = arith.mulf %gather3A_535, %gather3A_535 : vector<16xf32>
        %add3A_538 = arith.addf %add3A_519, %mul3A_537 : vector<16xf32>
        %mul3A_539 = arith.mulf %gather3A_535, %gather3A_536 : vector<16xf32>
        %add3A_540 = arith.addf %add3A_521, %mul3A_539 : vector<16xf32>
        %mul3A_541 = arith.mulf %gather3A_536, %gather3A_536 : vector<16xf32>
        %add3A_542 = arith.addf %add3A_523, %mul3A_541 : vector<16xf32>
        %scan3A_543 = arith.constant 18 : i32
        %scan3A_544 = arith.addi %scan3A_201, %scan3A_543 : i32
        %add3A_545 = vector.broadcast %scan3A_544 : i32 to vector<16xi32>
        %add3A_546 = arith.addi %iota3A, %add3A_545 : vector<16xi32>
        %and3A_547 = arith.constant 127 : i32
        %and3A_548 = vector.broadcast %and3A_547 : i32 to vector<16xi32>
        %and3A_549 = arith.andi %add3A_546, %and3A_548 : vector<16xi32>
        %mul3A_550 = arith.constant 128 : i32
        %mul3A_551 = vector.broadcast %mul3A_550 : i32 to vector<16xi32>
        %mul3A_552 = arith.muli %add3A_109, %mul3A_551 : vector<16xi32>
        %add3A_553 = arith.addi %mul3A_552, %and3A_549 : vector<16xi32>
        %gather3A_554 = tpu.vector_load_idx %arg9[%add3A_553] : memref<16384xf32, #tpu.memory_space<vmem>>[vector<16xi32>], vector<16xf32>,
        %gather3A_555 = tpu.vector_load_idx %arg11[%add3A_109, %and3A_549] : memref<128x128xf32, #tpu.memory_space<vmem>>[vector<16xi32>, vector<16xi32>], vector<16xf32>,
        %mul3A_556 = arith.mulf %gather3A_554, %gather3A_554 : vector<16xf32>
        %add3A_557 = arith.addf %add3A_538, %mul3A_556 : vector<16xf32>
        %mul3A_558 = arith.mulf %gather3A_554, %gather3A_555 : vector<16xf32>
        %add3A_559 = arith.addf %add3A_540, %mul3A_558 : vector<16xf32>
        %mul3A_560 = arith.mulf %gather3A_555, %gather3A_555 : vector<16xf32>
        %add3A_561 = arith.addf %add3A_542, %mul3A_560 : vector<16xf32>
        %scan3A_562 = arith.constant 19 : i32
        %scan3A_563 = arith.addi %scan3A_201, %scan3A_562 : i32
        %add3A_564 = vector.broadcast %scan3A_563 : i32 to vector<16xi32>
        %add3A_565 = arith.addi %iota3A, %add3A_564 : vector<16xi32>
        %and3A_566 = arith.constant 127 : i32
        %and3A_567 = vector.broadcast %and3A_566 : i32 to vector<16xi32>
        %and3A_568 = arith.andi %add3A_565, %and3A_567 : vector<16xi32>
        %mul3A_569 = arith.constant 128 : i32
        %mul3A_570 = vector.broadcast %mul3A_569 : i32 to vector<16xi32>
        %mul3A_571 = arith.muli %add3A_109, %mul3A_570 : vector<16xi32>
        %add3A_572 = arith.addi %mul3A_571, %and3A_568 : vector<16xi32>
        %gather3A_573 = tpu.vector_load_idx %arg9[%add3A_572] : memref<16384xf32, #tpu.memory_space<vmem>>[vector<16xi32>], vector<16xf32>,
        %gather3A_574 = tpu.vector_load_idx %arg11[%add3A_109, %and3A_568] : memref<128x128xf32, #tpu.memory_space<vmem>>[vector<16xi32>, vector<16xi32>], vector<16xf32>,
        %mul3A_575 = arith.mulf %gather3A_573, %gather3A_573 : vector<16xf32>
        %add3A_576 = arith.addf %add3A_557, %mul3A_575 : vector<16xf32>
        %mul3A_577 = arith.mulf %gather3A_573, %gather3A_574 : vector<16xf32>
        %add3A_578 = arith.addf %add3A_559, %mul3A_577 : vector<16xf32>
        %mul3A_579 = arith.mulf %gather3A_574, %gather3A_574 : vector<16xf32>
        %add3A_580 = arith.addf %add3A_561, %mul3A_579 : vector<16xf32>
        %scan3A_581 = arith.constant 20 : i32
        %scan3A_582 = arith.addi %scan3A_201, %scan3A_581 : i32
        %add3A_583 = vector.broadcast %scan3A_582 : i32 to vector<16xi32>
        %add3A_584 = arith.addi %iota3A, %add3A_583 : vector<16xi32>
        %and3A_585 = arith.constant 127 : i32
        %and3A_586 = vector.broadcast %and3A_585 : i32 to vector<16xi32>
        %and3A_587 = arith.andi %add3A_584, %and3A_586 : vector<16xi32>
        %mul3A_588 = arith.constant 128 : i32
        %mul3A_589 = vector.broadcast %mul3A_588 : i32 to vector<16xi32>
        %mul3A_590 = arith.muli %add3A_109, %mul3A_589 : vector<16xi32>
        %add3A_591 = arith.addi %mul3A_590, %and3A_587 : vector<16xi32>
        %gather3A_592 = tpu.vector_load_idx %arg9[%add3A_591] : memref<16384xf32, #tpu.memory_space<vmem>>[vector<16xi32>], vector<16xf32>,
        %gather3A_593 = tpu.vector_load_idx %arg11[%add3A_109, %and3A_587] : memref<128x128xf32, #tpu.memory_space<vmem>>[vector<16xi32>, vector<16xi32>], vector<16xf32>,
        %mul3A_594 = arith.mulf %gather3A_592, %gather3A_592 : vector<16xf32>
        %add3A_595 = arith.addf %add3A_576, %mul3A_594 : vector<16xf32>
        %mul3A_596 = arith.mulf %gather3A_592, %gather3A_593 : vector<16xf32>
        %add3A_597 = arith.addf %add3A_578, %mul3A_596 : vector<16xf32>
        %mul3A_598 = arith.mulf %gather3A_593, %gather3A_593 : vector<16xf32>
        %add3A_599 = arith.addf %add3A_580, %mul3A_598 : vector<16xf32>
        %scan3A_600 = arith.constant 21 : i32
        %scan3A_601 = arith.addi %scan3A_201, %scan3A_600 : i32
        %add3A_602 = vector.broadcast %scan3A_601 : i32 to vector<16xi32>
        %add3A_603 = arith.addi %iota3A, %add3A_602 : vector<16xi32>
        %and3A_604 = arith.constant 127 : i32
        %and3A_605 = vector.broadcast %and3A_604 : i32 to vector<16xi32>
        %and3A_606 = arith.andi %add3A_603, %and3A_605 : vector<16xi32>
        %mul3A_607 = arith.constant 128 : i32
        %mul3A_608 = vector.broadcast %mul3A_607 : i32 to vector<16xi32>
        %mul3A_609 = arith.muli %add3A_109, %mul3A_608 : vector<16xi32>
        %add3A_610 = arith.addi %mul3A_609, %and3A_606 : vector<16xi32>
        %gather3A_611 = tpu.vector_load_idx %arg9[%add3A_610] : memref<16384xf32, #tpu.memory_space<vmem>>[vector<16xi32>], vector<16xf32>,
        %gather3A_612 = tpu.vector_load_idx %arg11[%add3A_109, %and3A_606] : memref<128x128xf32, #tpu.memory_space<vmem>>[vector<16xi32>, vector<16xi32>], vector<16xf32>,
        %mul3A_613 = arith.mulf %gather3A_611, %gather3A_611 : vector<16xf32>
        %add3A_614 = arith.addf %add3A_595, %mul3A_613 : vector<16xf32>
        %mul3A_615 = arith.mulf %gather3A_611, %gather3A_612 : vector<16xf32>
        %add3A_616 = arith.addf %add3A_597, %mul3A_615 : vector<16xf32>
        %mul3A_617 = arith.mulf %gather3A_612, %gather3A_612 : vector<16xf32>
        %add3A_618 = arith.addf %add3A_599, %mul3A_617 : vector<16xf32>
        %scan3A_619 = arith.constant 22 : i32
        %scan3A_620 = arith.addi %scan3A_201, %scan3A_619 : i32
        %add3A_621 = vector.broadcast %scan3A_620 : i32 to vector<16xi32>
        %add3A_622 = arith.addi %iota3A, %add3A_621 : vector<16xi32>
        %and3A_623 = arith.constant 127 : i32
        %and3A_624 = vector.broadcast %and3A_623 : i32 to vector<16xi32>
        %and3A_625 = arith.andi %add3A_622, %and3A_624 : vector<16xi32>
        %mul3A_626 = arith.constant 128 : i32
        %mul3A_627 = vector.broadcast %mul3A_626 : i32 to vector<16xi32>
        %mul3A_628 = arith.muli %add3A_109, %mul3A_627 : vector<16xi32>
        %add3A_629 = arith.addi %mul3A_628, %and3A_625 : vector<16xi32>
        %gather3A_630 = tpu.vector_load_idx %arg9[%add3A_629] : memref<16384xf32, #tpu.memory_space<vmem>>[vector<16xi32>], vector<16xf32>,
        %gather3A_631 = tpu.vector_load_idx %arg11[%add3A_109, %and3A_625] : memref<128x128xf32, #tpu.memory_space<vmem>>[vector<16xi32>, vector<16xi32>], vector<16xf32>,
        %mul3A_632 = arith.mulf %gather3A_630, %gather3A_630 : vector<16xf32>
        %add3A_633 = arith.addf %add3A_614, %mul3A_632 : vector<16xf32>
        %mul3A_634 = arith.mulf %gather3A_630, %gather3A_631 : vector<16xf32>
        %add3A_635 = arith.addf %add3A_616, %mul3A_634 : vector<16xf32>
        %mul3A_636 = arith.mulf %gather3A_631, %gather3A_631 : vector<16xf32>
        %add3A_637 = arith.addf %add3A_618, %mul3A_636 : vector<16xf32>
        %scan3A_638 = arith.constant 23 : i32
        %scan3A_639 = arith.addi %scan3A_201, %scan3A_638 : i32
        %add3A_640 = vector.broadcast %scan3A_639 : i32 to vector<16xi32>
        %add3A_641 = arith.addi %iota3A, %add3A_640 : vector<16xi32>
        %and3A_642 = arith.constant 127 : i32
        %and3A_643 = vector.broadcast %and3A_642 : i32 to vector<16xi32>
        %and3A_644 = arith.andi %add3A_641, %and3A_643 : vector<16xi32>
        %mul3A_645 = arith.constant 128 : i32
        %mul3A_646 = vector.broadcast %mul3A_645 : i32 to vector<16xi32>
        %mul3A_647 = arith.muli %add3A_109, %mul3A_646 : vector<16xi32>
        %add3A_648 = arith.addi %mul3A_647, %and3A_644 : vector<16xi32>
        %gather3A_649 = tpu.vector_load_idx %arg9[%add3A_648] : memref<16384xf32, #tpu.memory_space<vmem>>[vector<16xi32>], vector<16xf32>,
        %gather3A_650 = tpu.vector_load_idx %arg11[%add3A_109, %and3A_644] : memref<128x128xf32, #tpu.memory_space<vmem>>[vector<16xi32>, vector<16xi32>], vector<16xf32>,
        %mul3A_651 = arith.mulf %gather3A_649, %gather3A_649 : vector<16xf32>
        %add3A_652 = arith.addf %add3A_633, %mul3A_651 : vector<16xf32>
        %mul3A_653 = arith.mulf %gather3A_649, %gather3A_650 : vector<16xf32>
        %add3A_654 = arith.addf %add3A_635, %mul3A_653 : vector<16xf32>
        %mul3A_655 = arith.mulf %gather3A_650, %gather3A_650 : vector<16xf32>
        %add3A_656 = arith.addf %add3A_637, %mul3A_655 : vector<16xf32>
        %scan3A_657 = arith.constant 24 : i32
        %scan3A_658 = arith.addi %scan3A_201, %scan3A_657 : i32
        %add3A_659 = vector.broadcast %scan3A_658 : i32 to vector<16xi32>
        %add3A_660 = arith.addi %iota3A, %add3A_659 : vector<16xi32>
        %and3A_661 = arith.constant 127 : i32
        %and3A_662 = vector.broadcast %and3A_661 : i32 to vector<16xi32>
        %and3A_663 = arith.andi %add3A_660, %and3A_662 : vector<16xi32>
        %mul3A_664 = arith.constant 128 : i32
        %mul3A_665 = vector.broadcast %mul3A_664 : i32 to vector<16xi32>
        %mul3A_666 = arith.muli %add3A_109, %mul3A_665 : vector<16xi32>
        %add3A_667 = arith.addi %mul3A_666, %and3A_663 : vector<16xi32>
        %gather3A_668 = tpu.vector_load_idx %arg9[%add3A_667] : memref<16384xf32, #tpu.memory_space<vmem>>[vector<16xi32>], vector<16xf32>,
        %gather3A_669 = tpu.vector_load_idx %arg11[%add3A_109, %and3A_663] : memref<128x128xf32, #tpu.memory_space<vmem>>[vector<16xi32>, vector<16xi32>], vector<16xf32>,
        %mul3A_670 = arith.mulf %gather3A_668, %gather3A_668 : vector<16xf32>
        %add3A_671 = arith.addf %add3A_652, %mul3A_670 : vector<16xf32>
        %mul3A_672 = arith.mulf %gather3A_668, %gather3A_669 : vector<16xf32>
        %add3A_673 = arith.addf %add3A_654, %mul3A_672 : vector<16xf32>
        %mul3A_674 = arith.mulf %gather3A_669, %gather3A_669 : vector<16xf32>
        %add3A_675 = arith.addf %add3A_656, %mul3A_674 : vector<16xf32>
        %scan3A_676 = arith.constant 25 : i32
        %scan3A_677 = arith.addi %scan3A_201, %scan3A_676 : i32
        %add3A_678 = vector.broadcast %scan3A_677 : i32 to vector<16xi32>
        %add3A_679 = arith.addi %iota3A, %add3A_678 : vector<16xi32>
        %and3A_680 = arith.constant 127 : i32
        %and3A_681 = vector.broadcast %and3A_680 : i32 to vector<16xi32>
        %and3A_682 = arith.andi %add3A_679, %and3A_681 : vector<16xi32>
        %mul3A_683 = arith.constant 128 : i32
        %mul3A_684 = vector.broadcast %mul3A_683 : i32 to vector<16xi32>
        %mul3A_685 = arith.muli %add3A_109, %mul3A_684 : vector<16xi32>
        %add3A_686 = arith.addi %mul3A_685, %and3A_682 : vector<16xi32>
        %gather3A_687 = tpu.vector_load_idx %arg9[%add3A_686] : memref<16384xf32, #tpu.memory_space<vmem>>[vector<16xi32>], vector<16xf32>,
        %gather3A_688 = tpu.vector_load_idx %arg11[%add3A_109, %and3A_682] : memref<128x128xf32, #tpu.memory_space<vmem>>[vector<16xi32>, vector<16xi32>], vector<16xf32>,
        %mul3A_689 = arith.mulf %gather3A_687, %gather3A_687 : vector<16xf32>
        %add3A_690 = arith.addf %add3A_671, %mul3A_689 : vector<16xf32>
        %mul3A_691 = arith.mulf %gather3A_687, %gather3A_688 : vector<16xf32>
        %add3A_692 = arith.addf %add3A_673, %mul3A_691 : vector<16xf32>
        %mul3A_693 = arith.mulf %gather3A_688, %gather3A_688 : vector<16xf32>
        %add3A_694 = arith.addf %add3A_675, %mul3A_693 : vector<16xf32>
        %scan3A_695 = arith.constant 26 : i32
        %scan3A_696 = arith.addi %scan3A_201, %scan3A_695 : i32
        %add3A_697 = vector.broadcast %scan3A_696 : i32 to vector<16xi32>
        %add3A_698 = arith.addi %iota3A, %add3A_697 : vector<16xi32>
        %and3A_699 = arith.constant 127 : i32
        %and3A_700 = vector.broadcast %and3A_699 : i32 to vector<16xi32>
        %and3A_701 = arith.andi %add3A_698, %and3A_700 : vector<16xi32>
        %mul3A_702 = arith.constant 128 : i32
        %mul3A_703 = vector.broadcast %mul3A_702 : i32 to vector<16xi32>
        %mul3A_704 = arith.muli %add3A_109, %mul3A_703 : vector<16xi32>
        %add3A_705 = arith.addi %mul3A_704, %and3A_701 : vector<16xi32>
        %gather3A_706 = tpu.vector_load_idx %arg9[%add3A_705] : memref<16384xf32, #tpu.memory_space<vmem>>[vector<16xi32>], vector<16xf32>,
        %gather3A_707 = tpu.vector_load_idx %arg11[%add3A_109, %and3A_701] : memref<128x128xf32, #tpu.memory_space<vmem>>[vector<16xi32>, vector<16xi32>], vector<16xf32>,
        %mul3A_708 = arith.mulf %gather3A_706, %gather3A_706 : vector<16xf32>
        %add3A_709 = arith.addf %add3A_690, %mul3A_708 : vector<16xf32>
        %mul3A_710 = arith.mulf %gather3A_706, %gather3A_707 : vector<16xf32>
        %add3A_711 = arith.addf %add3A_692, %mul3A_710 : vector<16xf32>
        %mul3A_712 = arith.mulf %gather3A_707, %gather3A_707 : vector<16xf32>
        %add3A_713 = arith.addf %add3A_694, %mul3A_712 : vector<16xf32>
        %scan3A_714 = arith.constant 27 : i32
        %scan3A_715 = arith.addi %scan3A_201, %scan3A_714 : i32
        %add3A_716 = vector.broadcast %scan3A_715 : i32 to vector<16xi32>
        %add3A_717 = arith.addi %iota3A, %add3A_716 : vector<16xi32>
        %and3A_718 = arith.constant 127 : i32
        %and3A_719 = vector.broadcast %and3A_718 : i32 to vector<16xi32>
        %and3A_720 = arith.andi %add3A_717, %and3A_719 : vector<16xi32>
        %mul3A_721 = arith.constant 128 : i32
        %mul3A_722 = vector.broadcast %mul3A_721 : i32 to vector<16xi32>
        %mul3A_723 = arith.muli %add3A_109, %mul3A_722 : vector<16xi32>
        %add3A_724 = arith.addi %mul3A_723, %and3A_720 : vector<16xi32>
        %gather3A_725 = tpu.vector_load_idx %arg9[%add3A_724] : memref<16384xf32, #tpu.memory_space<vmem>>[vector<16xi32>], vector<16xf32>,
        %gather3A_726 = tpu.vector_load_idx %arg11[%add3A_109, %and3A_720] : memref<128x128xf32, #tpu.memory_space<vmem>>[vector<16xi32>, vector<16xi32>], vector<16xf32>,
        %mul3A_727 = arith.mulf %gather3A_725, %gather3A_725 : vector<16xf32>
        %add3A_728 = arith.addf %add3A_709, %mul3A_727 : vector<16xf32>
        %mul3A_729 = arith.mulf %gather3A_725, %gather3A_726 : vector<16xf32>
        %add3A_730 = arith.addf %add3A_711, %mul3A_729 : vector<16xf32>
        %mul3A_731 = arith.mulf %gather3A_726, %gather3A_726 : vector<16xf32>
        %add3A_732 = arith.addf %add3A_713, %mul3A_731 : vector<16xf32>
        %scan3A_733 = arith.constant 28 : i32
        %scan3A_734 = arith.addi %scan3A_201, %scan3A_733 : i32
        %add3A_735 = vector.broadcast %scan3A_734 : i32 to vector<16xi32>
        %add3A_736 = arith.addi %iota3A, %add3A_735 : vector<16xi32>
        %and3A_737 = arith.constant 127 : i32
        %and3A_738 = vector.broadcast %and3A_737 : i32 to vector<16xi32>
        %and3A_739 = arith.andi %add3A_736, %and3A_738 : vector<16xi32>
        %mul3A_740 = arith.constant 128 : i32
        %mul3A_741 = vector.broadcast %mul3A_740 : i32 to vector<16xi32>
        %mul3A_742 = arith.muli %add3A_109, %mul3A_741 : vector<16xi32>
        %add3A_743 = arith.addi %mul3A_742, %and3A_739 : vector<16xi32>
        %gather3A_744 = tpu.vector_load_idx %arg9[%add3A_743] : memref<16384xf32, #tpu.memory_space<vmem>>[vector<16xi32>], vector<16xf32>,
        %gather3A_745 = tpu.vector_load_idx %arg11[%add3A_109, %and3A_739] : memref<128x128xf32, #tpu.memory_space<vmem>>[vector<16xi32>, vector<16xi32>], vector<16xf32>,
        %mul3A_746 = arith.mulf %gather3A_744, %gather3A_744 : vector<16xf32>
        %add3A_747 = arith.addf %add3A_728, %mul3A_746 : vector<16xf32>
        %mul3A_748 = arith.mulf %gather3A_744, %gather3A_745 : vector<16xf32>
        %add3A_749 = arith.addf %add3A_730, %mul3A_748 : vector<16xf32>
        %mul3A_750 = arith.mulf %gather3A_745, %gather3A_745 : vector<16xf32>
        %add3A_751 = arith.addf %add3A_732, %mul3A_750 : vector<16xf32>
        %scan3A_752 = arith.constant 29 : i32
        %scan3A_753 = arith.addi %scan3A_201, %scan3A_752 : i32
        %add3A_754 = vector.broadcast %scan3A_753 : i32 to vector<16xi32>
        %add3A_755 = arith.addi %iota3A, %add3A_754 : vector<16xi32>
        %and3A_756 = arith.constant 127 : i32
        %and3A_757 = vector.broadcast %and3A_756 : i32 to vector<16xi32>
        %and3A_758 = arith.andi %add3A_755, %and3A_757 : vector<16xi32>
        %mul3A_759 = arith.constant 128 : i32
        %mul3A_760 = vector.broadcast %mul3A_759 : i32 to vector<16xi32>
        %mul3A_761 = arith.muli %add3A_109, %mul3A_760 : vector<16xi32>
        %add3A_762 = arith.addi %mul3A_761, %and3A_758 : vector<16xi32>
        %gather3A_763 = tpu.vector_load_idx %arg9[%add3A_762] : memref<16384xf32, #tpu.memory_space<vmem>>[vector<16xi32>], vector<16xf32>,
        %gather3A_764 = tpu.vector_load_idx %arg11[%add3A_109, %and3A_758] : memref<128x128xf32, #tpu.memory_space<vmem>>[vector<16xi32>, vector<16xi32>], vector<16xf32>,
        %mul3A_765 = arith.mulf %gather3A_763, %gather3A_763 : vector<16xf32>
        %add3A_766 = arith.addf %add3A_747, %mul3A_765 : vector<16xf32>
        %mul3A_767 = arith.mulf %gather3A_763, %gather3A_764 : vector<16xf32>
        %add3A_768 = arith.addf %add3A_749, %mul3A_767 : vector<16xf32>
        %mul3A_769 = arith.mulf %gather3A_764, %gather3A_764 : vector<16xf32>
        %add3A_770 = arith.addf %add3A_751, %mul3A_769 : vector<16xf32>
        %scan3A_771 = arith.constant 30 : i32
        %scan3A_772 = arith.addi %scan3A_201, %scan3A_771 : i32
        %add3A_773 = vector.broadcast %scan3A_772 : i32 to vector<16xi32>
        %add3A_774 = arith.addi %iota3A, %add3A_773 : vector<16xi32>
        %and3A_775 = arith.constant 127 : i32
        %and3A_776 = vector.broadcast %and3A_775 : i32 to vector<16xi32>
        %and3A_777 = arith.andi %add3A_774, %and3A_776 : vector<16xi32>
        %mul3A_778 = arith.constant 128 : i32
        %mul3A_779 = vector.broadcast %mul3A_778 : i32 to vector<16xi32>
        %mul3A_780 = arith.muli %add3A_109, %mul3A_779 : vector<16xi32>
        %add3A_781 = arith.addi %mul3A_780, %and3A_777 : vector<16xi32>
        %gather3A_782 = tpu.vector_load_idx %arg9[%add3A_781] : memref<16384xf32, #tpu.memory_space<vmem>>[vector<16xi32>], vector<16xf32>,
        %gather3A_783 = tpu.vector_load_idx %arg11[%add3A_109, %and3A_777] : memref<128x128xf32, #tpu.memory_space<vmem>>[vector<16xi32>, vector<16xi32>], vector<16xf32>,
        %mul3A_784 = arith.mulf %gather3A_782, %gather3A_782 : vector<16xf32>
        %add3A_785 = arith.addf %add3A_766, %mul3A_784 : vector<16xf32>
        %mul3A_786 = arith.mulf %gather3A_782, %gather3A_783 : vector<16xf32>
        %add3A_787 = arith.addf %add3A_768, %mul3A_786 : vector<16xf32>
        %mul3A_788 = arith.mulf %gather3A_783, %gather3A_783 : vector<16xf32>
        %add3A_789 = arith.addf %add3A_770, %mul3A_788 : vector<16xf32>
        %scan3A_790 = arith.constant 31 : i32
        %scan3A_791 = arith.addi %scan3A_201, %scan3A_790 : i32
        %add3A_792 = vector.broadcast %scan3A_791 : i32 to vector<16xi32>
        %add3A_793 = arith.addi %iota3A, %add3A_792 : vector<16xi32>
        %and3A_794 = arith.constant 127 : i32
        %and3A_795 = vector.broadcast %and3A_794 : i32 to vector<16xi32>
        %and3A_796 = arith.andi %add3A_793, %and3A_795 : vector<16xi32>
        %mul3A_797 = arith.constant 128 : i32
        %mul3A_798 = vector.broadcast %mul3A_797 : i32 to vector<16xi32>
        %mul3A_799 = arith.muli %add3A_109, %mul3A_798 : vector<16xi32>
        %add3A_800 = arith.addi %mul3A_799, %and3A_796 : vector<16xi32>
        %gather3A_801 = tpu.vector_load_idx %arg9[%add3A_800] : memref<16384xf32, #tpu.memory_space<vmem>>[vector<16xi32>], vector<16xf32>,
        %gather3A_802 = tpu.vector_load_idx %arg11[%add3A_109, %and3A_796] : memref<128x128xf32, #tpu.memory_space<vmem>>[vector<16xi32>, vector<16xi32>], vector<16xf32>,
        %mul3A_803 = arith.mulf %gather3A_801, %gather3A_801 : vector<16xf32>
        %add3A_804 = arith.addf %add3A_785, %mul3A_803 : vector<16xf32>
        %mul3A_805 = arith.mulf %gather3A_801, %gather3A_802 : vector<16xf32>
        %add3A_806 = arith.addf %add3A_787, %mul3A_805 : vector<16xf32>
        %mul3A_807 = arith.mulf %gather3A_802, %gather3A_802 : vector<16xf32>
        %add3A_808 = arith.addf %add3A_789, %mul3A_807 : vector<16xf32>
        scf.yield %add3A_804, %add3A_806, %add3A_808 : vector<16xf32>, vector<16xf32>, vector<16xf32>
      }
      %scan3A_120 = arith.constant 128 : i32
      %bitcast3A = vector.bitcast %scan3A_119#0 : vector<16xf32> to vector<16xi32>
      %shift_right_arithmetic3A = arith.constant 1 : i32
      %shift_right_arithmetic3A_121 = vector.broadcast %shift_right_arithmetic3A : i32 to vector<16xi32>
      %shift_right_arithmetic3A_122 = arith.shrsi %bitcast3A, %shift_right_arithmetic3A_121 : vector<16xi32>
      %sub3A = arith.constant 1597463007 : i32
      %sub3A_123 = vector.broadcast %sub3A : i32 to vector<16xi32>
      %sub3A_124 = arith.subi %sub3A_123, %shift_right_arithmetic3A_122 : vector<16xi32>
      %bitcast3A_125 = vector.bitcast %sub3A_124 : vector<16xi32> to vector<16xf32>
      %mul3A_126 = arith.constant 5.000000e-01 : f32
      %mul3A_127 = vector.broadcast %mul3A_126 : f32 to vector<16xf32>
      %mul3A_128 = arith.mulf %mul3A_127, %scan3A_119#0 : vector<16xf32>
      %mul3A_129 = arith.mulf %mul3A_128, %bitcast3A_125 : vector<16xf32>
      %mul3A_130 = arith.mulf %mul3A_129, %bitcast3A_125 : vector<16xf32>
      %sub3A_131 = arith.constant 1.500000e+00 : f32
      %sub3A_132 = vector.broadcast %sub3A_131 : f32 to vector<16xf32>
      %sub3A_133 = arith.subf %sub3A_132, %mul3A_130 : vector<16xf32>
      %mul3A_134 = arith.mulf %bitcast3A_125, %sub3A_133 : vector<16xf32>
      %mul3A_135 = arith.constant 5.000000e-01 : f32
      %mul3A_136 = vector.broadcast %mul3A_135 : f32 to vector<16xf32>
      %mul3A_137 = arith.mulf %mul3A_136, %scan3A_119#0 : vector<16xf32>
      %mul3A_138 = arith.mulf %mul3A_137, %mul3A_134 : vector<16xf32>
      %mul3A_139 = arith.mulf %mul3A_138, %mul3A_134 : vector<16xf32>
      %sub3A_140 = arith.constant 1.500000e+00 : f32
      %sub3A_141 = vector.broadcast %sub3A_140 : f32 to vector<16xf32>
      %sub3A_142 = arith.subf %sub3A_141, %mul3A_139 : vector<16xf32>
      %mul3A_143 = arith.mulf %mul3A_134, %sub3A_142 : vector<16xf32>
      %mul3A_144 = arith.constant 5.000000e-01 : f32
      %mul3A_145 = vector.broadcast %mul3A_144 : f32 to vector<16xf32>
      %mul3A_146 = arith.mulf %mul3A_145, %scan3A_119#0 : vector<16xf32>
      %mul3A_147 = arith.mulf %mul3A_146, %mul3A_143 : vector<16xf32>
      %mul3A_148 = arith.mulf %mul3A_147, %mul3A_143 : vector<16xf32>
      %sub3A_149 = arith.constant 1.500000e+00 : f32
      %sub3A_150 = vector.broadcast %sub3A_149 : f32 to vector<16xf32>
      %sub3A_151 = arith.subf %sub3A_150, %mul3A_148 : vector<16xf32>
      %mul3A_152 = arith.mulf %mul3A_143, %sub3A_151 : vector<16xf32>
      %min3A = arith.constant 9.99999995E+11 : f32
      %min3A_153 = vector.broadcast %min3A : f32 to vector<16xf32>
      %min3A_154 = arith.minimumf %mul3A_152, %min3A_153 : vector<16xf32>
      %mul3A_155 = arith.mulf %scan3A_119#0, %min3A_154 : vector<16xf32>
      %mul3A_156 = arith.mulf %mul3A_155, %min3A_154 : vector<16xf32>
      %mul3A_157 = arith.mulf %scan3A_119#1, %min3A_154 : vector<16xf32>
      %mul3A_158 = arith.constant 2.000000e+00 : f32
      %mul3A_159 = vector.broadcast %mul3A_158 : f32 to vector<16xf32>
      %mul3A_160 = arith.mulf %mul3A_159, %mul3A_157 : vector<16xf32>
      %sub3A_161 = arith.subf %mul3A_156, %mul3A_160 : vector<16xf32>
      %add3A_162 = arith.addf %sub3A_161, %scan3A_119#2 : vector<16xf32>
      %max3A = arith.constant 0.000000e+00 : f32
      %max3A_163 = vector.broadcast %max3A : f32 to vector<16xf32>
      %max3A_164 = arith.maximumf %add3A_162, %max3A_163 : vector<16xf32>
      %bitcast3A_165 = vector.bitcast %max3A_164 : vector<16xf32> to vector<16xi32>
      %shift_right_arithmetic3A_166 = arith.constant 1 : i32
      %shift_right_arithmetic3A_167 = vector.broadcast %shift_right_arithmetic3A_166 : i32 to vector<16xi32>
      %shift_right_arithmetic3A_168 = arith.shrsi %bitcast3A_165, %shift_right_arithmetic3A_167 : vector<16xi32>
      %sub3A_169 = arith.constant 1597463007 : i32
      %sub3A_170 = vector.broadcast %sub3A_169 : i32 to vector<16xi32>
      %sub3A_171 = arith.subi %sub3A_170, %shift_right_arithmetic3A_168 : vector<16xi32>
      %bitcast3A_172 = vector.bitcast %sub3A_171 : vector<16xi32> to vector<16xf32>
      %mul3A_173 = arith.constant 5.000000e-01 : f32
      %mul3A_174 = vector.broadcast %mul3A_173 : f32 to vector<16xf32>
      %mul3A_175 = arith.mulf %mul3A_174, %max3A_164 : vector<16xf32>
      %mul3A_176 = arith.mulf %mul3A_175, %bitcast3A_172 : vector<16xf32>
      %mul3A_177 = arith.mulf %mul3A_176, %bitcast3A_172 : vector<16xf32>
      %sub3A_178 = arith.constant 1.500000e+00 : f32
      %sub3A_179 = vector.broadcast %sub3A_178 : f32 to vector<16xf32>
      %sub3A_180 = arith.subf %sub3A_179, %mul3A_177 : vector<16xf32>
      %mul3A_181 = arith.mulf %bitcast3A_172, %sub3A_180 : vector<16xf32>
      %mul3A_182 = arith.constant 5.000000e-01 : f32
      %mul3A_183 = vector.broadcast %mul3A_182 : f32 to vector<16xf32>
      %mul3A_184 = arith.mulf %mul3A_183, %max3A_164 : vector<16xf32>
      %mul3A_185 = arith.mulf %mul3A_184, %mul3A_181 : vector<16xf32>
      %mul3A_186 = arith.mulf %mul3A_185, %mul3A_181 : vector<16xf32>
      %sub3A_187 = arith.constant 1.500000e+00 : f32
      %sub3A_188 = vector.broadcast %sub3A_187 : f32 to vector<16xf32>
      %sub3A_189 = arith.subf %sub3A_188, %mul3A_186 : vector<16xf32>
      %mul3A_190 = arith.mulf %mul3A_181, %sub3A_189 : vector<16xf32>
      %mul3A_191 = arith.constant 5.000000e-01 : f32
      %mul3A_192 = vector.broadcast %mul3A_191 : f32 to vector<16xf32>
      %mul3A_193 = arith.mulf %mul3A_192, %max3A_164 : vector<16xf32>
      %mul3A_194 = arith.mulf %mul3A_193, %mul3A_190 : vector<16xf32>
      %mul3A_195 = arith.mulf %mul3A_194, %mul3A_190 : vector<16xf32>
      %sub3A_196 = arith.constant 1.500000e+00 : f32
      %sub3A_197 = vector.broadcast %sub3A_196 : f32 to vector<16xf32>
      %sub3A_198 = arith.subf %sub3A_197, %mul3A_195 : vector<16xf32>
      %mul3A_199 = arith.mulf %mul3A_190, %sub3A_198 : vector<16xf32>
      %mul3A_200 = arith.mulf %max3A_164, %mul3A_199 : vector<16xf32>
      tpu.vector_store_idx %arg12[%get3A_114], %mul3A_200 {add = true} : memref<1024xf32, #tpu.memory_space<vmem>>[vector<16xi32>], vector<16xf32>,
      tpu.vector_store_idx %arg13[%get3A_114], %broadcast_in_dim3A_5 {add = true} : memref<1024xf32, #tpu.memory_space<vmem>>[vector<16xi32>], vector<16xf32>,
    }
    %scan3A_104 = arith.constant 8 : i32
    "tpu.region"() ({
      %run_scoped3A = tpu.sem_alloc : memref<!tpu.dma_semaphore, #tpu.memory_space<semaphore_mem>>
      %dma_start3A_105 = arith.constant 0 : i32
      %dma_start3A_106 = tpu.memref_slice %arg5[%add3A, %dma_start3A_105] : memref<32x1024xf32, #tpu.memory_space<hbm>> -> memref<1x1024xf32, #tpu.memory_space<hbm>>
      %dma_start3A_107 = tpu.memref_squeeze %dma_start3A_106 : memref<1x1024xf32, #tpu.memory_space<hbm>> -> memref<1024xf32, #tpu.memory_space<hbm>>
      %dma_start3A_108 = arith.constant 0 : i32
      %dma_start3A_109 = tpu.memref_slice %arg5[%add3A, %dma_start3A_108] : memref<32x1024xf32, #tpu.memory_space<hbm>> -> memref<1x1024xf32, #tpu.memory_space<hbm>>
      %dma_start3A_110 = tpu.memref_squeeze %dma_start3A_109 : memref<1x1024xf32, #tpu.memory_space<hbm>> -> memref<1024xf32, #tpu.memory_space<hbm>>
      tpu.enqueue_dma source(%arg12 : memref<1024xf32, #tpu.memory_space<vmem>>) target(%dma_start3A_110 : memref<1024xf32, #tpu.memory_space<hbm>>) target_semaphore(%run_scoped3A : memref<!tpu.dma_semaphore, #tpu.memory_space<semaphore_mem>>)
      %dma_wait3A_111 = arith.constant 0 : i32
      %dma_wait3A_112 = tpu.memref_slice %arg5[%add3A, %dma_wait3A_111] : memref<32x1024xf32, #tpu.memory_space<hbm>> -> memref<1x1024xf32, #tpu.memory_space<hbm>>
      %dma_wait3A_113 = tpu.memref_squeeze %dma_wait3A_112 : memref<1x1024xf32, #tpu.memory_space<hbm>> -> memref<1024xf32, #tpu.memory_space<hbm>>
      %dma_wait3A_114 = arith.constant 0 : i32
      %dma_wait3A_115 = tpu.memref_slice %arg5[%add3A, %dma_wait3A_114] : memref<32x1024xf32, #tpu.memory_space<hbm>> -> memref<1x1024xf32, #tpu.memory_space<hbm>>
      %dma_wait3A_116 = tpu.memref_squeeze %dma_wait3A_115 : memref<1x1024xf32, #tpu.memory_space<hbm>> -> memref<1024xf32, #tpu.memory_space<hbm>>
      tpu.wait_dma2 semaphore(%run_scoped3A : memref<!tpu.dma_semaphore, #tpu.memory_space<semaphore_mem>>) src(%arg12 : memref<1024xf32, #tpu.memory_space<vmem>>) dst(%dma_wait3A_116 : memref<1024xf32, #tpu.memory_space<hbm>>)
      tpu.yield
    }) : () -> ()
    "tpu.region"() ({
      %run_scoped3A = tpu.sem_alloc : memref<!tpu.dma_semaphore, #tpu.memory_space<semaphore_mem>>
      %dma_start3A_105 = arith.constant 0 : i32
      %dma_start3A_106 = tpu.memref_slice %arg6[%add3A, %dma_start3A_105] : memref<32x1024xf32, #tpu.memory_space<hbm>> -> memref<1x1024xf32, #tpu.memory_space<hbm>>
      %dma_start3A_107 = tpu.memref_squeeze %dma_start3A_106 : memref<1x1024xf32, #tpu.memory_space<hbm>> -> memref<1024xf32, #tpu.memory_space<hbm>>
      %dma_start3A_108 = arith.constant 0 : i32
      %dma_start3A_109 = tpu.memref_slice %arg6[%add3A, %dma_start3A_108] : memref<32x1024xf32, #tpu.memory_space<hbm>> -> memref<1x1024xf32, #tpu.memory_space<hbm>>
      %dma_start3A_110 = tpu.memref_squeeze %dma_start3A_109 : memref<1x1024xf32, #tpu.memory_space<hbm>> -> memref<1024xf32, #tpu.memory_space<hbm>>
      tpu.enqueue_dma source(%arg13 : memref<1024xf32, #tpu.memory_space<vmem>>) target(%dma_start3A_110 : memref<1024xf32, #tpu.memory_space<hbm>>) target_semaphore(%run_scoped3A : memref<!tpu.dma_semaphore, #tpu.memory_space<semaphore_mem>>)
      %dma_wait3A_111 = arith.constant 0 : i32
      %dma_wait3A_112 = tpu.memref_slice %arg6[%add3A, %dma_wait3A_111] : memref<32x1024xf32, #tpu.memory_space<hbm>> -> memref<1x1024xf32, #tpu.memory_space<hbm>>
      %dma_wait3A_113 = tpu.memref_squeeze %dma_wait3A_112 : memref<1x1024xf32, #tpu.memory_space<hbm>> -> memref<1024xf32, #tpu.memory_space<hbm>>
      %dma_wait3A_114 = arith.constant 0 : i32
      %dma_wait3A_115 = tpu.memref_slice %arg6[%add3A, %dma_wait3A_114] : memref<32x1024xf32, #tpu.memory_space<hbm>> -> memref<1x1024xf32, #tpu.memory_space<hbm>>
      %dma_wait3A_116 = tpu.memref_squeeze %dma_wait3A_115 : memref<1x1024xf32, #tpu.memory_space<hbm>> -> memref<1024xf32, #tpu.memory_space<hbm>>
      tpu.wait_dma2 semaphore(%run_scoped3A : memref<!tpu.dma_semaphore, #tpu.memory_space<semaphore_mem>>) src(%arg13 : memref<1024xf32, #tpu.memory_space<vmem>>) dst(%dma_wait3A_116 : memref<1024xf32, #tpu.memory_space<hbm>>)
      tpu.yield
    }) : () -> ()
    return
  }
}

module attributes {stable_mosaic.version = 14 : i64} {
  func.func @_tc_body(%arg0: memref<32x1024xf32, #tpu.memory_space<vmem>>, %arg1: memref<32x1024xf32, #tpu.memory_space<vmem>>, %arg2: memref<1x1xf32, #tpu.memory_space<vmem>>) attributes {dimension_semantics = [], scalar_prefetch = 0 : i64, scratch_operands = 0 : i64, tpu.core_type = #tpu.core_type<tc>} {
    %get3A = arith.constant 0 : index
    %get3A_0 = arith.constant 0 : index
    %get3A_1 = vector.load %arg0[%get3A, %get3A_0] : memref<32x1024xf32, #tpu.memory_space<vmem>>, vector<32x1024xf32>
    %reduce_sum3A = arith.constant dense<0.000000e+00> : vector<1024xf32>
    %reduce_sum3A_2 = vector.multi_reduction <add>, %get3A_1, %reduce_sum3A [0] : vector<32x1024xf32> to vector<1024xf32>
    %broadcast_in_dim3A = vector.shape_cast %reduce_sum3A_2 : vector<1024xf32> to vector<1x1024xf32>
    %get3A_3 = arith.constant 0 : index
    %get3A_4 = arith.constant 0 : index
    %get3A_5 = vector.load %arg1[%get3A_3, %get3A_4] : memref<32x1024xf32, #tpu.memory_space<vmem>>, vector<32x1024xf32>
    %reduce_sum3A_6 = arith.constant dense<0.000000e+00> : vector<1024xf32>
    %reduce_sum3A_7 = vector.multi_reduction <add>, %get3A_5, %reduce_sum3A_6 [0] : vector<32x1024xf32> to vector<1024xf32>
    %broadcast_in_dim3A_8 = vector.shape_cast %reduce_sum3A_7 : vector<1024xf32> to vector<1x1024xf32>
    %gt3A = arith.constant 0.000000e+00 : f32
    %gt3A_9 = vector.broadcast %gt3A : f32 to vector<1x1024xf32>
    %gt3A_10 = arith.cmpf ogt, %broadcast_in_dim3A_8, %gt3A_9 : vector<1x1024xf32>
    %div3A = arith.divf %broadcast_in_dim3A, %broadcast_in_dim3A_8 : vector<1x1024xf32>
    %jit3A = arith.constant 0.000000e+00 : f32
    %broadcast_in_dim3A_11 = vector.broadcast %jit3A : f32 to vector<1x1024xf32>
    %select_n3A = arith.select %gt3A_10, %div3A, %broadcast_in_dim3A_11 : vector<1x1024xi1>, vector<1x1024xf32>
    %reduce_sum3A_12 = arith.constant dense<0.000000e+00> : vector<1xf32>
    %reduce_sum3A_13 = vector.multi_reduction <add>, %select_n3A, %reduce_sum3A_12 [1] : vector<1x1024xf32> to vector<1xf32>
    %broadcast_in_dim3A_14 = vector.shape_cast %reduce_sum3A_13 : vector<1xf32> to vector<1x1xf32>
    %swap3A = arith.constant 0 : index
    %swap3A_15 = arith.constant 0 : index
    %swap3A_16 = vector.load %arg2[%swap3A, %swap3A_15] : memref<1x1xf32, #tpu.memory_space<vmem>>, vector<1x1xf32>
    tpu.vector_store %arg2[%swap3A, %swap3A_15], %broadcast_in_dim3A_14 {strides = array<i32>} : memref<1x1xf32, #tpu.memory_space<vmem>>, vector<1x1xf32>,
    return
  }
}

</mosaic_0001>

<sc_bundles>
// kernel: kernel.4.cloned.1.call-start
scs
__scs_entry_jumppad:
0x0: {  	(pc) =	sbr.rel $0x88, $3  }
0x1: {  	(tag) =	ssettag $0x0;
	lr =	simm.s32 $0x1  }
0x2: {  	[smem:$0x3F9E] =	sst lr;
	_ =	strace $0xD0000000  }
0x3: {  	_ = 	snop  }
0x4: {  	_ = 	snop  }
0x5: {  	_ = 	snop  }
0x6: {  	_ = 	snop  }
0x7: {  	_ = 	snop  }
__scs_overlays_trampoline_lowered:
0x8: {  	[smem:$0x3FAD] =	sst s0  }
0x9: {  	[smem:$0x3FAE] =	sst s1  }
0xa: {  	[smem:$0x3FAF] =	sst s2  }
0xb: {  	[smem:$0x3FB0] =	sst s3  }
0xc: {  	[smem:$0x3FB1] =	sst s4  }
0xd: {  	[smem:$0x3FB2] =	sst s5  }
0xe: {  	[smem:$0x3FB3] =	sst s6  }
0xf: {  	[smem:$0x3FB4] =	sst s7  }
0x10: {  	[smem:$0x3FB5] =	sst s8  }
0x11: {  	[smem:$0x3FB6] =	sst s9;
	s0 =	simm.s32 @!p0 $0x0  }
0x12: {  	s1 =	sld [smem:$0x3F9C];
	s0 =	simm.s32 @p0 $0x1  }
0x13: {  	[smem:$0x3FB7] =	sst s0;
	s0 =	simm.s32 @!p1 $0x0  }
0x14: {  	s2 =	sld [smem:$0x3F9B];
	s0 =	simm.s32 @p1 $0x1  }
0x15: {  	[smem:$0x3FB8] =	sst s0;
	s0 =	simm.s32 @!p2 $0x0  }
0x16: {  	s3 =	sld [smem:$0x3FDB];
	s0 =	simm.s32 @p2 $0x1  }
0x17: {  	s4 =	simm.s32 $0x1BF5;
	[smem:$0x3FBA] =	sst s0  }
0x18: {  	s0 =	sld [smem:$0x3F9D];
	_ =	swait.ge [sflag:s4], $0x0  }
0x19: {  	s7 =	sld [smem:$0x3F9E]  }
0x1a: {  	s8 =	sadd.s32 $0xFFFFE003, lr  }
0x1b: {  	s9 =	sadd.s32 $0xFFFFFEF7, lr;
	s5 =	simm.s32 $0xFFFFFFFF;
	p2 =	slt.u32 s8, $0xFFFFF086  }
0x1c: {  	p1 =	slt.u32 s9, $0xF7A;
	s5 =	simm.s32 @!p2 $0x0  }
0x1d: {  	s5 =	simm.s32 @p1 $0x1;
	p0 =	seq.s32 s7, s2  }
0x1e: {  	s7 =	smul.u32 @!p0 $0xF7A, s2;
	p2 =	seq.s32 @!p0 s5, $0x0  }
0x1f: {  	s9 =	smul.u32 $0xF7A, s1;
	s8 =	simm.s32 @!p0 $0x1BF5;
	p2 =	por !p2, p0  }
0x20: {  	[sflag:s8] =	ssyncset.s32 @!p0 $0xFFFFF086;
	s6 =	sadd.s32 @!p0 s3, s7;
	s7 =	simm.s32 @!p0 $0x108  }
0x21: {  	s3 =	sadd.s32 s3, s9;
	s6 =	sadd.s32 @!p0 $0x88, s6;
	s7 =	simm.s32 @p2 $0x1082  }
0x22: {  	[simem:s7], [sflag:s8] =	dma.local @!p0 [hbm:s6], $0xF7A  }
0x23: {  	s9 =	sor.u32 $0xD0000000, s2;
	s6 =	simm.s32 $0x108;
	_ =	swait.ge @!p0 [sflag:s8], $0x0  }
0x24: {  	s3 =	sadd.s32 $0x88, s3;
	s6 =	simm.s32 @!p1 $0x1082;
	[sflag:s4] =	ssyncset.s32 $0xFFFFF086  }
0x25: {  	[simem:s6], [sflag:s4] =	dma.local [hbm:s3], $0xF7A  }
0x26: {  	[smem:$0x3F9E] =	sst s1;
	(tag) =	ssettag s2;
	_ =	strace s9  }
0x27: {  	s1 =	sld [smem:$0x3FAE]  }
0x28: {  	s2 =	sld [smem:$0x3FAF]  }
0x29: {  	s4 =	sld [smem:$0x3FB1]  }
0x2a: {  	p0 =	seq.s32 s5, $0x0;
	s5 =	sld [smem:$0x3FB2]  }
0x2b: {  	s6 =	sld [smem:$0x3FB3]  }
0x2c: {  	s7 =	sld [smem:$0x3FB4]  }
0x2d: {  	s3 =	simm.s32 $0x108;
	s8 =	sld [smem:$0x3FB5]  }
0x2e: {  	s3 =	simm.s32 @!p0 $0x1082;
	s9 =	sld [smem:$0x3FB6]  }
0x2f: {  	lr =	sadd.s32 s0, s3;
	s0 =	sld [smem:$0x3FAD]  }
0x30: {  	s3 =	sld [smem:$0x3FB0]  }
0x31: {  	[smem:$0x3FB9] =	sst s10  }
0x32: {  	s10 =	sld [smem:$0x3FB7];
	_ =	sdelay $0x3  }
0x33: {  	p0 =	seq.s32 s10, $0x1;
	s10 =	sld [smem:$0x3FB9];
	_ =	sdelay $0x3  }
0x34: {  	[smem:$0x3FB9] =	sst s10  }
0x35: {  	s10 =	sld [smem:$0x3FB8];
	_ =	sdelay $0x3  }
0x36: {  	p1 =	seq.s32 s10, $0x1;
	s10 =	sld [smem:$0x3FB9];
	_ =	sdelay $0x3  }
0x37: {  	[smem:$0x3FB9] =	sst s10  }
0x38: {  	s10 =	sld [smem:$0x3FBA]  }
0x39: {  	_ = 	snop;
	(pc) =	sbr.ind lr, $3  }
0x3a: {  	_ = 	snop  }
0x3b: {  	_ = 	snop  }
0x3c: {  	p2 =	seq.s32 s10, $0x1;
	s10 =	sld [smem:$0x3FB9]  }
0x3d: {  	_ =	shalt  }
0x3e: {  	_ =	shalt  }
0x3f: {  	_ =	shalt  }
0x40: {  	_ =	shalt  }
0x41: {  	_ =	shalt  }
0x42: {  	_ =	shalt  }
0x43: {  	_ =	shalt  }
0x44: {  	_ =	shalt  }
0x45: {  	_ =	shalt  }
0x46: {  	_ =	shalt  }
0x47: {  	_ =	shalt  }
0x48: {  	_ =	shalt  }
0x49: {  	_ =	shalt  }
0x4a: {  	_ =	shalt  }
0x4b: {  	_ =	shalt  }
0x4c: {  	_ =	shalt  }
0x4d: {  	_ =	shalt  }
0x4e: {  	_ =	shalt  }
0x4f: {  	_ =	shalt  }
0x50: {  	_ =	shalt  }
0x51: {  	_ =	shalt  }
0x52: {  	_ =	shalt  }
0x53: {  	_ =	shalt  }
0x54: {  	_ =	shalt  }
0x55: {  	_ =	shalt  }
0x56: {  	_ =	shalt  }
0x57: {  	_ =	shalt  }
0x58: {  	_ =	shalt  }
0x59: {  	_ =	shalt  }
0x5a: {  	_ =	shalt  }
0x5b: {  	_ =	shalt  }
0x5c: {  	_ =	shalt  }
0x5d: {  	_ =	shalt  }
0x5e: {  	_ =	shalt  }
0x5f: {  	_ =	shalt  }
0x60: {  	_ =	shalt  }
0x61: {  	_ =	shalt  }
0x62: {  	_ =	shalt  }
0x63: {  	_ =	shalt  }
0x64: {  	_ =	shalt  }
0x65: {  	_ =	shalt  }
0x66: {  	_ =	shalt  }
0x67: {  	_ =	shalt  }
0x68: {  	_ =	shalt  }
0x69: {  	_ =	shalt  }
0x6a: {  	_ =	shalt  }
0x6b: {  	_ =	shalt  }
0x6c: {  	_ =	shalt  }
0x6d: {  	_ =	shalt  }
0x6e: {  	_ =	shalt  }
0x6f: {  	_ =	shalt  }
0x70: {  	_ =	shalt  }
0x71: {  	_ =	shalt  }
0x72: {  	_ =	shalt  }
0x73: {  	_ =	shalt  }
0x74: {  	_ =	shalt  }
0x75: {  	_ =	shalt  }
0x76: {  	_ =	shalt  }
0x77: {  	_ =	shalt  }
0x78: {  	_ =	shalt  }
0x79: {  	_ =	shalt  }
0x7a: {  	_ =	shalt  }
0x7b: {  	_ =	shalt  }
0x7c: {  	_ =	shalt  }
0x7d: {  	_ =	shalt  }
0x7e: {  	_ =	shalt  }
0x7f: {  	_ =	shalt  }
0x80: {  	_ =	shalt  }
0x81: {  	_ =	shalt  }
0x82: {  	_ =	shalt  }
0x83: {  	_ =	shalt  }
0x84: {  	_ =	shalt  }
0x85: {  	_ =	shalt  }
0x86: {  	_ =	shalt  }
0x87: {  	_ =	shalt  }
.Lfunc_end0:
.L_simem_size_0:
called_computation_lowered:
.L_overlay_start_0:
0x88: {  	s2 =	sld [smem:$0x3FD9]  }
0x89: {  	s3 =	sld [smem:$0x3FFE];
	_ =	sdelay $0x1  }
0x8a: {  	s1 =	srdreg.scid  }
0x8b: {  	s0 =	sand.u32 $0x1, s1  }
0x8c: {  	s17 =	sshll.u32 s0, $0xA;
	s2 =	sadd.s32 s3, s2  }
0x8d: {  	s2 =	sadd.s32 s2, s17  }
0x8e: {  	[smem:$0x3FC5] =	sst s2  }
0x8f: {  	_ = 	snop  }
0x90: {  	s2 =	sld [smem:$0x3FC9]  }
0x91: {  	s18 =	sld [smem:$0x3FC8]  }
0x92: {  	s4 =	sld [smem:$0x3FC7];
	(tm) =	ssettm $0x1  }
0x93: {  	s5 =	sld [smem:$0x3FFB];
	_ =	sdelay $0x3  }
0x94: {  	_ =	strace s5  }
0x95: {  	s5 =	sld [smem:$0x3FFC];
	_ =	sdelay $0x3  }
0x96: {  	_ =	strace s5  }
0x97: {  	s5 =	sld [smem:$0x3FFD];
	_ =	sdelay $0x3  }
0x98: {  	_ =	strace s5  }
0x99: {  	_ =	strace $0x8FFFFFFF  }
0x9a: {  	s19 =	sld [smem:$0x3FDB];
	_ =	sdelay $0x1  }
0x9b: {  	s6 =	simm.s32 $_scs_section_size  }
0x9c: {  	s7 =	simm.s32 $_size__tile_overlayer_lowered;
	s8 =	simm.s32 $_tile_overlayer_lowered  }
0x9d: {  	s22 =	simm.s32 $0x1BFF;
	s21 =	sshll.u32 s8, $0x1;
	s5 =	sadd.s32 s6, s19  }
0x9e: {  	s9 =	simm.s32 $0x0;
	s20 =	sshll.u32 s7, $0x1;
	s7 =	sadd.s32 s21, s5  }
0x9f: {  	[timem:s9], [sflag:s22] =	dma.local [hbm:s7], s20  }
0xa0: {  	_ =	swait.ge [sflag:s22], s20  }
0xa1: {  	s6 =	ssub.s32 $0x0, s20;
	[sflag:s22] =	ssyncset.done $0x0  }
0xa2: {  	[sflag:s22] =	ssyncadd.s32 s6;
	_ =	sdelay $0x1  }
0xa3: {  	s23 =	simm.s32 $0x1B8B  }
0xa4: {  	_ =	swait.ge [sflag:s23], $0x1  }
0xa5: {  	[sflag:s23] =	ssyncset.done $0x0  }
0xa6: {  	s25 =	simm.s32 $0x1B8E;
	s24 =	sld [smem:$0x3FFE];
	[sflag:s23] =	ssyncadd.s32 $0xFFFFFFFF  }
0xa7: {  	s26 =	simm.s32 $execute0_lowered;
	[smem:$0x3FD2] =	sst s25  }
0xa8: {  	s7 =	sshll.u32 s26, $0x1;
	_ =	strace $0x80000046;
	[dreg:$0x1] =	wrdreg $0xFFFFFFFF  }
0xa9: {  	s28 =	simm.s32 $_size_execute0_lowered;
	s5 =	sadd.s32 s5, s7;
	[dreg:$0x0] =	wrdreg $0x0  }
0xaa: {  	s7 =	sshll.u32 s28, $0x1;
	[dreg:$0x2] =	wrdreg s5  }
0xab: {  	[dreg:$0x3] =	wrdreg s7  }
0xac: {  	[dreg:$0x4] =	wrdreg $0xC0  }
0xad: {  	_ =	task [dreg:s9], $0x5FFFF  }
0xae: {  	[dreg:$0x1] =	wrdreg $0xFFFFFFFF  }
0xaf: {  	[dreg:$0x0] =	wrdreg $0x60  }
0xb0: {  	[dreg:$0x2] =	wrdreg s2  }
0xb1: {  	[dreg:$0x3] =	wrdreg s18  }
0xb2: {  	[dreg:$0x4] =	wrdreg s4  }
0xb3: {  	[dreg:$0x5] =	wrdreg s24  }
0xb4: {  	[dreg:$0x6] =	wrdreg $0x9  }
0xb5: {  	_ =	task.clear_ibuf [dreg:s9], $0x7FFFF;
	_ =	strace $0x90000046  }
0xb6: {  	s29 =	simm.s32 $0x9;
	_ =	strace $0x80000048  }
0xb7: {  	_ =	swait.ge [sflag:s29], $0x1  }
0xb8: {  	[sflag:s29] =	ssyncadd.s32 $0xFFFFFFFF  }
0xb9: {  	_ =	strace $0x90000048  }
0xba: {  	_ =	sfence  }
0xbb: {  	s30 =	sld [smem:$0x0];
	_ =	sdelay $0x2  }
0xbc: {  	s31 =	sshll.u32 s1, $0xD;
	s1 =	sshrl.u32 s1, $0x2  }
0xbd: {  	s3 =	sand.u32 $0x4000, s31;
	s1 =	sadd.s32 s1, s30  }
0xbe: {  	s0 =	sor.u32 s3, s0;
	s1 =	sshll.u32 s1, $0x11  }
0xbf: {  	s0 =	sor.u32 s1, s0  }
0xc0: {  	s0 =	sadd.s32 $0x8F2B, s0  }
0xc1: {  	[sflag:s0] =	ssyncadd.remote.s32 $0x1  }
0xc2: {  	_ =	sfence.sel $0xFFFF  }
0xc3: {  	[dreg:$0x0] =	wrdreg $0xFFFFFFFF;
	(pc) =	sbr.abs _section_cstart, $3  }
0xc4: {  	[dreg:$0x1] =	wrdreg $0xFFFFFFFF  }
0xc5: {  	_ =	task.clear_ibuf [dreg:s9], $0x2FFFF;
	_ =	strace $0x9FFFFFFF  }
0xc6: {  	(tm) =	ssettm $0x7FFFFFFF  }
0xc7: {  	_ =	shalt  }
tec
execute0_lowered:
.L_overlay_start_1:
0x0: {  	(tag) =	ssettag $0x1  }
0x1: {  	s4 =	rddreg [dreg:$0x0]  }
0x2: {  	s5 =	rddreg [dreg:$0x1]  }
0x3: {  	s2 =	rddreg [dreg:$0x2]  }
0x4: {  	s1 =	srdreg.scid;
	s0 =	stileid.u32  }
0x5: {  	s6 =	rddreg [dreg:$0x3];
	s12 =	simm.s32 $0x5;
	s13 =	simm.s32 $0x200  }
0x6: {  	s14 =	simm.s32 $0x80;
	s15 =	simm.s32 $0x8200;
	s16 =	simm.s32 $0x4200  }
0x7: {  	s17 =	simm.s32 $0xC200;
	s18 =	simm.s32 $0x1;
	s19 =	simm.s32 $0x3  }
0x8: {  	s20 =	simm.s32 $0x10200;
	s21 =	simm.s32 $0x10600;
	s23 =	simm.s32 $0x2  }
0x9: {  	s24 =	simm.s32 $0x4;
	s7 =	sand.u32 $0x1, s1;
	s3 =	sshll.u32 s0, $0x1  }
0xa: {  	s28 =	simm.s32 $0x0;
	s9 =	sshll.u32 s0, $0x8;
	s8 =	sor.u32 s7, s3  }
0xb: {  	s3 =	simm.s32 $0x0;
	s26 =	ssub.s32 $0x2, s7;
	s10 =	sshll.u32 s8, $0x4  }
0xc: {  	[smem:$0x7FF] =	sst s3;
	s29 =	sshll.u32 s8, $0xD;
	s30 =	sshrl.u32 s26, $0x1  }
0xd: {  	s8 =	sshll.u32 s8, $0x6;
	s9 =	sor.u32 s9, s10;
	_ =	strace $0x80000047  }
0xe: {  	s4 =	sadd.s32 s4, s29;
	s11 =	ssub.s32 s26, s30;
	s31 =	sadd.s32 s5, s8  }
0xf: {  	s9 =	sand.u32 $0xC70, s9;
	[dreg:$0x5] =	wrdreg s31;
	s7 =	sadd.s32 $0x1000, s4  }
0x10: {  	v0 =	vlaneseq.u32;
	s8 =	sadd.s32 $0x1800, s4;
	s11 =	smax.u32 s11, $0x1;
	s25 =	sadd.s32 s9, s6  }
0x11: {  	v1 =	vimm.f32 $0.0e+00;
	v3 =	vimm.f32 $1.000000000e+00;
	v2 =	vmul.u32 $0x80, v0;
	s6 =	sadd.s32 $0x800, s4;
	s9 =	sadd.s32 $0xC00, s25;
	s10 =	sadd.s32 $0x1C00, s25  }
.LBB2_1:
0x12: {  	s0 =	rddreg [dreg:$0x5]  }
0x13: {  	[tilespmem:s3], [sflag:$0x5] =	stream.linear.gather [hbm4b:s0+s3], $0x200, $0x38;
	[tilespmem:$0x10A00] =	vst v63  }
0x14: {  	_ =	swait.ge [sflag:s12], $0x200  }
0x15: {  	[sflag:s12] =	ssyncset.done $0x0  }
0x16: {  	[sflag:s12] =	ssyncadd.s32 $0xFFFFFE00  }
0x17: {  	[tilespmem:s13], [sflag:$0x1] =	stream.linear.gather [hbm4b:s4+s3], $0x4000, $0x38;
	[tilespmem:$0x10A00] =	vst v63  }
0x18: {  	_ = 	snop  }
0x19: {  	[tilespmem:s15], [sflag:$0x3] =	stream.indirect.gather [hbm4b:s2+s14], $0x80, s3, s14, $0xb8;
	[tilespmem:$0x10A00] =	vst v63  }
0x1a: {  	[tilespmem:$0x10200] =	vst v1  }
0x1b: {  	[tilespmem:$0x10600] =	vst v1  }
0x1c: {  	[tilespmem:$0x10210] =	vst v1  }
0x1d: {  	[tilespmem:$0x10610] =	vst v1  }
0x1e: {  	[tilespmem:$0x10220] =	vst v1  }
0x1f: {  	[tilespmem:$0x10620] =	vst v1  }
0x20: {  	[tilespmem:$0x10230] =	vst v1  }
0x21: {  	[tilespmem:$0x10630] =	vst v1  }
0x22: {  	[tilespmem:$0x10240] =	vst v1  }
0x23: {  	[tilespmem:$0x10640] =	vst v1  }
0x24: {  	[tilespmem:$0x10250] =	vst v1  }
0x25: {  	[tilespmem:$0x10650] =	vst v1  }
0x26: {  	[tilespmem:$0x10260] =	vst v1  }
0x27: {  	[tilespmem:$0x10660] =	vst v1  }
0x28: {  	[tilespmem:$0x10270] =	vst v1  }
0x29: {  	[tilespmem:$0x10670] =	vst v1  }
0x2a: {  	[tilespmem:$0x10280] =	vst v1  }
0x2b: {  	[tilespmem:$0x10680] =	vst v1  }
0x2c: {  	[tilespmem:$0x10290] =	vst v1  }
0x2d: {  	[tilespmem:$0x10690] =	vst v1  }
0x2e: {  	[tilespmem:$0x102A0] =	vst v1  }
0x2f: {  	[tilespmem:$0x106A0] =	vst v1  }
0x30: {  	[tilespmem:$0x102B0] =	vst v1  }
0x31: {  	[tilespmem:$0x106B0] =	vst v1  }
0x32: {  	[tilespmem:$0x102C0] =	vst v1  }
0x33: {  	[tilespmem:$0x106C0] =	vst v1  }
0x34: {  	[tilespmem:$0x102D0] =	vst v1  }
0x35: {  	[tilespmem:$0x106D0] =	vst v1  }
0x36: {  	[tilespmem:$0x102E0] =	vst v1  }
0x37: {  	[tilespmem:$0x106E0] =	vst v1  }
0x38: {  	[tilespmem:$0x102F0] =	vst v1  }
0x39: {  	[tilespmem:$0x106F0] =	vst v1  }
0x3a: {  	[tilespmem:$0x10300] =	vst v1  }
0x3b: {  	[tilespmem:$0x10700] =	vst v1  }
0x3c: {  	[tilespmem:$0x10310] =	vst v1  }
0x3d: {  	[tilespmem:$0x10710] =	vst v1  }
0x3e: {  	[tilespmem:$0x10320] =	vst v1  }
0x3f: {  	[tilespmem:$0x10720] =	vst v1  }
0x40: {  	[tilespmem:$0x10330] =	vst v1  }
0x41: {  	[tilespmem:$0x10730] =	vst v1  }
0x42: {  	[tilespmem:$0x10340] =	vst v1  }
0x43: {  	[tilespmem:$0x10740] =	vst v1  }
0x44: {  	[tilespmem:$0x10350] =	vst v1  }
0x45: {  	[tilespmem:$0x10750] =	vst v1  }
0x46: {  	[tilespmem:$0x10360] =	vst v1  }
0x47: {  	[tilespmem:$0x10760] =	vst v1  }
0x48: {  	[tilespmem:$0x10370] =	vst v1  }
0x49: {  	[tilespmem:$0x10770] =	vst v1  }
0x4a: {  	[tilespmem:$0x10380] =	vst v1  }
0x4b: {  	[tilespmem:$0x10780] =	vst v1  }
0x4c: {  	[tilespmem:$0x10390] =	vst v1  }
0x4d: {  	[tilespmem:$0x10790] =	vst v1  }
0x4e: {  	[tilespmem:$0x103A0] =	vst v1  }
0x4f: {  	[tilespmem:$0x107A0] =	vst v1  }
0x50: {  	[tilespmem:$0x103B0] =	vst v1  }
0x51: {  	[tilespmem:$0x107B0] =	vst v1  }
0x52: {  	[tilespmem:$0x103C0] =	vst v1  }
0x53: {  	[tilespmem:$0x107C0] =	vst v1  }
0x54: {  	[tilespmem:$0x103D0] =	vst v1  }
0x55: {  	[tilespmem:$0x107D0] =	vst v1  }
0x56: {  	[tilespmem:$0x103E0] =	vst v1  }
0x57: {  	[tilespmem:$0x107E0] =	vst v1  }
0x58: {  	[tilespmem:$0x103F0] =	vst v1  }
0x59: {  	[tilespmem:$0x107F0] =	vst v1  }
0x5a: {  	[tilespmem:$0x10400] =	vst v1  }
0x5b: {  	[tilespmem:$0x10800] =	vst v1  }
0x5c: {  	[tilespmem:$0x10410] =	vst v1  }
0x5d: {  	[tilespmem:$0x10810] =	vst v1  }
0x5e: {  	[tilespmem:$0x10420] =	vst v1  }
0x5f: {  	[tilespmem:$0x10820] =	vst v1  }
0x60: {  	[tilespmem:$0x10430] =	vst v1  }
0x61: {  	[tilespmem:$0x10830] =	vst v1  }
0x62: {  	[tilespmem:$0x10440] =	vst v1  }
0x63: {  	[tilespmem:$0x10840] =	vst v1  }
0x64: {  	[tilespmem:$0x10450] =	vst v1  }
0x65: {  	[tilespmem:$0x10850] =	vst v1  }
0x66: {  	[tilespmem:$0x10460] =	vst v1  }
0x67: {  	[tilespmem:$0x10860] =	vst v1  }
0x68: {  	[tilespmem:$0x10470] =	vst v1  }
0x69: {  	[tilespmem:$0x10870] =	vst v1  }
0x6a: {  	[tilespmem:$0x10480] =	vst v1  }
0x6b: {  	[tilespmem:$0x10880] =	vst v1  }
0x6c: {  	[tilespmem:$0x10490] =	vst v1  }
0x6d: {  	[tilespmem:$0x10890] =	vst v1  }
0x6e: {  	[tilespmem:$0x104A0] =	vst v1  }
0x6f: {  	[tilespmem:$0x108A0] =	vst v1  }
0x70: {  	[tilespmem:$0x104B0] =	vst v1  }
0x71: {  	[tilespmem:$0x108B0] =	vst v1  }
0x72: {  	[tilespmem:$0x104C0] =	vst v1  }
0x73: {  	[tilespmem:$0x108C0] =	vst v1  }
0x74: {  	[tilespmem:$0x104D0] =	vst v1  }
0x75: {  	[tilespmem:$0x108D0] =	vst v1  }
0x76: {  	[tilespmem:$0x104E0] =	vst v1  }
0x77: {  	[tilespmem:$0x108E0] =	vst v1  }
0x78: {  	[tilespmem:$0x104F0] =	vst v1  }
0x79: {  	[tilespmem:$0x108F0] =	vst v1  }
0x7a: {  	[tilespmem:$0x10500] =	vst v1  }
0x7b: {  	[tilespmem:$0x10900] =	vst v1  }
0x7c: {  	[tilespmem:$0x10510] =	vst v1  }
0x7d: {  	[tilespmem:$0x10910] =	vst v1  }
0x7e: {  	[tilespmem:$0x10520] =	vst v1  }
0x7f: {  	[tilespmem:$0x10920] =	vst v1  }
0x80: {  	[tilespmem:$0x10530] =	vst v1  }
0x81: {  	[tilespmem:$0x10930] =	vst v1  }
0x82: {  	[tilespmem:$0x10540] =	vst v1  }
0x83: {  	[tilespmem:$0x10940] =	vst v1  }
0x84: {  	[tilespmem:$0x10550] =	vst v1  }
0x85: {  	[tilespmem:$0x10950] =	vst v1  }
0x86: {  	[tilespmem:$0x10560] =	vst v1  }
0x87: {  	[tilespmem:$0x10960] =	vst v1  }
0x88: {  	[tilespmem:$0x10570] =	vst v1  }
0x89: {  	[tilespmem:$0x10970] =	vst v1  }
0x8a: {  	[tilespmem:$0x10580] =	vst v1  }
0x8b: {  	[tilespmem:$0x10980] =	vst v1  }
0x8c: {  	[tilespmem:$0x10590] =	vst v1  }
0x8d: {  	[tilespmem:$0x10990] =	vst v1  }
0x8e: {  	[tilespmem:$0x105A0] =	vst v1  }
0x8f: {  	[tilespmem:$0x109A0] =	vst v1  }
0x90: {  	[tilespmem:$0x105B0] =	vst v1  }
0x91: {  	[tilespmem:$0x109B0] =	vst v1  }
0x92: {  	[tilespmem:$0x105C0] =	vst v1  }
0x93: {  	[tilespmem:$0x109C0] =	vst v1  }
0x94: {  	[tilespmem:$0x105D0] =	vst v1  }
0x95: {  	[tilespmem:$0x109D0] =	vst v1  }
0x96: {  	[tilespmem:$0x105E0] =	vst v1  }
0x97: {  	[tilespmem:$0x109E0] =	vst v1  }
0x98: {  	[tilespmem:$0x105F0] =	vst v1  }
0x99: {  	[tilespmem:$0x109F0] =	vst v1  }
0x9a: {  	[tilespmem:s16], [sflag:$0x2] =	stream.linear.gather [hbm4b:s6+s3], $0x4000, $0x38;
	[tilespmem:$0x10A00] =	vst v63  }
0x9b: {  	_ = 	snop  }
0x9c: {  	[tilespmem:s17], [sflag:$0x4] =	stream.indirect.gather [hbm4b:s2+s14], $0x80, s14, s14, $0xb8;
	[tilespmem:$0x10A00] =	vst v63  }
0x9d: {  	_ =	swait.ge [sflag:s18], $0x4000  }
0x9e: {  	[sflag:s18] =	ssyncset.done $0x0  }
0x9f: {  	[sflag:s18] =	ssyncadd.s32 $0xFFFFC000  }
0xa0: {  	_ =	swait.ge [sflag:s19], $0x4000  }
0xa1: {  	[sflag:s19] =	ssyncset.done $0x0  }
0xa2: {  	s29 =	simm.s32 $0x0;
	[sflag:s19] =	ssyncadd.s32 $0xFFFFC000  }
.LBB2_2:
0xa3: {  	s30 =	sshll.u32 s29, $0x4;
	v25 =	vimm.f32 $0.0e+00;
	s26 =	simm.s32 $0x1F;
	s1 =	simm.s32 $0x1C;
	v34 =	vimm.f32 $0.0e+00;
	v32 =	vimm.f32 $0.0e+00  }
0xa4: {  	s0 =	simm.s32 $0x1D;
	s22 =	simm.s32 $0x1E;
	s25 =	simm.s32 $0x1A;
	v4 =	vmov s30;
	v13 =	vadd.s32 s26, v0;
	v14 =	vadd.s32 s1, v0  }
0xa5: {  	s5 =	simm.s32 $0x1B;
	v30 =	vadd.s32 s0, v0;
	v16 =	vadd.s32 s22, v0;
	s22 =	simm.s32 $0x16;
	v19 =	vadd.s32 s25, v0  }
0xa6: {  	s26 =	simm.s32 $0x17;
	s25 =	simm.s32 $0x18;
	v17 =	vadd.s32 s5, v0;
	s0 =	simm.s32 $0x13;
	v4 =	vshll.u32 v4, $0x7;
	v23 =	vadd.s32 s22, v0  }
0xa7: {  	s5 =	simm.s32 $0x14;
	v24 =	vadd.s32 s26, v0;
	s26 =	simm.s32 $0x15;
	v21 =	vadd.s32 s25, v0;
	v28 =	vadd.s32 s0, v0  }
0xa8: {  	s25 =	simm.s32 $0x11;
	v29 =	vadd.s32 s5, v0;
	s5 =	simm.s32 $0x12;
	v5 =	vor.u32 v2, v4;
	v27 =	vadd.s32 s26, v0  }
0xa9: {  	s31 =	simm.s32 $0x0;
	s1 =	simm.s32 $0xD;
	s22 =	simm.s32 $0x10;
	v35 =	vadd.s32 s25, v0;
	v33 =	vadd.s32 s5, v0;
	v6 =	vor.u32 v0, v5  }
0xaa: {  	s26 =	simm.s32 $0xE;
	s25 =	simm.s32 $0xA;
	s5 =	simm.s32 $0xB;
	v31 =	vor.u32 s31, v6;
	v7 =	vor.u32 s22, v6;
	v10 =	vadd.s32 s1, v6  }
0xab: {  	s0 =	simm.s32 $0x1;
	s31 =	simm.s32 $0x19;
	s22 =	simm.s32 $0xF;
	v9 =	vadd.s32 s26, v6;
	v15 =	vadd.s32 s25, v6;
	v12 =	vadd.s32 s5, v6  }
0xac: {  	s26 =	simm.s32 $0xC;
	s5 =	simm.s32 $0x9;
	s25 =	simm.s32 $0x4;
	v41 =	vadd.s32 s0, v6;
	v18 =	vadd.s32 s31, v0;
	v8 =	vadd.s32 s22, v6  }
0xad: {  	s22 =	simm.s32 $0x7;
	s31 =	simm.s32 $0x8;
	v11 =	vadd.s32 s26, v6;
	s26 =	simm.s32 $0x5;
	v20 =	vadd.s32 s5, v6;
	v38 =	vadd.s32 s25, v6  }
0xae: {  	s5 =	simm.s32 $0x2;
	v26 =	vadd.s32 s22, v6;
	v22 =	vadd.s32 s31, v6;
	s22 =	simm.s32 $0x6;
	v37 =	vadd.s32 s26, v6;
	s26 =	simm.s32 $0x3  }
0xaf: {  	v4 =	vld [tilespmem:s30+$0x0];
	s30 =	simm.s32 $0x20;
	v40 =	vadd.s32 s5, v6;
	v36 =	vadd.s32 s22, v6;
	v39 =	vadd.s32 s26, v6  }
.LBB2_3:
0xb0: {  	p0 =	slt.u32 s30, $0x60;
	v30 =	vand.u32 $0x7F, v30;
	v42 =	vand.u32 $0x7F, v16;
	v13 =	vand.u32 $0x7F, v13  }
0xb1: {  	v19 =	vand.u32 $0x7F, v19;
	v17 =	vand.u32 $0x7F, v17;
	v43 =	vand.u32 $0x7F, v14  }
0xb2: {  	v24 =	vand.u32 $0x7F, v24;
	v21 =	vand.u32 $0x7F, v21;
	v45 =	vand.u32 $0x7F, v18;
	v44 =	vld.idx.msk [tilespmem:v31+s13+$0x0], $0xffff  }
0xb3: {  	v29 =	vand.u32 $0x7F, v29;
	v27 =	vand.u32 $0x7F, v27;
	v46 =	vld.idx.msk [tilespmem:v31+s15+$0x0], $0xffff;
	v31 =	vand.u32 $0x7F, v23  }
0xb4: {  	v35 =	vand.u32 $0x7F, v35;
	v33 =	vand.u32 $0x7F, v33;
	v48 =	vand.u32 $0x7F, v28;
	v47 =	vld.idx.msk [tilespmem:v41+s13+$0x0], $0xffff  }
0xb5: {  	v16 =	vor.u32 v5, v30;
	v14 =	vor.u32 v5, v42;
	v13 =	vor.u32 v5, v13;
	v41 =	vld.idx.msk [tilespmem:v41+s15+$0x0], $0xffff  }
0xb6: {  	v19 =	vor.u32 v5, v19;
	v18 =	vor.u32 v5, v17;
	v17 =	vor.u32 v5, v43;
	v42 =	vld.idx.msk [tilespmem:v40+s13+$0x0], $0xffff  }
0xb7: {  	v24 =	vor.u32 v5, v24;
	v23 =	vor.u32 v5, v21;
	v21 =	vor.u32 v5, v45;
	v40 =	vld.idx.msk [tilespmem:v40+s15+$0x0], $0xffff  }
0xb8: {  	v29 =	vor.u32 v5, v29;
	v28 =	vor.u32 v5, v27;
	v27 =	vor.u32 v5, v31;
	v43 =	vld.idx.msk [tilespmem:v39+s13+$0x0], $0xffff  }
0xb9: {  	v30 =	vor.u32 v5, v48;
	v31 =	vor.u32 v5, v33;
	v45 =	vmul.f32 v44, v44;
	v39 =	vld.idx.msk [tilespmem:v39+s15+$0x0], $0xffff  }
0xba: {  	v33 =	vor.u32 v5, v35;
	v44 =	vmul.f32 v46, v44;
	v46 =	vmul.f32 v46, v46;
	v48 =	vld.idx.msk [tilespmem:v38+s13+$0x0], $0xffff  }
0xbb: {  	v25 =	vadd.f32 v45, v25;
	v35 =	vmul.f32 v47, v47;
	v45 =	vmul.f32 v41, v47;
	v38 =	vld.idx.msk [tilespmem:v38+s15+$0x0], $0xffff  }
0xbc: {  	v34 =	vadd.f32 v44, v34;
	v32 =	vadd.f32 v46, v32;
	v41 =	vmul.f32 v41, v41;
	v44 =	vld.idx.msk [tilespmem:v37+s13+$0x0], $0xffff  }
0xbd: {  	v25 =	vadd.f32 v35, v25;
	v35 =	vmul.f32 v42, v42;
	v42 =	vmul.f32 v40, v42;
	v37 =	vld.idx.msk [tilespmem:v37+s15+$0x0], $0xffff  }
0xbe: {  	v34 =	vadd.f32 v45, v34;
	v32 =	vadd.f32 v41, v32;
	v40 =	vmul.f32 v40, v40;
	v41 =	vld.idx.msk [tilespmem:v36+s13+$0x0], $0xffff  }
0xbf: {  	v25 =	vadd.f32 v35, v25;
	v35 =	vmul.f32 v43, v43;
	v43 =	vmul.f32 v39, v43;
	v36 =	vld.idx.msk [tilespmem:v36+s15+$0x0], $0xffff  }
0xc0: {  	v34 =	vadd.f32 v42, v34;
	v32 =	vadd.f32 v40, v32;
	v39 =	vmul.f32 v39, v39;
	v40 =	vld.idx.msk [tilespmem:v26+s13+$0x0], $0xffff  }
0xc1: {  	v25 =	vadd.f32 v35, v25;
	v35 =	vmul.f32 v48, v48;
	v42 =	vmul.f32 v38, v48;
	v26 =	vld.idx.msk [tilespmem:v26+s15+$0x0], $0xffff  }
0xc2: {  	v34 =	vadd.f32 v43, v34;
	v32 =	vadd.f32 v39, v32;
	v38 =	vmul.f32 v38, v38;
	v39 =	vld.idx.msk [tilespmem:v22+s13+$0x0], $0xffff  }
0xc3: {  	v25 =	vadd.f32 v35, v25;
	v35 =	vmul.f32 v44, v44;
	v43 =	vmul.f32 v37, v44;
	v22 =	vld.idx.msk [tilespmem:v22+s15+$0x0], $0xffff  }
0xc4: {  	v34 =	vadd.f32 v42, v34;
	v32 =	vadd.f32 v38, v32;
	v37 =	vmul.f32 v37, v37;
	v38 =	vld.idx.msk [tilespmem:v20+s13+$0x0], $0xffff  }
0xc5: {  	v25 =	vadd.f32 v35, v25;
	v35 =	vmul.f32 v41, v41;
	v41 =	vmul.f32 v36, v41;
	v20 =	vld.idx.msk [tilespmem:v20+s15+$0x0], $0xffff  }
0xc6: {  	v34 =	vadd.f32 v43, v34;
	v32 =	vadd.f32 v37, v32;
	v36 =	vmul.f32 v36, v36;
	v37 =	vld.idx.msk [tilespmem:v15+s13+$0x0], $0xffff  }
0xc7: {  	v25 =	vadd.f32 v35, v25;
	v35 =	vmul.f32 v40, v40;
	v40 =	vmul.f32 v26, v40;
	v15 =	vld.idx.msk [tilespmem:v15+s15+$0x0], $0xffff  }
0xc8: {  	v34 =	vadd.f32 v41, v34;
	v32 =	vadd.f32 v36, v32;
	v26 =	vmul.f32 v26, v26;
	v36 =	vld.idx.msk [tilespmem:v12+s13+$0x0], $0xffff  }
0xc9: {  	v25 =	vadd.f32 v35, v25;
	v35 =	vmul.f32 v39, v39;
	v39 =	vmul.f32 v22, v39;
	v12 =	vld.idx.msk [tilespmem:v12+s15+$0x0], $0xffff  }
0xca: {  	v34 =	vadd.f32 v40, v34;
	v26 =	vadd.f32 v26, v32;
	v22 =	vmul.f32 v22, v22;
	v32 =	vld.idx.msk [tilespmem:v11+s13+$0x0], $0xffff  }
0xcb: {  	v25 =	vadd.f32 v35, v25;
	v35 =	vmul.f32 v38, v38;
	v38 =	vmul.f32 v20, v38;
	v11 =	vld.idx.msk [tilespmem:v11+s15+$0x0], $0xffff  }
0xcc: {  	v34 =	vadd.f32 v39, v34;
	v22 =	vadd.f32 v22, v26;
	v20 =	vmul.f32 v20, v20;
	v26 =	vld.idx.msk [tilespmem:v10+s13+$0x0], $0xffff  }
0xcd: {  	v25 =	vadd.f32 v35, v25;
	v35 =	vmul.f32 v37, v37;
	v37 =	vmul.f32 v15, v37;
	v10 =	vld.idx.msk [tilespmem:v10+s15+$0x0], $0xffff  }
0xce: {  	v34 =	vadd.f32 v38, v34;
	v20 =	vadd.f32 v20, v22;
	v15 =	vmul.f32 v15, v15;
	v22 =	vld.idx.msk [tilespmem:v9+s13+$0x0], $0xffff  }
0xcf: {  	v25 =	vadd.f32 v35, v25;
	v35 =	vmul.f32 v36, v36;
	v36 =	vmul.f32 v12, v36;
	v9 =	vld.idx.msk [tilespmem:v9+s15+$0x0], $0xffff  }
0xd0: {  	v34 =	vadd.f32 v37, v34;
	v15 =	vadd.f32 v15, v20;
	v12 =	vmul.f32 v12, v12;
	v20 =	vld.idx.msk [tilespmem:v8+s13+$0x0], $0xffff  }
0xd1: {  	v25 =	vadd.f32 v35, v25;
	v35 =	vmul.f32 v32, v32;
	v32 =	vmul.f32 v11, v32;
	v8 =	vld.idx.msk [tilespmem:v8+s15+$0x0], $0xffff  }
0xd2: {  	v34 =	vadd.f32 v36, v34;
	v12 =	vadd.f32 v12, v15;
	v11 =	vmul.f32 v11, v11;
	v15 =	vld.idx.msk [tilespmem:v7+s13+$0x0], $0xffff  }
0xd3: {  	v25 =	vadd.f32 v35, v25;
	v35 =	vmul.f32 v26, v26;
	v26 =	vmul.f32 v10, v26;
	v7 =	vld.idx.msk [tilespmem:v7+s15+$0x0], $0xffff  }
0xd4: {  	v32 =	vadd.f32 v32, v34;
	v11 =	vadd.f32 v11, v12;
	v10 =	vmul.f32 v10, v10;
	v12 =	vld.idx.msk [tilespmem:v33+s13+$0x0], $0xffff  }
0xd5: {  	v25 =	vadd.f32 v35, v25;
	v34 =	vmul.f32 v22, v22;
	v22 =	vmul.f32 v9, v22;
	v33 =	vld.idx.msk [tilespmem:v33+s15+$0x0], $0xffff  }
0xd6: {  	v26 =	vadd.f32 v26, v32;
	v10 =	vadd.f32 v10, v11;
	v9 =	vmul.f32 v9, v9;
	v11 =	vld.idx.msk [tilespmem:v31+s13+$0x0], $0xffff  }
0xd7: {  	v25 =	vadd.f32 v34, v25;
	v32 =	vmul.f32 v20, v20;
	v20 =	vmul.f32 v8, v20;
	v31 =	vld.idx.msk [tilespmem:v31+s15+$0x0], $0xffff  }
0xd8: {  	v22 =	vadd.f32 v22, v26;
	v9 =	vadd.f32 v9, v10;
	v8 =	vmul.f32 v8, v8;
	v10 =	vld.idx.msk [tilespmem:v30+s13+$0x0], $0xffff  }
0xd9: {  	v25 =	vadd.f32 v32, v25;
	v26 =	vmul.f32 v15, v15;
	v15 =	vmul.f32 v7, v15;
	v30 =	vld.idx.msk [tilespmem:v30+s15+$0x0], $0xffff  }
0xda: {  	v20 =	vadd.f32 v20, v22;
	v8 =	vadd.f32 v8, v9;
	v7 =	vmul.f32 v7, v7;
	v9 =	vld.idx.msk [tilespmem:v29+s13+$0x0], $0xffff  }
0xdb: {  	v22 =	vadd.f32 v26, v25;
	v25 =	vmul.f32 v12, v12;
	v12 =	vmul.f32 v33, v12;
	v26 =	vld.idx.msk [tilespmem:v29+s15+$0x0], $0xffff  }
0xdc: {  	v15 =	vadd.f32 v15, v20;
	v7 =	vadd.f32 v7, v8;
	v8 =	vmul.f32 v33, v33;
	v20 =	vld.idx.msk [tilespmem:v28+s13+$0x0], $0xffff  }
0xdd: {  	v22 =	vadd.f32 v25, v22;
	v25 =	vmul.f32 v11, v11;
	v11 =	vmul.f32 v31, v11;
	v28 =	vld.idx.msk [tilespmem:v28+s15+$0x0], $0xffff  }
0xde: {  	v12 =	vadd.f32 v12, v15;
	v7 =	vadd.f32 v8, v7;
	v8 =	vmul.f32 v31, v31;
	v15 =	vld.idx.msk [tilespmem:v27+s13+$0x0], $0xffff  }
0xdf: {  	v22 =	vadd.f32 v25, v22;
	v25 =	vmul.f32 v10, v10;
	v10 =	vmul.f32 v30, v10;
	v27 =	vld.idx.msk [tilespmem:v27+s15+$0x0], $0xffff  }
0xe0: {  	v11 =	vadd.f32 v11, v12;
	v7 =	vadd.f32 v8, v7;
	v8 =	vmul.f32 v30, v30;
	v12 =	vld.idx.msk [tilespmem:v24+s13+$0x0], $0xffff  }
0xe1: {  	v22 =	vadd.f32 v25, v22;
	v25 =	vmul.f32 v9, v9;
	v9 =	vmul.f32 v26, v9;
	v24 =	vld.idx.msk [tilespmem:v24+s15+$0x0], $0xffff  }
0xe2: {  	v10 =	vadd.f32 v10, v11;
	v7 =	vadd.f32 v8, v7;
	v8 =	vmul.f32 v26, v26;
	v11 =	vld.idx.msk [tilespmem:v23+s13+$0x0], $0xffff  }
0xe3: {  	v22 =	vadd.f32 v25, v22;
	v25 =	vmul.f32 v20, v20;
	v20 =	vmul.f32 v28, v20;
	v23 =	vld.idx.msk [tilespmem:v23+s15+$0x0], $0xffff  }
0xe4: {  	v9 =	vadd.f32 v9, v10;
	v7 =	vadd.f32 v8, v7;
	v8 =	vmul.f32 v28, v28;
	v10 =	vld.idx.msk [tilespmem:v21+s13+$0x0], $0xffff  }
0xe5: {  	v22 =	vadd.f32 v25, v22;
	v25 =	vmul.f32 v15, v15;
	v15 =	vmul.f32 v27, v15;
	v21 =	vld.idx.msk [tilespmem:v21+s15+$0x0], $0xffff  }
0xe6: {  	v9 =	vadd.f32 v20, v9;
	v7 =	vadd.f32 v8, v7;
	v8 =	vmul.f32 v27, v27;
	v20 =	vld.idx.msk [tilespmem:v19+s13+$0x0], $0xffff  }
0xe7: {  	v22 =	vadd.f32 v25, v22;
	v25 =	vmul.f32 v12, v12;
	v12 =	vmul.f32 v24, v12;
	v19 =	vld.idx.msk [tilespmem:v19+s15+$0x0], $0xffff  }
0xe8: {  	v9 =	vadd.f32 v15, v9;
	v7 =	vadd.f32 v8, v7;
	v8 =	vmul.f32 v24, v24;
	v15 =	vld.idx.msk [tilespmem:v18+s13+$0x0], $0xffff  }
0xe9: {  	v22 =	vadd.f32 v25, v22;
	v24 =	vmul.f32 v11, v11;
	v11 =	vmul.f32 v23, v11;
	v18 =	vld.idx.msk [tilespmem:v18+s15+$0x0], $0xffff  }
0xea: {  	v9 =	vadd.f32 v12, v9;
	v7 =	vadd.f32 v8, v7;
	v8 =	vmul.f32 v23, v23;
	v12 =	vld.idx.msk [tilespmem:v17+s13+$0x0], $0xffff  }
0xeb: {  	v22 =	vadd.f32 v24, v22;
	v23 =	vmul.f32 v10, v10;
	v10 =	vmul.f32 v21, v10;
	v17 =	vld.idx.msk [tilespmem:v17+s15+$0x0], $0xffff  }
0xec: {  	v9 =	vadd.f32 v11, v9;
	v7 =	vadd.f32 v8, v7;
	v8 =	vmul.f32 v21, v21;
	v11 =	vld.idx.msk [tilespmem:v16+s13+$0x0], $0xffff  }
0xed: {  	v21 =	vadd.f32 v23, v22;
	v22 =	vmul.f32 v20, v20;
	v20 =	vmul.f32 v19, v20;
	v16 =	vld.idx.msk [tilespmem:v16+s15+$0x0], $0xffff  }
0xee: {  	v9 =	vadd.f32 v10, v9;
	v7 =	vadd.f32 v8, v7;
	v8 =	vmul.f32 v19, v19;
	v10 =	vld.idx.msk [tilespmem:v14+s13+$0x0], $0xffff  }
0xef: {  	v19 =	vadd.f32 v22, v21;
	v21 =	vmul.f32 v15, v15;
	v15 =	vmul.f32 v18, v15;
	v14 =	vld.idx.msk [tilespmem:v14+s15+$0x0], $0xffff  }
0xf0: {  	v9 =	vadd.f32 v20, v9;
	v7 =	vadd.f32 v8, v7;
	v8 =	vmul.f32 v18, v18;
	v18 =	vld.idx.msk [tilespmem:v13+s13+$0x0], $0xffff  }
0xf1: {  	v19 =	vadd.f32 v21, v19;
	v20 =	vmul.f32 v12, v12;
	v12 =	vmul.f32 v17, v12;
	v13 =	vld.idx.msk [tilespmem:v13+s15+$0x0], $0xffff  }
0xf2: {  	v9 =	vadd.f32 v15, v9;
	v7 =	vadd.f32 v8, v7;
	v8 =	vmul.f32 v17, v17  }
0xf3: {  	v15 =	vadd.f32 v20, v19;
	v17 =	vmul.f32 v11, v11;
	v11 =	vmul.f32 v16, v11  }
0xf4: {  	v9 =	vadd.f32 v12, v9;
	v7 =	vadd.f32 v8, v7;
	v8 =	vmul.f32 v16, v16  }
0xf5: {  	v12 =	vadd.f32 v17, v15;
	v15 =	vmul.f32 v10, v10;
	v10 =	vmul.f32 v14, v10  }
0xf6: {  	v9 =	vadd.f32 v11, v9;
	v7 =	vadd.f32 v8, v7;
	v8 =	vmul.f32 v14, v14  }
0xf7: {  	v11 =	vadd.f32 v15, v12;
	v12 =	vmul.f32 v18, v18;
	v14 =	vmul.f32 v13, v18  }
0xf8: {  	s22 =	sadd.s32 $0x1D, s30;
	v9 =	vadd.f32 v10, v9;
	v7 =	vadd.f32 v8, v7;
	v8 =	vmul.f32 v13, v13  }
0xf9: {  	s0 =	sadd.s32 $0x1F, s30;
	v31 =	vor.u32 s30, v6;
	v30 =	vadd.s32 s22, v0;
	v25 =	vadd.f32 v12, v11  }
0xfa: {  	s1 =	sadd.s32 $0x1C, s30;
	s25 =	sadd.s32 $0x1E, s30;
	s22 =	sadd.s32 $0x17, s30;
	v13 =	vadd.s32 s0, v0;
	v34 =	vadd.f32 v14, v9;
	v32 =	vadd.f32 v8, v7  }
0xfb: {  	s31 =	sadd.s32 $0x1A, s30;
	s26 =	sadd.s32 $0x1B, s30;
	v24 =	vadd.s32 s22, v0;
	v16 =	vadd.s32 s25, v0;
	s0 =	sadd.s32 $0x19, s30;
	v14 =	vadd.s32 s1, v0  }
0xfc: {  	s22 =	sadd.s32 $0x11, s30;
	v19 =	vadd.s32 s31, v0;
	s25 =	sadd.s32 $0x18, s30;
	v17 =	vadd.s32 s26, v0;
	v18 =	vadd.s32 s0, v0;
	s1 =	sadd.s32 $0x16, s30  }
0xfd: {  	v35 =	vadd.s32 s22, v0;
	s31 =	sadd.s32 $0x15, s30;
	s26 =	sadd.s32 $0x14, s30;
	v21 =	vadd.s32 s25, v0;
	s0 =	sadd.s32 $0x13, s30;
	v23 =	vadd.s32 s1, v0  }
0xfe: {  	s22 =	sadd.s32 $0xB, s30;
	v27 =	vadd.s32 s31, v0;
	s25 =	sadd.s32 $0x12, s30;
	v29 =	vadd.s32 s26, v0;
	v28 =	vadd.s32 s0, v0;
	s1 =	sadd.s32 $0x10, s30  }
0xff: {  	s31 =	sadd.s32 $0xF, s30;
	s26 =	sadd.s32 $0xE, s30;
	v33 =	vadd.s32 s25, v0;
	s0 =	sadd.s32 $0xD, s30;
	v7 =	vor.u32 s1, v6  }
.Ltmp0:
0x100: {  	s25 =	sadd.s32 $0xC, s30;
	v9 =	vadd.s32 s26, v6;
	v8 =	vadd.s32 s31, v6;
	v10 =	vadd.s32 s0, v6;
	s1 =	sadd.s32 $0xA, s30;
	(pc) =	sbr.rel @p0 .LBB2_3-.Ltmp0, $4  }
0x101: {  	v12 =	vadd.s32 s22, v6;
	v11 =	vadd.s32 s25, v6;
	s26 =	sadd.s32 $0x8, s30;
	s31 =	sadd.s32 $0x9, s30;
	s0 =	sadd.s32 $0x7, s30;
	v15 =	vadd.s32 s1, v6  }
0x102: {  	s22 =	sadd.s32 $0x5, s30;
	s25 =	sadd.s32 $0x6, s30;
	v22 =	vadd.s32 s26, v6;
	v20 =	vadd.s32 s31, v6;
	v26 =	vadd.s32 s0, v6;
	s1 =	sadd.s32 $0x4, s30  }
0x103: {  	v37 =	vadd.s32 s22, v6;
	v36 =	vadd.s32 s25, v6;
	s26 =	sadd.s32 $0x2, s30;
	s31 =	sadd.s32 $0x3, s30;
	s0 =	sadd.s32 $0x1, s30;
	v38 =	vadd.s32 s1, v6  }
0x104: {  	v40 =	vadd.s32 s26, v6;
	v39 =	vadd.s32 s31, v6;
	v41 =	vadd.s32 s0, v6;
	s30 =	sadd.s32 $0x20, s30  }
0x105: {  	_ =	sdelay $0x3  }
0x106: {  	v6 =	vld.idx.msk [tilespmem:v31+s13+$0x0], $0xffff;
	_ =	sdelay $0x1  }
0x107: {  	v42 =	vld.idx.msk [tilespmem:v41+s13+$0x0], $0xffff;
	_ =	sdelay $0x1  }
0x108: {  	v43 =	vld.idx.msk [tilespmem:v40+s13+$0x0], $0xffff  }
0x109: {  	v44 =	vmul.f32 v6, v6  }
0x10a: {  	v45 =	vld.idx.msk [tilespmem:v39+s13+$0x0], $0xffff  }
0x10b: {  	v62 =	vmul.f32 v42, v42;
	v25 =	vadd.f32 v44, v25  }
0x10c: {  	v46 =	vld.idx.msk [tilespmem:v38+s13+$0x0], $0xffff  }
0x10d: {  	v52 =	vmul.f32 v43, v43;
	v25 =	vadd.f32 v62, v25  }
0x10e: {  	v47 =	vld.idx.msk [tilespmem:v37+s13+$0x0], $0xffff  }
0x10f: {  	v53 =	vmul.f32 v45, v45;
	v25 =	vadd.f32 v52, v25  }
0x110: {  	v48 =	vld.idx.msk [tilespmem:v36+s13+$0x0], $0xffff  }
0x111: {  	v63 =	vld.idx.msk [tilespmem:v31+s15+$0x0], $0xffff;
	v55 =	vmul.f32 v46, v46;
	v25 =	vadd.f32 v53, v25  }
0x112: {  	v49 =	vld.idx.msk [tilespmem:v26+s13+$0x0], $0xffff  }
0x113: {  	v54 =	vld.idx.msk [tilespmem:v41+s15+$0x0], $0xffff;
	v57 =	vmul.f32 v47, v47;
	v25 =	vadd.f32 v55, v25  }
0x114: {  	v50 =	vld.idx.msk [tilespmem:v22+s13+$0x0], $0xffff  }
0x115: {  	v59 =	vmul.f32 v48, v48;
	v25 =	vadd.f32 v57, v25  }
0x116: {  	v41 =	vld.idx.msk [tilespmem:v20+s13+$0x0], $0xffff;
	v30 =	vand.u32 $0x7F, v30;
	v6 =	vmul.f32 v63, v6;
	v31 =	vmul.f32 v63, v63  }
0x117: {  	v56 =	vld.idx.msk [tilespmem:v40+s15+$0x0], $0xffff;
	v35 =	vand.u32 $0x7F, v35;
	v62 =	vmul.f32 v49, v49;
	v25 =	vadd.f32 v59, v25  }
0x118: {  	v42 =	vmul.f32 v54, v42;
	v6 =	vadd.f32 v6, v34;
	v31 =	vadd.f32 v31, v32;
	v32 =	vld.idx.msk [tilespmem:v15+s13+$0x0], $0xffff  }
0x119: {  	v58 =	vld.idx.msk [tilespmem:v39+s15+$0x0], $0xffff;
	v33 =	vand.u32 $0x7F, v33;
	v51 =	vmul.f32 v50, v50;
	v25 =	vadd.f32 v62, v25  }
0x11a: {  	v28 =	vand.u32 $0x7F, v28;
	v60 =	vmul.f32 v54, v54;
	v6 =	vadd.f32 v42, v6;
	v42 =	vld.idx.msk [tilespmem:v12+s13+$0x0], $0xffff  }
0x11b: {  	v61 =	vld.idx.msk [tilespmem:v38+s15+$0x0], $0xffff;
	v29 =	vand.u32 $0x7F, v29;
	v54 =	vmul.f32 v41, v41;
	v25 =	vadd.f32 v51, v25  }
0x11c: {  	v63 =	vmul.f32 v56, v43;
	v40 =	vmul.f32 v56, v56;
	v43 =	vld.idx.msk [tilespmem:v11+s13+$0x0], $0xffff;
	v31 =	vadd.f32 v60, v31  }
0x11d: {  	v27 =	vand.u32 $0x7F, v27;
	v56 =	vmul.f32 v32, v32;
	v53 =	vld.idx.msk [tilespmem:v37+s15+$0x0], $0xffff;
	v25 =	vadd.f32 v54, v25  }
0x11e: {  	v38 =	vld.idx.msk [tilespmem:v10+s13+$0x0], $0xffff;
	v23 =	vand.u32 $0x7F, v23;
	v34 =	vmul.f32 v58, v58;
	v31 =	vadd.f32 v40, v31  }
0x11f: {  	v35 =	vor.u32 v5, v35;
	v59 =	vmul.f32 v42, v42;
	v25 =	vadd.f32 v56, v25  }
0x120: {  	v52 =	vmul.f32 v58, v45;
	v31 =	vadd.f32 v34, v31;
	v34 =	vld.idx.msk [tilespmem:v9+s13+$0x0], $0xffff;
	v57 =	vmul.f32 v61, v61  }
0x121: {  	v58 =	vld.idx.msk [tilespmem:v36+s15+$0x0], $0xffff;
	v55 =	vmul.f32 v61, v46;
	v61 =	vmul.f32 v43, v43;
	v25 =	vadd.f32 v59, v25  }
0x122: {  	v33 =	vor.u32 v5, v33;
	v40 =	vld.idx.msk [tilespmem:v8+s13+$0x0], $0xffff;
	v37 =	vmul.f32 v53, v53;
	v31 =	vadd.f32 v57, v31  }
0x123: {  	v6 =	vadd.f32 v63, v6;
	v63 =	vmul.f32 v38, v38;
	v25 =	vadd.f32 v61, v25  }
0x124: {  	v24 =	vand.u32 $0x7F, v24;
	v28 =	vor.u32 v5, v28;
	v31 =	vadd.f32 v37, v31;
	v37 =	vld.idx.msk [tilespmem:v7+s13+$0x0], $0xffff  }
0x125: {  	v6 =	vadd.f32 v52, v6;
	v52 =	vmul.f32 v34, v34;
	v62 =	vld.idx.msk [tilespmem:v26+s15+$0x0], $0xffff;
	v25 =	vadd.f32 v63, v25  }
0x126: {  	v21 =	vand.u32 $0x7F, v21;
	v18 =	vand.u32 $0x7F, v18;
	v44 =	vld.idx.msk [tilespmem:v35+s13+$0x0], $0xffff;
	v36 =	vmul.f32 v58, v58  }
0x127: {  	v29 =	vor.u32 v5, v29;
	v54 =	vmul.f32 v40, v40;
	v25 =	vadd.f32 v52, v25  }
0x128: {  	v6 =	vadd.f32 v55, v6;
	v60 =	vmul.f32 v53, v47;
	v31 =	vadd.f32 v36, v31;
	v36 =	vld.idx.msk [tilespmem:v33+s13+$0x0], $0xffff  }
0x129: {  	v27 =	vor.u32 v5, v27;
	v53 =	vld.idx.msk [tilespmem:v22+s15+$0x0], $0xffff;
	v56 =	vmul.f32 v37, v37;
	v25 =	vadd.f32 v54, v25  }
0x12a: {  	v45 =	vld.idx.msk [tilespmem:v28+s13+$0x0], $0xffff;
	v6 =	vadd.f32 v60, v6;
	v51 =	vmul.f32 v58, v48;
	v26 =	vmul.f32 v62, v62  }
0x12b: {  	v23 =	vor.u32 v5, v23;
	v57 =	vld.idx.msk [tilespmem:v20+s15+$0x0], $0xffff;
	v58 =	vmul.f32 v44, v44;
	v25 =	vadd.f32 v56, v25  }
0x12c: {  	v6 =	vadd.f32 v51, v6;
	v55 =	vmul.f32 v62, v49;
	v26 =	vadd.f32 v26, v31;
	v31 =	vld.idx.msk [tilespmem:v29+s13+$0x0], $0xffff  }
0x12d: {  	v24 =	vor.u32 v5, v24;
	v60 =	vmul.f32 v36, v36;
	v25 =	vadd.f32 v58, v25  }
0x12e: {  	v46 =	vld.idx.msk [tilespmem:v27+s13+$0x0], $0xffff;
	v22 =	vmul.f32 v53, v53;
	v6 =	vadd.f32 v55, v6;
	v59 =	vmul.f32 v53, v50  }
0x12f: {  	v21 =	vor.u32 v5, v21;
	v62 =	vmul.f32 v45, v45;
	v61 =	vld.idx.msk [tilespmem:v15+s15+$0x0], $0xffff;
	v25 =	vadd.f32 v60, v25  }
0x130: {  	v41 =	vmul.f32 v57, v41;
	v22 =	vadd.f32 v22, v26;
	v26 =	vld.idx.msk [tilespmem:v23+s13+$0x0], $0xffff;
	v6 =	vadd.f32 v59, v6  }
0x131: {  	v18 =	vor.u32 v5, v18;
	v63 =	vmul.f32 v31, v31;
	v25 =	vadd.f32 v62, v25  }
0x132: {  	v19 =	vand.u32 $0x7F, v19;
	v20 =	vmul.f32 v57, v57;
	v6 =	vadd.f32 v41, v6;
	v41 =	vld.idx.msk [tilespmem:v24+s13+$0x0], $0xffff  }
0x133: {  	v19 =	vor.u32 v5, v19;
	v47 =	vld.idx.msk [tilespmem:v12+s15+$0x0], $0xffff;
	v48 =	vmul.f32 v46, v46;
	v25 =	vadd.f32 v63, v25  }
0x134: {  	v17 =	vand.u32 $0x7F, v17;
	v20 =	vadd.f32 v20, v22;
	v22 =	vld.idx.msk [tilespmem:v21+s13+$0x0], $0xffff;
	v32 =	vmul.f32 v61, v32  }
0x135: {  	v17 =	vor.u32 v5, v17;
	v49 =	vmul.f32 v26, v26;
	v25 =	vadd.f32 v48, v25  }
0x136: {  	v14 =	vand.u32 $0x7F, v14;
	v15 =	vmul.f32 v61, v61;
	v6 =	vadd.f32 v32, v6;
	v32 =	vld.idx.msk [tilespmem:v18+s13+$0x0], $0xffff  }
0x137: {  	v14 =	vor.u32 v5, v14;
	v50 =	vld.idx.msk [tilespmem:v11+s15+$0x0], $0xffff;
	v51 =	vmul.f32 v41, v41;
	v25 =	vadd.f32 v49, v25  }
0x138: {  	v16 =	vand.u32 $0x7F, v16;
	v42 =	vmul.f32 v47, v42;
	v15 =	vadd.f32 v15, v20;
	v20 =	vld.idx.msk [tilespmem:v19+s13+$0x0], $0xffff  }
0x139: {  	v30 =	vor.u32 v5, v30;
	v52 =	vld.idx.msk [tilespmem:v10+s15+$0x0], $0xffff;
	v53 =	vmul.f32 v22, v22;
	v25 =	vadd.f32 v51, v25  }
0x13a: {  	v13 =	vand.u32 $0x7F, v13;
	v12 =	vmul.f32 v47, v47;
	v6 =	vadd.f32 v42, v6;
	v42 =	vld.idx.msk [tilespmem:v17+s13+$0x0], $0xffff  }
0x13b: {  	v16 =	vor.u32 v5, v16;
	v54 =	vld.idx.msk [tilespmem:v9+s15+$0x0], $0xffff;
	v55 =	vmul.f32 v32, v32;
	v25 =	vadd.f32 v53, v25  }
0x13c: {  	v43 =	vmul.f32 v50, v43;
	v11 =	vmul.f32 v50, v50;
	v12 =	vadd.f32 v12, v15;
	v15 =	vld.idx.msk [tilespmem:v14+s13+$0x0], $0xffff  }
0x13d: {  	v5 =	vor.u32 v5, v13;
	v56 =	vld.idx.msk [tilespmem:v8+s15+$0x0], $0xffff;
	v58 =	vmul.f32 v20, v20;
	v57 =	vadd.f32 v55, v25  }
0x13e: {  	v38 =	vmul.f32 v52, v38;
	v6 =	vadd.f32 v43, v6;
	v11 =	vadd.f32 v11, v12;
	v12 =	vld.idx.msk [tilespmem:v30+s13+$0x0], $0xffff  }
0x13f: {  	v59 =	vld.idx.msk [tilespmem:v7+s15+$0x0], $0xffff;
	v60 =	vmul.f32 v42, v42;
	v13 =	vadd.f32 v58, v57  }
0x140: {  	v34 =	vmul.f32 v54, v34;
	v6 =	vadd.f32 v38, v6;
	v38 =	vld.idx.msk [tilespmem:v16+s13+$0x0], $0xffff  }
0x141: {  	v35 =	vld.idx.msk [tilespmem:v35+s15+$0x0], $0xffff;
	v10 =	vmul.f32 v52, v52;
	v62 =	vmul.f32 v15, v15;
	v61 =	vadd.f32 v60, v13  }
0x142: {  	v6 =	vadd.f32 v34, v6;
	v34 =	vld.idx.msk [tilespmem:v5+s13+$0x0], $0xffff;
	v63 =	vmul.f32 v56, v40  }
0x143: {  	v33 =	vld.idx.msk [tilespmem:v33+s15+$0x0], $0xffff;
	v10 =	vadd.f32 v10, v11;
	v39 =	vmul.f32 v12, v12;
	v11 =	vadd.f32 v62, v61  }
0x144: {  	v40 =	vmul.f32 v59, v37;
	v6 =	vadd.f32 v63, v6  }
0x145: {  	v9 =	vmul.f32 v54, v54;
	v43 =	vld.idx.msk [tilespmem:v28+s15+$0x0], $0xffff;
	v47 =	vmul.f32 v38, v38;
	v11 =	vadd.f32 v39, v11  }
0x146: {  	v8 =	vmul.f32 v56, v56;
	v48 =	vmul.f32 v35, v44;
	v6 =	vadd.f32 v40, v6  }
0x147: {  	v9 =	vadd.f32 v9, v10;
	v49 =	vld.idx.msk [tilespmem:v29+s15+$0x0], $0xffff;
	v51 =	vmul.f32 v34, v34;
	v50 =	vadd.f32 v47, v11  }
0x148: {  	v52 =	vmul.f32 v33, v36;
	v6 =	vadd.f32 v48, v6  }
0x149: {  	v27 =	vld.idx.msk [tilespmem:v27+s15+$0x0], $0xffff;
	v7 =	vmul.f32 v59, v59;
	v8 =	vadd.f32 v8, v9;
	v10 =	vadd.f32 v51, v50  }
0x14a: {  	v54 =	vmul.f32 v35, v35;
	v53 =	vmul.f32 v43, v45;
	v6 =	vadd.f32 v52, v6  }
0x14b: {  	v7 =	vadd.f32 v7, v8;
	v55 =	vld.idx.msk [tilespmem:v23+s15+$0x0], $0xffff;
	v56 =	vshra.s32 v10, $0x1;
	v57 =	vmul.f32 $5.000000000e-01, v10  }
0x14c: {  	v29 =	vmul.f32 v49, v31;
	v6 =	vadd.f32 v53, v6;
	v58 =	vsub.s32 $0x5F3759DF, v56  }
0x14d: {  	v59 =	vmul.f32 v33, v33;
	v7 =	vadd.f32 v54, v7;
	v60 =	vld.idx.msk [tilespmem:v24+s15+$0x0], $0xffff;
	v61 =	vmul.f32 v58, v57  }
0x14e: {  	v6 =	vadd.f32 v29, v6;
	v62 =	vmul.f32 v27, v46  }
0x14f: {  	v21 =	vld.idx.msk [tilespmem:v21+s15+$0x0], $0xffff;
	v63 =	vmul.f32 v43, v43;
	v7 =	vadd.f32 v59, v7;
	v24 =	vmul.f32 v58, v61  }
0x150: {  	v29 =	vmul.f32 v55, v26;
	v6 =	vadd.f32 v62, v6  }
0x151: {  	v7 =	vadd.f32 v63, v7;
	v9 =	vmul.f32 v49, v49;
	v31 =	vld.idx.msk [tilespmem:v18+s15+$0x0], $0xffff;
	v33 =	vsub.f32 $1.500000000e+00, v24  }
0x152: {  	v19 =	vld.idx.msk [tilespmem:v19+s15+$0x0], $0xffff;
	v35 =	vmul.f32 v60, v41;
	v6 =	vadd.f32 v29, v6  }
0x153: {  	v36 =	vmul.f32 v27, v27;
	v7 =	vadd.f32 v9, v7;
	v8 =	vmul.f32 v58, v33  }
0x154: {  	v37 =	vmul.f32 v21, v22;
	v40 =	vld.idx.msk [tilespmem:v17+s15+$0x0], $0xffff;
	v6 =	vadd.f32 v35, v6  }
0x155: {  	v7 =	vadd.f32 v36, v7;
	v41 =	vmul.f32 v8, v57  }
0x156: {  	v14 =	vld.idx.msk [tilespmem:v14+s15+$0x0], $0xffff;
	v43 =	vmul.f32 v31, v32;
	v39 =	vmul.f32 v55, v55;
	v6 =	vadd.f32 v37, v6  }
0x157: {  	v45 =	vmul.f32 v19, v20;
	v17 =	vmul.f32 v41, v8  }
0x158: {  	v44 =	vmul.f32 v60, v60;
	v7 =	vadd.f32 v39, v7;
	v6 =	vadd.f32 v43, v6  }
0x159: {  	v48 =	vmul.f32 v40, v42;
	v47 =	vld.idx.msk [tilespmem:v30+s15+$0x0], $0xffff;
	v17 =	vsub.f32 $1.500000000e+00, v17  }
0x15a: {  	v46 =	vmul.f32 v21, v21;
	v7 =	vadd.f32 v44, v7;
	v6 =	vadd.f32 v45, v6  }
0x15b: {  	v15 =	vmul.f32 v14, v15;
	v50 =	vld.idx.msk [tilespmem:v16+s15+$0x0], $0xffff;
	v8 =	vmul.f32 v17, v8  }
0x15c: {  	v49 =	vmul.f32 v31, v31;
	v7 =	vadd.f32 v46, v7;
	v6 =	vadd.f32 v48, v6  }
0x15d: {  	v5 =	vld.idx.msk [tilespmem:v5+s15+$0x0], $0xffff;
	v51 =	vmul.f32 v19, v19;
	v52 =	vmul.f32 v8, v57  }
0x15e: {  	v12 =	vmul.f32 v47, v12;
	v7 =	vadd.f32 v49, v7;
	v6 =	vadd.f32 v15, v6  }
0x15f: {  	v53 =	vmul.f32 v40, v40;
	v54 =	vmul.f32 v52, v8  }
0x160: {  	v55 =	vmul.f32 v50, v38;
	v7 =	vadd.f32 v51, v7;
	v6 =	vadd.f32 v12, v6  }
0x161: {  	v56 =	vmul.f32 v14, v14;
	v57 =	vsub.f32 $1.500000000e+00, v54  }
0x162: {  	v7 =	vadd.f32 v53, v7;
	v58 =	vmul.f32 v5, v34;
	v6 =	vadd.f32 v55, v6  }
0x163: {  	v8 =	vmul.f32 v57, v8  }
0x164: {  	v59 =	vmul.f32 v47, v47;
	v7 =	vadd.f32 v56, v7;
	v6 =	vadd.f32 v58, v6  }
0x165: {  	v60 =	vmul.f32 v50, v50;
	v8 =	vmin.f32 v8, $9.999999950e+11  }
0x166: {  	v7 =	vadd.f32 v59, v7;
	v10 =	vmul.f32 v8, v10;
	v6 =	vmul.f32 v8, v6  }
0x167: {  	v5 =	vmul.f32 v5, v5  }
0x168: {  	v7 =	vadd.f32 v60, v7;
	v8 =	vmul.f32 v10, v8;
	v6 =	vadd.f32 v6, v6;
	_ =	sdelay $0x1  }
0x169: {  	v5 =	vadd.f32 v5, v7;
	v6 =	vsub.f32 v8, v6;
	_ =	sdelay $0x1  }
0x16a: {  	v5 =	vadd.f32 v6, v5;
	_ =	sdelay $0x1  }
0x16b: {  	v5 =	vmax.f32 v5, $0.0e+00  }
0x16c: {  	v61 =	vshra.s32 v5, $0x1;
	v62 =	vmul.f32 $5.000000000e-01, v5  }
0x16d: {  	v6 =	vsub.s32 $0x5F3759DF, v61  }
0x16e: {  	v63 =	vmul.f32 v6, v62;
	_ =	sdelay $0x1  }
0x16f: {  	v8 =	vmul.f32 v6, v63;
	_ =	sdelay $0x1  }
0x170: {  	v8 =	vsub.f32 $1.500000000e+00, v8;
	_ =	sdelay $0x1  }
0x171: {  	v6 =	vmul.f32 v6, v8;
	_ =	sdelay $0x1  }
0x172: {  	v8 =	vmul.f32 v6, v62;
	_ =	sdelay $0x1  }
0x173: {  	v8 =	vmul.f32 v8, v6;
	_ =	sdelay $0x1  }
0x174: {  	v8 =	vsub.f32 $1.500000000e+00, v8;
	_ =	sdelay $0x1  }
0x175: {  	v6 =	vmul.f32 v8, v6;
	_ =	sdelay $0x1  }
0x176: {  	v7 =	vmul.f32 v6, v62;
	_ =	sdelay $0x1  }
0x177: {  	v7 =	vmul.f32 v7, v6;
	_ =	sdelay $0x1  }
0x178: {  	v7 =	vsub.f32 $1.500000000e+00, v7  }
0x179: {  	s29 =	sadd.s32 $0x1, s29  }
0x17a: {  	p0 =	sne.s32 s29, $0x8;
	v6 =	vmul.f32 v7, v6  }
.Ltmp1:
0x17b: {  	_ = 	snop;
	(pc) =	sbr.rel @p0 .LBB2_2-.Ltmp1, $3  }
0x17c: {  	v5 =	vmul.f32 v6, v5;
	_ =	sdelay $0x1  }
0x17d: {  	[tilespmem:v4+s20+$0x0] =	vst.idx.add.f32.msk $0xffff, v5  }
0x17e: {  	[tilespmem:v4+s21+$0x0] =	vst.idx.add.f32.msk $0xffff, v3  }
0x17f: {  	s29 =	simm.s32 $0x0  }
0x180: {  	[tilespmem:s13], [sflag:$0x1] =	stream.linear.gather [hbm4b:s7+s29], $0x4000, $0x38;
	[tilespmem:$0x10A00] =	vst v63  }
0x181: {  	s0 =	simm.s32 $0x100  }
0x182: {  	[tilespmem:s15], [sflag:$0x3] =	stream.indirect.gather [hbm4b:s2+s14], $0x80, s0, s14, $0xb8;
	[tilespmem:$0x10A00] =	vst v63  }
0x183: {  	_ =	swait.ge [sflag:s23], $0x4000  }
0x184: {  	[sflag:s23] =	ssyncset.done $0x0  }
0x185: {  	[sflag:s23] =	ssyncadd.s32 $0xFFFFC000  }
0x186: {  	_ =	swait.ge [sflag:s24], $0x4000  }
0x187: {  	[sflag:s24] =	ssyncset.done $0x0  }
0x188: {  	s30 =	simm.s32 $0x0;
	[sflag:s24] =	ssyncadd.s32 $0xFFFFC000  }
.LBB2_6:
0x189: {  	s31 =	sshll.u32 s30, $0x4;
	v25 =	vimm.f32 $0.0e+00;
	s0 =	simm.s32 $0x1F;
	s1 =	simm.s32 $0x1C;
	v34 =	vimm.f32 $0.0e+00;
	v32 =	vimm.f32 $0.0e+00  }
0x18a: {  	s22 =	simm.s32 $0x1D;
	s25 =	simm.s32 $0x1E;
	s26 =	simm.s32 $0x1A;
	v4 =	vmov s31;
	v13 =	vadd.s32 s0, v0;
	v14 =	vadd.s32 s1, v0  }
0x18b: {  	s5 =	simm.s32 $0x1B;
	s0 =	simm.s32 $0x19;
	v30 =	vadd.s32 s22, v0;
	v16 =	vadd.s32 s25, v0;
	v19 =	vadd.s32 s26, v0  }
0x18c: {  	s22 =	simm.s32 $0x16;
	s25 =	simm.s32 $0x17;
	v17 =	vadd.s32 s5, v0;
	s26 =	simm.s32 $0x13;
	v4 =	vshll.u32 v4, $0x7;
	v18 =	vadd.s32 s0, v0  }
0x18d: {  	s5 =	simm.s32 $0x14;
	s0 =	simm.s32 $0x18;
	v23 =	vadd.s32 s22, v0;
	v24 =	vadd.s32 s25, v0;
	v28 =	vadd.s32 s26, v0  }
0x18e: {  	s22 =	simm.s32 $0x15;
	s25 =	simm.s32 $0x11;
	v29 =	vadd.s32 s5, v0;
	v5 =	vor.u32 v2, v4;
	v21 =	vadd.s32 s0, v0  }
0x18f: {  	s5 =	simm.s32 $0x12;
	s0 =	simm.s32 $0x10;
	v27 =	vadd.s32 s22, v0;
	v35 =	vadd.s32 s25, v0;
	v6 =	vor.u32 v0, v5  }
0x190: {  	s26 =	simm.s32 $0xE;
	s22 =	simm.s32 $0xD;
	v33 =	vadd.s32 s5, v0;
	s25 =	simm.s32 $0xA;
	v31 =	vor.u32 s29, v6;
	v7 =	vor.u32 s0, v6  }
0x191: {  	s5 =	simm.s32 $0xB;
	s0 =	simm.s32 $0xF;
	v10 =	vadd.s32 s22, v6;
	v9 =	vadd.s32 s26, v6;
	s22 =	simm.s32 $0xC;
	v15 =	vadd.s32 s25, v6  }
0x192: {  	s26 =	simm.s32 $0x8;
	v12 =	vadd.s32 s5, v6;
	s5 =	simm.s32 $0x9;
	s25 =	simm.s32 $0x5;
	v8 =	vadd.s32 s0, v6;
	v11 =	vadd.s32 s22, v6  }
0x193: {  	s0 =	simm.s32 $0x7;
	s22 =	simm.s32 $0x4;
	v22 =	vadd.s32 s26, v6;
	v20 =	vadd.s32 s5, v6;
	s26 =	simm.s32 $0x1;
	v37 =	vadd.s32 s25, v6  }
0x194: {  	s5 =	simm.s32 $0x2;
	s25 =	simm.s32 $0x3;
	v26 =	vadd.s32 s0, v6;
	s0 =	simm.s32 $0x6;
	v38 =	vadd.s32 s22, v6;
	v41 =	vadd.s32 s26, v6  }
0x195: {  	v4 =	vld [tilespmem:s31+$0x80];
	s31 =	simm.s32 $0x20;
	v40 =	vadd.s32 s5, v6;
	v39 =	vadd.s32 s25, v6;
	v36 =	vadd.s32 s0, v6  }
.LBB2_7:
0x196: {  	p0 =	slt.u32 s31, $0x60;
	v30 =	vand.u32 $0x7F, v30;
	v42 =	vand.u32 $0x7F, v16;
	v13 =	vand.u32 $0x7F, v13  }
0x197: {  	v19 =	vand.u32 $0x7F, v19;
	v17 =	vand.u32 $0x7F, v17;
	v43 =	vand.u32 $0x7F, v14  }
0x198: {  	v24 =	vand.u32 $0x7F, v24;
	v21 =	vand.u32 $0x7F, v21;
	v45 =	vand.u32 $0x7F, v18;
	v44 =	vld.idx.msk [tilespmem:v31+s16+$0x0], $0xffff  }
0x199: {  	v29 =	vand.u32 $0x7F, v29;
	v27 =	vand.u32 $0x7F, v27;
	v46 =	vld.idx.msk [tilespmem:v31+s17+$0x0], $0xffff;
	v31 =	vand.u32 $0x7F, v23  }
0x19a: {  	v35 =	vand.u32 $0x7F, v35;
	v33 =	vand.u32 $0x7F, v33;
	v48 =	vand.u32 $0x7F, v28;
	v47 =	vld.idx.msk [tilespmem:v41+s16+$0x0], $0xffff  }
0x19b: {  	v16 =	vor.u32 v5, v30;
	v14 =	vor.u32 v5, v42;
	v13 =	vor.u32 v5, v13;
	v41 =	vld.idx.msk [tilespmem:v41+s17+$0x0], $0xffff  }
0x19c: {  	v19 =	vor.u32 v5, v19;
	v18 =	vor.u32 v5, v17;
	v17 =	vor.u32 v5, v43;
	v42 =	vld.idx.msk [tilespmem:v40+s16+$0x0], $0xffff  }
0x19d: {  	v24 =	vor.u32 v5, v24;
	v23 =	vor.u32 v5, v21;
	v21 =	vor.u32 v5, v45;
	v40 =	vld.idx.msk [tilespmem:v40+s17+$0x0], $0xffff  }
0x19e: {  	v29 =	vor.u32 v5, v29;
	v28 =	vor.u32 v5, v27;
	v27 =	vor.u32 v5, v31;
	v43 =	vld.idx.msk [tilespmem:v39+s16+$0x0], $0xffff  }
0x19f: {  	v30 =	vor.u32 v5, v48;
	v31 =	vor.u32 v5, v33;
	v45 =	vmul.f32 v44, v44;
	v39 =	vld.idx.msk [tilespmem:v39+s17+$0x0], $0xffff  }
0x1a0: {  	v33 =	vor.u32 v5, v35;
	v44 =	vmul.f32 v46, v44;
	v46 =	vmul.f32 v46, v46;
	v48 =	vld.idx.msk [tilespmem:v38+s16+$0x0], $0xffff  }
0x1a1: {  	v25 =	vadd.f32 v45, v25;
	v35 =	vmul.f32 v47, v47;
	v45 =	vmul.f32 v41, v47;
	v38 =	vld.idx.msk [tilespmem:v38+s17+$0x0], $0xffff  }
0x1a2: {  	v34 =	vadd.f32 v44, v34;
	v32 =	vadd.f32 v46, v32;
	v41 =	vmul.f32 v41, v41;
	v44 =	vld.idx.msk [tilespmem:v37+s16+$0x0], $0xffff  }
0x1a3: {  	v25 =	vadd.f32 v35, v25;
	v35 =	vmul.f32 v42, v42;
	v42 =	vmul.f32 v40, v42;
	v37 =	vld.idx.msk [tilespmem:v37+s17+$0x0], $0xffff  }
0x1a4: {  	v34 =	vadd.f32 v45, v34;
	v32 =	vadd.f32 v41, v32;
	v40 =	vmul.f32 v40, v40;
	v41 =	vld.idx.msk [tilespmem:v36+s16+$0x0], $0xffff  }
0x1a5: {  	v25 =	vadd.f32 v35, v25;
	v35 =	vmul.f32 v43, v43;
	v43 =	vmul.f32 v39, v43;
	v36 =	vld.idx.msk [tilespmem:v36+s17+$0x0], $0xffff  }
0x1a6: {  	v34 =	vadd.f32 v42, v34;
	v32 =	vadd.f32 v40, v32;
	v39 =	vmul.f32 v39, v39;
	v40 =	vld.idx.msk [tilespmem:v26+s16+$0x0], $0xffff  }
0x1a7: {  	v25 =	vadd.f32 v35, v25;
	v35 =	vmul.f32 v48, v48;
	v42 =	vmul.f32 v38, v48;
	v26 =	vld.idx.msk [tilespmem:v26+s17+$0x0], $0xffff  }
0x1a8: {  	v34 =	vadd.f32 v43, v34;
	v32 =	vadd.f32 v39, v32;
	v38 =	vmul.f32 v38, v38;
	v39 =	vld.idx.msk [tilespmem:v22+s16+$0x0], $0xffff  }
0x1a9: {  	v25 =	vadd.f32 v35, v25;
	v35 =	vmul.f32 v44, v44;
	v43 =	vmul.f32 v37, v44;
	v22 =	vld.idx.msk [tilespmem:v22+s17+$0x0], $0xffff  }
0x1aa: {  	v34 =	vadd.f32 v42, v34;
	v32 =	vadd.f32 v38, v32;
	v37 =	vmul.f32 v37, v37;
	v38 =	vld.idx.msk [tilespmem:v20+s16+$0x0], $0xffff  }
0x1ab: {  	v25 =	vadd.f32 v35, v25;
	v35 =	vmul.f32 v41, v41;
	v41 =	vmul.f32 v36, v41;
	v20 =	vld.idx.msk [tilespmem:v20+s17+$0x0], $0xffff  }
0x1ac: {  	v34 =	vadd.f32 v43, v34;
	v32 =	vadd.f32 v37, v32;
	v36 =	vmul.f32 v36, v36;
	v37 =	vld.idx.msk [tilespmem:v15+s16+$0x0], $0xffff  }
0x1ad: {  	v25 =	vadd.f32 v35, v25;
	v35 =	vmul.f32 v40, v40;
	v40 =	vmul.f32 v26, v40;
	v15 =	vld.idx.msk [tilespmem:v15+s17+$0x0], $0xffff  }
0x1ae: {  	v34 =	vadd.f32 v41, v34;
	v32 =	vadd.f32 v36, v32;
	v26 =	vmul.f32 v26, v26;
	v36 =	vld.idx.msk [tilespmem:v12+s16+$0x0], $0xffff  }
0x1af: {  	v25 =	vadd.f32 v35, v25;
	v35 =	vmul.f32 v39, v39;
	v39 =	vmul.f32 v22, v39;
	v12 =	vld.idx.msk [tilespmem:v12+s17+$0x0], $0xffff  }
0x1b0: {  	v34 =	vadd.f32 v40, v34;
	v26 =	vadd.f32 v26, v32;
	v22 =	vmul.f32 v22, v22;
	v32 =	vld.idx.msk [tilespmem:v11+s16+$0x0], $0xffff  }
0x1b1: {  	v25 =	vadd.f32 v35, v25;
	v35 =	vmul.f32 v38, v38;
	v38 =	vmul.f32 v20, v38;
	v11 =	vld.idx.msk [tilespmem:v11+s17+$0x0], $0xffff  }
0x1b2: {  	v34 =	vadd.f32 v39, v34;
	v22 =	vadd.f32 v22, v26;
	v20 =	vmul.f32 v20, v20;
	v26 =	vld.idx.msk [tilespmem:v10+s16+$0x0], $0xffff  }
0x1b3: {  	v25 =	vadd.f32 v35, v25;
	v35 =	vmul.f32 v37, v37;
	v37 =	vmul.f32 v15, v37;
	v10 =	vld.idx.msk [tilespmem:v10+s17+$0x0], $0xffff  }
0x1b4: {  	v34 =	vadd.f32 v38, v34;
	v20 =	vadd.f32 v20, v22;
	v15 =	vmul.f32 v15, v15;
	v22 =	vld.idx.msk [tilespmem:v9+s16+$0x0], $0xffff  }
0x1b5: {  	v25 =	vadd.f32 v35, v25;
	v35 =	vmul.f32 v36, v36;
	v36 =	vmul.f32 v12, v36;
	v9 =	vld.idx.msk [tilespmem:v9+s17+$0x0], $0xffff  }
0x1b6: {  	v34 =	vadd.f32 v37, v34;
	v15 =	vadd.f32 v15, v20;
	v12 =	vmul.f32 v12, v12;
	v20 =	vld.idx.msk [tilespmem:v8+s16+$0x0], $0xffff  }
0x1b7: {  	v25 =	vadd.f32 v35, v25;
	v35 =	vmul.f32 v32, v32;
	v32 =	vmul.f32 v11, v32;
	v8 =	vld.idx.msk [tilespmem:v8+s17+$0x0], $0xffff  }
0x1b8: {  	v34 =	vadd.f32 v36, v34;
	v12 =	vadd.f32 v12, v15;
	v11 =	vmul.f32 v11, v11;
	v15 =	vld.idx.msk [tilespmem:v7+s16+$0x0], $0xffff  }
0x1b9: {  	v25 =	vadd.f32 v35, v25;
	v35 =	vmul.f32 v26, v26;
	v26 =	vmul.f32 v10, v26;
	v7 =	vld.idx.msk [tilespmem:v7+s17+$0x0], $0xffff  }
0x1ba: {  	v32 =	vadd.f32 v32, v34;
	v11 =	vadd.f32 v11, v12;
	v10 =	vmul.f32 v10, v10;
	v12 =	vld.idx.msk [tilespmem:v33+s16+$0x0], $0xffff  }
0x1bb: {  	v25 =	vadd.f32 v35, v25;
	v34 =	vmul.f32 v22, v22;
	v22 =	vmul.f32 v9, v22;
	v33 =	vld.idx.msk [tilespmem:v33+s17+$0x0], $0xffff  }
0x1bc: {  	v26 =	vadd.f32 v26, v32;
	v10 =	vadd.f32 v10, v11;
	v9 =	vmul.f32 v9, v9;
	v11 =	vld.idx.msk [tilespmem:v31+s16+$0x0], $0xffff  }
0x1bd: {  	v25 =	vadd.f32 v34, v25;
	v32 =	vmul.f32 v20, v20;
	v20 =	vmul.f32 v8, v20;
	v31 =	vld.idx.msk [tilespmem:v31+s17+$0x0], $0xffff  }
0x1be: {  	v22 =	vadd.f32 v22, v26;
	v9 =	vadd.f32 v9, v10;
	v8 =	vmul.f32 v8, v8;
	v10 =	vld.idx.msk [tilespmem:v30+s16+$0x0], $0xffff  }
0x1bf: {  	v25 =	vadd.f32 v32, v25;
	v26 =	vmul.f32 v15, v15;
	v15 =	vmul.f32 v7, v15;
	v30 =	vld.idx.msk [tilespmem:v30+s17+$0x0], $0xffff  }
0x1c0: {  	v20 =	vadd.f32 v20, v22;
	v8 =	vadd.f32 v8, v9;
	v7 =	vmul.f32 v7, v7;
	v9 =	vld.idx.msk [tilespmem:v29+s16+$0x0], $0xffff  }
0x1c1: {  	v22 =	vadd.f32 v26, v25;
	v25 =	vmul.f32 v12, v12;
	v12 =	vmul.f32 v33, v12;
	v26 =	vld.idx.msk [tilespmem:v29+s17+$0x0], $0xffff  }
0x1c2: {  	v15 =	vadd.f32 v15, v20;
	v7 =	vadd.f32 v7, v8;
	v8 =	vmul.f32 v33, v33;
	v20 =	vld.idx.msk [tilespmem:v28+s16+$0x0], $0xffff  }
0x1c3: {  	v22 =	vadd.f32 v25, v22;
	v25 =	vmul.f32 v11, v11;
	v11 =	vmul.f32 v31, v11;
	v28 =	vld.idx.msk [tilespmem:v28+s17+$0x0], $0xffff  }
0x1c4: {  	v12 =	vadd.f32 v12, v15;
	v7 =	vadd.f32 v8, v7;
	v8 =	vmul.f32 v31, v31;
	v15 =	vld.idx.msk [tilespmem:v27+s16+$0x0], $0xffff  }
0x1c5: {  	v22 =	vadd.f32 v25, v22;
	v25 =	vmul.f32 v10, v10;
	v10 =	vmul.f32 v30, v10;
	v27 =	vld.idx.msk [tilespmem:v27+s17+$0x0], $0xffff  }
0x1c6: {  	v11 =	vadd.f32 v11, v12;
	v7 =	vadd.f32 v8, v7;
	v8 =	vmul.f32 v30, v30;
	v12 =	vld.idx.msk [tilespmem:v24+s16+$0x0], $0xffff  }
0x1c7: {  	v22 =	vadd.f32 v25, v22;
	v25 =	vmul.f32 v9, v9;
	v9 =	vmul.f32 v26, v9;
	v24 =	vld.idx.msk [tilespmem:v24+s17+$0x0], $0xffff  }
0x1c8: {  	v10 =	vadd.f32 v10, v11;
	v7 =	vadd.f32 v8, v7;
	v8 =	vmul.f32 v26, v26;
	v11 =	vld.idx.msk [tilespmem:v23+s16+$0x0], $0xffff  }
0x1c9: {  	v22 =	vadd.f32 v25, v22;
	v25 =	vmul.f32 v20, v20;
	v20 =	vmul.f32 v28, v20;
	v23 =	vld.idx.msk [tilespmem:v23+s17+$0x0], $0xffff  }
0x1ca: {  	v9 =	vadd.f32 v9, v10;
	v7 =	vadd.f32 v8, v7;
	v8 =	vmul.f32 v28, v28;
	v10 =	vld.idx.msk [tilespmem:v21+s16+$0x0], $0xffff  }
0x1cb: {  	v22 =	vadd.f32 v25, v22;
	v25 =	vmul.f32 v15, v15;
	v15 =	vmul.f32 v27, v15;
	v21 =	vld.idx.msk [tilespmem:v21+s17+$0x0], $0xffff  }
0x1cc: {  	v9 =	vadd.f32 v20, v9;
	v7 =	vadd.f32 v8, v7;
	v8 =	vmul.f32 v27, v27;
	v20 =	vld.idx.msk [tilespmem:v19+s16+$0x0], $0xffff  }
0x1cd: {  	v22 =	vadd.f32 v25, v22;
	v25 =	vmul.f32 v12, v12;
	v12 =	vmul.f32 v24, v12;
	v19 =	vld.idx.msk [tilespmem:v19+s17+$0x0], $0xffff  }
0x1ce: {  	v9 =	vadd.f32 v15, v9;
	v7 =	vadd.f32 v8, v7;
	v8 =	vmul.f32 v24, v24;
	v15 =	vld.idx.msk [tilespmem:v18+s16+$0x0], $0xffff  }
0x1cf: {  	v22 =	vadd.f32 v25, v22;
	v24 =	vmul.f32 v11, v11;
	v11 =	vmul.f32 v23, v11;
	v18 =	vld.idx.msk [tilespmem:v18+s17+$0x0], $0xffff  }
0x1d0: {  	v9 =	vadd.f32 v12, v9;
	v7 =	vadd.f32 v8, v7;
	v8 =	vmul.f32 v23, v23;
	v12 =	vld.idx.msk [tilespmem:v17+s16+$0x0], $0xffff  }
0x1d1: {  	v22 =	vadd.f32 v24, v22;
	v23 =	vmul.f32 v10, v10;
	v10 =	vmul.f32 v21, v10;
	v17 =	vld.idx.msk [tilespmem:v17+s17+$0x0], $0xffff  }
0x1d2: {  	v9 =	vadd.f32 v11, v9;
	v7 =	vadd.f32 v8, v7;
	v8 =	vmul.f32 v21, v21;
	v11 =	vld.idx.msk [tilespmem:v16+s16+$0x0], $0xffff  }
0x1d3: {  	v21 =	vadd.f32 v23, v22;
	v22 =	vmul.f32 v20, v20;
	v20 =	vmul.f32 v19, v20;
	v16 =	vld.idx.msk [tilespmem:v16+s17+$0x0], $0xffff  }
0x1d4: {  	v9 =	vadd.f32 v10, v9;
	v7 =	vadd.f32 v8, v7;
	v8 =	vmul.f32 v19, v19;
	v10 =	vld.idx.msk [tilespmem:v14+s16+$0x0], $0xffff  }
0x1d5: {  	v19 =	vadd.f32 v22, v21;
	v21 =	vmul.f32 v15, v15;
	v15 =	vmul.f32 v18, v15;
	v14 =	vld.idx.msk [tilespmem:v14+s17+$0x0], $0xffff  }
0x1d6: {  	v9 =	vadd.f32 v20, v9;
	v7 =	vadd.f32 v8, v7;
	v8 =	vmul.f32 v18, v18;
	v18 =	vld.idx.msk [tilespmem:v13+s16+$0x0], $0xffff  }
0x1d7: {  	v19 =	vadd.f32 v21, v19;
	v20 =	vmul.f32 v12, v12;
	v12 =	vmul.f32 v17, v12;
	v13 =	vld.idx.msk [tilespmem:v13+s17+$0x0], $0xffff  }
0x1d8: {  	v9 =	vadd.f32 v15, v9;
	v7 =	vadd.f32 v8, v7;
	v8 =	vmul.f32 v17, v17  }
0x1d9: {  	v15 =	vadd.f32 v20, v19;
	v17 =	vmul.f32 v11, v11;
	v11 =	vmul.f32 v16, v11  }
0x1da: {  	v9 =	vadd.f32 v12, v9;
	v7 =	vadd.f32 v8, v7;
	v8 =	vmul.f32 v16, v16  }
0x1db: {  	v12 =	vadd.f32 v17, v15;
	v15 =	vmul.f32 v10, v10;
	v10 =	vmul.f32 v14, v10  }
0x1dc: {  	v9 =	vadd.f32 v11, v9;
	v7 =	vadd.f32 v8, v7;
	v8 =	vmul.f32 v14, v14  }
0x1dd: {  	v11 =	vadd.f32 v15, v12;
	v12 =	vmul.f32 v18, v18;
	v14 =	vmul.f32 v13, v18  }
0x1de: {  	s22 =	sadd.s32 $0x1D, s31;
	v9 =	vadd.f32 v10, v9;
	v7 =	vadd.f32 v8, v7;
	v8 =	vmul.f32 v13, v13  }
0x1df: {  	s0 =	sadd.s32 $0x1F, s31;
	v31 =	vor.u32 s31, v6;
	v30 =	vadd.s32 s22, v0;
	v25 =	vadd.f32 v12, v11  }
0x1e0: {  	s1 =	sadd.s32 $0x1C, s31;
	s25 =	sadd.s32 $0x1E, s31;
	s22 =	sadd.s32 $0x17, s31;
	v13 =	vadd.s32 s0, v0;
	v34 =	vadd.f32 v14, v9;
	v32 =	vadd.f32 v8, v7  }
0x1e1: {  	s26 =	sadd.s32 $0x1A, s31;
	s5 =	sadd.s32 $0x1B, s31;
	v24 =	vadd.s32 s22, v0;
	v16 =	vadd.s32 s25, v0;
	s0 =	sadd.s32 $0x19, s31;
	v14 =	vadd.s32 s1, v0  }
0x1e2: {  	s22 =	sadd.s32 $0x11, s31;
	v19 =	vadd.s32 s26, v0;
	s25 =	sadd.s32 $0x18, s31;
	v17 =	vadd.s32 s5, v0;
	v18 =	vadd.s32 s0, v0;
	s1 =	sadd.s32 $0x16, s31  }
0x1e3: {  	v35 =	vadd.s32 s22, v0;
	s26 =	sadd.s32 $0x15, s31;
	s5 =	sadd.s32 $0x14, s31;
	v21 =	vadd.s32 s25, v0;
	s0 =	sadd.s32 $0x13, s31;
	v23 =	vadd.s32 s1, v0  }
0x1e4: {  	s22 =	sadd.s32 $0xB, s31;
	v27 =	vadd.s32 s26, v0;
	s25 =	sadd.s32 $0x12, s31;
	v29 =	vadd.s32 s5, v0;
	v28 =	vadd.s32 s0, v0;
	s1 =	sadd.s32 $0x10, s31  }
0x1e5: {  	s26 =	sadd.s32 $0xF, s31;
	s5 =	sadd.s32 $0xE, s31;
	v33 =	vadd.s32 s25, v0;
	s0 =	sadd.s32 $0xD, s31;
	v7 =	vor.u32 s1, v6  }
.Ltmp2:
0x1e6: {  	s25 =	sadd.s32 $0xC, s31;
	v9 =	vadd.s32 s5, v6;
	v8 =	vadd.s32 s26, v6;
	v10 =	vadd.s32 s0, v6;
	s1 =	sadd.s32 $0xA, s31;
	(pc) =	sbr.rel @p0 .LBB2_7-.Ltmp2, $4  }
0x1e7: {  	v12 =	vadd.s32 s22, v6;
	v11 =	vadd.s32 s25, v6;
	s5 =	sadd.s32 $0x8, s31;
	s26 =	sadd.s32 $0x9, s31;
	s0 =	sadd.s32 $0x7, s31;
	v15 =	vadd.s32 s1, v6  }
0x1e8: {  	s22 =	sadd.s32 $0x5, s31;
	s25 =	sadd.s32 $0x6, s31;
	v22 =	vadd.s32 s5, v6;
	v20 =	vadd.s32 s26, v6;
	v26 =	vadd.s32 s0, v6;
	s1 =	sadd.s32 $0x4, s31  }
0x1e9: {  	v37 =	vadd.s32 s22, v6;
	v36 =	vadd.s32 s25, v6;
	s5 =	sadd.s32 $0x2, s31;
	s26 =	sadd.s32 $0x3, s31;
	s0 =	sadd.s32 $0x1, s31;
	v38 =	vadd.s32 s1, v6  }
0x1ea: {  	v40 =	vadd.s32 s5, v6;
	v39 =	vadd.s32 s26, v6;
	v41 =	vadd.s32 s0, v6;
	s31 =	sadd.s32 $0x20, s31  }
0x1eb: {  	_ =	sdelay $0x3  }
0x1ec: {  	v6 =	vld.idx.msk [tilespmem:v31+s16+$0x0], $0xffff;
	_ =	sdelay $0x1  }
0x1ed: {  	v42 =	vld.idx.msk [tilespmem:v41+s16+$0x0], $0xffff;
	_ =	sdelay $0x1  }
0x1ee: {  	v43 =	vld.idx.msk [tilespmem:v40+s16+$0x0], $0xffff  }
0x1ef: {  	v44 =	vmul.f32 v6, v6  }
0x1f0: {  	v45 =	vld.idx.msk [tilespmem:v39+s16+$0x0], $0xffff  }
0x1f1: {  	v62 =	vmul.f32 v42, v42;
	v25 =	vadd.f32 v44, v25  }
0x1f2: {  	v46 =	vld.idx.msk [tilespmem:v38+s16+$0x0], $0xffff  }
0x1f3: {  	v52 =	vmul.f32 v43, v43;
	v25 =	vadd.f32 v62, v25  }
0x1f4: {  	v47 =	vld.idx.msk [tilespmem:v37+s16+$0x0], $0xffff  }
0x1f5: {  	v53 =	vmul.f32 v45, v45;
	v25 =	vadd.f32 v52, v25  }
0x1f6: {  	v48 =	vld.idx.msk [tilespmem:v36+s16+$0x0], $0xffff  }
0x1f7: {  	v63 =	vld.idx.msk [tilespmem:v31+s17+$0x0], $0xffff;
	v55 =	vmul.f32 v46, v46;
	v25 =	vadd.f32 v53, v25  }
0x1f8: {  	v49 =	vld.idx.msk [tilespmem:v26+s16+$0x0], $0xffff  }
0x1f9: {  	v54 =	vld.idx.msk [tilespmem:v41+s17+$0x0], $0xffff;
	v57 =	vmul.f32 v47, v47;
	v25 =	vadd.f32 v55, v25  }
0x1fa: {  	v50 =	vld.idx.msk [tilespmem:v22+s16+$0x0], $0xffff  }
0x1fb: {  	v59 =	vmul.f32 v48, v48;
	v25 =	vadd.f32 v57, v25  }
0x1fc: {  	v41 =	vld.idx.msk [tilespmem:v20+s16+$0x0], $0xffff;
	v30 =	vand.u32 $0x7F, v30;
	v6 =	vmul.f32 v63, v6;
	v31 =	vmul.f32 v63, v63  }
0x1fd: {  	v56 =	vld.idx.msk [tilespmem:v40+s17+$0x0], $0xffff;
	v35 =	vand.u32 $0x7F, v35;
	v62 =	vmul.f32 v49, v49;
	v25 =	vadd.f32 v59, v25  }
0x1fe: {  	v42 =	vmul.f32 v54, v42;
	v6 =	vadd.f32 v6, v34;
	v31 =	vadd.f32 v31, v32;
	v32 =	vld.idx.msk [tilespmem:v15+s16+$0x0], $0xffff  }
0x1ff: {  	v58 =	vld.idx.msk [tilespmem:v39+s17+$0x0], $0xffff;
	v33 =	vand.u32 $0x7F, v33;
	v51 =	vmul.f32 v50, v50;
	v25 =	vadd.f32 v62, v25  }
0x200: {  	v28 =	vand.u32 $0x7F, v28;
	v60 =	vmul.f32 v54, v54;
	v6 =	vadd.f32 v42, v6;
	v42 =	vld.idx.msk [tilespmem:v12+s16+$0x0], $0xffff  }
0x201: {  	v61 =	vld.idx.msk [tilespmem:v38+s17+$0x0], $0xffff;
	v29 =	vand.u32 $0x7F, v29;
	v54 =	vmul.f32 v41, v41;
	v25 =	vadd.f32 v51, v25  }
0x202: {  	v63 =	vmul.f32 v56, v43;
	v40 =	vmul.f32 v56, v56;
	v43 =	vld.idx.msk [tilespmem:v11+s16+$0x0], $0xffff;
	v31 =	vadd.f32 v60, v31  }
0x203: {  	v27 =	vand.u32 $0x7F, v27;
	v56 =	vmul.f32 v32, v32;
	v53 =	vld.idx.msk [tilespmem:v37+s17+$0x0], $0xffff;
	v25 =	vadd.f32 v54, v25  }
0x204: {  	v38 =	vld.idx.msk [tilespmem:v10+s16+$0x0], $0xffff;
	v23 =	vand.u32 $0x7F, v23;
	v34 =	vmul.f32 v58, v58;
	v31 =	vadd.f32 v40, v31  }
0x205: {  	v35 =	vor.u32 v5, v35;
	v59 =	vmul.f32 v42, v42;
	v25 =	vadd.f32 v56, v25  }
0x206: {  	v52 =	vmul.f32 v58, v45;
	v31 =	vadd.f32 v34, v31;
	v34 =	vld.idx.msk [tilespmem:v9+s16+$0x0], $0xffff;
	v57 =	vmul.f32 v61, v61  }
0x207: {  	v58 =	vld.idx.msk [tilespmem:v36+s17+$0x0], $0xffff;
	v55 =	vmul.f32 v61, v46;
	v61 =	vmul.f32 v43, v43;
	v25 =	vadd.f32 v59, v25  }
0x208: {  	v33 =	vor.u32 v5, v33;
	v40 =	vld.idx.msk [tilespmem:v8+s16+$0x0], $0xffff;
	v37 =	vmul.f32 v53, v53;
	v31 =	vadd.f32 v57, v31  }
0x209: {  	v6 =	vadd.f32 v63, v6;
	v63 =	vmul.f32 v38, v38;
	v25 =	vadd.f32 v61, v25  }
0x20a: {  	v24 =	vand.u32 $0x7F, v24;
	v28 =	vor.u32 v5, v28;
	v31 =	vadd.f32 v37, v31;
	v37 =	vld.idx.msk [tilespmem:v7+s16+$0x0], $0xffff  }
0x20b: {  	v6 =	vadd.f32 v52, v6;
	v52 =	vmul.f32 v34, v34;
	v62 =	vld.idx.msk [tilespmem:v26+s17+$0x0], $0xffff;
	v25 =	vadd.f32 v63, v25  }
0x20c: {  	v21 =	vand.u32 $0x7F, v21;
	v18 =	vand.u32 $0x7F, v18;
	v44 =	vld.idx.msk [tilespmem:v35+s16+$0x0], $0xffff;
	v36 =	vmul.f32 v58, v58  }
0x20d: {  	v29 =	vor.u32 v5, v29;
	v54 =	vmul.f32 v40, v40;
	v25 =	vadd.f32 v52, v25  }
0x20e: {  	v6 =	vadd.f32 v55, v6;
	v60 =	vmul.f32 v53, v47;
	v31 =	vadd.f32 v36, v31;
	v36 =	vld.idx.msk [tilespmem:v33+s16+$0x0], $0xffff  }
0x20f: {  	v27 =	vor.u32 v5, v27;
	v53 =	vld.idx.msk [tilespmem:v22+s17+$0x0], $0xffff;
	v56 =	vmul.f32 v37, v37;
	v25 =	vadd.f32 v54, v25  }
0x210: {  	v45 =	vld.idx.msk [tilespmem:v28+s16+$0x0], $0xffff;
	v6 =	vadd.f32 v60, v6;
	v51 =	vmul.f32 v58, v48;
	v26 =	vmul.f32 v62, v62  }
0x211: {  	v23 =	vor.u32 v5, v23;
	v57 =	vld.idx.msk [tilespmem:v20+s17+$0x0], $0xffff;
	v58 =	vmul.f32 v44, v44;
	v25 =	vadd.f32 v56, v25  }
0x212: {  	v6 =	vadd.f32 v51, v6;
	v55 =	vmul.f32 v62, v49;
	v26 =	vadd.f32 v26, v31;
	v31 =	vld.idx.msk [tilespmem:v29+s16+$0x0], $0xffff  }
0x213: {  	v24 =	vor.u32 v5, v24;
	v60 =	vmul.f32 v36, v36;
	v25 =	vadd.f32 v58, v25  }
0x214: {  	v46 =	vld.idx.msk [tilespmem:v27+s16+$0x0], $0xffff;
	v22 =	vmul.f32 v53, v53;
	v6 =	vadd.f32 v55, v6;
	v59 =	vmul.f32 v53, v50  }
0x215: {  	v21 =	vor.u32 v5, v21;
	v62 =	vmul.f32 v45, v45;
	v61 =	vld.idx.msk [tilespmem:v15+s17+$0x0], $0xffff;
	v25 =	vadd.f32 v60, v25  }
0x216: {  	v41 =	vmul.f32 v57, v41;
	v22 =	vadd.f32 v22, v26;
	v26 =	vld.idx.msk [tilespmem:v23+s16+$0x0], $0xffff;
	v6 =	vadd.f32 v59, v6  }
0x217: {  	v18 =	vor.u32 v5, v18;
	v63 =	vmul.f32 v31, v31;
	v25 =	vadd.f32 v62, v25  }
0x218: {  	v19 =	vand.u32 $0x7F, v19;
	v20 =	vmul.f32 v57, v57;
	v6 =	vadd.f32 v41, v6;
	v41 =	vld.idx.msk [tilespmem:v24+s16+$0x0], $0xffff  }
0x219: {  	v19 =	vor.u32 v5, v19;
	v47 =	vld.idx.msk [tilespmem:v12+s17+$0x0], $0xffff;
	v48 =	vmul.f32 v46, v46;
	v25 =	vadd.f32 v63, v25  }
0x21a: {  	v17 =	vand.u32 $0x7F, v17;
	v20 =	vadd.f32 v20, v22;
	v22 =	vld.idx.msk [tilespmem:v21+s16+$0x0], $0xffff;
	v32 =	vmul.f32 v61, v32  }
0x21b: {  	v17 =	vor.u32 v5, v17;
	v49 =	vmul.f32 v26, v26;
	v25 =	vadd.f32 v48, v25  }
0x21c: {  	v14 =	vand.u32 $0x7F, v14;
	v15 =	vmul.f32 v61, v61;
	v6 =	vadd.f32 v32, v6;
	v32 =	vld.idx.msk [tilespmem:v18+s16+$0x0], $0xffff  }
0x21d: {  	v14 =	vor.u32 v5, v14;
	v50 =	vld.idx.msk [tilespmem:v11+s17+$0x0], $0xffff;
	v51 =	vmul.f32 v41, v41;
	v25 =	vadd.f32 v49, v25  }
0x21e: {  	v16 =	vand.u32 $0x7F, v16;
	v42 =	vmul.f32 v47, v42;
	v15 =	vadd.f32 v15, v20;
	v20 =	vld.idx.msk [tilespmem:v19+s16+$0x0], $0xffff  }
0x21f: {  	v30 =	vor.u32 v5, v30;
	v52 =	vld.idx.msk [tilespmem:v10+s17+$0x0], $0xffff;
	v53 =	vmul.f32 v22, v22;
	v25 =	vadd.f32 v51, v25  }
0x220: {  	v13 =	vand.u32 $0x7F, v13;
	v12 =	vmul.f32 v47, v47;
	v6 =	vadd.f32 v42, v6;
	v42 =	vld.idx.msk [tilespmem:v17+s16+$0x0], $0xffff  }
0x221: {  	v16 =	vor.u32 v5, v16;
	v54 =	vld.idx.msk [tilespmem:v9+s17+$0x0], $0xffff;
	v55 =	vmul.f32 v32, v32;
	v25 =	vadd.f32 v53, v25  }
0x222: {  	v43 =	vmul.f32 v50, v43;
	v11 =	vmul.f32 v50, v50;
	v12 =	vadd.f32 v12, v15;
	v15 =	vld.idx.msk [tilespmem:v14+s16+$0x0], $0xffff  }
0x223: {  	v5 =	vor.u32 v5, v13;
	v56 =	vld.idx.msk [tilespmem:v8+s17+$0x0], $0xffff;
	v58 =	vmul.f32 v20, v20;
	v57 =	vadd.f32 v55, v25  }
0x224: {  	v38 =	vmul.f32 v52, v38;
	v6 =	vadd.f32 v43, v6;
	v11 =	vadd.f32 v11, v12;
	v12 =	vld.idx.msk [tilespmem:v30+s16+$0x0], $0xffff  }
0x225: {  	v59 =	vld.idx.msk [tilespmem:v7+s17+$0x0], $0xffff;
	v60 =	vmul.f32 v42, v42;
	v13 =	vadd.f32 v58, v57  }
0x226: {  	v34 =	vmul.f32 v54, v34;
	v6 =	vadd.f32 v38, v6;
	v38 =	vld.idx.msk [tilespmem:v16+s16+$0x0], $0xffff  }
0x227: {  	v35 =	vld.idx.msk [tilespmem:v35+s17+$0x0], $0xffff;
	v10 =	vmul.f32 v52, v52;
	v62 =	vmul.f32 v15, v15;
	v61 =	vadd.f32 v60, v13  }
0x228: {  	v6 =	vadd.f32 v34, v6;
	v34 =	vld.idx.msk [tilespmem:v5+s16+$0x0], $0xffff;
	v63 =	vmul.f32 v56, v40  }
0x229: {  	v33 =	vld.idx.msk [tilespmem:v33+s17+$0x0], $0xffff;
	v10 =	vadd.f32 v10, v11;
	v39 =	vmul.f32 v12, v12;
	v11 =	vadd.f32 v62, v61  }
0x22a: {  	v40 =	vmul.f32 v59, v37;
	v6 =	vadd.f32 v63, v6  }
0x22b: {  	v9 =	vmul.f32 v54, v54;
	v43 =	vld.idx.msk [tilespmem:v28+s17+$0x0], $0xffff;
	v47 =	vmul.f32 v38, v38;
	v11 =	vadd.f32 v39, v11  }
0x22c: {  	v8 =	vmul.f32 v56, v56;
	v48 =	vmul.f32 v35, v44;
	v6 =	vadd.f32 v40, v6  }
0x22d: {  	v9 =	vadd.f32 v9, v10;
	v49 =	vld.idx.msk [tilespmem:v29+s17+$0x0], $0xffff;
	v51 =	vmul.f32 v34, v34;
	v50 =	vadd.f32 v47, v11  }
0x22e: {  	v52 =	vmul.f32 v33, v36;
	v6 =	vadd.f32 v48, v6  }
0x22f: {  	v27 =	vld.idx.msk [tilespmem:v27+s17+$0x0], $0xffff;
	v7 =	vmul.f32 v59, v59;
	v8 =	vadd.f32 v8, v9;
	v10 =	vadd.f32 v51, v50  }
0x230: {  	v54 =	vmul.f32 v35, v35;
	v53 =	vmul.f32 v43, v45;
	v6 =	vadd.f32 v52, v6  }
0x231: {  	v7 =	vadd.f32 v7, v8;
	v55 =	vld.idx.msk [tilespmem:v23+s17+$0x0], $0xffff;
	v56 =	vshra.s32 v10, $0x1;
	v57 =	vmul.f32 $5.000000000e-01, v10  }
0x232: {  	v29 =	vmul.f32 v49, v31;
	v6 =	vadd.f32 v53, v6;
	v58 =	vsub.s32 $0x5F3759DF, v56  }
0x233: {  	v59 =	vmul.f32 v33, v33;
	v7 =	vadd.f32 v54, v7;
	v60 =	vld.idx.msk [tilespmem:v24+s17+$0x0], $0xffff;
	v61 =	vmul.f32 v58, v57  }
0x234: {  	v6 =	vadd.f32 v29, v6;
	v62 =	vmul.f32 v27, v46  }
0x235: {  	v21 =	vld.idx.msk [tilespmem:v21+s17+$0x0], $0xffff;
	v63 =	vmul.f32 v43, v43;
	v7 =	vadd.f32 v59, v7;
	v24 =	vmul.f32 v58, v61  }
0x236: {  	v29 =	vmul.f32 v55, v26;
	v6 =	vadd.f32 v62, v6  }
0x237: {  	v7 =	vadd.f32 v63, v7;
	v9 =	vmul.f32 v49, v49;
	v31 =	vld.idx.msk [tilespmem:v18+s17+$0x0], $0xffff;
	v33 =	vsub.f32 $1.500000000e+00, v24  }
0x238: {  	v19 =	vld.idx.msk [tilespmem:v19+s17+$0x0], $0xffff;
	v35 =	vmul.f32 v60, v41;
	v6 =	vadd.f32 v29, v6  }
0x239: {  	v36 =	vmul.f32 v27, v27;
	v7 =	vadd.f32 v9, v7;
	v8 =	vmul.f32 v58, v33  }
0x23a: {  	v37 =	vmul.f32 v21, v22;
	v40 =	vld.idx.msk [tilespmem:v17+s17+$0x0], $0xffff;
	v6 =	vadd.f32 v35, v6  }
0x23b: {  	v7 =	vadd.f32 v36, v7;
	v41 =	vmul.f32 v8, v57  }
0x23c: {  	v14 =	vld.idx.msk [tilespmem:v14+s17+$0x0], $0xffff;
	v43 =	vmul.f32 v31, v32;
	v39 =	vmul.f32 v55, v55;
	v6 =	vadd.f32 v37, v6  }
0x23d: {  	v45 =	vmul.f32 v19, v20;
	v17 =	vmul.f32 v41, v8  }
0x23e: {  	v44 =	vmul.f32 v60, v60;
	v7 =	vadd.f32 v39, v7;
	v6 =	vadd.f32 v43, v6  }
0x23f: {  	v48 =	vmul.f32 v40, v42;
	v47 =	vld.idx.msk [tilespmem:v30+s17+$0x0], $0xffff;
	v17 =	vsub.f32 $1.500000000e+00, v17  }
0x240: {  	v46 =	vmul.f32 v21, v21;
	v7 =	vadd.f32 v44, v7;
	v6 =	vadd.f32 v45, v6  }
0x241: {  	v15 =	vmul.f32 v14, v15;
	v50 =	vld.idx.msk [tilespmem:v16+s17+$0x0], $0xffff;
	v8 =	vmul.f32 v17, v8  }
0x242: {  	v49 =	vmul.f32 v31, v31;
	v7 =	vadd.f32 v46, v7;
	v6 =	vadd.f32 v48, v6  }
0x243: {  	v5 =	vld.idx.msk [tilespmem:v5+s17+$0x0], $0xffff;
	v51 =	vmul.f32 v19, v19;
	v52 =	vmul.f32 v8, v57  }
0x244: {  	v12 =	vmul.f32 v47, v12;
	v7 =	vadd.f32 v49, v7;
	v6 =	vadd.f32 v15, v6  }
0x245: {  	v53 =	vmul.f32 v40, v40;
	v54 =	vmul.f32 v52, v8  }
0x246: {  	v55 =	vmul.f32 v50, v38;
	v7 =	vadd.f32 v51, v7;
	v6 =	vadd.f32 v12, v6  }
0x247: {  	v56 =	vmul.f32 v14, v14;
	v57 =	vsub.f32 $1.500000000e+00, v54  }
0x248: {  	v7 =	vadd.f32 v53, v7;
	v58 =	vmul.f32 v5, v34;
	v6 =	vadd.f32 v55, v6  }
0x249: {  	v8 =	vmul.f32 v57, v8  }
0x24a: {  	v59 =	vmul.f32 v47, v47;
	v7 =	vadd.f32 v56, v7;
	v6 =	vadd.f32 v58, v6  }
0x24b: {  	v60 =	vmul.f32 v50, v50;
	v8 =	vmin.f32 v8, $9.999999950e+11  }
0x24c: {  	v7 =	vadd.f32 v59, v7;
	v10 =	vmul.f32 v8, v10;
	v6 =	vmul.f32 v8, v6  }
0x24d: {  	v5 =	vmul.f32 v5, v5  }
0x24e: {  	v7 =	vadd.f32 v60, v7;
	v8 =	vmul.f32 v10, v8;
	v6 =	vadd.f32 v6, v6;
	_ =	sdelay $0x1  }
0x24f: {  	v5 =	vadd.f32 v5, v7;
	v6 =	vsub.f32 v8, v6;
	_ =	sdelay $0x1  }
0x250: {  	v5 =	vadd.f32 v6, v5;
	_ =	sdelay $0x1  }
0x251: {  	v5 =	vmax.f32 v5, $0.0e+00  }
0x252: {  	v61 =	vshra.s32 v5, $0x1;
	v62 =	vmul.f32 $5.000000000e-01, v5  }
0x253: {  	v6 =	vsub.s32 $0x5F3759DF, v61  }
0x254: {  	v63 =	vmul.f32 v6, v62;
	_ =	sdelay $0x1  }
0x255: {  	v8 =	vmul.f32 v6, v63;
	_ =	sdelay $0x1  }
0x256: {  	v8 =	vsub.f32 $1.500000000e+00, v8;
	_ =	sdelay $0x1  }
0x257: {  	v6 =	vmul.f32 v6, v8;
	_ =	sdelay $0x1  }
0x258: {  	v8 =	vmul.f32 v6, v62;
	_ =	sdelay $0x1  }
0x259: {  	v8 =	vmul.f32 v8, v6;
	_ =	sdelay $0x1  }
0x25a: {  	v8 =	vsub.f32 $1.500000000e+00, v8;
	_ =	sdelay $0x1  }
0x25b: {  	v6 =	vmul.f32 v8, v6;
	_ =	sdelay $0x1  }
0x25c: {  	v7 =	vmul.f32 v6, v62;
	_ =	sdelay $0x1  }
0x25d: {  	v7 =	vmul.f32 v7, v6;
	_ =	sdelay $0x1  }
0x25e: {  	v7 =	vsub.f32 $1.500000000e+00, v7  }
0x25f: {  	s30 =	sadd.s32 $0x1, s30  }
0x260: {  	p0 =	sne.s32 s30, $0x8;
	v6 =	vmul.f32 v7, v6  }
.Ltmp3:
0x261: {  	_ = 	snop;
	(pc) =	sbr.rel @p0 .LBB2_6-.Ltmp3, $3  }
0x262: {  	v5 =	vmul.f32 v6, v5;
	_ =	sdelay $0x1  }
0x263: {  	[tilespmem:v4+s20+$0x0] =	vst.idx.add.f32.msk $0xffff, v5  }
0x264: {  	[tilespmem:v4+s21+$0x0] =	vst.idx.add.f32.msk $0xffff, v3  }
0x265: {  	s29 =	simm.s32 $0x0  }
0x266: {  	[tilespmem:s16], [sflag:$0x2] =	stream.linear.gather [hbm4b:s8+s29], $0x4000, $0x38;
	[tilespmem:$0x10A00] =	vst v63  }
0x267: {  	s0 =	simm.s32 $0x180  }
0x268: {  	[tilespmem:s17], [sflag:$0x4] =	stream.indirect.gather [hbm4b:s2+s14], $0x80, s0, s14, $0xb8;
	[tilespmem:$0x10A00] =	vst v63  }
0x269: {  	_ =	swait.ge [sflag:s18], $0x4000  }
0x26a: {  	[sflag:s18] =	ssyncset.done $0x0  }
0x26b: {  	[sflag:s18] =	ssyncadd.s32 $0xFFFFC000  }
0x26c: {  	_ =	swait.ge [sflag:s19], $0x4000  }
0x26d: {  	[sflag:s19] =	ssyncset.done $0x0  }
0x26e: {  	s30 =	simm.s32 $0x0;
	[sflag:s19] =	ssyncadd.s32 $0xFFFFC000  }
.LBB2_10:
0x26f: {  	s31 =	sshll.u32 s30, $0x4;
	v25 =	vimm.f32 $0.0e+00;
	s0 =	simm.s32 $0x1F;
	s1 =	simm.s32 $0x1C;
	v34 =	vimm.f32 $0.0e+00;
	v32 =	vimm.f32 $0.0e+00  }
0x270: {  	s5 =	simm.s32 $0x1D;
	s22 =	simm.s32 $0x1E;
	s25 =	simm.s32 $0x1A;
	v4 =	vmov s31;
	v13 =	vadd.s32 s0, v0;
	v14 =	vadd.s32 s1, v0  }
0x271: {  	s26 =	simm.s32 $0x17;
	s0 =	simm.s32 $0x19;
	v30 =	vadd.s32 s5, v0;
	v16 =	vadd.s32 s22, v0;
	v19 =	vadd.s32 s25, v0  }
0x272: {  	s5 =	simm.s32 $0x1B;
	s22 =	simm.s32 $0x16;
	s1 =	simm.s32 $0x13;
	v24 =	vadd.s32 s26, v0;
	v4 =	vshll.u32 v4, $0x7;
	v18 =	vadd.s32 s0, v0  }
0x273: {  	s25 =	simm.s32 $0x14;
	s26 =	simm.s32 $0x15;
	v17 =	vadd.s32 s5, v0;
	v23 =	vadd.s32 s22, v0;
	v28 =	vadd.s32 s1, v0  }
0x274: {  	s0 =	simm.s32 $0x18;
	s22 =	simm.s32 $0x11;
	v29 =	vadd.s32 s25, v0;
	v27 =	vadd.s32 s26, v0;
	v5 =	vor.u32 v2, v4  }
0x275: {  	s1 =	simm.s32 $0x12;
	v21 =	vadd.s32 s0, v0;
	s0 =	simm.s32 $0x10;
	v35 =	vadd.s32 s22, v0;
	v6 =	vor.u32 v0, v5  }
0x276: {  	s25 =	simm.s32 $0xD;
	s26 =	simm.s32 $0xE;
	v33 =	vadd.s32 s1, v0;
	s1 =	simm.s32 $0xA;
	v31 =	vor.u32 s29, v6;
	v7 =	vor.u32 s0, v6  }
0x277: {  	s22 =	simm.s32 $0xB;
	s0 =	simm.s32 $0xF;
	v10 =	vadd.s32 s25, v6;
	v9 =	vadd.s32 s26, v6;
	s26 =	simm.s32 $0xC;
	v15 =	vadd.s32 s1, v6  }
0x278: {  	s25 =	simm.s32 $0x8;
	v12 =	vadd.s32 s22, v6;
	s1 =	simm.s32 $0x9;
	s22 =	simm.s32 $0x4;
	v8 =	vadd.s32 s0, v6;
	v11 =	vadd.s32 s26, v6  }
0x279: {  	s0 =	simm.s32 $0x7;
	s26 =	simm.s32 $0x5;
	v22 =	vadd.s32 s25, v6;
	v20 =	vadd.s32 s1, v6;
	s1 =	simm.s32 $0x1;
	v38 =	vadd.s32 s22, v6  }
0x27a: {  	s25 =	simm.s32 $0x2;
	v26 =	vadd.s32 s0, v6;
	s0 =	simm.s32 $0x6;
	v37 =	vadd.s32 s26, v6;
	s26 =	simm.s32 $0x3;
	v41 =	vadd.s32 s1, v6  }
0x27b: {  	v4 =	vld [tilespmem:s31+$0x100];
	s31 =	simm.s32 $0x20;
	v40 =	vadd.s32 s25, v6;
	v36 =	vadd.s32 s0, v6;
	v39 =	vadd.s32 s26, v6  }
.LBB2_11:
0x27c: {  	p0 =	slt.u32 s31, $0x60;
	v30 =	vand.u32 $0x7F, v30;
	v42 =	vand.u32 $0x7F, v16;
	v13 =	vand.u32 $0x7F, v13  }
0x27d: {  	v19 =	vand.u32 $0x7F, v19;
	v17 =	vand.u32 $0x7F, v17;
	v43 =	vand.u32 $0x7F, v14  }
0x27e: {  	v24 =	vand.u32 $0x7F, v24;
	v21 =	vand.u32 $0x7F, v21;
	v45 =	vand.u32 $0x7F, v18;
	v44 =	vld.idx.msk [tilespmem:v31+s13+$0x0], $0xffff  }
0x27f: {  	v29 =	vand.u32 $0x7F, v29;
	v27 =	vand.u32 $0x7F, v27;
	v46 =	vld.idx.msk [tilespmem:v31+s15+$0x0], $0xffff;
	v31 =	vand.u32 $0x7F, v23  }
0x280: {  	v35 =	vand.u32 $0x7F, v35;
	v33 =	vand.u32 $0x7F, v33;
	v48 =	vand.u32 $0x7F, v28;
	v47 =	vld.idx.msk [tilespmem:v41+s13+$0x0], $0xffff  }
0x281: {  	v16 =	vor.u32 v5, v30;
	v14 =	vor.u32 v5, v42;
	v13 =	vor.u32 v5, v13;
	v41 =	vld.idx.msk [tilespmem:v41+s15+$0x0], $0xffff  }
0x282: {  	v19 =	vor.u32 v5, v19;
	v18 =	vor.u32 v5, v17;
	v17 =	vor.u32 v5, v43;
	v42 =	vld.idx.msk [tilespmem:v40+s13+$0x0], $0xffff  }
0x283: {  	v24 =	vor.u32 v5, v24;
	v23 =	vor.u32 v5, v21;
	v21 =	vor.u32 v5, v45;
	v40 =	vld.idx.msk [tilespmem:v40+s15+$0x0], $0xffff  }
0x284: {  	v29 =	vor.u32 v5, v29;
	v28 =	vor.u32 v5, v27;
	v27 =	vor.u32 v5, v31;
	v43 =	vld.idx.msk [tilespmem:v39+s13+$0x0], $0xffff  }
0x285: {  	v30 =	vor.u32 v5, v48;
	v31 =	vor.u32 v5, v33;
	v45 =	vmul.f32 v44, v44;
	v39 =	vld.idx.msk [tilespmem:v39+s15+$0x0], $0xffff  }
0x286: {  	v33 =	vor.u32 v5, v35;
	v44 =	vmul.f32 v46, v44;
	v46 =	vmul.f32 v46, v46;
	v48 =	vld.idx.msk [tilespmem:v38+s13+$0x0], $0xffff  }
0x287: {  	v25 =	vadd.f32 v45, v25;
	v35 =	vmul.f32 v47, v47;
	v45 =	vmul.f32 v41, v47;
	v38 =	vld.idx.msk [tilespmem:v38+s15+$0x0], $0xffff  }
0x288: {  	v34 =	vadd.f32 v44, v34;
	v32 =	vadd.f32 v46, v32;
	v41 =	vmul.f32 v41, v41;
	v44 =	vld.idx.msk [tilespmem:v37+s13+$0x0], $0xffff  }
0x289: {  	v25 =	vadd.f32 v35, v25;
	v35 =	vmul.f32 v42, v42;
	v42 =	vmul.f32 v40, v42;
	v37 =	vld.idx.msk [tilespmem:v37+s15+$0x0], $0xffff  }
0x28a: {  	v34 =	vadd.f32 v45, v34;
	v32 =	vadd.f32 v41, v32;
	v40 =	vmul.f32 v40, v40;
	v41 =	vld.idx.msk [tilespmem:v36+s13+$0x0], $0xffff  }
0x28b: {  	v25 =	vadd.f32 v35, v25;
	v35 =	vmul.f32 v43, v43;
	v43 =	vmul.f32 v39, v43;
	v36 =	vld.idx.msk [tilespmem:v36+s15+$0x0], $0xffff  }
0x28c: {  	v34 =	vadd.f32 v42, v34;
	v32 =	vadd.f32 v40, v32;
	v39 =	vmul.f32 v39, v39;
	v40 =	vld.idx.msk [tilespmem:v26+s13+$0x0], $0xffff  }
0x28d: {  	v25 =	vadd.f32 v35, v25;
	v35 =	vmul.f32 v48, v48;
	v42 =	vmul.f32 v38, v48;
	v26 =	vld.idx.msk [tilespmem:v26+s15+$0x0], $0xffff  }
0x28e: {  	v34 =	vadd.f32 v43, v34;
	v32 =	vadd.f32 v39, v32;
	v38 =	vmul.f32 v38, v38;
	v39 =	vld.idx.msk [tilespmem:v22+s13+$0x0], $0xffff  }
0x28f: {  	v25 =	vadd.f32 v35, v25;
	v35 =	vmul.f32 v44, v44;
	v43 =	vmul.f32 v37, v44;
	v22 =	vld.idx.msk [tilespmem:v22+s15+$0x0], $0xffff  }
0x290: {  	v34 =	vadd.f32 v42, v34;
	v32 =	vadd.f32 v38, v32;
	v37 =	vmul.f32 v37, v37;
	v38 =	vld.idx.msk [tilespmem:v20+s13+$0x0], $0xffff  }
0x291: {  	v25 =	vadd.f32 v35, v25;
	v35 =	vmul.f32 v41, v41;
	v41 =	vmul.f32 v36, v41;
	v20 =	vld.idx.msk [tilespmem:v20+s15+$0x0], $0xffff  }
0x292: {  	v34 =	vadd.f32 v43, v34;
	v32 =	vadd.f32 v37, v32;
	v36 =	vmul.f32 v36, v36;
	v37 =	vld.idx.msk [tilespmem:v15+s13+$0x0], $0xffff  }
0x293: {  	v25 =	vadd.f32 v35, v25;
	v35 =	vmul.f32 v40, v40;
	v40 =	vmul.f32 v26, v40;
	v15 =	vld.idx.msk [tilespmem:v15+s15+$0x0], $0xffff  }
0x294: {  	v34 =	vadd.f32 v41, v34;
	v32 =	vadd.f32 v36, v32;
	v26 =	vmul.f32 v26, v26;
	v36 =	vld.idx.msk [tilespmem:v12+s13+$0x0], $0xffff  }
0x295: {  	v25 =	vadd.f32 v35, v25;
	v35 =	vmul.f32 v39, v39;
	v39 =	vmul.f32 v22, v39;
	v12 =	vld.idx.msk [tilespmem:v12+s15+$0x0], $0xffff  }
0x296: {  	v34 =	vadd.f32 v40, v34;
	v26 =	vadd.f32 v26, v32;
	v22 =	vmul.f32 v22, v22;
	v32 =	vld.idx.msk [tilespmem:v11+s13+$0x0], $0xffff  }
0x297: {  	v25 =	vadd.f32 v35, v25;
	v35 =	vmul.f32 v38, v38;
	v38 =	vmul.f32 v20, v38;
	v11 =	vld.idx.msk [tilespmem:v11+s15+$0x0], $0xffff  }
0x298: {  	v34 =	vadd.f32 v39, v34;
	v22 =	vadd.f32 v22, v26;
	v20 =	vmul.f32 v20, v20;
	v26 =	vld.idx.msk [tilespmem:v10+s13+$0x0], $0xffff  }
0x299: {  	v25 =	vadd.f32 v35, v25;
	v35 =	vmul.f32 v37, v37;
	v37 =	vmul.f32 v15, v37;
	v10 =	vld.idx.msk [tilespmem:v10+s15+$0x0], $0xffff  }
0x29a: {  	v34 =	vadd.f32 v38, v34;
	v20 =	vadd.f32 v20, v22;
	v15 =	vmul.f32 v15, v15;
	v22 =	vld.idx.msk [tilespmem:v9+s13+$0x0], $0xffff  }
0x29b: {  	v25 =	vadd.f32 v35, v25;
	v35 =	vmul.f32 v36, v36;
	v36 =	vmul.f32 v12, v36;
	v9 =	vld.idx.msk [tilespmem:v9+s15+$0x0], $0xffff  }
0x29c: {  	v34 =	vadd.f32 v37, v34;
	v15 =	vadd.f32 v15, v20;
	v12 =	vmul.f32 v12, v12;
	v20 =	vld.idx.msk [tilespmem:v8+s13+$0x0], $0xffff  }
0x29d: {  	v25 =	vadd.f32 v35, v25;
	v35 =	vmul.f32 v32, v32;
	v32 =	vmul.f32 v11, v32;
	v8 =	vld.idx.msk [tilespmem:v8+s15+$0x0], $0xffff  }
0x29e: {  	v34 =	vadd.f32 v36, v34;
	v12 =	vadd.f32 v12, v15;
	v11 =	vmul.f32 v11, v11;
	v15 =	vld.idx.msk [tilespmem:v7+s13+$0x0], $0xffff  }
0x29f: {  	v25 =	vadd.f32 v35, v25;
	v35 =	vmul.f32 v26, v26;
	v26 =	vmul.f32 v10, v26;
	v7 =	vld.idx.msk [tilespmem:v7+s15+$0x0], $0xffff  }
0x2a0: {  	v32 =	vadd.f32 v32, v34;
	v11 =	vadd.f32 v11, v12;
	v10 =	vmul.f32 v10, v10;
	v12 =	vld.idx.msk [tilespmem:v33+s13+$0x0], $0xffff  }
0x2a1: {  	v25 =	vadd.f32 v35, v25;
	v34 =	vmul.f32 v22, v22;
	v22 =	vmul.f32 v9, v22;
	v33 =	vld.idx.msk [tilespmem:v33+s15+$0x0], $0xffff  }
0x2a2: {  	v26 =	vadd.f32 v26, v32;
	v10 =	vadd.f32 v10, v11;
	v9 =	vmul.f32 v9, v9;
	v11 =	vld.idx.msk [tilespmem:v31+s13+$0x0], $0xffff  }
0x2a3: {  	v25 =	vadd.f32 v34, v25;
	v32 =	vmul.f32 v20, v20;
	v20 =	vmul.f32 v8, v20;
	v31 =	vld.idx.msk [tilespmem:v31+s15+$0x0], $0xffff  }
0x2a4: {  	v22 =	vadd.f32 v22, v26;
	v9 =	vadd.f32 v9, v10;
	v8 =	vmul.f32 v8, v8;
	v10 =	vld.idx.msk [tilespmem:v30+s13+$0x0], $0xffff  }
0x2a5: {  	v25 =	vadd.f32 v32, v25;
	v26 =	vmul.f32 v15, v15;
	v15 =	vmul.f32 v7, v15;
	v30 =	vld.idx.msk [tilespmem:v30+s15+$0x0], $0xffff  }
0x2a6: {  	v20 =	vadd.f32 v20, v22;
	v8 =	vadd.f32 v8, v9;
	v7 =	vmul.f32 v7, v7;
	v9 =	vld.idx.msk [tilespmem:v29+s13+$0x0], $0xffff  }
0x2a7: {  	v22 =	vadd.f32 v26, v25;
	v25 =	vmul.f32 v12, v12;
	v12 =	vmul.f32 v33, v12;
	v26 =	vld.idx.msk [tilespmem:v29+s15+$0x0], $0xffff  }
0x2a8: {  	v15 =	vadd.f32 v15, v20;
	v7 =	vadd.f32 v7, v8;
	v8 =	vmul.f32 v33, v33;
	v20 =	vld.idx.msk [tilespmem:v28+s13+$0x0], $0xffff  }
0x2a9: {  	v22 =	vadd.f32 v25, v22;
	v25 =	vmul.f32 v11, v11;
	v11 =	vmul.f32 v31, v11;
	v28 =	vld.idx.msk [tilespmem:v28+s15+$0x0], $0xffff  }
0x2aa: {  	v12 =	vadd.f32 v12, v15;
	v7 =	vadd.f32 v8, v7;
	v8 =	vmul.f32 v31, v31;
	v15 =	vld.idx.msk [tilespmem:v27+s13+$0x0], $0xffff  }
0x2ab: {  	v22 =	vadd.f32 v25, v22;
	v25 =	vmul.f32 v10, v10;
	v10 =	vmul.f32 v30, v10;
	v27 =	vld.idx.msk [tilespmem:v27+s15+$0x0], $0xffff  }
0x2ac: {  	v11 =	vadd.f32 v11, v12;
	v7 =	vadd.f32 v8, v7;
	v8 =	vmul.f32 v30, v30;
	v12 =	vld.idx.msk [tilespmem:v24+s13+$0x0], $0xffff  }
0x2ad: {  	v22 =	vadd.f32 v25, v22;
	v25 =	vmul.f32 v9, v9;
	v9 =	vmul.f32 v26, v9;
	v24 =	vld.idx.msk [tilespmem:v24+s15+$0x0], $0xffff  }
0x2ae: {  	v10 =	vadd.f32 v10, v11;
	v7 =	vadd.f32 v8, v7;
	v8 =	vmul.f32 v26, v26;
	v11 =	vld.idx.msk [tilespmem:v23+s13+$0x0], $0xffff  }
0x2af: {  	v22 =	vadd.f32 v25, v22;
	v25 =	vmul.f32 v20, v20;
	v20 =	vmul.f32 v28, v20;
	v23 =	vld.idx.msk [tilespmem:v23+s15+$0x0], $0xffff  }
0x2b0: {  	v9 =	vadd.f32 v9, v10;
	v7 =	vadd.f32 v8, v7;
	v8 =	vmul.f32 v28, v28;
	v10 =	vld.idx.msk [tilespmem:v21+s13+$0x0], $0xffff  }
0x2b1: {  	v22 =	vadd.f32 v25, v22;
	v25 =	vmul.f32 v15, v15;
	v15 =	vmul.f32 v27, v15;
	v21 =	vld.idx.msk [tilespmem:v21+s15+$0x0], $0xffff  }
0x2b2: {  	v9 =	vadd.f32 v20, v9;
	v7 =	vadd.f32 v8, v7;
	v8 =	vmul.f32 v27, v27;
	v20 =	vld.idx.msk [tilespmem:v19+s13+$0x0], $0xffff  }
0x2b3: {  	v22 =	vadd.f32 v25, v22;
	v25 =	vmul.f32 v12, v12;
	v12 =	vmul.f32 v24, v12;
	v19 =	vld.idx.msk [tilespmem:v19+s15+$0x0], $0xffff  }
0x2b4: {  	v9 =	vadd.f32 v15, v9;
	v7 =	vadd.f32 v8, v7;
	v8 =	vmul.f32 v24, v24;
	v15 =	vld.idx.msk [tilespmem:v18+s13+$0x0], $0xffff  }
0x2b5: {  	v22 =	vadd.f32 v25, v22;
	v24 =	vmul.f32 v11, v11;
	v11 =	vmul.f32 v23, v11;
	v18 =	vld.idx.msk [tilespmem:v18+s15+$0x0], $0xffff  }
0x2b6: {  	v9 =	vadd.f32 v12, v9;
	v7 =	vadd.f32 v8, v7;
	v8 =	vmul.f32 v23, v23;
	v12 =	vld.idx.msk [tilespmem:v17+s13+$0x0], $0xffff  }
0x2b7: {  	v22 =	vadd.f32 v24, v22;
	v23 =	vmul.f32 v10, v10;
	v10 =	vmul.f32 v21, v10;
	v17 =	vld.idx.msk [tilespmem:v17+s15+$0x0], $0xffff  }
0x2b8: {  	v9 =	vadd.f32 v11, v9;
	v7 =	vadd.f32 v8, v7;
	v8 =	vmul.f32 v21, v21;
	v11 =	vld.idx.msk [tilespmem:v16+s13+$0x0], $0xffff  }
0x2b9: {  	v21 =	vadd.f32 v23, v22;
	v22 =	vmul.f32 v20, v20;
	v20 =	vmul.f32 v19, v20;
	v16 =	vld.idx.msk [tilespmem:v16+s15+$0x0], $0xffff  }
0x2ba: {  	v9 =	vadd.f32 v10, v9;
	v7 =	vadd.f32 v8, v7;
	v8 =	vmul.f32 v19, v19;
	v10 =	vld.idx.msk [tilespmem:v14+s13+$0x0], $0xffff  }
0x2bb: {  	v19 =	vadd.f32 v22, v21;
	v21 =	vmul.f32 v15, v15;
	v15 =	vmul.f32 v18, v15;
	v14 =	vld.idx.msk [tilespmem:v14+s15+$0x0], $0xffff  }
0x2bc: {  	v9 =	vadd.f32 v20, v9;
	v7 =	vadd.f32 v8, v7;
	v8 =	vmul.f32 v18, v18;
	v18 =	vld.idx.msk [tilespmem:v13+s13+$0x0], $0xffff  }
0x2bd: {  	v19 =	vadd.f32 v21, v19;
	v20 =	vmul.f32 v12, v12;
	v12 =	vmul.f32 v17, v12;
	v13 =	vld.idx.msk [tilespmem:v13+s15+$0x0], $0xffff  }
0x2be: {  	v9 =	vadd.f32 v15, v9;
	v7 =	vadd.f32 v8, v7;
	v8 =	vmul.f32 v17, v17  }
0x2bf: {  	v15 =	vadd.f32 v20, v19;
	v17 =	vmul.f32 v11, v11;
	v11 =	vmul.f32 v16, v11  }
0x2c0: {  	v9 =	vadd.f32 v12, v9;
	v7 =	vadd.f32 v8, v7;
	v8 =	vmul.f32 v16, v16  }
0x2c1: {  	v12 =	vadd.f32 v17, v15;
	v15 =	vmul.f32 v10, v10;
	v10 =	vmul.f32 v14, v10  }
0x2c2: {  	v9 =	vadd.f32 v11, v9;
	v7 =	vadd.f32 v8, v7;
	v8 =	vmul.f32 v14, v14  }
0x2c3: {  	v11 =	vadd.f32 v15, v12;
	v12 =	vmul.f32 v18, v18;
	v14 =	vmul.f32 v13, v18  }
0x2c4: {  	s5 =	sadd.s32 $0x1D, s31;
	v9 =	vadd.f32 v10, v9;
	v7 =	vadd.f32 v8, v7;
	v8 =	vmul.f32 v13, v13  }
0x2c5: {  	s0 =	sadd.s32 $0x1F, s31;
	v31 =	vor.u32 s31, v6;
	v30 =	vadd.s32 s5, v0;
	v25 =	vadd.f32 v12, v11  }
0x2c6: {  	s1 =	sadd.s32 $0x1C, s31;
	s22 =	sadd.s32 $0x1E, s31;
	s5 =	sadd.s32 $0x17, s31;
	v13 =	vadd.s32 s0, v0;
	v34 =	vadd.f32 v14, v9;
	v32 =	vadd.f32 v8, v7  }
0x2c7: {  	s25 =	sadd.s32 $0x1A, s31;
	s26 =	sadd.s32 $0x1B, s31;
	v24 =	vadd.s32 s5, v0;
	v16 =	vadd.s32 s22, v0;
	s0 =	sadd.s32 $0x19, s31;
	v14 =	vadd.s32 s1, v0  }
0x2c8: {  	s5 =	sadd.s32 $0x11, s31;
	v19 =	vadd.s32 s25, v0;
	s22 =	sadd.s32 $0x18, s31;
	v17 =	vadd.s32 s26, v0;
	v18 =	vadd.s32 s0, v0;
	s1 =	sadd.s32 $0x16, s31  }
0x2c9: {  	v35 =	vadd.s32 s5, v0;
	s25 =	sadd.s32 $0x14, s31;
	s26 =	sadd.s32 $0x15, s31;
	v21 =	vadd.s32 s22, v0;
	s0 =	sadd.s32 $0x13, s31;
	v23 =	vadd.s32 s1, v0  }
0x2ca: {  	s5 =	sadd.s32 $0xB, s31;
	v29 =	vadd.s32 s25, v0;
	s22 =	sadd.s32 $0x12, s31;
	v27 =	vadd.s32 s26, v0;
	v28 =	vadd.s32 s0, v0;
	s1 =	sadd.s32 $0x10, s31  }
0x2cb: {  	s25 =	sadd.s32 $0xE, s31;
	s26 =	sadd.s32 $0xF, s31;
	v33 =	vadd.s32 s22, v0;
	s0 =	sadd.s32 $0xD, s31;
	v7 =	vor.u32 s1, v6  }
.Ltmp4:
0x2cc: {  	s22 =	sadd.s32 $0xC, s31;
	v9 =	vadd.s32 s25, v6;
	v8 =	vadd.s32 s26, v6;
	v10 =	vadd.s32 s0, v6;
	s1 =	sadd.s32 $0xA, s31;
	(pc) =	sbr.rel @p0 .LBB2_11-.Ltmp4, $4  }
0x2cd: {  	v12 =	vadd.s32 s5, v6;
	v11 =	vadd.s32 s22, v6;
	s25 =	sadd.s32 $0x8, s31;
	s26 =	sadd.s32 $0x9, s31;
	s0 =	sadd.s32 $0x7, s31;
	v15 =	vadd.s32 s1, v6  }
0x2ce: {  	s5 =	sadd.s32 $0x5, s31;
	s22 =	sadd.s32 $0x6, s31;
	v22 =	vadd.s32 s25, v6;
	v20 =	vadd.s32 s26, v6;
	v26 =	vadd.s32 s0, v6;
	s1 =	sadd.s32 $0x4, s31  }
0x2cf: {  	v37 =	vadd.s32 s5, v6;
	v36 =	vadd.s32 s22, v6;
	s25 =	sadd.s32 $0x2, s31;
	s26 =	sadd.s32 $0x3, s31;
	s0 =	sadd.s32 $0x1, s31;
	v38 =	vadd.s32 s1, v6  }
0x2d0: {  	v40 =	vadd.s32 s25, v6;
	v39 =	vadd.s32 s26, v6;
	v41 =	vadd.s32 s0, v6;
	s31 =	sadd.s32 $0x20, s31  }
0x2d1: {  	_ =	sdelay $0x3  }
0x2d2: {  	v6 =	vld.idx.msk [tilespmem:v31+s13+$0x0], $0xffff;
	_ =	sdelay $0x1  }
0x2d3: {  	v42 =	vld.idx.msk [tilespmem:v41+s13+$0x0], $0xffff;
	_ =	sdelay $0x1  }
0x2d4: {  	v43 =	vld.idx.msk [tilespmem:v40+s13+$0x0], $0xffff  }
0x2d5: {  	v44 =	vmul.f32 v6, v6  }
0x2d6: {  	v45 =	vld.idx.msk [tilespmem:v39+s13+$0x0], $0xffff  }
0x2d7: {  	v62 =	vmul.f32 v42, v42;
	v25 =	vadd.f32 v44, v25  }
0x2d8: {  	v46 =	vld.idx.msk [tilespmem:v38+s13+$0x0], $0xffff  }
0x2d9: {  	v52 =	vmul.f32 v43, v43;
	v25 =	vadd.f32 v62, v25  }
0x2da: {  	v47 =	vld.idx.msk [tilespmem:v37+s13+$0x0], $0xffff  }
0x2db: {  	v53 =	vmul.f32 v45, v45;
	v25 =	vadd.f32 v52, v25  }
0x2dc: {  	v48 =	vld.idx.msk [tilespmem:v36+s13+$0x0], $0xffff  }
0x2dd: {  	v63 =	vld.idx.msk [tilespmem:v31+s15+$0x0], $0xffff;
	v55 =	vmul.f32 v46, v46;
	v25 =	vadd.f32 v53, v25  }
0x2de: {  	v49 =	vld.idx.msk [tilespmem:v26+s13+$0x0], $0xffff  }
0x2df: {  	v54 =	vld.idx.msk [tilespmem:v41+s15+$0x0], $0xffff;
	v57 =	vmul.f32 v47, v47;
	v25 =	vadd.f32 v55, v25  }
0x2e0: {  	v50 =	vld.idx.msk [tilespmem:v22+s13+$0x0], $0xffff  }
0x2e1: {  	v59 =	vmul.f32 v48, v48;
	v25 =	vadd.f32 v57, v25  }
0x2e2: {  	v41 =	vld.idx.msk [tilespmem:v20+s13+$0x0], $0xffff;
	v30 =	vand.u32 $0x7F, v30;
	v6 =	vmul.f32 v63, v6;
	v31 =	vmul.f32 v63, v63  }
0x2e3: {  	v56 =	vld.idx.msk [tilespmem:v40+s15+$0x0], $0xffff;
	v35 =	vand.u32 $0x7F, v35;
	v62 =	vmul.f32 v49, v49;
	v25 =	vadd.f32 v59, v25  }
0x2e4: {  	v42 =	vmul.f32 v54, v42;
	v6 =	vadd.f32 v6, v34;
	v31 =	vadd.f32 v31, v32;
	v32 =	vld.idx.msk [tilespmem:v15+s13+$0x0], $0xffff  }
0x2e5: {  	v58 =	vld.idx.msk [tilespmem:v39+s15+$0x0], $0xffff;
	v33 =	vand.u32 $0x7F, v33;
	v51 =	vmul.f32 v50, v50;
	v25 =	vadd.f32 v62, v25  }
0x2e6: {  	v28 =	vand.u32 $0x7F, v28;
	v60 =	vmul.f32 v54, v54;
	v6 =	vadd.f32 v42, v6;
	v42 =	vld.idx.msk [tilespmem:v12+s13+$0x0], $0xffff  }
0x2e7: {  	v61 =	vld.idx.msk [tilespmem:v38+s15+$0x0], $0xffff;
	v29 =	vand.u32 $0x7F, v29;
	v54 =	vmul.f32 v41, v41;
	v25 =	vadd.f32 v51, v25  }
0x2e8: {  	v63 =	vmul.f32 v56, v43;
	v40 =	vmul.f32 v56, v56;
	v43 =	vld.idx.msk [tilespmem:v11+s13+$0x0], $0xffff;
	v31 =	vadd.f32 v60, v31  }
0x2e9: {  	v27 =	vand.u32 $0x7F, v27;
	v56 =	vmul.f32 v32, v32;
	v53 =	vld.idx.msk [tilespmem:v37+s15+$0x0], $0xffff;
	v25 =	vadd.f32 v54, v25  }
0x2ea: {  	v38 =	vld.idx.msk [tilespmem:v10+s13+$0x0], $0xffff;
	v23 =	vand.u32 $0x7F, v23;
	v34 =	vmul.f32 v58, v58;
	v31 =	vadd.f32 v40, v31  }
0x2eb: {  	v35 =	vor.u32 v5, v35;
	v59 =	vmul.f32 v42, v42;
	v25 =	vadd.f32 v56, v25  }
0x2ec: {  	v52 =	vmul.f32 v58, v45;
	v31 =	vadd.f32 v34, v31;
	v34 =	vld.idx.msk [tilespmem:v9+s13+$0x0], $0xffff;
	v57 =	vmul.f32 v61, v61  }
0x2ed: {  	v58 =	vld.idx.msk [tilespmem:v36+s15+$0x0], $0xffff;
	v55 =	vmul.f32 v61, v46;
	v61 =	vmul.f32 v43, v43;
	v25 =	vadd.f32 v59, v25  }
0x2ee: {  	v33 =	vor.u32 v5, v33;
	v40 =	vld.idx.msk [tilespmem:v8+s13+$0x0], $0xffff;
	v37 =	vmul.f32 v53, v53;
	v31 =	vadd.f32 v57, v31  }
0x2ef: {  	v6 =	vadd.f32 v63, v6;
	v63 =	vmul.f32 v38, v38;
	v25 =	vadd.f32 v61, v25  }
0x2f0: {  	v24 =	vand.u32 $0x7F, v24;
	v28 =	vor.u32 v5, v28;
	v31 =	vadd.f32 v37, v31;
	v37 =	vld.idx.msk [tilespmem:v7+s13+$0x0], $0xffff  }
0x2f1: {  	v6 =	vadd.f32 v52, v6;
	v52 =	vmul.f32 v34, v34;
	v62 =	vld.idx.msk [tilespmem:v26+s15+$0x0], $0xffff;
	v25 =	vadd.f32 v63, v25  }
0x2f2: {  	v21 =	vand.u32 $0x7F, v21;
	v18 =	vand.u32 $0x7F, v18;
	v44 =	vld.idx.msk [tilespmem:v35+s13+$0x0], $0xffff;
	v36 =	vmul.f32 v58, v58  }
0x2f3: {  	v29 =	vor.u32 v5, v29;
	v54 =	vmul.f32 v40, v40;
	v25 =	vadd.f32 v52, v25  }
0x2f4: {  	v6 =	vadd.f32 v55, v6;
	v60 =	vmul.f32 v53, v47;
	v31 =	vadd.f32 v36, v31;
	v36 =	vld.idx.msk [tilespmem:v33+s13+$0x0], $0xffff  }
0x2f5: {  	v27 =	vor.u32 v5, v27;
	v53 =	vld.idx.msk [tilespmem:v22+s15+$0x0], $0xffff;
	v56 =	vmul.f32 v37, v37;
	v25 =	vadd.f32 v54, v25  }
0x2f6: {  	v45 =	vld.idx.msk [tilespmem:v28+s13+$0x0], $0xffff;
	v6 =	vadd.f32 v60, v6;
	v51 =	vmul.f32 v58, v48;
	v26 =	vmul.f32 v62, v62  }
0x2f7: {  	v23 =	vor.u32 v5, v23;
	v57 =	vld.idx.msk [tilespmem:v20+s15+$0x0], $0xffff;
	v58 =	vmul.f32 v44, v44;
	v25 =	vadd.f32 v56, v25  }
0x2f8: {  	v6 =	vadd.f32 v51, v6;
	v55 =	vmul.f32 v62, v49;
	v26 =	vadd.f32 v26, v31;
	v31 =	vld.idx.msk [tilespmem:v29+s13+$0x0], $0xffff  }
0x2f9: {  	v24 =	vor.u32 v5, v24;
	v60 =	vmul.f32 v36, v36;
	v25 =	vadd.f32 v58, v25  }
0x2fa: {  	v46 =	vld.idx.msk [tilespmem:v27+s13+$0x0], $0xffff;
	v22 =	vmul.f32 v53, v53;
	v6 =	vadd.f32 v55, v6;
	v59 =	vmul.f32 v53, v50  }
0x2fb: {  	v21 =	vor.u32 v5, v21;
	v62 =	vmul.f32 v45, v45;
	v61 =	vld.idx.msk [tilespmem:v15+s15+$0x0], $0xffff;
	v25 =	vadd.f32 v60, v25  }
0x2fc: {  	v41 =	vmul.f32 v57, v41;
	v22 =	vadd.f32 v22, v26;
	v26 =	vld.idx.msk [tilespmem:v23+s13+$0x0], $0xffff;
	v6 =	vadd.f32 v59, v6  }
0x2fd: {  	v18 =	vor.u32 v5, v18;
	v63 =	vmul.f32 v31, v31;
	v25 =	vadd.f32 v62, v25  }
0x2fe: {  	v19 =	vand.u32 $0x7F, v19;
	v20 =	vmul.f32 v57, v57;
	v6 =	vadd.f32 v41, v6;
	v41 =	vld.idx.msk [tilespmem:v24+s13+$0x0], $0xffff  }
0x2ff: {  	v19 =	vor.u32 v5, v19;
	v47 =	vld.idx.msk [tilespmem:v12+s15+$0x0], $0xffff;
	v48 =	vmul.f32 v46, v46;
	v25 =	vadd.f32 v63, v25  }
0x300: {  	v17 =	vand.u32 $0x7F, v17;
	v20 =	vadd.f32 v20, v22;
	v22 =	vld.idx.msk [tilespmem:v21+s13+$0x0], $0xffff;
	v32 =	vmul.f32 v61, v32  }
0x301: {  	v17 =	vor.u32 v5, v17;
	v49 =	vmul.f32 v26, v26;
	v25 =	vadd.f32 v48, v25  }
0x302: {  	v14 =	vand.u32 $0x7F, v14;
	v15 =	vmul.f32 v61, v61;
	v6 =	vadd.f32 v32, v6;
	v32 =	vld.idx.msk [tilespmem:v18+s13+$0x0], $0xffff  }
0x303: {  	v14 =	vor.u32 v5, v14;
	v50 =	vld.idx.msk [tilespmem:v11+s15+$0x0], $0xffff;
	v51 =	vmul.f32 v41, v41;
	v25 =	vadd.f32 v49, v25  }
0x304: {  	v16 =	vand.u32 $0x7F, v16;
	v42 =	vmul.f32 v47, v42;
	v15 =	vadd.f32 v15, v20;
	v20 =	vld.idx.msk [tilespmem:v19+s13+$0x0], $0xffff  }
0x305: {  	v30 =	vor.u32 v5, v30;
	v52 =	vld.idx.msk [tilespmem:v10+s15+$0x0], $0xffff;
	v53 =	vmul.f32 v22, v22;
	v25 =	vadd.f32 v51, v25  }
0x306: {  	v13 =	vand.u32 $0x7F, v13;
	v12 =	vmul.f32 v47, v47;
	v6 =	vadd.f32 v42, v6;
	v42 =	vld.idx.msk [tilespmem:v17+s13+$0x0], $0xffff  }
0x307: {  	v16 =	vor.u32 v5, v16;
	v54 =	vld.idx.msk [tilespmem:v9+s15+$0x0], $0xffff;
	v55 =	vmul.f32 v32, v32;
	v25 =	vadd.f32 v53, v25  }
0x308: {  	v43 =	vmul.f32 v50, v43;
	v11 =	vmul.f32 v50, v50;
	v12 =	vadd.f32 v12, v15;
	v15 =	vld.idx.msk [tilespmem:v14+s13+$0x0], $0xffff  }
0x309: {  	v5 =	vor.u32 v5, v13;
	v56 =	vld.idx.msk [tilespmem:v8+s15+$0x0], $0xffff;
	v58 =	vmul.f32 v20, v20;
	v57 =	vadd.f32 v55, v25  }
0x30a: {  	v38 =	vmul.f32 v52, v38;
	v6 =	vadd.f32 v43, v6;
	v11 =	vadd.f32 v11, v12;
	v12 =	vld.idx.msk [tilespmem:v30+s13+$0x0], $0xffff  }
0x30b: {  	v59 =	vld.idx.msk [tilespmem:v7+s15+$0x0], $0xffff;
	v60 =	vmul.f32 v42, v42;
	v13 =	vadd.f32 v58, v57  }
0x30c: {  	v34 =	vmul.f32 v54, v34;
	v6 =	vadd.f32 v38, v6;
	v38 =	vld.idx.msk [tilespmem:v16+s13+$0x0], $0xffff  }
0x30d: {  	v35 =	vld.idx.msk [tilespmem:v35+s15+$0x0], $0xffff;
	v10 =	vmul.f32 v52, v52;
	v62 =	vmul.f32 v15, v15;
	v61 =	vadd.f32 v60, v13  }
0x30e: {  	v6 =	vadd.f32 v34, v6;
	v34 =	vld.idx.msk [tilespmem:v5+s13+$0x0], $0xffff;
	v63 =	vmul.f32 v56, v40  }
0x30f: {  	v33 =	vld.idx.msk [tilespmem:v33+s15+$0x0], $0xffff;
	v10 =	vadd.f32 v10, v11;
	v39 =	vmul.f32 v12, v12;
	v11 =	vadd.f32 v62, v61  }
0x310: {  	v40 =	vmul.f32 v59, v37;
	v6 =	vadd.f32 v63, v6  }
0x311: {  	v9 =	vmul.f32 v54, v54;
	v43 =	vld.idx.msk [tilespmem:v28+s15+$0x0], $0xffff;
	v47 =	vmul.f32 v38, v38;
	v11 =	vadd.f32 v39, v11  }
0x312: {  	v8 =	vmul.f32 v56, v56;
	v48 =	vmul.f32 v35, v44;
	v6 =	vadd.f32 v40, v6  }
0x313: {  	v9 =	vadd.f32 v9, v10;
	v49 =	vld.idx.msk [tilespmem:v29+s15+$0x0], $0xffff;
	v51 =	vmul.f32 v34, v34;
	v50 =	vadd.f32 v47, v11  }
0x314: {  	v52 =	vmul.f32 v33, v36;
	v6 =	vadd.f32 v48, v6  }
0x315: {  	v27 =	vld.idx.msk [tilespmem:v27+s15+$0x0], $0xffff;
	v7 =	vmul.f32 v59, v59;
	v8 =	vadd.f32 v8, v9;
	v10 =	vadd.f32 v51, v50  }
0x316: {  	v54 =	vmul.f32 v35, v35;
	v53 =	vmul.f32 v43, v45;
	v6 =	vadd.f32 v52, v6  }
0x317: {  	v7 =	vadd.f32 v7, v8;
	v55 =	vld.idx.msk [tilespmem:v23+s15+$0x0], $0xffff;
	v56 =	vshra.s32 v10, $0x1;
	v57 =	vmul.f32 $5.000000000e-01, v10  }
0x318: {  	v29 =	vmul.f32 v49, v31;
	v6 =	vadd.f32 v53, v6;
	v58 =	vsub.s32 $0x5F3759DF, v56  }
0x319: {  	v59 =	vmul.f32 v33, v33;
	v7 =	vadd.f32 v54, v7;
	v60 =	vld.idx.msk [tilespmem:v24+s15+$0x0], $0xffff;
	v61 =	vmul.f32 v58, v57  }
0x31a: {  	v6 =	vadd.f32 v29, v6;
	v62 =	vmul.f32 v27, v46  }
0x31b: {  	v21 =	vld.idx.msk [tilespmem:v21+s15+$0x0], $0xffff;
	v63 =	vmul.f32 v43, v43;
	v7 =	vadd.f32 v59, v7;
	v24 =	vmul.f32 v58, v61  }
0x31c: {  	v29 =	vmul.f32 v55, v26;
	v6 =	vadd.f32 v62, v6  }
0x31d: {  	v7 =	vadd.f32 v63, v7;
	v9 =	vmul.f32 v49, v49;
	v31 =	vld.idx.msk [tilespmem:v18+s15+$0x0], $0xffff;
	v33 =	vsub.f32 $1.500000000e+00, v24  }
0x31e: {  	v19 =	vld.idx.msk [tilespmem:v19+s15+$0x0], $0xffff;
	v35 =	vmul.f32 v60, v41;
	v6 =	vadd.f32 v29, v6  }
0x31f: {  	v36 =	vmul.f32 v27, v27;
	v7 =	vadd.f32 v9, v7;
	v8 =	vmul.f32 v58, v33  }
0x320: {  	v37 =	vmul.f32 v21, v22;
	v40 =	vld.idx.msk [tilespmem:v17+s15+$0x0], $0xffff;
	v6 =	vadd.f32 v35, v6  }
0x321: {  	v7 =	vadd.f32 v36, v7;
	v41 =	vmul.f32 v8, v57  }
0x322: {  	v14 =	vld.idx.msk [tilespmem:v14+s15+$0x0], $0xffff;
	v43 =	vmul.f32 v31, v32;
	v39 =	vmul.f32 v55, v55;
	v6 =	vadd.f32 v37, v6  }
0x323: {  	v45 =	vmul.f32 v19, v20;
	v17 =	vmul.f32 v41, v8  }
0x324: {  	v44 =	vmul.f32 v60, v60;
	v7 =	vadd.f32 v39, v7;
	v6 =	vadd.f32 v43, v6  }
0x325: {  	v48 =	vmul.f32 v40, v42;
	v47 =	vld.idx.msk [tilespmem:v30+s15+$0x0], $0xffff;
	v17 =	vsub.f32 $1.500000000e+00, v17  }
0x326: {  	v46 =	vmul.f32 v21, v21;
	v7 =	vadd.f32 v44, v7;
	v6 =	vadd.f32 v45, v6  }
0x327: {  	v15 =	vmul.f32 v14, v15;
	v50 =	vld.idx.msk [tilespmem:v16+s15+$0x0], $0xffff;
	v8 =	vmul.f32 v17, v8  }
0x328: {  	v49 =	vmul.f32 v31, v31;
	v7 =	vadd.f32 v46, v7;
	v6 =	vadd.f32 v48, v6  }
0x329: {  	v5 =	vld.idx.msk [tilespmem:v5+s15+$0x0], $0xffff;
	v51 =	vmul.f32 v19, v19;
	v52 =	vmul.f32 v8, v57  }
0x32a: {  	v12 =	vmul.f32 v47, v12;
	v7 =	vadd.f32 v49, v7;
	v6 =	vadd.f32 v15, v6  }
0x32b: {  	v53 =	vmul.f32 v40, v40;
	v54 =	vmul.f32 v52, v8  }
0x32c: {  	v55 =	vmul.f32 v50, v38;
	v7 =	vadd.f32 v51, v7;
	v6 =	vadd.f32 v12, v6  }
0x32d: {  	v56 =	vmul.f32 v14, v14;
	v57 =	vsub.f32 $1.500000000e+00, v54  }
0x32e: {  	v7 =	vadd.f32 v53, v7;
	v58 =	vmul.f32 v5, v34;
	v6 =	vadd.f32 v55, v6  }
0x32f: {  	v8 =	vmul.f32 v57, v8  }
0x330: {  	v59 =	vmul.f32 v47, v47;
	v7 =	vadd.f32 v56, v7;
	v6 =	vadd.f32 v58, v6  }
0x331: {  	v60 =	vmul.f32 v50, v50;
	v8 =	vmin.f32 v8, $9.999999950e+11  }
0x332: {  	v7 =	vadd.f32 v59, v7;
	v10 =	vmul.f32 v8, v10;
	v6 =	vmul.f32 v8, v6  }
0x333: {  	v5 =	vmul.f32 v5, v5  }
0x334: {  	v7 =	vadd.f32 v60, v7;
	v8 =	vmul.f32 v10, v8;
	v6 =	vadd.f32 v6, v6;
	_ =	sdelay $0x1  }
0x335: {  	v5 =	vadd.f32 v5, v7;
	v6 =	vsub.f32 v8, v6;
	_ =	sdelay $0x1  }
0x336: {  	v5 =	vadd.f32 v6, v5;
	_ =	sdelay $0x1  }
0x337: {  	v5 =	vmax.f32 v5, $0.0e+00  }
0x338: {  	v61 =	vshra.s32 v5, $0x1;
	v62 =	vmul.f32 $5.000000000e-01, v5  }
0x339: {  	v6 =	vsub.s32 $0x5F3759DF, v61  }
0x33a: {  	v63 =	vmul.f32 v6, v62;
	_ =	sdelay $0x1  }
0x33b: {  	v8 =	vmul.f32 v6, v63;
	_ =	sdelay $0x1  }
0x33c: {  	v8 =	vsub.f32 $1.500000000e+00, v8;
	_ =	sdelay $0x1  }
0x33d: {  	v6 =	vmul.f32 v6, v8;
	_ =	sdelay $0x1  }
0x33e: {  	v8 =	vmul.f32 v6, v62;
	_ =	sdelay $0x1  }
0x33f: {  	v8 =	vmul.f32 v8, v6;
	_ =	sdelay $0x1  }
0x340: {  	v8 =	vsub.f32 $1.500000000e+00, v8;
	_ =	sdelay $0x1  }
0x341: {  	v6 =	vmul.f32 v8, v6;
	_ =	sdelay $0x1  }
0x342: {  	v7 =	vmul.f32 v6, v62;
	_ =	sdelay $0x1  }
0x343: {  	v7 =	vmul.f32 v7, v6;
	_ =	sdelay $0x1  }
0x344: {  	v7 =	vsub.f32 $1.500000000e+00, v7  }
0x345: {  	s30 =	sadd.s32 $0x1, s30  }
0x346: {  	p0 =	sne.s32 s30, $0x8;
	v6 =	vmul.f32 v7, v6  }
.Ltmp5:
0x347: {  	_ = 	snop;
	(pc) =	sbr.rel @p0 .LBB2_10-.Ltmp5, $3  }
0x348: {  	v5 =	vmul.f32 v6, v5;
	_ =	sdelay $0x1  }
0x349: {  	[tilespmem:v4+s20+$0x0] =	vst.idx.add.f32.msk $0xffff, v5  }
0x34a: {  	[tilespmem:v4+s21+$0x0] =	vst.idx.add.f32.msk $0xffff, v3  }
0x34b: {  	_ =	swait.ge [sflag:s23], $0x4000  }
0x34c: {  	[sflag:s23] =	ssyncset.done $0x0  }
0x34d: {  	[sflag:s23] =	ssyncadd.s32 $0xFFFFC000  }
0x34e: {  	_ =	swait.ge [sflag:s24], $0x4000  }
0x34f: {  	[sflag:s24] =	ssyncset.done $0x0  }
0x350: {  	s29 =	simm.s32 $0x0;
	s30 =	simm.s32 $0x0;
	[sflag:s24] =	ssyncadd.s32 $0xFFFFC000  }
.LBB2_14:
0x351: {  	s31 =	sshll.u32 s30, $0x4;
	v25 =	vimm.f32 $0.0e+00;
	s0 =	simm.s32 $0x1F;
	s1 =	simm.s32 $0x1C;
	v34 =	vimm.f32 $0.0e+00;
	v32 =	vimm.f32 $0.0e+00  }
0x352: {  	s5 =	simm.s32 $0x1D;
	s22 =	simm.s32 $0x1E;
	s25 =	simm.s32 $0x1A;
	v4 =	vmov s31;
	v13 =	vadd.s32 s0, v0;
	v14 =	vadd.s32 s1, v0  }
0x353: {  	s26 =	simm.s32 $0x17;
	s0 =	simm.s32 $0x19;
	v30 =	vadd.s32 s5, v0;
	v16 =	vadd.s32 s22, v0;
	v19 =	vadd.s32 s25, v0  }
0x354: {  	s5 =	simm.s32 $0x1B;
	s22 =	simm.s32 $0x16;
	s1 =	simm.s32 $0x13;
	v24 =	vadd.s32 s26, v0;
	v4 =	vshll.u32 v4, $0x7;
	v18 =	vadd.s32 s0, v0  }
0x355: {  	s25 =	simm.s32 $0x14;
	s26 =	simm.s32 $0x15;
	v17 =	vadd.s32 s5, v0;
	v23 =	vadd.s32 s22, v0;
	v28 =	vadd.s32 s1, v0  }
0x356: {  	s0 =	simm.s32 $0x18;
	s22 =	simm.s32 $0x11;
	v29 =	vadd.s32 s25, v0;
	v27 =	vadd.s32 s26, v0;
	v5 =	vor.u32 v2, v4  }
0x357: {  	s1 =	simm.s32 $0x12;
	v21 =	vadd.s32 s0, v0;
	s0 =	simm.s32 $0x10;
	v35 =	vadd.s32 s22, v0;
	v6 =	vor.u32 v0, v5  }
0x358: {  	s25 =	simm.s32 $0xD;
	s26 =	simm.s32 $0xE;
	v33 =	vadd.s32 s1, v0;
	s1 =	simm.s32 $0xA;
	v31 =	vor.u32 s29, v6;
	v7 =	vor.u32 s0, v6  }
0x359: {  	s22 =	simm.s32 $0xB;
	s0 =	simm.s32 $0xF;
	v10 =	vadd.s32 s25, v6;
	v9 =	vadd.s32 s26, v6;
	s26 =	simm.s32 $0xC;
	v15 =	vadd.s32 s1, v6  }
0x35a: {  	s25 =	simm.s32 $0x8;
	v12 =	vadd.s32 s22, v6;
	s1 =	simm.s32 $0x9;
	s22 =	simm.s32 $0x4;
	v8 =	vadd.s32 s0, v6;
	v11 =	vadd.s32 s26, v6  }
0x35b: {  	s0 =	simm.s32 $0x7;
	s26 =	simm.s32 $0x5;
	v22 =	vadd.s32 s25, v6;
	v20 =	vadd.s32 s1, v6;
	s1 =	simm.s32 $0x1;
	v38 =	vadd.s32 s22, v6  }
0x35c: {  	s25 =	simm.s32 $0x2;
	v26 =	vadd.s32 s0, v6;
	s0 =	simm.s32 $0x6;
	v37 =	vadd.s32 s26, v6;
	s26 =	simm.s32 $0x3;
	v41 =	vadd.s32 s1, v6  }
0x35d: {  	v4 =	vld [tilespmem:s31+$0x180];
	s31 =	simm.s32 $0x20;
	v40 =	vadd.s32 s25, v6;
	v36 =	vadd.s32 s0, v6;
	v39 =	vadd.s32 s26, v6  }
.LBB2_15:
0x35e: {  	p0 =	slt.u32 s31, $0x60;
	v30 =	vand.u32 $0x7F, v30;
	v42 =	vand.u32 $0x7F, v16;
	v13 =	vand.u32 $0x7F, v13  }
0x35f: {  	v19 =	vand.u32 $0x7F, v19;
	v17 =	vand.u32 $0x7F, v17;
	v43 =	vand.u32 $0x7F, v14  }
0x360: {  	v24 =	vand.u32 $0x7F, v24;
	v21 =	vand.u32 $0x7F, v21;
	v45 =	vand.u32 $0x7F, v18;
	v44 =	vld.idx.msk [tilespmem:v31+s16+$0x0], $0xffff  }
0x361: {  	v29 =	vand.u32 $0x7F, v29;
	v27 =	vand.u32 $0x7F, v27;
	v46 =	vld.idx.msk [tilespmem:v31+s17+$0x0], $0xffff;
	v31 =	vand.u32 $0x7F, v23  }
0x362: {  	v35 =	vand.u32 $0x7F, v35;
	v33 =	vand.u32 $0x7F, v33;
	v48 =	vand.u32 $0x7F, v28;
	v47 =	vld.idx.msk [tilespmem:v41+s16+$0x0], $0xffff  }
0x363: {  	v16 =	vor.u32 v5, v30;
	v14 =	vor.u32 v5, v42;
	v13 =	vor.u32 v5, v13;
	v41 =	vld.idx.msk [tilespmem:v41+s17+$0x0], $0xffff  }
0x364: {  	v19 =	vor.u32 v5, v19;
	v18 =	vor.u32 v5, v17;
	v17 =	vor.u32 v5, v43;
	v42 =	vld.idx.msk [tilespmem:v40+s16+$0x0], $0xffff  }
0x365: {  	v24 =	vor.u32 v5, v24;
	v23 =	vor.u32 v5, v21;
	v21 =	vor.u32 v5, v45;
	v40 =	vld.idx.msk [tilespmem:v40+s17+$0x0], $0xffff  }
0x366: {  	v29 =	vor.u32 v5, v29;
	v28 =	vor.u32 v5, v27;
	v27 =	vor.u32 v5, v31;
	v43 =	vld.idx.msk [tilespmem:v39+s16+$0x0], $0xffff  }
0x367: {  	v30 =	vor.u32 v5, v48;
	v31 =	vor.u32 v5, v33;
	v45 =	vmul.f32 v44, v44;
	v39 =	vld.idx.msk [tilespmem:v39+s17+$0x0], $0xffff  }
0x368: {  	v33 =	vor.u32 v5, v35;
	v44 =	vmul.f32 v46, v44;
	v46 =	vmul.f32 v46, v46;
	v48 =	vld.idx.msk [tilespmem:v38+s16+$0x0], $0xffff  }
0x369: {  	v25 =	vadd.f32 v45, v25;
	v35 =	vmul.f32 v47, v47;
	v45 =	vmul.f32 v41, v47;
	v38 =	vld.idx.msk [tilespmem:v38+s17+$0x0], $0xffff  }
0x36a: {  	v34 =	vadd.f32 v44, v34;
	v32 =	vadd.f32 v46, v32;
	v41 =	vmul.f32 v41, v41;
	v44 =	vld.idx.msk [tilespmem:v37+s16+$0x0], $0xffff  }
0x36b: {  	v25 =	vadd.f32 v35, v25;
	v35 =	vmul.f32 v42, v42;
	v42 =	vmul.f32 v40, v42;
	v37 =	vld.idx.msk [tilespmem:v37+s17+$0x0], $0xffff  }
0x36c: {  	v34 =	vadd.f32 v45, v34;
	v32 =	vadd.f32 v41, v32;
	v40 =	vmul.f32 v40, v40;
	v41 =	vld.idx.msk [tilespmem:v36+s16+$0x0], $0xffff  }
0x36d: {  	v25 =	vadd.f32 v35, v25;
	v35 =	vmul.f32 v43, v43;
	v43 =	vmul.f32 v39, v43;
	v36 =	vld.idx.msk [tilespmem:v36+s17+$0x0], $0xffff  }
0x36e: {  	v34 =	vadd.f32 v42, v34;
	v32 =	vadd.f32 v40, v32;
	v39 =	vmul.f32 v39, v39;
	v40 =	vld.idx.msk [tilespmem:v26+s16+$0x0], $0xffff  }
0x36f: {  	v25 =	vadd.f32 v35, v25;
	v35 =	vmul.f32 v48, v48;
	v42 =	vmul.f32 v38, v48;
	v26 =	vld.idx.msk [tilespmem:v26+s17+$0x0], $0xffff  }
0x370: {  	v34 =	vadd.f32 v43, v34;
	v32 =	vadd.f32 v39, v32;
	v38 =	vmul.f32 v38, v38;
	v39 =	vld.idx.msk [tilespmem:v22+s16+$0x0], $0xffff  }
0x371: {  	v25 =	vadd.f32 v35, v25;
	v35 =	vmul.f32 v44, v44;
	v43 =	vmul.f32 v37, v44;
	v22 =	vld.idx.msk [tilespmem:v22+s17+$0x0], $0xffff  }
0x372: {  	v34 =	vadd.f32 v42, v34;
	v32 =	vadd.f32 v38, v32;
	v37 =	vmul.f32 v37, v37;
	v38 =	vld.idx.msk [tilespmem:v20+s16+$0x0], $0xffff  }
0x373: {  	v25 =	vadd.f32 v35, v25;
	v35 =	vmul.f32 v41, v41;
	v41 =	vmul.f32 v36, v41;
	v20 =	vld.idx.msk [tilespmem:v20+s17+$0x0], $0xffff  }
0x374: {  	v34 =	vadd.f32 v43, v34;
	v32 =	vadd.f32 v37, v32;
	v36 =	vmul.f32 v36, v36;
	v37 =	vld.idx.msk [tilespmem:v15+s16+$0x0], $0xffff  }
0x375: {  	v25 =	vadd.f32 v35, v25;
	v35 =	vmul.f32 v40, v40;
	v40 =	vmul.f32 v26, v40;
	v15 =	vld.idx.msk [tilespmem:v15+s17+$0x0], $0xffff  }
0x376: {  	v34 =	vadd.f32 v41, v34;
	v32 =	vadd.f32 v36, v32;
	v26 =	vmul.f32 v26, v26;
	v36 =	vld.idx.msk [tilespmem:v12+s16+$0x0], $0xffff  }
0x377: {  	v25 =	vadd.f32 v35, v25;
	v35 =	vmul.f32 v39, v39;
	v39 =	vmul.f32 v22, v39;
	v12 =	vld.idx.msk [tilespmem:v12+s17+$0x0], $0xffff  }
0x378: {  	v34 =	vadd.f32 v40, v34;
	v26 =	vadd.f32 v26, v32;
	v22 =	vmul.f32 v22, v22;
	v32 =	vld.idx.msk [tilespmem:v11+s16+$0x0], $0xffff  }
0x379: {  	v25 =	vadd.f32 v35, v25;
	v35 =	vmul.f32 v38, v38;
	v38 =	vmul.f32 v20, v38;
	v11 =	vld.idx.msk [tilespmem:v11+s17+$0x0], $0xffff  }
0x37a: {  	v34 =	vadd.f32 v39, v34;
	v22 =	vadd.f32 v22, v26;
	v20 =	vmul.f32 v20, v20;
	v26 =	vld.idx.msk [tilespmem:v10+s16+$0x0], $0xffff  }
0x37b: {  	v25 =	vadd.f32 v35, v25;
	v35 =	vmul.f32 v37, v37;
	v37 =	vmul.f32 v15, v37;
	v10 =	vld.idx.msk [tilespmem:v10+s17+$0x0], $0xffff  }
0x37c: {  	v34 =	vadd.f32 v38, v34;
	v20 =	vadd.f32 v20, v22;
	v15 =	vmul.f32 v15, v15;
	v22 =	vld.idx.msk [tilespmem:v9+s16+$0x0], $0xffff  }
0x37d: {  	v25 =	vadd.f32 v35, v25;
	v35 =	vmul.f32 v36, v36;
	v36 =	vmul.f32 v12, v36;
	v9 =	vld.idx.msk [tilespmem:v9+s17+$0x0], $0xffff  }
0x37e: {  	v34 =	vadd.f32 v37, v34;
	v15 =	vadd.f32 v15, v20;
	v12 =	vmul.f32 v12, v12;
	v20 =	vld.idx.msk [tilespmem:v8+s16+$0x0], $0xffff  }
0x37f: {  	v25 =	vadd.f32 v35, v25;
	v35 =	vmul.f32 v32, v32;
	v32 =	vmul.f32 v11, v32;
	v8 =	vld.idx.msk [tilespmem:v8+s17+$0x0], $0xffff  }
0x380: {  	v34 =	vadd.f32 v36, v34;
	v12 =	vadd.f32 v12, v15;
	v11 =	vmul.f32 v11, v11;
	v15 =	vld.idx.msk [tilespmem:v7+s16+$0x0], $0xffff  }
0x381: {  	v25 =	vadd.f32 v35, v25;
	v35 =	vmul.f32 v26, v26;
	v26 =	vmul.f32 v10, v26;
	v7 =	vld.idx.msk [tilespmem:v7+s17+$0x0], $0xffff  }
0x382: {  	v32 =	vadd.f32 v32, v34;
	v11 =	vadd.f32 v11, v12;
	v10 =	vmul.f32 v10, v10;
	v12 =	vld.idx.msk [tilespmem:v33+s16+$0x0], $0xffff  }
0x383: {  	v25 =	vadd.f32 v35, v25;
	v34 =	vmul.f32 v22, v22;
	v22 =	vmul.f32 v9, v22;
	v33 =	vld.idx.msk [tilespmem:v33+s17+$0x0], $0xffff  }
0x384: {  	v26 =	vadd.f32 v26, v32;
	v10 =	vadd.f32 v10, v11;
	v9 =	vmul.f32 v9, v9;
	v11 =	vld.idx.msk [tilespmem:v31+s16+$0x0], $0xffff  }
0x385: {  	v25 =	vadd.f32 v34, v25;
	v32 =	vmul.f32 v20, v20;
	v20 =	vmul.f32 v8, v20;
	v31 =	vld.idx.msk [tilespmem:v31+s17+$0x0], $0xffff  }
0x386: {  	v22 =	vadd.f32 v22, v26;
	v9 =	vadd.f32 v9, v10;
	v8 =	vmul.f32 v8, v8;
	v10 =	vld.idx.msk [tilespmem:v30+s16+$0x0], $0xffff  }
0x387: {  	v25 =	vadd.f32 v32, v25;
	v26 =	vmul.f32 v15, v15;
	v15 =	vmul.f32 v7, v15;
	v30 =	vld.idx.msk [tilespmem:v30+s17+$0x0], $0xffff  }
0x388: {  	v20 =	vadd.f32 v20, v22;
	v8 =	vadd.f32 v8, v9;
	v7 =	vmul.f32 v7, v7;
	v9 =	vld.idx.msk [tilespmem:v29+s16+$0x0], $0xffff  }
0x389: {  	v22 =	vadd.f32 v26, v25;
	v25 =	vmul.f32 v12, v12;
	v12 =	vmul.f32 v33, v12;
	v26 =	vld.idx.msk [tilespmem:v29+s17+$0x0], $0xffff  }
0x38a: {  	v15 =	vadd.f32 v15, v20;
	v7 =	vadd.f32 v7, v8;
	v8 =	vmul.f32 v33, v33;
	v20 =	vld.idx.msk [tilespmem:v28+s16+$0x0], $0xffff  }
0x38b: {  	v22 =	vadd.f32 v25, v22;
	v25 =	vmul.f32 v11, v11;
	v11 =	vmul.f32 v31, v11;
	v28 =	vld.idx.msk [tilespmem:v28+s17+$0x0], $0xffff  }
0x38c: {  	v12 =	vadd.f32 v12, v15;
	v7 =	vadd.f32 v8, v7;
	v8 =	vmul.f32 v31, v31;
	v15 =	vld.idx.msk [tilespmem:v27+s16+$0x0], $0xffff  }
0x38d: {  	v22 =	vadd.f32 v25, v22;
	v25 =	vmul.f32 v10, v10;
	v10 =	vmul.f32 v30, v10;
	v27 =	vld.idx.msk [tilespmem:v27+s17+$0x0], $0xffff  }
0x38e: {  	v11 =	vadd.f32 v11, v12;
	v7 =	vadd.f32 v8, v7;
	v8 =	vmul.f32 v30, v30;
	v12 =	vld.idx.msk [tilespmem:v24+s16+$0x0], $0xffff  }
0x38f: {  	v22 =	vadd.f32 v25, v22;
	v25 =	vmul.f32 v9, v9;
	v9 =	vmul.f32 v26, v9;
	v24 =	vld.idx.msk [tilespmem:v24+s17+$0x0], $0xffff  }
0x390: {  	v10 =	vadd.f32 v10, v11;
	v7 =	vadd.f32 v8, v7;
	v8 =	vmul.f32 v26, v26;
	v11 =	vld.idx.msk [tilespmem:v23+s16+$0x0], $0xffff  }
0x391: {  	v22 =	vadd.f32 v25, v22;
	v25 =	vmul.f32 v20, v20;
	v20 =	vmul.f32 v28, v20;
	v23 =	vld.idx.msk [tilespmem:v23+s17+$0x0], $0xffff  }
0x392: {  	v9 =	vadd.f32 v9, v10;
	v7 =	vadd.f32 v8, v7;
	v8 =	vmul.f32 v28, v28;
	v10 =	vld.idx.msk [tilespmem:v21+s16+$0x0], $0xffff  }
0x393: {  	v22 =	vadd.f32 v25, v22;
	v25 =	vmul.f32 v15, v15;
	v15 =	vmul.f32 v27, v15;
	v21 =	vld.idx.msk [tilespmem:v21+s17+$0x0], $0xffff  }
0x394: {  	v9 =	vadd.f32 v20, v9;
	v7 =	vadd.f32 v8, v7;
	v8 =	vmul.f32 v27, v27;
	v20 =	vld.idx.msk [tilespmem:v19+s16+$0x0], $0xffff  }
0x395: {  	v22 =	vadd.f32 v25, v22;
	v25 =	vmul.f32 v12, v12;
	v12 =	vmul.f32 v24, v12;
	v19 =	vld.idx.msk [tilespmem:v19+s17+$0x0], $0xffff  }
0x396: {  	v9 =	vadd.f32 v15, v9;
	v7 =	vadd.f32 v8, v7;
	v8 =	vmul.f32 v24, v24;
	v15 =	vld.idx.msk [tilespmem:v18+s16+$0x0], $0xffff  }
0x397: {  	v22 =	vadd.f32 v25, v22;
	v24 =	vmul.f32 v11, v11;
	v11 =	vmul.f32 v23, v11;
	v18 =	vld.idx.msk [tilespmem:v18+s17+$0x0], $0xffff  }
0x398: {  	v9 =	vadd.f32 v12, v9;
	v7 =	vadd.f32 v8, v7;
	v8 =	vmul.f32 v23, v23;
	v12 =	vld.idx.msk [tilespmem:v17+s16+$0x0], $0xffff  }
0x399: {  	v22 =	vadd.f32 v24, v22;
	v23 =	vmul.f32 v10, v10;
	v10 =	vmul.f32 v21, v10;
	v17 =	vld.idx.msk [tilespmem:v17+s17+$0x0], $0xffff  }
0x39a: {  	v9 =	vadd.f32 v11, v9;
	v7 =	vadd.f32 v8, v7;
	v8 =	vmul.f32 v21, v21;
	v11 =	vld.idx.msk [tilespmem:v16+s16+$0x0], $0xffff  }
0x39b: {  	v21 =	vadd.f32 v23, v22;
	v22 =	vmul.f32 v20, v20;
	v20 =	vmul.f32 v19, v20;
	v16 =	vld.idx.msk [tilespmem:v16+s17+$0x0], $0xffff  }
0x39c: {  	v9 =	vadd.f32 v10, v9;
	v7 =	vadd.f32 v8, v7;
	v8 =	vmul.f32 v19, v19;
	v10 =	vld.idx.msk [tilespmem:v14+s16+$0x0], $0xffff  }
0x39d: {  	v19 =	vadd.f32 v22, v21;
	v21 =	vmul.f32 v15, v15;
	v15 =	vmul.f32 v18, v15;
	v14 =	vld.idx.msk [tilespmem:v14+s17+$0x0], $0xffff  }
0x39e: {  	v9 =	vadd.f32 v20, v9;
	v7 =	vadd.f32 v8, v7;
	v8 =	vmul.f32 v18, v18;
	v18 =	vld.idx.msk [tilespmem:v13+s16+$0x0], $0xffff  }
0x39f: {  	v19 =	vadd.f32 v21, v19;
	v20 =	vmul.f32 v12, v12;
	v12 =	vmul.f32 v17, v12;
	v13 =	vld.idx.msk [tilespmem:v13+s17+$0x0], $0xffff  }
0x3a0: {  	v9 =	vadd.f32 v15, v9;
	v7 =	vadd.f32 v8, v7;
	v8 =	vmul.f32 v17, v17  }
0x3a1: {  	v15 =	vadd.f32 v20, v19;
	v17 =	vmul.f32 v11, v11;
	v11 =	vmul.f32 v16, v11  }
0x3a2: {  	v9 =	vadd.f32 v12, v9;
	v7 =	vadd.f32 v8, v7;
	v8 =	vmul.f32 v16, v16  }
0x3a3: {  	v12 =	vadd.f32 v17, v15;
	v15 =	vmul.f32 v10, v10;
	v10 =	vmul.f32 v14, v10  }
0x3a4: {  	v9 =	vadd.f32 v11, v9;
	v7 =	vadd.f32 v8, v7;
	v8 =	vmul.f32 v14, v14  }
0x3a5: {  	v11 =	vadd.f32 v15, v12;
	v12 =	vmul.f32 v18, v18;
	v14 =	vmul.f32 v13, v18  }
0x3a6: {  	s5 =	sadd.s32 $0x1D, s31;
	v9 =	vadd.f32 v10, v9;
	v7 =	vadd.f32 v8, v7;
	v8 =	vmul.f32 v13, v13  }
0x3a7: {  	s0 =	sadd.s32 $0x1F, s31;
	v31 =	vor.u32 s31, v6;
	v30 =	vadd.s32 s5, v0;
	v25 =	vadd.f32 v12, v11  }
0x3a8: {  	s1 =	sadd.s32 $0x1C, s31;
	s22 =	sadd.s32 $0x1E, s31;
	s5 =	sadd.s32 $0x17, s31;
	v13 =	vadd.s32 s0, v0;
	v34 =	vadd.f32 v14, v9;
	v32 =	vadd.f32 v8, v7  }
0x3a9: {  	s25 =	sadd.s32 $0x1A, s31;
	s26 =	sadd.s32 $0x1B, s31;
	v24 =	vadd.s32 s5, v0;
	v16 =	vadd.s32 s22, v0;
	s0 =	sadd.s32 $0x19, s31;
	v14 =	vadd.s32 s1, v0  }
0x3aa: {  	s5 =	sadd.s32 $0x11, s31;
	v19 =	vadd.s32 s25, v0;
	s22 =	sadd.s32 $0x18, s31;
	v17 =	vadd.s32 s26, v0;
	v18 =	vadd.s32 s0, v0;
	s1 =	sadd.s32 $0x16, s31  }
0x3ab: {  	v35 =	vadd.s32 s5, v0;
	s25 =	sadd.s32 $0x14, s31;
	s26 =	sadd.s32 $0x15, s31;
	v21 =	vadd.s32 s22, v0;
	s0 =	sadd.s32 $0x13, s31;
	v23 =	vadd.s32 s1, v0  }
0x3ac: {  	s5 =	sadd.s32 $0xB, s31;
	v29 =	vadd.s32 s25, v0;
	s22 =	sadd.s32 $0x12, s31;
	v27 =	vadd.s32 s26, v0;
	v28 =	vadd.s32 s0, v0;
	s1 =	sadd.s32 $0x10, s31  }
0x3ad: {  	s25 =	sadd.s32 $0xE, s31;
	s26 =	sadd.s32 $0xF, s31;
	v33 =	vadd.s32 s22, v0;
	s0 =	sadd.s32 $0xD, s31;
	v7 =	vor.u32 s1, v6  }
.Ltmp6:
0x3ae: {  	s22 =	sadd.s32 $0xC, s31;
	v9 =	vadd.s32 s25, v6;
	v8 =	vadd.s32 s26, v6;
	v10 =	vadd.s32 s0, v6;
	s1 =	sadd.s32 $0xA, s31;
	(pc) =	sbr.rel @p0 .LBB2_15-.Ltmp6, $4  }
0x3af: {  	v12 =	vadd.s32 s5, v6;
	v11 =	vadd.s32 s22, v6;
	s25 =	sadd.s32 $0x8, s31;
	s26 =	sadd.s32 $0x9, s31;
	s0 =	sadd.s32 $0x7, s31;
	v15 =	vadd.s32 s1, v6  }
0x3b0: {  	s5 =	sadd.s32 $0x5, s31;
	s22 =	sadd.s32 $0x6, s31;
	v22 =	vadd.s32 s25, v6;
	v20 =	vadd.s32 s26, v6;
	v26 =	vadd.s32 s0, v6;
	s1 =	sadd.s32 $0x4, s31  }
0x3b1: {  	v37 =	vadd.s32 s5, v6;
	v36 =	vadd.s32 s22, v6;
	s25 =	sadd.s32 $0x2, s31;
	s26 =	sadd.s32 $0x3, s31;
	s0 =	sadd.s32 $0x1, s31;
	v38 =	vadd.s32 s1, v6  }
0x3b2: {  	v40 =	vadd.s32 s25, v6;
	v39 =	vadd.s32 s26, v6;
	v41 =	vadd.s32 s0, v6;
	s31 =	sadd.s32 $0x20, s31  }
0x3b3: {  	_ =	sdelay $0x3  }
0x3b4: {  	v6 =	vld.idx.msk [tilespmem:v31+s16+$0x0], $0xffff;
	_ =	sdelay $0x1  }
0x3b5: {  	v42 =	vld.idx.msk [tilespmem:v41+s16+$0x0], $0xffff;
	_ =	sdelay $0x1  }
0x3b6: {  	v43 =	vld.idx.msk [tilespmem:v40+s16+$0x0], $0xffff  }
0x3b7: {  	v44 =	vmul.f32 v6, v6  }
0x3b8: {  	v45 =	vld.idx.msk [tilespmem:v39+s16+$0x0], $0xffff  }
0x3b9: {  	v62 =	vmul.f32 v42, v42;
	v25 =	vadd.f32 v44, v25  }
0x3ba: {  	v46 =	vld.idx.msk [tilespmem:v38+s16+$0x0], $0xffff  }
0x3bb: {  	v52 =	vmul.f32 v43, v43;
	v25 =	vadd.f32 v62, v25  }
0x3bc: {  	v47 =	vld.idx.msk [tilespmem:v37+s16+$0x0], $0xffff  }
0x3bd: {  	v53 =	vmul.f32 v45, v45;
	v25 =	vadd.f32 v52, v25  }
0x3be: {  	v48 =	vld.idx.msk [tilespmem:v36+s16+$0x0], $0xffff  }
0x3bf: {  	v63 =	vld.idx.msk [tilespmem:v31+s17+$0x0], $0xffff;
	v55 =	vmul.f32 v46, v46;
	v25 =	vadd.f32 v53, v25  }
0x3c0: {  	v49 =	vld.idx.msk [tilespmem:v26+s16+$0x0], $0xffff  }
0x3c1: {  	v54 =	vld.idx.msk [tilespmem:v41+s17+$0x0], $0xffff;
	v57 =	vmul.f32 v47, v47;
	v25 =	vadd.f32 v55, v25  }
0x3c2: {  	v50 =	vld.idx.msk [tilespmem:v22+s16+$0x0], $0xffff  }
0x3c3: {  	v59 =	vmul.f32 v48, v48;
	v25 =	vadd.f32 v57, v25  }
0x3c4: {  	v41 =	vld.idx.msk [tilespmem:v20+s16+$0x0], $0xffff;
	v30 =	vand.u32 $0x7F, v30;
	v6 =	vmul.f32 v63, v6;
	v31 =	vmul.f32 v63, v63  }
0x3c5: {  	v56 =	vld.idx.msk [tilespmem:v40+s17+$0x0], $0xffff;
	v35 =	vand.u32 $0x7F, v35;
	v62 =	vmul.f32 v49, v49;
	v25 =	vadd.f32 v59, v25  }
0x3c6: {  	v42 =	vmul.f32 v54, v42;
	v6 =	vadd.f32 v6, v34;
	v31 =	vadd.f32 v31, v32;
	v32 =	vld.idx.msk [tilespmem:v15+s16+$0x0], $0xffff  }
0x3c7: {  	v58 =	vld.idx.msk [tilespmem:v39+s17+$0x0], $0xffff;
	v33 =	vand.u32 $0x7F, v33;
	v51 =	vmul.f32 v50, v50;
	v25 =	vadd.f32 v62, v25  }
0x3c8: {  	v28 =	vand.u32 $0x7F, v28;
	v60 =	vmul.f32 v54, v54;
	v6 =	vadd.f32 v42, v6;
	v42 =	vld.idx.msk [tilespmem:v12+s16+$0x0], $0xffff  }
0x3c9: {  	v61 =	vld.idx.msk [tilespmem:v38+s17+$0x0], $0xffff;
	v29 =	vand.u32 $0x7F, v29;
	v54 =	vmul.f32 v41, v41;
	v25 =	vadd.f32 v51, v25  }
0x3ca: {  	v63 =	vmul.f32 v56, v43;
	v40 =	vmul.f32 v56, v56;
	v43 =	vld.idx.msk [tilespmem:v11+s16+$0x0], $0xffff;
	v31 =	vadd.f32 v60, v31  }
0x3cb: {  	v27 =	vand.u32 $0x7F, v27;
	v56 =	vmul.f32 v32, v32;
	v53 =	vld.idx.msk [tilespmem:v37+s17+$0x0], $0xffff;
	v25 =	vadd.f32 v54, v25  }
0x3cc: {  	v38 =	vld.idx.msk [tilespmem:v10+s16+$0x0], $0xffff;
	v23 =	vand.u32 $0x7F, v23;
	v34 =	vmul.f32 v58, v58;
	v31 =	vadd.f32 v40, v31  }
0x3cd: {  	v35 =	vor.u32 v5, v35;
	v59 =	vmul.f32 v42, v42;
	v25 =	vadd.f32 v56, v25  }
0x3ce: {  	v52 =	vmul.f32 v58, v45;
	v31 =	vadd.f32 v34, v31;
	v34 =	vld.idx.msk [tilespmem:v9+s16+$0x0], $0xffff;
	v57 =	vmul.f32 v61, v61  }
0x3cf: {  	v58 =	vld.idx.msk [tilespmem:v36+s17+$0x0], $0xffff;
	v55 =	vmul.f32 v61, v46;
	v61 =	vmul.f32 v43, v43;
	v25 =	vadd.f32 v59, v25  }
0x3d0: {  	v33 =	vor.u32 v5, v33;
	v40 =	vld.idx.msk [tilespmem:v8+s16+$0x0], $0xffff;
	v37 =	vmul.f32 v53, v53;
	v31 =	vadd.f32 v57, v31  }
0x3d1: {  	v6 =	vadd.f32 v63, v6;
	v63 =	vmul.f32 v38, v38;
	v25 =	vadd.f32 v61, v25  }
0x3d2: {  	v24 =	vand.u32 $0x7F, v24;
	v28 =	vor.u32 v5, v28;
	v31 =	vadd.f32 v37, v31;
	v37 =	vld.idx.msk [tilespmem:v7+s16+$0x0], $0xffff  }
0x3d3: {  	v6 =	vadd.f32 v52, v6;
	v52 =	vmul.f32 v34, v34;
	v62 =	vld.idx.msk [tilespmem:v26+s17+$0x0], $0xffff;
	v25 =	vadd.f32 v63, v25  }
0x3d4: {  	v21 =	vand.u32 $0x7F, v21;
	v18 =	vand.u32 $0x7F, v18;
	v44 =	vld.idx.msk [tilespmem:v35+s16+$0x0], $0xffff;
	v36 =	vmul.f32 v58, v58  }
0x3d5: {  	v29 =	vor.u32 v5, v29;
	v54 =	vmul.f32 v40, v40;
	v25 =	vadd.f32 v52, v25  }
0x3d6: {  	v6 =	vadd.f32 v55, v6;
	v60 =	vmul.f32 v53, v47;
	v31 =	vadd.f32 v36, v31;
	v36 =	vld.idx.msk [tilespmem:v33+s16+$0x0], $0xffff  }
0x3d7: {  	v27 =	vor.u32 v5, v27;
	v53 =	vld.idx.msk [tilespmem:v22+s17+$0x0], $0xffff;
	v56 =	vmul.f32 v37, v37;
	v25 =	vadd.f32 v54, v25  }
0x3d8: {  	v45 =	vld.idx.msk [tilespmem:v28+s16+$0x0], $0xffff;
	v6 =	vadd.f32 v60, v6;
	v51 =	vmul.f32 v58, v48;
	v26 =	vmul.f32 v62, v62  }
0x3d9: {  	v23 =	vor.u32 v5, v23;
	v57 =	vld.idx.msk [tilespmem:v20+s17+$0x0], $0xffff;
	v58 =	vmul.f32 v44, v44;
	v25 =	vadd.f32 v56, v25  }
0x3da: {  	v6 =	vadd.f32 v51, v6;
	v55 =	vmul.f32 v62, v49;
	v26 =	vadd.f32 v26, v31;
	v31 =	vld.idx.msk [tilespmem:v29+s16+$0x0], $0xffff  }
0x3db: {  	v24 =	vor.u32 v5, v24;
	v60 =	vmul.f32 v36, v36;
	v25 =	vadd.f32 v58, v25  }
0x3dc: {  	v46 =	vld.idx.msk [tilespmem:v27+s16+$0x0], $0xffff;
	v22 =	vmul.f32 v53, v53;
	v6 =	vadd.f32 v55, v6;
	v59 =	vmul.f32 v53, v50  }
0x3dd: {  	v21 =	vor.u32 v5, v21;
	v62 =	vmul.f32 v45, v45;
	v61 =	vld.idx.msk [tilespmem:v15+s17+$0x0], $0xffff;
	v25 =	vadd.f32 v60, v25  }
0x3de: {  	v41 =	vmul.f32 v57, v41;
	v22 =	vadd.f32 v22, v26;
	v26 =	vld.idx.msk [tilespmem:v23+s16+$0x0], $0xffff;
	v6 =	vadd.f32 v59, v6  }
0x3df: {  	v18 =	vor.u32 v5, v18;
	v63 =	vmul.f32 v31, v31;
	v25 =	vadd.f32 v62, v25  }
0x3e0: {  	v19 =	vand.u32 $0x7F, v19;
	v20 =	vmul.f32 v57, v57;
	v6 =	vadd.f32 v41, v6;
	v41 =	vld.idx.msk [tilespmem:v24+s16+$0x0], $0xffff  }
0x3e1: {  	v19 =	vor.u32 v5, v19;
	v47 =	vld.idx.msk [tilespmem:v12+s17+$0x0], $0xffff;
	v48 =	vmul.f32 v46, v46;
	v25 =	vadd.f32 v63, v25  }
0x3e2: {  	v17 =	vand.u32 $0x7F, v17;
	v20 =	vadd.f32 v20, v22;
	v22 =	vld.idx.msk [tilespmem:v21+s16+$0x0], $0xffff;
	v32 =	vmul.f32 v61, v32  }
0x3e3: {  	v17 =	vor.u32 v5, v17;
	v49 =	vmul.f32 v26, v26;
	v25 =	vadd.f32 v48, v25  }
0x3e4: {  	v14 =	vand.u32 $0x7F, v14;
	v15 =	vmul.f32 v61, v61;
	v6 =	vadd.f32 v32, v6;
	v32 =	vld.idx.msk [tilespmem:v18+s16+$0x0], $0xffff  }
0x3e5: {  	v14 =	vor.u32 v5, v14;
	v50 =	vld.idx.msk [tilespmem:v11+s17+$0x0], $0xffff;
	v51 =	vmul.f32 v41, v41;
	v25 =	vadd.f32 v49, v25  }
0x3e6: {  	v16 =	vand.u32 $0x7F, v16;
	v42 =	vmul.f32 v47, v42;
	v15 =	vadd.f32 v15, v20;
	v20 =	vld.idx.msk [tilespmem:v19+s16+$0x0], $0xffff  }
0x3e7: {  	v30 =	vor.u32 v5, v30;
	v52 =	vld.idx.msk [tilespmem:v10+s17+$0x0], $0xffff;
	v53 =	vmul.f32 v22, v22;
	v25 =	vadd.f32 v51, v25  }
0x3e8: {  	v13 =	vand.u32 $0x7F, v13;
	v12 =	vmul.f32 v47, v47;
	v6 =	vadd.f32 v42, v6;
	v42 =	vld.idx.msk [tilespmem:v17+s16+$0x0], $0xffff  }
0x3e9: {  	v16 =	vor.u32 v5, v16;
	v54 =	vld.idx.msk [tilespmem:v9+s17+$0x0], $0xffff;
	v55 =	vmul.f32 v32, v32;
	v25 =	vadd.f32 v53, v25  }
0x3ea: {  	v43 =	vmul.f32 v50, v43;
	v11 =	vmul.f32 v50, v50;
	v12 =	vadd.f32 v12, v15;
	v15 =	vld.idx.msk [tilespmem:v14+s16+$0x0], $0xffff  }
0x3eb: {  	v5 =	vor.u32 v5, v13;
	v56 =	vld.idx.msk [tilespmem:v8+s17+$0x0], $0xffff;
	v58 =	vmul.f32 v20, v20;
	v57 =	vadd.f32 v55, v25  }
0x3ec: {  	v38 =	vmul.f32 v52, v38;
	v6 =	vadd.f32 v43, v6;
	v11 =	vadd.f32 v11, v12;
	v12 =	vld.idx.msk [tilespmem:v30+s16+$0x0], $0xffff  }
0x3ed: {  	v59 =	vld.idx.msk [tilespmem:v7+s17+$0x0], $0xffff;
	v60 =	vmul.f32 v42, v42;
	v13 =	vadd.f32 v58, v57  }
0x3ee: {  	v34 =	vmul.f32 v54, v34;
	v6 =	vadd.f32 v38, v6;
	v38 =	vld.idx.msk [tilespmem:v16+s16+$0x0], $0xffff  }
0x3ef: {  	v35 =	vld.idx.msk [tilespmem:v35+s17+$0x0], $0xffff;
	v10 =	vmul.f32 v52, v52;
	v62 =	vmul.f32 v15, v15;
	v61 =	vadd.f32 v60, v13  }
0x3f0: {  	v6 =	vadd.f32 v34, v6;
	v34 =	vld.idx.msk [tilespmem:v5+s16+$0x0], $0xffff;
	v63 =	vmul.f32 v56, v40  }
0x3f1: {  	v33 =	vld.idx.msk [tilespmem:v33+s17+$0x0], $0xffff;
	v10 =	vadd.f32 v10, v11;
	v39 =	vmul.f32 v12, v12;
	v11 =	vadd.f32 v62, v61  }
0x3f2: {  	v40 =	vmul.f32 v59, v37;
	v6 =	vadd.f32 v63, v6  }
0x3f3: {  	v9 =	vmul.f32 v54, v54;
	v43 =	vld.idx.msk [tilespmem:v28+s17+$0x0], $0xffff;
	v47 =	vmul.f32 v38, v38;
	v11 =	vadd.f32 v39, v11  }
0x3f4: {  	v8 =	vmul.f32 v56, v56;
	v48 =	vmul.f32 v35, v44;
	v6 =	vadd.f32 v40, v6  }
0x3f5: {  	v9 =	vadd.f32 v9, v10;
	v49 =	vld.idx.msk [tilespmem:v29+s17+$0x0], $0xffff;
	v51 =	vmul.f32 v34, v34;
	v50 =	vadd.f32 v47, v11  }
0x3f6: {  	v52 =	vmul.f32 v33, v36;
	v6 =	vadd.f32 v48, v6  }
0x3f7: {  	v27 =	vld.idx.msk [tilespmem:v27+s17+$0x0], $0xffff;
	v7 =	vmul.f32 v59, v59;
	v8 =	vadd.f32 v8, v9;
	v10 =	vadd.f32 v51, v50  }
0x3f8: {  	v54 =	vmul.f32 v35, v35;
	v53 =	vmul.f32 v43, v45;
	v6 =	vadd.f32 v52, v6  }
0x3f9: {  	v7 =	vadd.f32 v7, v8;
	v55 =	vld.idx.msk [tilespmem:v23+s17+$0x0], $0xffff;
	v56 =	vshra.s32 v10, $0x1;
	v57 =	vmul.f32 $5.000000000e-01, v10  }
0x3fa: {  	v29 =	vmul.f32 v49, v31;
	v6 =	vadd.f32 v53, v6;
	v58 =	vsub.s32 $0x5F3759DF, v56  }
0x3fb: {  	v59 =	vmul.f32 v33, v33;
	v7 =	vadd.f32 v54, v7;
	v60 =	vld.idx.msk [tilespmem:v24+s17+$0x0], $0xffff;
	v61 =	vmul.f32 v58, v57  }
0x3fc: {  	v6 =	vadd.f32 v29, v6;
	v62 =	vmul.f32 v27, v46  }
0x3fd: {  	v21 =	vld.idx.msk [tilespmem:v21+s17+$0x0], $0xffff;
	v63 =	vmul.f32 v43, v43;
	v7 =	vadd.f32 v59, v7;
	v24 =	vmul.f32 v58, v61  }
0x3fe: {  	v29 =	vmul.f32 v55, v26;
	v6 =	vadd.f32 v62, v6  }
0x3ff: {  	v7 =	vadd.f32 v63, v7;
	v9 =	vmul.f32 v49, v49;
	v31 =	vld.idx.msk [tilespmem:v18+s17+$0x0], $0xffff;
	v33 =	vsub.f32 $1.500000000e+00, v24  }
0x400: {  	v19 =	vld.idx.msk [tilespmem:v19+s17+$0x0], $0xffff;
	v35 =	vmul.f32 v60, v41;
	v6 =	vadd.f32 v29, v6  }
0x401: {  	v36 =	vmul.f32 v27, v27;
	v7 =	vadd.f32 v9, v7;
	v8 =	vmul.f32 v58, v33  }
0x402: {  	v37 =	vmul.f32 v21, v22;
	v40 =	vld.idx.msk [tilespmem:v17+s17+$0x0], $0xffff;
	v6 =	vadd.f32 v35, v6  }
0x403: {  	v7 =	vadd.f32 v36, v7;
	v41 =	vmul.f32 v8, v57  }
0x404: {  	v14 =	vld.idx.msk [tilespmem:v14+s17+$0x0], $0xffff;
	v43 =	vmul.f32 v31, v32;
	v39 =	vmul.f32 v55, v55;
	v6 =	vadd.f32 v37, v6  }
0x405: {  	v45 =	vmul.f32 v19, v20;
	v17 =	vmul.f32 v41, v8  }
0x406: {  	v44 =	vmul.f32 v60, v60;
	v7 =	vadd.f32 v39, v7;
	v6 =	vadd.f32 v43, v6  }
0x407: {  	v48 =	vmul.f32 v40, v42;
	v47 =	vld.idx.msk [tilespmem:v30+s17+$0x0], $0xffff;
	v17 =	vsub.f32 $1.500000000e+00, v17  }
0x408: {  	v46 =	vmul.f32 v21, v21;
	v7 =	vadd.f32 v44, v7;
	v6 =	vadd.f32 v45, v6  }
0x409: {  	v15 =	vmul.f32 v14, v15;
	v50 =	vld.idx.msk [tilespmem:v16+s17+$0x0], $0xffff;
	v8 =	vmul.f32 v17, v8  }
0x40a: {  	v49 =	vmul.f32 v31, v31;
	v7 =	vadd.f32 v46, v7;
	v6 =	vadd.f32 v48, v6  }
0x40b: {  	v5 =	vld.idx.msk [tilespmem:v5+s17+$0x0], $0xffff;
	v51 =	vmul.f32 v19, v19;
	v52 =	vmul.f32 v8, v57  }
0x40c: {  	v12 =	vmul.f32 v47, v12;
	v7 =	vadd.f32 v49, v7;
	v6 =	vadd.f32 v15, v6  }
0x40d: {  	v53 =	vmul.f32 v40, v40;
	v54 =	vmul.f32 v52, v8  }
0x40e: {  	v55 =	vmul.f32 v50, v38;
	v7 =	vadd.f32 v51, v7;
	v6 =	vadd.f32 v12, v6  }
0x40f: {  	v56 =	vmul.f32 v14, v14;
	v57 =	vsub.f32 $1.500000000e+00, v54  }
0x410: {  	v7 =	vadd.f32 v53, v7;
	v58 =	vmul.f32 v5, v34;
	v6 =	vadd.f32 v55, v6  }
0x411: {  	v8 =	vmul.f32 v57, v8  }
0x412: {  	v59 =	vmul.f32 v47, v47;
	v7 =	vadd.f32 v56, v7;
	v6 =	vadd.f32 v58, v6  }
0x413: {  	v60 =	vmul.f32 v50, v50;
	v8 =	vmin.f32 v8, $9.999999950e+11  }
0x414: {  	v7 =	vadd.f32 v59, v7;
	v10 =	vmul.f32 v8, v10;
	v6 =	vmul.f32 v8, v6  }
0x415: {  	v5 =	vmul.f32 v5, v5  }
0x416: {  	v7 =	vadd.f32 v60, v7;
	v8 =	vmul.f32 v10, v8;
	v6 =	vadd.f32 v6, v6;
	_ =	sdelay $0x1  }
0x417: {  	v5 =	vadd.f32 v5, v7;
	v6 =	vsub.f32 v8, v6;
	_ =	sdelay $0x1  }
0x418: {  	v5 =	vadd.f32 v6, v5;
	_ =	sdelay $0x1  }
0x419: {  	v5 =	vmax.f32 v5, $0.0e+00  }
0x41a: {  	v61 =	vshra.s32 v5, $0x1;
	v62 =	vmul.f32 $5.000000000e-01, v5  }
0x41b: {  	v6 =	vsub.s32 $0x5F3759DF, v61  }
0x41c: {  	v63 =	vmul.f32 v6, v62;
	_ =	sdelay $0x1  }
0x41d: {  	v8 =	vmul.f32 v6, v63;
	_ =	sdelay $0x1  }
0x41e: {  	v8 =	vsub.f32 $1.500000000e+00, v8;
	_ =	sdelay $0x1  }
0x41f: {  	v6 =	vmul.f32 v6, v8;
	_ =	sdelay $0x1  }
0x420: {  	v8 =	vmul.f32 v6, v62;
	_ =	sdelay $0x1  }
0x421: {  	v8 =	vmul.f32 v8, v6;
	_ =	sdelay $0x1  }
0x422: {  	v8 =	vsub.f32 $1.500000000e+00, v8;
	_ =	sdelay $0x1  }
0x423: {  	v6 =	vmul.f32 v8, v6;
	_ =	sdelay $0x1  }
0x424: {  	v7 =	vmul.f32 v6, v62;
	_ =	sdelay $0x1  }
0x425: {  	v7 =	vmul.f32 v7, v6;
	_ =	sdelay $0x1  }
0x426: {  	v7 =	vsub.f32 $1.500000000e+00, v7  }
0x427: {  	s30 =	sadd.s32 $0x1, s30  }
0x428: {  	p0 =	sne.s32 s30, $0x8;
	v6 =	vmul.f32 v7, v6  }
.Ltmp7:
0x429: {  	_ = 	snop;
	(pc) =	sbr.rel @p0 .LBB2_14-.Ltmp7, $3  }
0x42a: {  	v5 =	vmul.f32 v6, v5;
	_ =	sdelay $0x1  }
0x42b: {  	[tilespmem:v4+s20+$0x0] =	vst.idx.add.f32.msk $0xffff, v5  }
0x42c: {  	[tilespmem:v4+s21+$0x0] =	vst.idx.add.f32.msk $0xffff, v3  }
0x42d: {  	s0 =	simm.s32 $0x400  }
0x42e: {  	[hbm4b:s9+s14] =	stream.strided.scatter [tilespmem:s20], [sflag:$0x5], $0x400, s0, s14, $0x38;
	[tilespmem:$0x10A00] =	vst v63  }
0x42f: {  	s28 =	sadd.s32 $0x1, s28;
	_ =	swait.ge [sflag:s12], $0x400  }
0x430: {  	p0 =	sne.s32 s28, s11;
	[sflag:s12] =	ssyncset.done $0x0  }
.Ltmp8:
0x431: {  	[sflag:s12] =	ssyncadd.s32 $0xFFFFFC00;
	(pc) =	sbr.rel @p0 .LBB2_1-.Ltmp8, $4  }
0x432: {  	[hbm4b:s10+s14] =	stream.strided.scatter [tilespmem:s21], [sflag:$0x5], $0x400, s0, s14, $0x38;
	[tilespmem:$0x10A00] =	vst v63  }
0x433: {  	_ =	swait.ge [sflag:s12], $0x400  }
0x434: {  	[sflag:s12] =	ssyncset.done $0x0  }
0x435: {  	[sflag:s12] =	ssyncadd.s32 $0xFFFFFC00  }
0x436: {  	_ =	sfence.sel $0x180000  }
0x437: {  	[bflag:$0x0] =	sbarrier.arrive $0xFFFF  }
0x438: {  	_ =	strace $0x90000047  }
0x439: {  	s0 =	stileid.u32;
	[bflag:$0x2] =	sbarrier.arrive $0xFFFF  }
0x43a: {  	p0 =	sne.s32 s0, $0x0;
	s0 =	rddreg [dreg:$0x4]  }
0x43b: {  	s0 =	sadd.s32 @!p0 $0x100000, s0  }
0x43c: {  	[sflag:s0] =	ssyncadd.tile.s32 @!p0 $0x1;
	_ =	shalt  }
.Lfunc_end2:
_tile_overlayer_lowered:
.L_overlay_start_2:
0x43d: {  	(tag) =	ssettag $0x2  }
0x43e: {  	s0 =	rddreg [dreg:$0x0];
	s2 =	stileid.u32  }
0x43f: {  	s1 =	rddreg [dreg:$0x1];
	p0 =	sne.s32 s2, $0x0  }
0x440: {  	s3 =	rddreg [dreg:$0x2];
	[bflag:$0x3] =	sbarrier.arrive $0xFFFF;
	s2 =	simm.s32 @!p0 $0x1C05  }
0x441: {  	[timem:s3], [sflag:s2] =	dma.local @!p0 [hbm:s0], s1  }
0x442: {  	s0 =	simm.s32 @!p0 $0x5  }
0x443: {  	_ =	swait.ge @!p0 [sflag:s0], s1  }
0x444: {  	s1 =	ssub.s32 @!p0 $0x0, s1;
	[sflag:s0] =	ssyncset.done @!p0 $0x0  }
0x445: {  	[sflag:s0] =	ssyncadd.s32 @!p0 s1  }
0x446: {  	[bflag:$0x3] =	sbarrier.arrive $0xFFFF  }
0x447: {  	_ =	shalt  }

</sc_bundles>
